<compile_context>
chip_gen: v7x
topology: tpu7x:2x2x1
jax: 0.10.2.dev20260603
libtpu: 0.0.44.dev20260713+nightly
codegen_flags: <defaults>
</compile_context>

<pallas_src>
import functools

import jax
import jax.numpy as jnp
from jax import lax
from jax.experimental import pallas as pl
from jax.experimental.pallas import tpu as pltpu
from jax.experimental.pallas import tpu_sc as plsc

GAMMA = 0.1
EPSILON = 0.1

NC = 2
NS = 16
NW = NC * NS
K = 128
NB = 4

N = 10000
D = 128
NP = 10240
BLK = 2048
RPT = NP // NS
RQ = 624


def _chunk_range(wid, nchunks):
    nbase = nchunks // NW
    nrem = nchunks - nbase * NW
    start = wid * nbase + jnp.minimum(wid, nrem)
    cnt = nbase + jnp.where(wid < nrem, 1, 0)
    return start, cnt



def _degree_body(idx_hbm, out_hbm, acc_sh, ones_v, ib0, ib1, ib2, ib3,
                 is0, is1, is2, is3, ss0, ss1, ss2, ss3, nchunks):
    c = lax.axis_index("c")
    s = lax.axis_index("s")
    wid = s * NC + c
    start, cnt = _chunk_range(wid, nchunks)
    ibuf = (ib0, ib1, ib2, ib3)
    isem = (is0, is1, is2, is3)
    ssem = (ss0, ss1, ss2, ss3)

    for p in range(2):
        @pl.when(p < cnt)
        def _():
            pltpu.async_copy(idx_hbm.at[start + p], ibuf[p], isem[p])

    @pl.loop(0, K // 16)
    def _(i):
        ones_v[pl.ds(i * 16, 16)] = jnp.zeros((16,), jnp.float32)

    @pl.loop(0, RPT // K)
    def _(i):
        pltpu.sync_copy(ones_v, acc_sh.at[pl.ds(s * RPT + i * K, K)])

    @pl.loop(0, K // 16)
    def _(i):
        ones_v[pl.ds(i * 16, 16)] = jnp.ones((16,), jnp.float32)

    plsc.subcore_barrier()

    nslots = (nchunks // NW + 2 + NB - 1) // NB * NB

    @pl.loop(0, nslots // NB)
    def _(i):
        for u in range(NB):
            j = i * NB + u

            @pl.when(j < cnt)
            def _():
                pltpu.make_async_copy(idx_hbm.at[start + j], ibuf[u],
                                      isem[u]).wait()

            @pl.when((j >= 1) & (j <= cnt))
            def _():
                pltpu.make_async_copy(
                    ones_v, acc_sh.at[ibuf[(u - 1) % NB].at[1]],
                    ssem[(u - 1) % NB]).wait()

            @pl.when(j < cnt)
            def _():
                pltpu.async_copy(ones_v, acc_sh.at[ibuf[u].at[1]],
                                 ssem[u], add=True)

            @pl.when(j + 2 < cnt)
            def _():
                pltpu.async_copy(idx_hbm.at[start + j + 2],
                                 ibuf[(u + 2) % NB], isem[(u + 2) % NB])

    plsc.subcore_barrier()
    pltpu.sync_copy(acc_sh.at[pl.ds(s * RPT, RPT)],
                    out_hbm.at[c].at[pl.ds(s * RPT, RPT)])


def _sc_degree(idx2):
    nchunks = idx2.shape[0]
    mesh = plsc.VectorSubcoreMesh(core_axis_name="c", subcore_axis_name="s",
                                  num_cores=NC, num_subcores=NS)
    return pl.kernel(
        functools.partial(_degree_body, nchunks=nchunks),
        out_type=jax.ShapeDtypeStruct((NC, NP), jnp.float32),
        mesh=mesh,
        scratch_types=[
            pltpu.VMEM_SHARED((NP,), jnp.float32),
            pltpu.VMEM((K,), jnp.float32),
        ] + [pltpu.VMEM((2, K), jnp.int32)] * NB
          + [pltpu.SemaphoreType.DMA] * (2 * NB),
    )(idx2)


def _segsum_body(y_hbm, idx_hbm, out_hbm, acc_sh,
                 ib0, ib1, ib2, ib3, ib4, ib5, rb0, rb1, rb2,
                 is0, is1, is2, is3, is4, is5, gs0, gs1, gs2,
                 ss0, ss1, ss2, nchunks):
    c = lax.axis_index("c")
    s = lax.axis_index("s")
    wid = s * NC + c
    start, cnt = _chunk_range(wid, nchunks)
    ibuf = (ib0, ib1, ib2, ib3, ib4, ib5)
    rbuf = (rb0, rb1, rb2)
    isem = (is0, is1, is2, is3, is4, is5)
    gsem = (gs0, gs1, gs2)
    ssem = (ss0, ss1, ss2)

    for p in range(3):
        @pl.when(p < cnt)
        def _():
            pltpu.async_copy(idx_hbm.at[start + p], ibuf[p], isem[p])

    @pl.loop(0, K)
    def _(i):
        @pl.loop(0, D // 16)
        def _(j):
            rb0[i, pl.ds(j * 16, 16)] = jnp.zeros((16,), jnp.float32)

    @pl.loop(0, RQ // 104)
    def _(i):
        pltpu.sync_copy(rb0.at[pl.ds(0, 104)],
                        acc_sh.at[pl.ds(s * RQ + i * 104, 104)])

    @pl.when(s == NS - 1)
    def _():
        pltpu.sync_copy(rb0.at[pl.ds(0, 16)],
                        acc_sh.at[pl.ds(NS * RQ, 16)])

    plsc.subcore_barrier()

    nslots = (nchunks // NW + 4 + 5) // 6 * 6

    @pl.loop(0, nslots // 6)
    def _(i):
        for u in range(6):
            j = i * 6 + u
            ur1 = (u - 1) % 3
            ur3 = (u - 3) % 3
            ui1 = (u - 1) % 6
            ui3 = (u - 3) % 6

            @pl.when(j < cnt)
            def _():
                pltpu.make_async_copy(idx_hbm.at[start + j], ibuf[u],
                                      isem[u]).wait()

            @pl.when((j >= 3) & (j <= cnt + 2))
            def _():
                pltpu.make_async_copy(rbuf[ur3], acc_sh.at[ibuf[ui3].at[1]],
                                      ssem[ur3]).wait()

            @pl.when(j < cnt)
            def _():
                pltpu.async_copy(y_hbm.at[ibuf[u].at[0]], rbuf[u % 3],
                                 gsem[u % 3])

            @pl.when((j >= 1) & (j <= cnt))
            def _():
                pltpu.make_async_copy(y_hbm.at[ibuf[ui1].at[0]], rbuf[ur1],
                                      gsem[ur1]).wait()
                pltpu.async_copy(rbuf[ur1], acc_sh.at[ibuf[ui1].at[1]],
                                 ssem[ur1], add=True)

            @pl.when(j + 3 < cnt)
            def _():
                pltpu.async_copy(idx_hbm.at[start + j + 3],
                                 ibuf[(u + 3) % 6], isem[(u + 3) % 6])

    plsc.subcore_barrier()
    pltpu.sync_copy(acc_sh.at[pl.ds(s * RQ, RQ)],
                    out_hbm.at[c].at[pl.ds(s * RQ, RQ)])

    @pl.when(s == NS - 1)
    def _():
        pltpu.sync_copy(acc_sh.at[pl.ds(NS * RQ, 16)],
                        out_hbm.at[c].at[pl.ds(NS * RQ, 16)])


def _sc_segsum(y, idx2):
    nchunks = idx2.shape[0]
    mesh = plsc.VectorSubcoreMesh(core_axis_name="c", subcore_axis_name="s",
                                  num_cores=NC, num_subcores=NS)
    return pl.kernel(
        functools.partial(_segsum_body, nchunks=nchunks),
        out_type=jax.ShapeDtypeStruct((NC, NP, D), jnp.float32),
        mesh=mesh,
        scratch_types=[pltpu.VMEM_SHARED((N, D), jnp.float32)]
        + [pltpu.VMEM((2, K), jnp.int32)] * 6
        + [pltpu.VMEM((K, D), jnp.float32)] * 3
        + [pltpu.SemaphoreType.DMA] * 12,
    )(y, idx2)



def _dinv_col(degr):
    deg = degr[0] + degr[1] + 1.0
    return lax.rsqrt(deg)[:, None]


def _tc1_body(x_ref, deg_ref, phiw_ref, w_ref, b_ref, y1_ref, t1_ref):
    x = x_ref[...]
    w = w_ref[...]
    dinv = _dinv_col(deg_ref[...])
    xt = jnp.dot(x, phiw_ref[...], preferred_element_type=jnp.float32)
    xa = (jnp.dot(x, w.T, preferred_element_type=jnp.float32)
          - jnp.dot(x, w, preferred_element_type=jnp.float32)
          - GAMMA * x)
    y1 = dinv * xt
    y1_ref[...] = y1
    t1_ref[...] = xa + dinv * y1 + b_ref[...]


def _tc2_body(x_ref, t1_ref, u_ref, deg_ref, phiw_ref, w_ref, b_ref,
              z_ref, y2_ref, t2_ref):
    x = x_ref[...]
    w = w_ref[...]
    dinv = _dinv_col(deg_ref[...])
    u1 = u_ref[0] + u_ref[1]
    x1 = x + EPSILON * jnp.tanh(t1_ref[...] + dinv * u1)
    x1l = jnp.where(x1 >= 0, x1, 0.01 * x1)
    z = x + x1l
    xt2 = jnp.dot(z, phiw_ref[...], preferred_element_type=jnp.float32)
    xa2 = (jnp.dot(z, w.T, preferred_element_type=jnp.float32)
           - jnp.dot(z, w, preferred_element_type=jnp.float32)
           - GAMMA * z)
    y2 = dinv * xt2
    z_ref[...] = z
    y2_ref[...] = y2
    t2_ref[...] = xa2 + dinv * y2 + b_ref[...]


def _tc3_body(z_ref, t2_ref, u_ref, deg_ref, out_ref):
    dinv = _dinv_col(deg_ref[...])
    u2 = u_ref[0] + u_ref[1]
    x2 = z_ref[...] + EPSILON * jnp.tanh(t2_ref[...] + dinv * u2)
    m = jnp.max(x2, axis=-1, keepdims=True)
    e = jnp.exp(x2 - m)
    out_ref[...] = e / jnp.sum(e, axis=-1, keepdims=True)


_ROW = pl.BlockSpec((BLK, D), lambda i: (i, 0))
_DEG = pl.BlockSpec((NC, BLK), lambda i: (0, i))
_UP = pl.BlockSpec((NC, BLK, D), lambda i: (0, i, 0))
_WM = pl.BlockSpec((D, D), lambda i: (0, 0))
_BV = pl.BlockSpec((1, D), lambda i: (0, 0))
_G = (NP // BLK,)
_F32 = jnp.float32


def _tc1(xp, deg2, phiW, W, b):
    return pl.pallas_call(
        _tc1_body, grid=_G,
        in_specs=[_ROW, _DEG, _WM, _WM, _BV],
        out_specs=[_ROW, _ROW],
        out_shape=[jax.ShapeDtypeStruct((NP, D), _F32)] * 2,
    )(xp, deg2, phiW, W, b)


def _tc2(xp, t1, u1p, deg2, phiW, W, b):
    return pl.pallas_call(
        _tc2_body, grid=_G,
        in_specs=[_ROW, _ROW, _UP, _DEG, _WM, _WM, _BV],
        out_specs=[_ROW, _ROW, _ROW],
        out_shape=[jax.ShapeDtypeStruct((NP, D), _F32)] * 3,
    )(xp, t1, u1p, deg2, phiW, W, b)


def _tc3(z, t2, u2p, deg2):
    return pl.pallas_call(
        _tc3_body, grid=_G,
        in_specs=[_ROW, _ROW, _UP, _DEG],
        out_specs=_ROW,
        out_shape=jax.ShapeDtypeStruct((NP, D), _F32),
    )(z, t2, u2p, deg2)



def kernel(data, edge_index, W1, phiW1, b1, W2, phiW2, b2):
    E = edge_index.shape[1]
    nchunks = E // K
    idx2 = jnp.stack([edge_index[0].reshape(nchunks, K),
                      edge_index[1].reshape(nchunks, K)], axis=1)
    xp = jnp.pad(data, ((0, NP - N), (0, 0)))
    b1r = b1.reshape(1, D)
    b2r = b2.reshape(1, D)

    deg2 = _sc_degree(idx2)
    y1, t1 = _tc1(xp, deg2, phiW1, W1, b1r)
    u1p = _sc_segsum(y1, idx2)
    z, y2, t2 = _tc2(xp, t1, u1p, deg2, phiW2, W2, b2r)
    u2p = _sc_segsum(y2, idx2)
    return _tc3(z, t2, u2p, deg2)[:N]

# --- scband reference (transcript-rebuilt; emitter-appended) ---
"""Pipeline reference for scband-anti-symmetric-14130442404420 (READ-ONLY COPY).

The authoritative reference and input builder live on the scoring server;
editing this copy changes nothing except your own understanding.
"""

import jax, jax.numpy as jnp
import numpy as np

N = 10000
E = 320000
D = 128
GAMMA = 0.1
EPSILON = 0.1


def setup_inputs(seed: int = 0) -> dict:
    key = jax.random.key(seed)
    ks = jax.random.split(key, 8)
    data = jax.random.normal(ks[0], (N, D), dtype=jnp.float32)
    edge_index = jax.random.randint(ks[1], (2, E), 0, N, dtype=jnp.int32)
    s = 1.0 / np.sqrt(D)
    W1 = jax.random.uniform(ks[2], (D, D), dtype=jnp.float32, minval=-s, maxval=s)
    phiW1 = jax.random.uniform(ks[3], (D, D), dtype=jnp.float32, minval=-s, maxval=s)
    b1 = jnp.zeros((D,), dtype=jnp.float32)
    W2 = jax.random.uniform(ks[4], (D, D), dtype=jnp.float32, minval=-s, maxval=s)
    phiW2 = jax.random.uniform(ks[5], (D, D), dtype=jnp.float32, minval=-s, maxval=s)
    b2 = jnp.zeros((D,), dtype=jnp.float32)
    return {"data": data, "edge_index": edge_index, "W1": W1, "phiW1": phiW1,
            "b1": b1, "W2": W2, "phiW2": phiW2, "b2": b2}


def _gcn(x, edge_index, weight):
    # GCNConv with add_self_loops=True, symmetric normalization, no bias
    n = x.shape[0]
    loop = jnp.arange(n, dtype=edge_index.dtype)
    src = jnp.concatenate([edge_index[0], loop])
    dst = jnp.concatenate([edge_index[1], loop])
    deg = jnp.zeros((n,), dtype=x.dtype).at[dst].add(1.0)
    dinv = jnp.where(deg > 0, 1.0 / jnp.sqrt(deg), 0.0)
    norm = dinv[src] * dinv[dst]
    xt = x @ weight
    msg = xt[src] * norm[:, None]
    return jnp.zeros_like(xt).at[dst].add(msg)


def _antisym_conv(x, edge_index, W, phiW, bias):
    aW = W - W.T - GAMMA * jnp.eye(W.shape[0], dtype=W.dtype)
    h = _gcn(x, edge_index, phiW)
    h = x @ aW.T + h + bias
    h = jnp.tanh(h)
    return x + EPSILON * h


def reference(data, edge_index, W1, phiW1, b1, W2, phiW2, b2):
    x = data
    x1 = _antisym_conv(x, edge_index, W1, phiW1, b1)
    x1 = jax.nn.leaky_relu(x1, negative_slope=0.01)
    x2 = _antisym_conv(x + x1, edge_index, W2, phiW2, b2)
    return jax.nn.softmax(x2, axis=-1)

if __name__ == "__main__":
    import jax
    _d = setup_inputs()
    print(jax.jit(kernel)(*tuple(_d.values())))

</pallas_src>

<mosaic_0001>
#map = affine_map<(d0, d1) -> (0, 0, 0)>
#map1 = affine_map<(d0, d1) -> (0, 0)>
module attributes {stable_mosaic.version = 14 : i64} {
  func.func @_degree_body(%arg0: i32, %arg1: i32, %arg2: memref<2500x2x128xi32, #tpu.memory_space<hbm>>, %arg3: memref<2x10240xf32, #tpu.memory_space<hbm>>, %arg4: memref<10240xf32, #tpu.memory_space<vmem_shared>>, %arg5: memref<128xf32, #tpu.memory_space<vmem>>, %arg6: memref<2x128xi32, #tpu.memory_space<vmem>>, %arg7: memref<2x128xi32, #tpu.memory_space<vmem>>, %arg8: memref<2x128xi32, #tpu.memory_space<vmem>>, %arg9: memref<2x128xi32, #tpu.memory_space<vmem>>, %arg10: memref<!tpu.dma_semaphore, #tpu.memory_space<semaphore_mem>>, %arg11: memref<!tpu.dma_semaphore, #tpu.memory_space<semaphore_mem>>, %arg12: memref<!tpu.dma_semaphore, #tpu.memory_space<semaphore_mem>>, %arg13: memref<!tpu.dma_semaphore, #tpu.memory_space<semaphore_mem>>, %arg14: memref<!tpu.dma_semaphore, #tpu.memory_space<semaphore_mem>>, %arg15: memref<!tpu.dma_semaphore, #tpu.memory_space<semaphore_mem>>, %arg16: memref<!tpu.dma_semaphore, #tpu.memory_space<semaphore_mem>>, %arg17: memref<!tpu.dma_semaphore, #tpu.memory_space<semaphore_mem>>) attributes {dimension_semantics = [#tpu.dimension_semantics<core_parallel>, #tpu.dimension_semantics<subcore_parallel>], iteration_bounds = array<i64: 2, 16>, scalar_prefetch = 0 : i64, scratch_operands = 14 : i64, tpu.core_type = #tpu.core_type<sc_vector_subcore>, window_params = [{transform_indices = #map}, {transform_indices = #map1}]} {
    %mul3A = arith.constant 2 : i32
    %mul3A_0 = arith.muli %arg1, %mul3A : i32
    %add3A = arith.addi %mul3A_0, %arg0 : i32
    %mul3A_1 = arith.constant 78 : i32
    %mul3A_2 = arith.muli %add3A, %mul3A_1 : i32
    %min3A = arith.constant 4 : i32
    %min3A_3 = arith.minsi %add3A, %min3A : i32
    %add3A_4 = arith.addi %mul3A_2, %min3A_3 : i32
    %lt3A = arith.constant 4 : i32
    %lt3A_5 = arith.cmpi slt, %add3A, %lt3A : i32
    %jit3A = arith.constant 1 : i32
    %jit3A_6 = arith.constant 0 : i32
    %select_n3A = arith.select %lt3A_5, %jit3A, %jit3A_6 : i32
    %add3A_7 = arith.constant 78 : i32
    %add3A_8 = arith.addi %add3A_7, %select_n3A : i32
    %gt3A = arith.constant 0 : i32
    %gt3A_9 = arith.cmpi sgt, %add3A_8, %gt3A : i32
    %convert_element_type3A = arith.extui %gt3A_9 : i1 to i32
    %cond3A = arith.constant 0 : i32
    %cond3A_10 = arith.cmpi ne, %convert_element_type3A, %cond3A : i32
    scf.if %cond3A_10 {
      %add3A_40 = arith.constant 0 : i32
      %add3A_41 = arith.addi %add3A_4, %add3A_40 : i32
      %dma_start3A = arith.constant 0 : i32
      %dma_start3A_42 = arith.constant 0 : i32
      %dma_start3A_43 = tpu.memref_slice %arg2[%add3A_41, %dma_start3A, %dma_start3A_42] : memref<2500x2x128xi32, #tpu.memory_space<hbm>> -> memref<1x2x128xi32, #tpu.memory_space<hbm>>
      %dma_start3A_44 = tpu.memref_squeeze %dma_start3A_43 : memref<1x2x128xi32, #tpu.memory_space<hbm>> -> memref<2x128xi32, #tpu.memory_space<hbm>>
      %dma_start3A_45 = arith.constant 0 : i32
      %dma_start3A_46 = arith.constant 0 : i32
      %dma_start3A_47 = tpu.memref_slice %arg2[%add3A_41, %dma_start3A_45, %dma_start3A_46] : memref<2500x2x128xi32, #tpu.memory_space<hbm>> -> memref<1x2x128xi32, #tpu.memory_space<hbm>>
      %dma_start3A_48 = tpu.memref_squeeze %dma_start3A_47 : memref<1x2x128xi32, #tpu.memory_space<hbm>> -> memref<2x128xi32, #tpu.memory_space<hbm>>
      tpu.enqueue_dma source(%dma_start3A_48 : memref<2x128xi32, #tpu.memory_space<hbm>>) target(%arg6 : memref<2x128xi32, #tpu.memory_space<vmem>>) target_semaphore(%arg10 : memref<!tpu.dma_semaphore, #tpu.memory_space<semaphore_mem>>)
    } else {
    }
    %gt3A_11 = arith.constant 1 : i32
    %gt3A_12 = arith.cmpi sgt, %add3A_8, %gt3A_11 : i32
    %convert_element_type3A_13 = arith.extui %gt3A_12 : i1 to i32
    %cond3A_14 = arith.constant 0 : i32
    %cond3A_15 = arith.cmpi ne, %convert_element_type3A_13, %cond3A_14 : i32
    scf.if %cond3A_15 {
      %add3A_40 = arith.constant 1 : i32
      %add3A_41 = arith.addi %add3A_4, %add3A_40 : i32
      %dma_start3A = arith.constant 0 : i32
      %dma_start3A_42 = arith.constant 0 : i32
      %dma_start3A_43 = tpu.memref_slice %arg2[%add3A_41, %dma_start3A, %dma_start3A_42] : memref<2500x2x128xi32, #tpu.memory_space<hbm>> -> memref<1x2x128xi32, #tpu.memory_space<hbm>>
      %dma_start3A_44 = tpu.memref_squeeze %dma_start3A_43 : memref<1x2x128xi32, #tpu.memory_space<hbm>> -> memref<2x128xi32, #tpu.memory_space<hbm>>
      %dma_start3A_45 = arith.constant 0 : i32
      %dma_start3A_46 = arith.constant 0 : i32
      %dma_start3A_47 = tpu.memref_slice %arg2[%add3A_41, %dma_start3A_45, %dma_start3A_46] : memref<2500x2x128xi32, #tpu.memory_space<hbm>> -> memref<1x2x128xi32, #tpu.memory_space<hbm>>
      %dma_start3A_48 = tpu.memref_squeeze %dma_start3A_47 : memref<1x2x128xi32, #tpu.memory_space<hbm>> -> memref<2x128xi32, #tpu.memory_space<hbm>>
      tpu.enqueue_dma source(%dma_start3A_48 : memref<2x128xi32, #tpu.memory_space<hbm>>) target(%arg7 : memref<2x128xi32, #tpu.memory_space<vmem>>) target_semaphore(%arg11 : memref<!tpu.dma_semaphore, #tpu.memory_space<semaphore_mem>>)
    } else {
    }
    %scan3A = arith.constant 0 : i32
    %scan3A_16 = arith.constant 8 : i32
    %scan3A_17 = arith.addi %scan3A, %scan3A_16 : i32
    %scan3A_18 = arith.constant 1 : i32
    scf.for %scan3A_40 = %scan3A to %scan3A_17 step %scan3A_18  : i32 {
      %mul3A_41 = arith.constant 1 : i32
      %mul3A_42 = arith.muli %scan3A_40, %mul3A_41 : i32
      %add3A_43 = arith.constant 0 : i32
      %add3A_44 = arith.addi %add3A_43, %mul3A_42 : i32
      %broadcast_in_dim3A = arith.constant 0.000000e+00 : f32
      %broadcast_in_dim3A_45 = vector.broadcast %broadcast_in_dim3A : f32 to vector<16xf32>
      %mul3A_46 = arith.constant 16 : i32
      %mul3A_47 = arith.muli %add3A_44, %mul3A_46 : i32
      %swap3A = arith.index_cast %mul3A_47 : i32 to index
      %swap3A_48 = tpu.vector_load %arg5[%swap3A] {strides = array<i32>} : memref<128xf32, #tpu.memory_space<vmem>>, vector<16xf32>,
      %swap3A_49 = vector.shape_cast %swap3A_48 : vector<16xf32> to vector<16xf32>
      %swap3A_50 = vector.shape_cast %broadcast_in_dim3A_45 : vector<16xf32> to vector<16xf32>
      tpu.vector_store %arg5[%swap3A], %swap3A_50 {strides = array<i32>} : memref<128xf32, #tpu.memory_space<vmem>>, vector<16xf32>,
    }
    %scan3A_19 = arith.constant 8 : i32
    %scan3A_20 = arith.constant 0 : i32
    %scan3A_21 = arith.constant 5 : i32
    %scan3A_22 = arith.addi %scan3A_20, %scan3A_21 : i32
    %scan3A_23 = arith.constant 1 : i32
    scf.for %scan3A_40 = %scan3A_20 to %scan3A_22 step %scan3A_23  : i32 {
      %mul3A_41 = arith.constant 1 : i32
      %mul3A_42 = arith.muli %scan3A_40, %mul3A_41 : i32
      %add3A_43 = arith.constant 0 : i32
      %add3A_44 = arith.addi %add3A_43, %mul3A_42 : i32
      %mul3A_45 = arith.constant 640 : i32
      %mul3A_46 = arith.muli %arg1, %mul3A_45 : i32
      %mul3A_47 = arith.constant 128 : i32
      %mul3A_48 = arith.muli %add3A_44, %mul3A_47 : i32
      %add3A_49 = arith.addi %mul3A_46, %mul3A_48 : i32
      "tpu.region"() ({
        %run_scoped3A = tpu.sem_alloc : memref<!tpu.dma_semaphore, #tpu.memory_space<semaphore_mem>>
        %dma_start3A = tpu.memref_slice %arg4[%add3A_49] : memref<10240xf32, #tpu.memory_space<vmem_shared>> -> memref<128xf32, #tpu.memory_space<vmem_shared>>
        %dma_start3A_50 = tpu.memref_slice %arg4[%add3A_49] : memref<10240xf32, #tpu.memory_space<vmem_shared>> -> memref<128xf32, #tpu.memory_space<vmem_shared>>
        tpu.enqueue_dma source(%arg5 : memref<128xf32, #tpu.memory_space<vmem>>) target(%dma_start3A_50 : memref<128xf32, #tpu.memory_space<vmem_shared>>) target_semaphore(%run_scoped3A : memref<!tpu.dma_semaphore, #tpu.memory_space<semaphore_mem>>)
        %dma_wait3A = tpu.memref_slice %arg4[%add3A_49] : memref<10240xf32, #tpu.memory_space<vmem_shared>> -> memref<128xf32, #tpu.memory_space<vmem_shared>>
        %dma_wait3A_51 = tpu.memref_slice %arg4[%add3A_49] : memref<10240xf32, #tpu.memory_space<vmem_shared>> -> memref<128xf32, #tpu.memory_space<vmem_shared>>
        tpu.wait_dma2 semaphore(%run_scoped3A : memref<!tpu.dma_semaphore, #tpu.memory_space<semaphore_mem>>) src(%arg5 : memref<128xf32, #tpu.memory_space<vmem>>) dst(%dma_wait3A_51 : memref<128xf32, #tpu.memory_space<vmem_shared>>)
        tpu.yield
      }) : () -> ()
    }
    %scan3A_24 = arith.constant 5 : i32
    %scan3A_25 = arith.constant 0 : i32
    %scan3A_26 = arith.constant 8 : i32
    %scan3A_27 = arith.addi %scan3A_25, %scan3A_26 : i32
    %scan3A_28 = arith.constant 1 : i32
    scf.for %scan3A_40 = %scan3A_25 to %scan3A_27 step %scan3A_28  : i32 {
      %mul3A_41 = arith.constant 1 : i32
      %mul3A_42 = arith.muli %scan3A_40, %mul3A_41 : i32
      %add3A_43 = arith.constant 0 : i32
      %add3A_44 = arith.addi %add3A_43, %mul3A_42 : i32
      %broadcast_in_dim3A = arith.constant 1.000000e+00 : f32
      %broadcast_in_dim3A_45 = vector.broadcast %broadcast_in_dim3A : f32 to vector<16xf32>
      %mul3A_46 = arith.constant 16 : i32
      %mul3A_47 = arith.muli %add3A_44, %mul3A_46 : i32
      %swap3A = arith.index_cast %mul3A_47 : i32 to index
      %swap3A_48 = tpu.vector_load %arg5[%swap3A] {strides = array<i32>} : memref<128xf32, #tpu.memory_space<vmem>>, vector<16xf32>,
      %swap3A_49 = vector.shape_cast %swap3A_48 : vector<16xf32> to vector<16xf32>
      %swap3A_50 = vector.shape_cast %broadcast_in_dim3A_45 : vector<16xf32> to vector<16xf32>
      tpu.vector_store %arg5[%swap3A], %swap3A_50 {strides = array<i32>} : memref<128xf32, #tpu.memory_space<vmem>>, vector<16xf32>,
    }
    %scan3A_29 = arith.constant 8 : i32
    %barrier3A = arith.constant 0 : index
    tpu.barrier barrier_id(%barrier3A)
    %scan3A_30 = arith.constant 0 : i32
    %scan3A_31 = arith.constant 20 : i32
    %scan3A_32 = arith.addi %scan3A_30, %scan3A_31 : i32
    %scan3A_33 = arith.constant 1 : i32
    scf.for %scan3A_40 = %scan3A_30 to %scan3A_32 step %scan3A_33  : i32 {
      %mul3A_41 = arith.constant 1 : i32
      %mul3A_42 = arith.muli %scan3A_40, %mul3A_41 : i32
      %add3A_43 = arith.constant 0 : i32
      %add3A_44 = arith.addi %add3A_43, %mul3A_42 : i32
      %mul3A_45 = arith.constant 4 : i32
      %mul3A_46 = arith.muli %add3A_44, %mul3A_45 : i32
      %add3A_47 = arith.constant 0 : i32
      %add3A_48 = arith.addi %mul3A_46, %add3A_47 : i32
      %lt3A_49 = arith.cmpi slt, %add3A_48, %add3A_8 : i32
      %convert_element_type3A_50 = arith.extui %lt3A_49 : i1 to i32
      %cond3A_51 = arith.constant 0 : i32
      %cond3A_52 = arith.cmpi ne, %convert_element_type3A_50, %cond3A_51 : i32
      scf.if %cond3A_52 {
        %add3A_142 = arith.addi %add3A_4, %add3A_48 : i32
        %dma_wait3A = arith.constant 0 : i32
        %dma_wait3A_143 = arith.constant 0 : i32
        %dma_wait3A_144 = tpu.memref_slice %arg2[%add3A_142, %dma_wait3A, %dma_wait3A_143] : memref<2500x2x128xi32, #tpu.memory_space<hbm>> -> memref<1x2x128xi32, #tpu.memory_space<hbm>>
        %dma_wait3A_145 = tpu.memref_squeeze %dma_wait3A_144 : memref<1x2x128xi32, #tpu.memory_space<hbm>> -> memref<2x128xi32, #tpu.memory_space<hbm>>
        %dma_wait3A_146 = arith.constant 0 : i32
        %dma_wait3A_147 = arith.constant 0 : i32
        %dma_wait3A_148 = tpu.memref_slice %arg2[%add3A_142, %dma_wait3A_146, %dma_wait3A_147] : memref<2500x2x128xi32, #tpu.memory_space<hbm>> -> memref<1x2x128xi32, #tpu.memory_space<hbm>>
        %dma_wait3A_149 = tpu.memref_squeeze %dma_wait3A_148 : memref<1x2x128xi32, #tpu.memory_space<hbm>> -> memref<2x128xi32, #tpu.memory_space<hbm>>
        tpu.wait_dma2 semaphore(%arg10 : memref<!tpu.dma_semaphore, #tpu.memory_space<semaphore_mem>>) src(%dma_wait3A_149 : memref<2x128xi32, #tpu.memory_space<hbm>>) dst(%arg6 : memref<2x128xi32, #tpu.memory_space<vmem>>)
      } else {
      }
      %ge3A = arith.constant 1 : i32
      %ge3A_53 = arith.cmpi sge, %add3A_48, %ge3A : i32
      %le3A = arith.cmpi sle, %add3A_48, %add3A_8 : i32
      %and3A = arith.andi %ge3A_53, %le3A : i1
      %convert_element_type3A_54 = arith.extui %and3A : i1 to i32
      %cond3A_55 = arith.constant 0 : i32
      %cond3A_56 = arith.cmpi ne, %convert_element_type3A_54, %cond3A_55 : i32
      scf.if %cond3A_56 {
        %dma_wait3A = arith.constant 1 : i32
        %dma_wait3A_142 = arith.constant 0 : i32
        %dma_wait3A_143 = tpu.memref_slice %arg9[%dma_wait3A, %dma_wait3A_142] : memref<2x128xi32, #tpu.memory_space<vmem>> -> memref<1x128xi32, #tpu.memory_space<vmem>>
        %dma_wait3A_144 = tpu.memref_squeeze %dma_wait3A_143 : memref<1x128xi32, #tpu.memory_space<vmem>> -> memref<128xi32, #tpu.memory_space<vmem>>
        %dma_wait3A_145 = arith.constant 0 : i32
        %dma_wait3A_146 = tpu.memref_slice %arg4[%dma_wait3A_145] : memref<10240xf32, #tpu.memory_space<vmem_shared>> -> memref<10240xf32, #tpu.memory_space<vmem_shared>>
        tpu.wait_indirect_dma semaphore(%arg17 : memref<!tpu.dma_semaphore, #tpu.memory_space<semaphore_mem>>) src(%arg5 : memref<128xf32, #tpu.memory_space<vmem>>) dst(%dma_wait3A_146 : memref<10240xf32, #tpu.memory_space<vmem_shared>>)
      } else {
      }
      %lt3A_57 = arith.cmpi slt, %add3A_48, %add3A_8 : i32
      %convert_element_type3A_58 = arith.extui %lt3A_57 : i1 to i32
      %cond3A_59 = arith.constant 0 : i32
      %cond3A_60 = arith.cmpi ne, %convert_element_type3A_58, %cond3A_59 : i32
      scf.if %cond3A_60 {
        %dma_start3A = arith.constant 1 : i32
        %dma_start3A_142 = arith.constant 0 : i32
        %dma_start3A_143 = tpu.memref_slice %arg6[%dma_start3A, %dma_start3A_142] : memref<2x128xi32, #tpu.memory_space<vmem>> -> memref<1x128xi32, #tpu.memory_space<vmem>>
        %dma_start3A_144 = tpu.memref_squeeze %dma_start3A_143 : memref<1x128xi32, #tpu.memory_space<vmem>> -> memref<128xi32, #tpu.memory_space<vmem>>
        %dma_start3A_145 = arith.constant 0 : i32
        %dma_start3A_146 = tpu.memref_slice %arg4[%dma_start3A_145] : memref<10240xf32, #tpu.memory_space<vmem_shared>> -> memref<10240xf32, #tpu.memory_space<vmem_shared>>
        tpu.enqueue_indirect_dma source(%arg5 : memref<128xf32, #tpu.memory_space<vmem>>) target(%dma_start3A_146 : memref<10240xf32, #tpu.memory_space<vmem_shared>>) offsets(%dma_start3A_144 : memref<128xi32, #tpu.memory_space<vmem>>) semaphore(%arg14 : memref<!tpu.dma_semaphore, #tpu.memory_space<semaphore_mem>>) {add = true}
      } else {
      }
      %add3A_61 = arith.constant 2 : i32
      %add3A_62 = arith.addi %add3A_48, %add3A_61 : i32
      %lt3A_63 = arith.cmpi slt, %add3A_62, %add3A_8 : i32
      %convert_element_type3A_64 = arith.extui %lt3A_63 : i1 to i32
      %cond3A_65 = arith.constant 0 : i32
      %cond3A_66 = arith.cmpi ne, %convert_element_type3A_64, %cond3A_65 : i32
      scf.if %cond3A_66 {
        %add3A_142 = arith.addi %add3A_4, %add3A_48 : i32
        %add3A_143 = arith.constant 2 : i32
        %add3A_144 = arith.addi %add3A_142, %add3A_143 : i32
        %dma_start3A = arith.constant 0 : i32
        %dma_start3A_145 = arith.constant 0 : i32
        %dma_start3A_146 = tpu.memref_slice %arg2[%add3A_144, %dma_start3A, %dma_start3A_145] : memref<2500x2x128xi32, #tpu.memory_space<hbm>> -> memref<1x2x128xi32, #tpu.memory_space<hbm>>
        %dma_start3A_147 = tpu.memref_squeeze %dma_start3A_146 : memref<1x2x128xi32, #tpu.memory_space<hbm>> -> memref<2x128xi32, #tpu.memory_space<hbm>>
        %dma_start3A_148 = arith.constant 0 : i32
        %dma_start3A_149 = arith.constant 0 : i32
        %dma_start3A_150 = tpu.memref_slice %arg2[%add3A_144, %dma_start3A_148, %dma_start3A_149] : memref<2500x2x128xi32, #tpu.memory_space<hbm>> -> memref<1x2x128xi32, #tpu.memory_space<hbm>>
        %dma_start3A_151 = tpu.memref_squeeze %dma_start3A_150 : memref<1x2x128xi32, #tpu.memory_space<hbm>> -> memref<2x128xi32, #tpu.memory_space<hbm>>
        tpu.enqueue_dma source(%dma_start3A_151 : memref<2x128xi32, #tpu.memory_space<hbm>>) target(%arg8 : memref<2x128xi32, #tpu.memory_space<vmem>>) target_semaphore(%arg12 : memref<!tpu.dma_semaphore, #tpu.memory_space<semaphore_mem>>)
      } else {
      }
      %mul3A_67 = arith.constant 4 : i32
      %mul3A_68 = arith.muli %add3A_44, %mul3A_67 : i32
      %add3A_69 = arith.constant 1 : i32
      %add3A_70 = arith.addi %mul3A_68, %add3A_69 : i32
      %lt3A_71 = arith.cmpi slt, %add3A_70, %add3A_8 : i32
      %convert_element_type3A_72 = arith.extui %lt3A_71 : i1 to i32
      %cond3A_73 = arith.constant 0 : i32
      %cond3A_74 = arith.cmpi ne, %convert_element_type3A_72, %cond3A_73 : i32
      scf.if %cond3A_74 {
        %add3A_142 = arith.addi %add3A_4, %add3A_70 : i32
        %dma_wait3A = arith.constant 0 : i32
        %dma_wait3A_143 = arith.constant 0 : i32
        %dma_wait3A_144 = tpu.memref_slice %arg2[%add3A_142, %dma_wait3A, %dma_wait3A_143] : memref<2500x2x128xi32, #tpu.memory_space<hbm>> -> memref<1x2x128xi32, #tpu.memory_space<hbm>>
        %dma_wait3A_145 = tpu.memref_squeeze %dma_wait3A_144 : memref<1x2x128xi32, #tpu.memory_space<hbm>> -> memref<2x128xi32, #tpu.memory_space<hbm>>
        %dma_wait3A_146 = arith.constant 0 : i32
        %dma_wait3A_147 = arith.constant 0 : i32
        %dma_wait3A_148 = tpu.memref_slice %arg2[%add3A_142, %dma_wait3A_146, %dma_wait3A_147] : memref<2500x2x128xi32, #tpu.memory_space<hbm>> -> memref<1x2x128xi32, #tpu.memory_space<hbm>>
        %dma_wait3A_149 = tpu.memref_squeeze %dma_wait3A_148 : memref<1x2x128xi32, #tpu.memory_space<hbm>> -> memref<2x128xi32, #tpu.memory_space<hbm>>
        tpu.wait_dma2 semaphore(%arg11 : memref<!tpu.dma_semaphore, #tpu.memory_space<semaphore_mem>>) src(%dma_wait3A_149 : memref<2x128xi32, #tpu.memory_space<hbm>>) dst(%arg7 : memref<2x128xi32, #tpu.memory_space<vmem>>)
      } else {
      }
      %ge3A_75 = arith.constant 1 : i32
      %ge3A_76 = arith.cmpi sge, %add3A_70, %ge3A_75 : i32
      %le3A_77 = arith.cmpi sle, %add3A_70, %add3A_8 : i32
      %and3A_78 = arith.andi %ge3A_76, %le3A_77 : i1
      %convert_element_type3A_79 = arith.extui %and3A_78 : i1 to i32
      %cond3A_80 = arith.constant 0 : i32
      %cond3A_81 = arith.cmpi ne, %convert_element_type3A_79, %cond3A_80 : i32
      scf.if %cond3A_81 {
        %dma_wait3A = arith.constant 1 : i32
        %dma_wait3A_142 = arith.constant 0 : i32
        %dma_wait3A_143 = tpu.memref_slice %arg6[%dma_wait3A, %dma_wait3A_142] : memref<2x128xi32, #tpu.memory_space<vmem>> -> memref<1x128xi32, #tpu.memory_space<vmem>>
        %dma_wait3A_144 = tpu.memref_squeeze %dma_wait3A_143 : memref<1x128xi32, #tpu.memory_space<vmem>> -> memref<128xi32, #tpu.memory_space<vmem>>
        %dma_wait3A_145 = arith.constant 0 : i32
        %dma_wait3A_146 = tpu.memref_slice %arg4[%dma_wait3A_145] : memref<10240xf32, #tpu.memory_space<vmem_shared>> -> memref<10240xf32, #tpu.memory_space<vmem_shared>>
        tpu.wait_indirect_dma semaphore(%arg14 : memref<!tpu.dma_semaphore, #tpu.memory_space<semaphore_mem>>) src(%arg5 : memref<128xf32, #tpu.memory_space<vmem>>) dst(%dma_wait3A_146 : memref<10240xf32, #tpu.memory_space<vmem_shared>>)
      } else {
      }
      %lt3A_82 = arith.cmpi slt, %add3A_70, %add3A_8 : i32
      %convert_element_type3A_83 = arith.extui %lt3A_82 : i1 to i32
      %cond3A_84 = arith.constant 0 : i32
      %cond3A_85 = arith.cmpi ne, %convert_element_type3A_83, %cond3A_84 : i32
      scf.if %cond3A_85 {
        %dma_start3A = arith.constant 1 : i32
        %dma_start3A_142 = arith.constant 0 : i32
        %dma_start3A_143 = tpu.memref_slice %arg7[%dma_start3A, %dma_start3A_142] : memref<2x128xi32, #tpu.memory_space<vmem>> -> memref<1x128xi32, #tpu.memory_space<vmem>>
        %dma_start3A_144 = tpu.memref_squeeze %dma_start3A_143 : memref<1x128xi32, #tpu.memory_space<vmem>> -> memref<128xi32, #tpu.memory_space<vmem>>
        %dma_start3A_145 = arith.constant 0 : i32
        %dma_start3A_146 = tpu.memref_slice %arg4[%dma_start3A_145] : memref<10240xf32, #tpu.memory_space<vmem_shared>> -> memref<10240xf32, #tpu.memory_space<vmem_shared>>
        tpu.enqueue_indirect_dma source(%arg5 : memref<128xf32, #tpu.memory_space<vmem>>) target(%dma_start3A_146 : memref<10240xf32, #tpu.memory_space<vmem_shared>>) offsets(%dma_start3A_144 : memref<128xi32, #tpu.memory_space<vmem>>) semaphore(%arg15 : memref<!tpu.dma_semaphore, #tpu.memory_space<semaphore_mem>>) {add = true}
      } else {
      }
      %add3A_86 = arith.constant 2 : i32
      %add3A_87 = arith.addi %add3A_70, %add3A_86 : i32
      %lt3A_88 = arith.cmpi slt, %add3A_87, %add3A_8 : i32
      %convert_element_type3A_89 = arith.extui %lt3A_88 : i1 to i32
      %cond3A_90 = arith.constant 0 : i32
      %cond3A_91 = arith.cmpi ne, %convert_element_type3A_89, %cond3A_90 : i32
      scf.if %cond3A_91 {
        %add3A_142 = arith.addi %add3A_4, %add3A_70 : i32
        %add3A_143 = arith.constant 2 : i32
        %add3A_144 = arith.addi %add3A_142, %add3A_143 : i32
        %dma_start3A = arith.constant 0 : i32
        %dma_start3A_145 = arith.constant 0 : i32
        %dma_start3A_146 = tpu.memref_slice %arg2[%add3A_144, %dma_start3A, %dma_start3A_145] : memref<2500x2x128xi32, #tpu.memory_space<hbm>> -> memref<1x2x128xi32, #tpu.memory_space<hbm>>
        %dma_start3A_147 = tpu.memref_squeeze %dma_start3A_146 : memref<1x2x128xi32, #tpu.memory_space<hbm>> -> memref<2x128xi32, #tpu.memory_space<hbm>>
        %dma_start3A_148 = arith.constant 0 : i32
        %dma_start3A_149 = arith.constant 0 : i32
        %dma_start3A_150 = tpu.memref_slice %arg2[%add3A_144, %dma_start3A_148, %dma_start3A_149] : memref<2500x2x128xi32, #tpu.memory_space<hbm>> -> memref<1x2x128xi32, #tpu.memory_space<hbm>>
        %dma_start3A_151 = tpu.memref_squeeze %dma_start3A_150 : memref<1x2x128xi32, #tpu.memory_space<hbm>> -> memref<2x128xi32, #tpu.memory_space<hbm>>
        tpu.enqueue_dma source(%dma_start3A_151 : memref<2x128xi32, #tpu.memory_space<hbm>>) target(%arg9 : memref<2x128xi32, #tpu.memory_space<vmem>>) target_semaphore(%arg13 : memref<!tpu.dma_semaphore, #tpu.memory_space<semaphore_mem>>)
      } else {
      }
      %mul3A_92 = arith.constant 4 : i32
      %mul3A_93 = arith.muli %add3A_44, %mul3A_92 : i32
      %add3A_94 = arith.constant 2 : i32
      %add3A_95 = arith.addi %mul3A_93, %add3A_94 : i32
      %lt3A_96 = arith.cmpi slt, %add3A_95, %add3A_8 : i32
      %convert_element_type3A_97 = arith.extui %lt3A_96 : i1 to i32
      %cond3A_98 = arith.constant 0 : i32
      %cond3A_99 = arith.cmpi ne, %convert_element_type3A_97, %cond3A_98 : i32
      scf.if %cond3A_99 {
        %add3A_142 = arith.addi %add3A_4, %add3A_95 : i32
        %dma_wait3A = arith.constant 0 : i32
        %dma_wait3A_143 = arith.constant 0 : i32
        %dma_wait3A_144 = tpu.memref_slice %arg2[%add3A_142, %dma_wait3A, %dma_wait3A_143] : memref<2500x2x128xi32, #tpu.memory_space<hbm>> -> memref<1x2x128xi32, #tpu.memory_space<hbm>>
        %dma_wait3A_145 = tpu.memref_squeeze %dma_wait3A_144 : memref<1x2x128xi32, #tpu.memory_space<hbm>> -> memref<2x128xi32, #tpu.memory_space<hbm>>
        %dma_wait3A_146 = arith.constant 0 : i32
        %dma_wait3A_147 = arith.constant 0 : i32
        %dma_wait3A_148 = tpu.memref_slice %arg2[%add3A_142, %dma_wait3A_146, %dma_wait3A_147] : memref<2500x2x128xi32, #tpu.memory_space<hbm>> -> memref<1x2x128xi32, #tpu.memory_space<hbm>>
        %dma_wait3A_149 = tpu.memref_squeeze %dma_wait3A_148 : memref<1x2x128xi32, #tpu.memory_space<hbm>> -> memref<2x128xi32, #tpu.memory_space<hbm>>
        tpu.wait_dma2 semaphore(%arg12 : memref<!tpu.dma_semaphore, #tpu.memory_space<semaphore_mem>>) src(%dma_wait3A_149 : memref<2x128xi32, #tpu.memory_space<hbm>>) dst(%arg8 : memref<2x128xi32, #tpu.memory_space<vmem>>)
      } else {
      }
      %ge3A_100 = arith.constant 1 : i32
      %ge3A_101 = arith.cmpi sge, %add3A_95, %ge3A_100 : i32
      %le3A_102 = arith.cmpi sle, %add3A_95, %add3A_8 : i32
      %and3A_103 = arith.andi %ge3A_101, %le3A_102 : i1
      %convert_element_type3A_104 = arith.extui %and3A_103 : i1 to i32
      %cond3A_105 = arith.constant 0 : i32
      %cond3A_106 = arith.cmpi ne, %convert_element_type3A_104, %cond3A_105 : i32
      scf.if %cond3A_106 {
        %dma_wait3A = arith.constant 1 : i32
        %dma_wait3A_142 = arith.constant 0 : i32
        %dma_wait3A_143 = tpu.memref_slice %arg7[%dma_wait3A, %dma_wait3A_142] : memref<2x128xi32, #tpu.memory_space<vmem>> -> memref<1x128xi32, #tpu.memory_space<vmem>>
        %dma_wait3A_144 = tpu.memref_squeeze %dma_wait3A_143 : memref<1x128xi32, #tpu.memory_space<vmem>> -> memref<128xi32, #tpu.memory_space<vmem>>
        %dma_wait3A_145 = arith.constant 0 : i32
        %dma_wait3A_146 = tpu.memref_slice %arg4[%dma_wait3A_145] : memref<10240xf32, #tpu.memory_space<vmem_shared>> -> memref<10240xf32, #tpu.memory_space<vmem_shared>>
        tpu.wait_indirect_dma semaphore(%arg15 : memref<!tpu.dma_semaphore, #tpu.memory_space<semaphore_mem>>) src(%arg5 : memref<128xf32, #tpu.memory_space<vmem>>) dst(%dma_wait3A_146 : memref<10240xf32, #tpu.memory_space<vmem_shared>>)
      } else {
      }
      %lt3A_107 = arith.cmpi slt, %add3A_95, %add3A_8 : i32
      %convert_element_type3A_108 = arith.extui %lt3A_107 : i1 to i32
      %cond3A_109 = arith.constant 0 : i32
      %cond3A_110 = arith.cmpi ne, %convert_element_type3A_108, %cond3A_109 : i32
      scf.if %cond3A_110 {
        %dma_start3A = arith.constant 1 : i32
        %dma_start3A_142 = arith.constant 0 : i32
        %dma_start3A_143 = tpu.memref_slice %arg8[%dma_start3A, %dma_start3A_142] : memref<2x128xi32, #tpu.memory_space<vmem>> -> memref<1x128xi32, #tpu.memory_space<vmem>>
        %dma_start3A_144 = tpu.memref_squeeze %dma_start3A_143 : memref<1x128xi32, #tpu.memory_space<vmem>> -> memref<128xi32, #tpu.memory_space<vmem>>
        %dma_start3A_145 = arith.constant 0 : i32
        %dma_start3A_146 = tpu.memref_slice %arg4[%dma_start3A_145] : memref<10240xf32, #tpu.memory_space<vmem_shared>> -> memref<10240xf32, #tpu.memory_space<vmem_shared>>
        tpu.enqueue_indirect_dma source(%arg5 : memref<128xf32, #tpu.memory_space<vmem>>) target(%dma_start3A_146 : memref<10240xf32, #tpu.memory_space<vmem_shared>>) offsets(%dma_start3A_144 : memref<128xi32, #tpu.memory_space<vmem>>) semaphore(%arg16 : memref<!tpu.dma_semaphore, #tpu.memory_space<semaphore_mem>>) {add = true}
      } else {
      }
      %add3A_111 = arith.constant 2 : i32
      %add3A_112 = arith.addi %add3A_95, %add3A_111 : i32
      %lt3A_113 = arith.cmpi slt, %add3A_112, %add3A_8 : i32
      %convert_element_type3A_114 = arith.extui %lt3A_113 : i1 to i32
      %cond3A_115 = arith.constant 0 : i32
      %cond3A_116 = arith.cmpi ne, %convert_element_type3A_114, %cond3A_115 : i32
      scf.if %cond3A_116 {
        %add3A_142 = arith.addi %add3A_4, %add3A_95 : i32
        %add3A_143 = arith.constant 2 : i32
        %add3A_144 = arith.addi %add3A_142, %add3A_143 : i32
        %dma_start3A = arith.constant 0 : i32
        %dma_start3A_145 = arith.constant 0 : i32
        %dma_start3A_146 = tpu.memref_slice %arg2[%add3A_144, %dma_start3A, %dma_start3A_145] : memref<2500x2x128xi32, #tpu.memory_space<hbm>> -> memref<1x2x128xi32, #tpu.memory_space<hbm>>
        %dma_start3A_147 = tpu.memref_squeeze %dma_start3A_146 : memref<1x2x128xi32, #tpu.memory_space<hbm>> -> memref<2x128xi32, #tpu.memory_space<hbm>>
        %dma_start3A_148 = arith.constant 0 : i32
        %dma_start3A_149 = arith.constant 0 : i32
        %dma_start3A_150 = tpu.memref_slice %arg2[%add3A_144, %dma_start3A_148, %dma_start3A_149] : memref<2500x2x128xi32, #tpu.memory_space<hbm>> -> memref<1x2x128xi32, #tpu.memory_space<hbm>>
        %dma_start3A_151 = tpu.memref_squeeze %dma_start3A_150 : memref<1x2x128xi32, #tpu.memory_space<hbm>> -> memref<2x128xi32, #tpu.memory_space<hbm>>
        tpu.enqueue_dma source(%dma_start3A_151 : memref<2x128xi32, #tpu.memory_space<hbm>>) target(%arg6 : memref<2x128xi32, #tpu.memory_space<vmem>>) target_semaphore(%arg10 : memref<!tpu.dma_semaphore, #tpu.memory_space<semaphore_mem>>)
      } else {
      }
      %mul3A_117 = arith.constant 4 : i32
      %mul3A_118 = arith.muli %add3A_44, %mul3A_117 : i32
      %add3A_119 = arith.constant 3 : i32
      %add3A_120 = arith.addi %mul3A_118, %add3A_119 : i32
      %lt3A_121 = arith.cmpi slt, %add3A_120, %add3A_8 : i32
      %convert_element_type3A_122 = arith.extui %lt3A_121 : i1 to i32
      %cond3A_123 = arith.constant 0 : i32
      %cond3A_124 = arith.cmpi ne, %convert_element_type3A_122, %cond3A_123 : i32
      scf.if %cond3A_124 {
        %add3A_142 = arith.addi %add3A_4, %add3A_120 : i32
        %dma_wait3A = arith.constant 0 : i32
        %dma_wait3A_143 = arith.constant 0 : i32
        %dma_wait3A_144 = tpu.memref_slice %arg2[%add3A_142, %dma_wait3A, %dma_wait3A_143] : memref<2500x2x128xi32, #tpu.memory_space<hbm>> -> memref<1x2x128xi32, #tpu.memory_space<hbm>>
        %dma_wait3A_145 = tpu.memref_squeeze %dma_wait3A_144 : memref<1x2x128xi32, #tpu.memory_space<hbm>> -> memref<2x128xi32, #tpu.memory_space<hbm>>
        %dma_wait3A_146 = arith.constant 0 : i32
        %dma_wait3A_147 = arith.constant 0 : i32
        %dma_wait3A_148 = tpu.memref_slice %arg2[%add3A_142, %dma_wait3A_146, %dma_wait3A_147] : memref<2500x2x128xi32, #tpu.memory_space<hbm>> -> memref<1x2x128xi32, #tpu.memory_space<hbm>>
        %dma_wait3A_149 = tpu.memref_squeeze %dma_wait3A_148 : memref<1x2x128xi32, #tpu.memory_space<hbm>> -> memref<2x128xi32, #tpu.memory_space<hbm>>
        tpu.wait_dma2 semaphore(%arg13 : memref<!tpu.dma_semaphore, #tpu.memory_space<semaphore_mem>>) src(%dma_wait3A_149 : memref<2x128xi32, #tpu.memory_space<hbm>>) dst(%arg9 : memref<2x128xi32, #tpu.memory_space<vmem>>)
      } else {
      }
      %ge3A_125 = arith.constant 1 : i32
      %ge3A_126 = arith.cmpi sge, %add3A_120, %ge3A_125 : i32
      %le3A_127 = arith.cmpi sle, %add3A_120, %add3A_8 : i32
      %and3A_128 = arith.andi %ge3A_126, %le3A_127 : i1
      %convert_element_type3A_129 = arith.extui %and3A_128 : i1 to i32
      %cond3A_130 = arith.constant 0 : i32
      %cond3A_131 = arith.cmpi ne, %convert_element_type3A_129, %cond3A_130 : i32
      scf.if %cond3A_131 {
        %dma_wait3A = arith.constant 1 : i32
        %dma_wait3A_142 = arith.constant 0 : i32
        %dma_wait3A_143 = tpu.memref_slice %arg8[%dma_wait3A, %dma_wait3A_142] : memref<2x128xi32, #tpu.memory_space<vmem>> -> memref<1x128xi32, #tpu.memory_space<vmem>>
        %dma_wait3A_144 = tpu.memref_squeeze %dma_wait3A_143 : memref<1x128xi32, #tpu.memory_space<vmem>> -> memref<128xi32, #tpu.memory_space<vmem>>
        %dma_wait3A_145 = arith.constant 0 : i32
        %dma_wait3A_146 = tpu.memref_slice %arg4[%dma_wait3A_145] : memref<10240xf32, #tpu.memory_space<vmem_shared>> -> memref<10240xf32, #tpu.memory_space<vmem_shared>>
        tpu.wait_indirect_dma semaphore(%arg16 : memref<!tpu.dma_semaphore, #tpu.memory_space<semaphore_mem>>) src(%arg5 : memref<128xf32, #tpu.memory_space<vmem>>) dst(%dma_wait3A_146 : memref<10240xf32, #tpu.memory_space<vmem_shared>>)
      } else {
      }
      %lt3A_132 = arith.cmpi slt, %add3A_120, %add3A_8 : i32
      %convert_element_type3A_133 = arith.extui %lt3A_132 : i1 to i32
      %cond3A_134 = arith.constant 0 : i32
      %cond3A_135 = arith.cmpi ne, %convert_element_type3A_133, %cond3A_134 : i32
      scf.if %cond3A_135 {
        %dma_start3A = arith.constant 1 : i32
        %dma_start3A_142 = arith.constant 0 : i32
        %dma_start3A_143 = tpu.memref_slice %arg9[%dma_start3A, %dma_start3A_142] : memref<2x128xi32, #tpu.memory_space<vmem>> -> memref<1x128xi32, #tpu.memory_space<vmem>>
        %dma_start3A_144 = tpu.memref_squeeze %dma_start3A_143 : memref<1x128xi32, #tpu.memory_space<vmem>> -> memref<128xi32, #tpu.memory_space<vmem>>
        %dma_start3A_145 = arith.constant 0 : i32
        %dma_start3A_146 = tpu.memref_slice %arg4[%dma_start3A_145] : memref<10240xf32, #tpu.memory_space<vmem_shared>> -> memref<10240xf32, #tpu.memory_space<vmem_shared>>
        tpu.enqueue_indirect_dma source(%arg5 : memref<128xf32, #tpu.memory_space<vmem>>) target(%dma_start3A_146 : memref<10240xf32, #tpu.memory_space<vmem_shared>>) offsets(%dma_start3A_144 : memref<128xi32, #tpu.memory_space<vmem>>) semaphore(%arg17 : memref<!tpu.dma_semaphore, #tpu.memory_space<semaphore_mem>>) {add = true}
      } else {
      }
      %add3A_136 = arith.constant 2 : i32
      %add3A_137 = arith.addi %add3A_120, %add3A_136 : i32
      %lt3A_138 = arith.cmpi slt, %add3A_137, %add3A_8 : i32
      %convert_element_type3A_139 = arith.extui %lt3A_138 : i1 to i32
      %cond3A_140 = arith.constant 0 : i32
      %cond3A_141 = arith.cmpi ne, %convert_element_type3A_139, %cond3A_140 : i32
      scf.if %cond3A_141 {
        %add3A_142 = arith.addi %add3A_4, %add3A_120 : i32
        %add3A_143 = arith.constant 2 : i32
        %add3A_144 = arith.addi %add3A_142, %add3A_143 : i32
        %dma_start3A = arith.constant 0 : i32
        %dma_start3A_145 = arith.constant 0 : i32
        %dma_start3A_146 = tpu.memref_slice %arg2[%add3A_144, %dma_start3A, %dma_start3A_145] : memref<2500x2x128xi32, #tpu.memory_space<hbm>> -> memref<1x2x128xi32, #tpu.memory_space<hbm>>
        %dma_start3A_147 = tpu.memref_squeeze %dma_start3A_146 : memref<1x2x128xi32, #tpu.memory_space<hbm>> -> memref<2x128xi32, #tpu.memory_space<hbm>>
        %dma_start3A_148 = arith.constant 0 : i32
        %dma_start3A_149 = arith.constant 0 : i32
        %dma_start3A_150 = tpu.memref_slice %arg2[%add3A_144, %dma_start3A_148, %dma_start3A_149] : memref<2500x2x128xi32, #tpu.memory_space<hbm>> -> memref<1x2x128xi32, #tpu.memory_space<hbm>>
        %dma_start3A_151 = tpu.memref_squeeze %dma_start3A_150 : memref<1x2x128xi32, #tpu.memory_space<hbm>> -> memref<2x128xi32, #tpu.memory_space<hbm>>
        tpu.enqueue_dma source(%dma_start3A_151 : memref<2x128xi32, #tpu.memory_space<hbm>>) target(%arg7 : memref<2x128xi32, #tpu.memory_space<vmem>>) target_semaphore(%arg11 : memref<!tpu.dma_semaphore, #tpu.memory_space<semaphore_mem>>)
      } else {
      }
    }
    %scan3A_34 = arith.constant 20 : i32
    %barrier3A_35 = arith.constant 0 : index
    tpu.barrier barrier_id(%barrier3A_35)
    %mul3A_36 = arith.constant 640 : i32
    %mul3A_37 = arith.muli %arg1, %mul3A_36 : i32
    %mul3A_38 = arith.constant 640 : i32
    %mul3A_39 = arith.muli %arg1, %mul3A_38 : i32
    "tpu.region"() ({
      %run_scoped3A = tpu.sem_alloc : memref<!tpu.dma_semaphore, #tpu.memory_space<semaphore_mem>>
      %dma_start3A = arith.constant 0 : i32
      %dma_start3A_40 = tpu.memref_slice %arg3[%arg0, %dma_start3A] : memref<2x10240xf32, #tpu.memory_space<hbm>> -> memref<1x10240xf32, #tpu.memory_space<hbm>>
      %dma_start3A_41 = tpu.memref_squeeze %dma_start3A_40 : memref<1x10240xf32, #tpu.memory_space<hbm>> -> memref<10240xf32, #tpu.memory_space<hbm>>
      %dma_start3A_42 = tpu.memref_slice %dma_start3A_41[%mul3A_39] : memref<10240xf32, #tpu.memory_space<hbm>> -> memref<640xf32, #tpu.memory_space<hbm>>
      %dma_start3A_43 = tpu.memref_slice %arg4[%mul3A_37] : memref<10240xf32, #tpu.memory_space<vmem_shared>> -> memref<640xf32, #tpu.memory_space<vmem_shared>>
      tpu.enqueue_dma source(%dma_start3A_43 : memref<640xf32, #tpu.memory_space<vmem_shared>>) target(%dma_start3A_42 : memref<640xf32, #tpu.memory_space<hbm>>) target_semaphore(%run_scoped3A : memref<!tpu.dma_semaphore, #tpu.memory_space<semaphore_mem>>)
      %dma_wait3A = arith.constant 0 : i32
      %dma_wait3A_44 = tpu.memref_slice %arg3[%arg0, %dma_wait3A] : memref<2x10240xf32, #tpu.memory_space<hbm>> -> memref<1x10240xf32, #tpu.memory_space<hbm>>
      %dma_wait3A_45 = tpu.memref_squeeze %dma_wait3A_44 : memref<1x10240xf32, #tpu.memory_space<hbm>> -> memref<10240xf32, #tpu.memory_space<hbm>>
      %dma_wait3A_46 = tpu.memref_slice %dma_wait3A_45[%mul3A_39] : memref<10240xf32, #tpu.memory_space<hbm>> -> memref<640xf32, #tpu.memory_space<hbm>>
      %dma_wait3A_47 = tpu.memref_slice %arg4[%mul3A_37] : memref<10240xf32, #tpu.memory_space<vmem_shared>> -> memref<640xf32, #tpu.memory_space<vmem_shared>>
      tpu.wait_dma2 semaphore(%run_scoped3A : memref<!tpu.dma_semaphore, #tpu.memory_space<semaphore_mem>>) src(%dma_wait3A_47 : memref<640xf32, #tpu.memory_space<vmem_shared>>) dst(%dma_wait3A_46 : memref<640xf32, #tpu.memory_space<hbm>>)
      tpu.yield
    }) : () -> ()
    return
  }
}

#map = affine_map<(d0, d1) -> (0, 0)>
#map1 = affine_map<(d0, d1) -> (0, 0, 0)>
module attributes {stable_mosaic.version = 14 : i64} {
  func.func @_segsum_body(%arg0: i32, %arg1: i32, %arg2: memref<10240x128xf32, #tpu.memory_space<hbm>>, %arg3: memref<2500x2x128xi32, #tpu.memory_space<hbm>>, %arg4: memref<2x10240x128xf32, #tpu.memory_space<hbm>>, %arg5: memref<10000x128xf32, #tpu.memory_space<vmem_shared>>, %arg6: memref<2x128xi32, #tpu.memory_space<vmem>>, %arg7: memref<2x128xi32, #tpu.memory_space<vmem>>, %arg8: memref<2x128xi32, #tpu.memory_space<vmem>>, %arg9: memref<2x128xi32, #tpu.memory_space<vmem>>, %arg10: memref<2x128xi32, #tpu.memory_space<vmem>>, %arg11: memref<2x128xi32, #tpu.memory_space<vmem>>, %arg12: memref<128x128xf32, #tpu.memory_space<vmem>>, %arg13: memref<128x128xf32, #tpu.memory_space<vmem>>, %arg14: memref<128x128xf32, #tpu.memory_space<vmem>>, %arg15: memref<!tpu.dma_semaphore, #tpu.memory_space<semaphore_mem>>, %arg16: memref<!tpu.dma_semaphore, #tpu.memory_space<semaphore_mem>>, %arg17: memref<!tpu.dma_semaphore, #tpu.memory_space<semaphore_mem>>, %arg18: memref<!tpu.dma_semaphore, #tpu.memory_space<semaphore_mem>>, %arg19: memref<!tpu.dma_semaphore, #tpu.memory_space<semaphore_mem>>, %arg20: memref<!tpu.dma_semaphore, #tpu.memory_space<semaphore_mem>>, %arg21: memref<!tpu.dma_semaphore, #tpu.memory_space<semaphore_mem>>, %arg22: memref<!tpu.dma_semaphore, #tpu.memory_space<semaphore_mem>>, %arg23: memref<!tpu.dma_semaphore, #tpu.memory_space<semaphore_mem>>, %arg24: memref<!tpu.dma_semaphore, #tpu.memory_space<semaphore_mem>>, %arg25: memref<!tpu.dma_semaphore, #tpu.memory_space<semaphore_mem>>, %arg26: memref<!tpu.dma_semaphore, #tpu.memory_space<semaphore_mem>>) attributes {dimension_semantics = [#tpu.dimension_semantics<core_parallel>, #tpu.dimension_semantics<subcore_parallel>], iteration_bounds = array<i64: 2, 16>, scalar_prefetch = 0 : i64, scratch_operands = 22 : i64, tpu.core_type = #tpu.core_type<sc_vector_subcore>, window_params = [{transform_indices = #map}, {transform_indices = #map1}, {transform_indices = #map1}]} {
    %mul3A = arith.constant 2 : i32
    %mul3A_0 = arith.muli %arg1, %mul3A : i32
    %add3A = arith.addi %mul3A_0, %arg0 : i32
    %mul3A_1 = arith.constant 78 : i32
    %mul3A_2 = arith.muli %add3A, %mul3A_1 : i32
    %min3A = arith.constant 4 : i32
    %min3A_3 = arith.minsi %add3A, %min3A : i32
    %add3A_4 = arith.addi %mul3A_2, %min3A_3 : i32
    %lt3A = arith.constant 4 : i32
    %lt3A_5 = arith.cmpi slt, %add3A, %lt3A : i32
    %jit3A = arith.constant 1 : i32
    %jit3A_6 = arith.constant 0 : i32
    %select_n3A = arith.select %lt3A_5, %jit3A, %jit3A_6 : i32
    %add3A_7 = arith.constant 78 : i32
    %add3A_8 = arith.addi %add3A_7, %select_n3A : i32
    %gt3A = arith.constant 0 : i32
    %gt3A_9 = arith.cmpi sgt, %add3A_8, %gt3A : i32
    %convert_element_type3A = arith.extui %gt3A_9 : i1 to i32
    %cond3A = arith.constant 0 : i32
    %cond3A_10 = arith.cmpi ne, %convert_element_type3A, %cond3A : i32
    scf.if %cond3A_10 {
      %add3A_49 = arith.constant 0 : i32
      %add3A_50 = arith.addi %add3A_4, %add3A_49 : i32
      %dma_start3A = arith.constant 0 : i32
      %dma_start3A_51 = arith.constant 0 : i32
      %dma_start3A_52 = tpu.memref_slice %arg3[%add3A_50, %dma_start3A, %dma_start3A_51] : memref<2500x2x128xi32, #tpu.memory_space<hbm>> -> memref<1x2x128xi32, #tpu.memory_space<hbm>>
      %dma_start3A_53 = tpu.memref_squeeze %dma_start3A_52 : memref<1x2x128xi32, #tpu.memory_space<hbm>> -> memref<2x128xi32, #tpu.memory_space<hbm>>
      %dma_start3A_54 = arith.constant 0 : i32
      %dma_start3A_55 = arith.constant 0 : i32
      %dma_start3A_56 = tpu.memref_slice %arg3[%add3A_50, %dma_start3A_54, %dma_start3A_55] : memref<2500x2x128xi32, #tpu.memory_space<hbm>> -> memref<1x2x128xi32, #tpu.memory_space<hbm>>
      %dma_start3A_57 = tpu.memref_squeeze %dma_start3A_56 : memref<1x2x128xi32, #tpu.memory_space<hbm>> -> memref<2x128xi32, #tpu.memory_space<hbm>>
      tpu.enqueue_dma source(%dma_start3A_57 : memref<2x128xi32, #tpu.memory_space<hbm>>) target(%arg6 : memref<2x128xi32, #tpu.memory_space<vmem>>) target_semaphore(%arg15 : memref<!tpu.dma_semaphore, #tpu.memory_space<semaphore_mem>>)
    } else {
    }
    %gt3A_11 = arith.constant 1 : i32
    %gt3A_12 = arith.cmpi sgt, %add3A_8, %gt3A_11 : i32
    %convert_element_type3A_13 = arith.extui %gt3A_12 : i1 to i32
    %cond3A_14 = arith.constant 0 : i32
    %cond3A_15 = arith.cmpi ne, %convert_element_type3A_13, %cond3A_14 : i32
    scf.if %cond3A_15 {
      %add3A_49 = arith.constant 1 : i32
      %add3A_50 = arith.addi %add3A_4, %add3A_49 : i32
      %dma_start3A = arith.constant 0 : i32
      %dma_start3A_51 = arith.constant 0 : i32
      %dma_start3A_52 = tpu.memref_slice %arg3[%add3A_50, %dma_start3A, %dma_start3A_51] : memref<2500x2x128xi32, #tpu.memory_space<hbm>> -> memref<1x2x128xi32, #tpu.memory_space<hbm>>
      %dma_start3A_53 = tpu.memref_squeeze %dma_start3A_52 : memref<1x2x128xi32, #tpu.memory_space<hbm>> -> memref<2x128xi32, #tpu.memory_space<hbm>>
      %dma_start3A_54 = arith.constant 0 : i32
      %dma_start3A_55 = arith.constant 0 : i32
      %dma_start3A_56 = tpu.memref_slice %arg3[%add3A_50, %dma_start3A_54, %dma_start3A_55] : memref<2500x2x128xi32, #tpu.memory_space<hbm>> -> memref<1x2x128xi32, #tpu.memory_space<hbm>>
      %dma_start3A_57 = tpu.memref_squeeze %dma_start3A_56 : memref<1x2x128xi32, #tpu.memory_space<hbm>> -> memref<2x128xi32, #tpu.memory_space<hbm>>
      tpu.enqueue_dma source(%dma_start3A_57 : memref<2x128xi32, #tpu.memory_space<hbm>>) target(%arg7 : memref<2x128xi32, #tpu.memory_space<vmem>>) target_semaphore(%arg16 : memref<!tpu.dma_semaphore, #tpu.memory_space<semaphore_mem>>)
    } else {
    }
    %gt3A_16 = arith.constant 2 : i32
    %gt3A_17 = arith.cmpi sgt, %add3A_8, %gt3A_16 : i32
    %convert_element_type3A_18 = arith.extui %gt3A_17 : i1 to i32
    %cond3A_19 = arith.constant 0 : i32
    %cond3A_20 = arith.cmpi ne, %convert_element_type3A_18, %cond3A_19 : i32
    scf.if %cond3A_20 {
      %add3A_49 = arith.constant 2 : i32
      %add3A_50 = arith.addi %add3A_4, %add3A_49 : i32
      %dma_start3A = arith.constant 0 : i32
      %dma_start3A_51 = arith.constant 0 : i32
      %dma_start3A_52 = tpu.memref_slice %arg3[%add3A_50, %dma_start3A, %dma_start3A_51] : memref<2500x2x128xi32, #tpu.memory_space<hbm>> -> memref<1x2x128xi32, #tpu.memory_space<hbm>>
      %dma_start3A_53 = tpu.memref_squeeze %dma_start3A_52 : memref<1x2x128xi32, #tpu.memory_space<hbm>> -> memref<2x128xi32, #tpu.memory_space<hbm>>
      %dma_start3A_54 = arith.constant 0 : i32
      %dma_start3A_55 = arith.constant 0 : i32
      %dma_start3A_56 = tpu.memref_slice %arg3[%add3A_50, %dma_start3A_54, %dma_start3A_55] : memref<2500x2x128xi32, #tpu.memory_space<hbm>> -> memref<1x2x128xi32, #tpu.memory_space<hbm>>
      %dma_start3A_57 = tpu.memref_squeeze %dma_start3A_56 : memref<1x2x128xi32, #tpu.memory_space<hbm>> -> memref<2x128xi32, #tpu.memory_space<hbm>>
      tpu.enqueue_dma source(%dma_start3A_57 : memref<2x128xi32, #tpu.memory_space<hbm>>) target(%arg8 : memref<2x128xi32, #tpu.memory_space<vmem>>) target_semaphore(%arg17 : memref<!tpu.dma_semaphore, #tpu.memory_space<semaphore_mem>>)
    } else {
    }
    %scan3A = arith.constant 0 : i32
    %scan3A_21 = arith.constant 128 : i32
    %scan3A_22 = arith.addi %scan3A, %scan3A_21 : i32
    %scan3A_23 = arith.constant 1 : i32
    scf.for %scan3A_49 = %scan3A to %scan3A_22 step %scan3A_23  : i32 {
      %mul3A_50 = arith.constant 1 : i32
      %mul3A_51 = arith.muli %scan3A_49, %mul3A_50 : i32
      %add3A_52 = arith.constant 0 : i32
      %add3A_53 = arith.addi %add3A_52, %mul3A_51 : i32
      %scan3A_54 = arith.constant 0 : i32
      %scan3A_55 = arith.constant 8 : i32
      %scan3A_56 = arith.addi %scan3A_54, %scan3A_55 : i32
      %scan3A_57 = arith.constant 1 : i32
      scf.for %scan3A_59 = %scan3A_54 to %scan3A_56 step %scan3A_57  : i32 {
        %mul3A_60 = arith.constant 1 : i32
        %mul3A_61 = arith.muli %scan3A_59, %mul3A_60 : i32
        %add3A_62 = arith.constant 0 : i32
        %add3A_63 = arith.addi %add3A_62, %mul3A_61 : i32
        %broadcast_in_dim3A = arith.constant 0.000000e+00 : f32
        %broadcast_in_dim3A_64 = vector.broadcast %broadcast_in_dim3A : f32 to vector<16xf32>
        %mul3A_65 = arith.constant 16 : i32
        %mul3A_66 = arith.muli %add3A_63, %mul3A_65 : i32
        %swap3A = arith.index_cast %add3A_53 : i32 to index
        %swap3A_67 = arith.index_cast %mul3A_66 : i32 to index
        %swap3A_68 = tpu.vector_load %arg12[%swap3A, %swap3A_67] {strides = array<i32>} : memref<128x128xf32, #tpu.memory_space<vmem>>, vector<1x16xf32>,
        %swap3A_69 = vector.shape_cast %swap3A_68 : vector<1x16xf32> to vector<16xf32>
        %swap3A_70 = vector.shape_cast %broadcast_in_dim3A_64 : vector<16xf32> to vector<1x16xf32>
        tpu.vector_store %arg12[%swap3A, %swap3A_67], %swap3A_70 {strides = array<i32>} : memref<128x128xf32, #tpu.memory_space<vmem>>, vector<1x16xf32>,
      }
      %scan3A_58 = arith.constant 8 : i32
    }
    %scan3A_24 = arith.constant 128 : i32
    %scan3A_25 = arith.constant 0 : i32
    %scan3A_26 = arith.constant 6 : i32
    %scan3A_27 = arith.addi %scan3A_25, %scan3A_26 : i32
    %scan3A_28 = arith.constant 1 : i32
    scf.for %scan3A_49 = %scan3A_25 to %scan3A_27 step %scan3A_28  : i32 {
      %mul3A_50 = arith.constant 1 : i32
      %mul3A_51 = arith.muli %scan3A_49, %mul3A_50 : i32
      %add3A_52 = arith.constant 0 : i32
      %add3A_53 = arith.addi %add3A_52, %mul3A_51 : i32
      %mul3A_54 = arith.constant 624 : i32
      %mul3A_55 = arith.muli %arg1, %mul3A_54 : i32
      %mul3A_56 = arith.constant 104 : i32
      %mul3A_57 = arith.muli %add3A_53, %mul3A_56 : i32
      %add3A_58 = arith.addi %mul3A_55, %mul3A_57 : i32
      "tpu.region"() ({
        %run_scoped3A = tpu.sem_alloc : memref<!tpu.dma_semaphore, #tpu.memory_space<semaphore_mem>>
        %dma_start3A = arith.constant 0 : i32
        %dma_start3A_59 = arith.constant 0 : i32
        %dma_start3A_60 = tpu.memref_slice %arg12[%dma_start3A, %dma_start3A_59] : memref<128x128xf32, #tpu.memory_space<vmem>> -> memref<104x128xf32, #tpu.memory_space<vmem>>
        %dma_start3A_61 = arith.constant 0 : i32
        %dma_start3A_62 = tpu.memref_slice %arg5[%add3A_58, %dma_start3A_61] : memref<10000x128xf32, #tpu.memory_space<vmem_shared>> -> memref<104x128xf32, #tpu.memory_space<vmem_shared>>
        %dma_start3A_63 = arith.constant 0 : i32
        %dma_start3A_64 = tpu.memref_slice %arg5[%add3A_58, %dma_start3A_63] : memref<10000x128xf32, #tpu.memory_space<vmem_shared>> -> memref<104x128xf32, #tpu.memory_space<vmem_shared>>
        %dma_start3A_65 = arith.constant 0 : i32
        %dma_start3A_66 = arith.constant 0 : i32
        %dma_start3A_67 = tpu.memref_slice %arg12[%dma_start3A_65, %dma_start3A_66] : memref<128x128xf32, #tpu.memory_space<vmem>> -> memref<104x128xf32, #tpu.memory_space<vmem>>
        tpu.enqueue_dma source(%dma_start3A_67 : memref<104x128xf32, #tpu.memory_space<vmem>>) target(%dma_start3A_64 : memref<104x128xf32, #tpu.memory_space<vmem_shared>>) target_semaphore(%run_scoped3A : memref<!tpu.dma_semaphore, #tpu.memory_space<semaphore_mem>>)
        %dma_wait3A = arith.constant 0 : i32
        %dma_wait3A_68 = arith.constant 0 : i32
        %dma_wait3A_69 = tpu.memref_slice %arg12[%dma_wait3A, %dma_wait3A_68] : memref<128x128xf32, #tpu.memory_space<vmem>> -> memref<104x128xf32, #tpu.memory_space<vmem>>
        %dma_wait3A_70 = arith.constant 0 : i32
        %dma_wait3A_71 = tpu.memref_slice %arg5[%add3A_58, %dma_wait3A_70] : memref<10000x128xf32, #tpu.memory_space<vmem_shared>> -> memref<104x128xf32, #tpu.memory_space<vmem_shared>>
        %dma_wait3A_72 = arith.constant 0 : i32
        %dma_wait3A_73 = tpu.memref_slice %arg5[%add3A_58, %dma_wait3A_72] : memref<10000x128xf32, #tpu.memory_space<vmem_shared>> -> memref<104x128xf32, #tpu.memory_space<vmem_shared>>
        %dma_wait3A_74 = arith.constant 0 : i32
        %dma_wait3A_75 = arith.constant 0 : i32
        %dma_wait3A_76 = tpu.memref_slice %arg12[%dma_wait3A_74, %dma_wait3A_75] : memref<128x128xf32, #tpu.memory_space<vmem>> -> memref<104x128xf32, #tpu.memory_space<vmem>>
        tpu.wait_dma2 semaphore(%run_scoped3A : memref<!tpu.dma_semaphore, #tpu.memory_space<semaphore_mem>>) src(%dma_wait3A_76 : memref<104x128xf32, #tpu.memory_space<vmem>>) dst(%dma_wait3A_73 : memref<104x128xf32, #tpu.memory_space<vmem_shared>>)
        tpu.yield
      }) : () -> ()
    }
    %scan3A_29 = arith.constant 6 : i32
    %eq3A = arith.constant 15 : i32
    %eq3A_30 = arith.cmpi eq, %arg1, %eq3A : i32
    %convert_element_type3A_31 = arith.extui %eq3A_30 : i1 to i32
    %cond3A_32 = arith.constant 0 : i32
    %cond3A_33 = arith.cmpi ne, %convert_element_type3A_31, %cond3A_32 : i32
    scf.if %cond3A_33 {
      "tpu.region"() ({
        %run_scoped3A = tpu.sem_alloc : memref<!tpu.dma_semaphore, #tpu.memory_space<semaphore_mem>>
        %dma_start3A = arith.constant 0 : i32
        %dma_start3A_49 = arith.constant 0 : i32
        %dma_start3A_50 = tpu.memref_slice %arg12[%dma_start3A, %dma_start3A_49] : memref<128x128xf32, #tpu.memory_space<vmem>> -> memref<16x128xf32, #tpu.memory_space<vmem>>
        %dma_start3A_51 = arith.constant 9984 : i32
        %dma_start3A_52 = arith.constant 0 : i32
        %dma_start3A_53 = tpu.memref_slice %arg5[%dma_start3A_51, %dma_start3A_52] : memref<10000x128xf32, #tpu.memory_space<vmem_shared>> -> memref<16x128xf32, #tpu.memory_space<vmem_shared>>
        %dma_start3A_54 = arith.constant 9984 : i32
        %dma_start3A_55 = arith.constant 0 : i32
        %dma_start3A_56 = tpu.memref_slice %arg5[%dma_start3A_54, %dma_start3A_55] : memref<10000x128xf32, #tpu.memory_space<vmem_shared>> -> memref<16x128xf32, #tpu.memory_space<vmem_shared>>
        %dma_start3A_57 = arith.constant 0 : i32
        %dma_start3A_58 = arith.constant 0 : i32
        %dma_start3A_59 = tpu.memref_slice %arg12[%dma_start3A_57, %dma_start3A_58] : memref<128x128xf32, #tpu.memory_space<vmem>> -> memref<16x128xf32, #tpu.memory_space<vmem>>
        tpu.enqueue_dma source(%dma_start3A_59 : memref<16x128xf32, #tpu.memory_space<vmem>>) target(%dma_start3A_56 : memref<16x128xf32, #tpu.memory_space<vmem_shared>>) target_semaphore(%run_scoped3A : memref<!tpu.dma_semaphore, #tpu.memory_space<semaphore_mem>>)
        %dma_wait3A = arith.constant 0 : i32
        %dma_wait3A_60 = arith.constant 0 : i32
        %dma_wait3A_61 = tpu.memref_slice %arg12[%dma_wait3A, %dma_wait3A_60] : memref<128x128xf32, #tpu.memory_space<vmem>> -> memref<16x128xf32, #tpu.memory_space<vmem>>
        %dma_wait3A_62 = arith.constant 9984 : i32
        %dma_wait3A_63 = arith.constant 0 : i32
        %dma_wait3A_64 = tpu.memref_slice %arg5[%dma_wait3A_62, %dma_wait3A_63] : memref<10000x128xf32, #tpu.memory_space<vmem_shared>> -> memref<16x128xf32, #tpu.memory_space<vmem_shared>>
        %dma_wait3A_65 = arith.constant 9984 : i32
        %dma_wait3A_66 = arith.constant 0 : i32
        %dma_wait3A_67 = tpu.memref_slice %arg5[%dma_wait3A_65, %dma_wait3A_66] : memref<10000x128xf32, #tpu.memory_space<vmem_shared>> -> memref<16x128xf32, #tpu.memory_space<vmem_shared>>
        %dma_wait3A_68 = arith.constant 0 : i32
        %dma_wait3A_69 = arith.constant 0 : i32
        %dma_wait3A_70 = tpu.memref_slice %arg12[%dma_wait3A_68, %dma_wait3A_69] : memref<128x128xf32, #tpu.memory_space<vmem>> -> memref<16x128xf32, #tpu.memory_space<vmem>>
        tpu.wait_dma2 semaphore(%run_scoped3A : memref<!tpu.dma_semaphore, #tpu.memory_space<semaphore_mem>>) src(%dma_wait3A_70 : memref<16x128xf32, #tpu.memory_space<vmem>>) dst(%dma_wait3A_67 : memref<16x128xf32, #tpu.memory_space<vmem_shared>>)
        tpu.yield
      }) : () -> ()
    } else {
    }
    %barrier3A = arith.constant 0 : index
    tpu.barrier barrier_id(%barrier3A)
    %scan3A_34 = arith.constant 0 : i32
    %scan3A_35 = arith.constant 14 : i32
    %scan3A_36 = arith.addi %scan3A_34, %scan3A_35 : i32
    %scan3A_37 = arith.constant 1 : i32
    scf.for %scan3A_49 = %scan3A_34 to %scan3A_36 step %scan3A_37  : i32 {
      %mul3A_50 = arith.constant 1 : i32
      %mul3A_51 = arith.muli %scan3A_49, %mul3A_50 : i32
      %add3A_52 = arith.constant 0 : i32
      %add3A_53 = arith.addi %add3A_52, %mul3A_51 : i32
      %mul3A_54 = arith.constant 6 : i32
      %mul3A_55 = arith.muli %add3A_53, %mul3A_54 : i32
      %add3A_56 = arith.constant 0 : i32
      %add3A_57 = arith.addi %mul3A_55, %add3A_56 : i32
      %lt3A_58 = arith.cmpi slt, %add3A_57, %add3A_8 : i32
      %convert_element_type3A_59 = arith.extui %lt3A_58 : i1 to i32
      %cond3A_60 = arith.constant 0 : i32
      %cond3A_61 = arith.cmpi ne, %convert_element_type3A_59, %cond3A_60 : i32
      scf.if %cond3A_61 {
        %add3A_255 = arith.addi %add3A_4, %add3A_57 : i32
        %dma_wait3A = arith.constant 0 : i32
        %dma_wait3A_256 = arith.constant 0 : i32
        %dma_wait3A_257 = tpu.memref_slice %arg3[%add3A_255, %dma_wait3A, %dma_wait3A_256] : memref<2500x2x128xi32, #tpu.memory_space<hbm>> -> memref<1x2x128xi32, #tpu.memory_space<hbm>>
        %dma_wait3A_258 = tpu.memref_squeeze %dma_wait3A_257 : memref<1x2x128xi32, #tpu.memory_space<hbm>> -> memref<2x128xi32, #tpu.memory_space<hbm>>
        %dma_wait3A_259 = arith.constant 0 : i32
        %dma_wait3A_260 = arith.constant 0 : i32
        %dma_wait3A_261 = tpu.memref_slice %arg3[%add3A_255, %dma_wait3A_259, %dma_wait3A_260] : memref<2500x2x128xi32, #tpu.memory_space<hbm>> -> memref<1x2x128xi32, #tpu.memory_space<hbm>>
        %dma_wait3A_262 = tpu.memref_squeeze %dma_wait3A_261 : memref<1x2x128xi32, #tpu.memory_space<hbm>> -> memref<2x128xi32, #tpu.memory_space<hbm>>
        tpu.wait_dma2 semaphore(%arg15 : memref<!tpu.dma_semaphore, #tpu.memory_space<semaphore_mem>>) src(%dma_wait3A_262 : memref<2x128xi32, #tpu.memory_space<hbm>>) dst(%arg6 : memref<2x128xi32, #tpu.memory_space<vmem>>)
      } else {
      }
      %ge3A = arith.constant 3 : i32
      %ge3A_62 = arith.cmpi sge, %add3A_57, %ge3A : i32
      %add3A_63 = arith.constant 2 : i32
      %add3A_64 = arith.addi %add3A_8, %add3A_63 : i32
      %le3A = arith.cmpi sle, %add3A_57, %add3A_64 : i32
      %and3A = arith.andi %ge3A_62, %le3A : i1
      %convert_element_type3A_65 = arith.extui %and3A : i1 to i32
      %cond3A_66 = arith.constant 0 : i32
      %cond3A_67 = arith.cmpi ne, %convert_element_type3A_65, %cond3A_66 : i32
      scf.if %cond3A_67 {
        %dma_wait3A = arith.constant 1 : i32
        %dma_wait3A_255 = arith.constant 0 : i32
        %dma_wait3A_256 = tpu.memref_slice %arg9[%dma_wait3A, %dma_wait3A_255] : memref<2x128xi32, #tpu.memory_space<vmem>> -> memref<1x128xi32, #tpu.memory_space<vmem>>
        %dma_wait3A_257 = tpu.memref_squeeze %dma_wait3A_256 : memref<1x128xi32, #tpu.memory_space<vmem>> -> memref<128xi32, #tpu.memory_space<vmem>>
        %dma_wait3A_258 = arith.constant 0 : i32
        %dma_wait3A_259 = arith.constant 0 : i32
        %dma_wait3A_260 = tpu.memref_slice %arg5[%dma_wait3A_258, %dma_wait3A_259] : memref<10000x128xf32, #tpu.memory_space<vmem_shared>> -> memref<10000x128xf32, #tpu.memory_space<vmem_shared>>
        tpu.wait_indirect_dma semaphore(%arg24 : memref<!tpu.dma_semaphore, #tpu.memory_space<semaphore_mem>>) src(%arg12 : memref<128x128xf32, #tpu.memory_space<vmem>>) dst(%dma_wait3A_260 : memref<10000x128xf32, #tpu.memory_space<vmem_shared>>)
      } else {
      }
      %lt3A_68 = arith.cmpi slt, %add3A_57, %add3A_8 : i32
      %convert_element_type3A_69 = arith.extui %lt3A_68 : i1 to i32
      %cond3A_70 = arith.constant 0 : i32
      %cond3A_71 = arith.cmpi ne, %convert_element_type3A_69, %cond3A_70 : i32
      scf.if %cond3A_71 {
        %dma_start3A = arith.constant 0 : i32
        %dma_start3A_255 = arith.constant 0 : i32
        %dma_start3A_256 = tpu.memref_slice %arg6[%dma_start3A, %dma_start3A_255] : memref<2x128xi32, #tpu.memory_space<vmem>> -> memref<1x128xi32, #tpu.memory_space<vmem>>
        %dma_start3A_257 = tpu.memref_squeeze %dma_start3A_256 : memref<1x128xi32, #tpu.memory_space<vmem>> -> memref<128xi32, #tpu.memory_space<vmem>>
        %dma_start3A_258 = arith.constant 0 : i32
        %dma_start3A_259 = arith.constant 0 : i32
        %dma_start3A_260 = tpu.memref_slice %arg2[%dma_start3A_258, %dma_start3A_259] : memref<10240x128xf32, #tpu.memory_space<hbm>> -> memref<10240x128xf32, #tpu.memory_space<hbm>>
        tpu.enqueue_indirect_dma source(%dma_start3A_260 : memref<10240x128xf32, #tpu.memory_space<hbm>>) target(%arg12 : memref<128x128xf32, #tpu.memory_space<vmem>>) offsets(%dma_start3A_257 : memref<128xi32, #tpu.memory_space<vmem>>) semaphore(%arg21 : memref<!tpu.dma_semaphore, #tpu.memory_space<semaphore_mem>>)
      } else {
      }
      %ge3A_72 = arith.constant 1 : i32
      %ge3A_73 = arith.cmpi sge, %add3A_57, %ge3A_72 : i32
      %le3A_74 = arith.cmpi sle, %add3A_57, %add3A_8 : i32
      %and3A_75 = arith.andi %ge3A_73, %le3A_74 : i1
      %convert_element_type3A_76 = arith.extui %and3A_75 : i1 to i32
      %cond3A_77 = arith.constant 0 : i32
      %cond3A_78 = arith.cmpi ne, %convert_element_type3A_76, %cond3A_77 : i32
      scf.if %cond3A_78 {
        %dma_wait3A = arith.constant 0 : i32
        %dma_wait3A_255 = arith.constant 0 : i32
        %dma_wait3A_256 = tpu.memref_slice %arg11[%dma_wait3A, %dma_wait3A_255] : memref<2x128xi32, #tpu.memory_space<vmem>> -> memref<1x128xi32, #tpu.memory_space<vmem>>
        %dma_wait3A_257 = tpu.memref_squeeze %dma_wait3A_256 : memref<1x128xi32, #tpu.memory_space<vmem>> -> memref<128xi32, #tpu.memory_space<vmem>>
        %dma_wait3A_258 = arith.constant 0 : i32
        %dma_wait3A_259 = arith.constant 0 : i32
        %dma_wait3A_260 = tpu.memref_slice %arg2[%dma_wait3A_258, %dma_wait3A_259] : memref<10240x128xf32, #tpu.memory_space<hbm>> -> memref<10240x128xf32, #tpu.memory_space<hbm>>
        tpu.wait_indirect_dma semaphore(%arg23 : memref<!tpu.dma_semaphore, #tpu.memory_space<semaphore_mem>>) src(%dma_wait3A_260 : memref<10240x128xf32, #tpu.memory_space<hbm>>) dst(%arg14 : memref<128x128xf32, #tpu.memory_space<vmem>>)
        %dma_start3A = arith.constant 1 : i32
        %dma_start3A_261 = arith.constant 0 : i32
        %dma_start3A_262 = tpu.memref_slice %arg11[%dma_start3A, %dma_start3A_261] : memref<2x128xi32, #tpu.memory_space<vmem>> -> memref<1x128xi32, #tpu.memory_space<vmem>>
        %dma_start3A_263 = tpu.memref_squeeze %dma_start3A_262 : memref<1x128xi32, #tpu.memory_space<vmem>> -> memref<128xi32, #tpu.memory_space<vmem>>
        %dma_start3A_264 = arith.constant 0 : i32
        %dma_start3A_265 = arith.constant 0 : i32
        %dma_start3A_266 = tpu.memref_slice %arg5[%dma_start3A_264, %dma_start3A_265] : memref<10000x128xf32, #tpu.memory_space<vmem_shared>> -> memref<10000x128xf32, #tpu.memory_space<vmem_shared>>
        tpu.enqueue_indirect_dma source(%arg14 : memref<128x128xf32, #tpu.memory_space<vmem>>) target(%dma_start3A_266 : memref<10000x128xf32, #tpu.memory_space<vmem_shared>>) offsets(%dma_start3A_263 : memref<128xi32, #tpu.memory_space<vmem>>) semaphore(%arg26 : memref<!tpu.dma_semaphore, #tpu.memory_space<semaphore_mem>>) {add = true}
      } else {
      }
      %add3A_79 = arith.constant 3 : i32
      %add3A_80 = arith.addi %add3A_57, %add3A_79 : i32
      %lt3A_81 = arith.cmpi slt, %add3A_80, %add3A_8 : i32
      %convert_element_type3A_82 = arith.extui %lt3A_81 : i1 to i32
      %cond3A_83 = arith.constant 0 : i32
      %cond3A_84 = arith.cmpi ne, %convert_element_type3A_82, %cond3A_83 : i32
      scf.if %cond3A_84 {
        %add3A_255 = arith.addi %add3A_4, %add3A_57 : i32
        %add3A_256 = arith.constant 3 : i32
        %add3A_257 = arith.addi %add3A_255, %add3A_256 : i32
        %dma_start3A = arith.constant 0 : i32
        %dma_start3A_258 = arith.constant 0 : i32
        %dma_start3A_259 = tpu.memref_slice %arg3[%add3A_257, %dma_start3A, %dma_start3A_258] : memref<2500x2x128xi32, #tpu.memory_space<hbm>> -> memref<1x2x128xi32, #tpu.memory_space<hbm>>
        %dma_start3A_260 = tpu.memref_squeeze %dma_start3A_259 : memref<1x2x128xi32, #tpu.memory_space<hbm>> -> memref<2x128xi32, #tpu.memory_space<hbm>>
        %dma_start3A_261 = arith.constant 0 : i32
        %dma_start3A_262 = arith.constant 0 : i32
        %dma_start3A_263 = tpu.memref_slice %arg3[%add3A_257, %dma_start3A_261, %dma_start3A_262] : memref<2500x2x128xi32, #tpu.memory_space<hbm>> -> memref<1x2x128xi32, #tpu.memory_space<hbm>>
        %dma_start3A_264 = tpu.memref_squeeze %dma_start3A_263 : memref<1x2x128xi32, #tpu.memory_space<hbm>> -> memref<2x128xi32, #tpu.memory_space<hbm>>
        tpu.enqueue_dma source(%dma_start3A_264 : memref<2x128xi32, #tpu.memory_space<hbm>>) target(%arg9 : memref<2x128xi32, #tpu.memory_space<vmem>>) target_semaphore(%arg18 : memref<!tpu.dma_semaphore, #tpu.memory_space<semaphore_mem>>)
      } else {
      }
      %mul3A_85 = arith.constant 6 : i32
      %mul3A_86 = arith.muli %add3A_53, %mul3A_85 : i32
      %add3A_87 = arith.constant 1 : i32
      %add3A_88 = arith.addi %mul3A_86, %add3A_87 : i32
      %lt3A_89 = arith.cmpi slt, %add3A_88, %add3A_8 : i32
      %convert_element_type3A_90 = arith.extui %lt3A_89 : i1 to i32
      %cond3A_91 = arith.constant 0 : i32
      %cond3A_92 = arith.cmpi ne, %convert_element_type3A_90, %cond3A_91 : i32
      scf.if %cond3A_92 {
        %add3A_255 = arith.addi %add3A_4, %add3A_88 : i32
        %dma_wait3A = arith.constant 0 : i32
        %dma_wait3A_256 = arith.constant 0 : i32
        %dma_wait3A_257 = tpu.memref_slice %arg3[%add3A_255, %dma_wait3A, %dma_wait3A_256] : memref<2500x2x128xi32, #tpu.memory_space<hbm>> -> memref<1x2x128xi32, #tpu.memory_space<hbm>>
        %dma_wait3A_258 = tpu.memref_squeeze %dma_wait3A_257 : memref<1x2x128xi32, #tpu.memory_space<hbm>> -> memref<2x128xi32, #tpu.memory_space<hbm>>
        %dma_wait3A_259 = arith.constant 0 : i32
        %dma_wait3A_260 = arith.constant 0 : i32
        %dma_wait3A_261 = tpu.memref_slice %arg3[%add3A_255, %dma_wait3A_259, %dma_wait3A_260] : memref<2500x2x128xi32, #tpu.memory_space<hbm>> -> memref<1x2x128xi32, #tpu.memory_space<hbm>>
        %dma_wait3A_262 = tpu.memref_squeeze %dma_wait3A_261 : memref<1x2x128xi32, #tpu.memory_space<hbm>> -> memref<2x128xi32, #tpu.memory_space<hbm>>
        tpu.wait_dma2 semaphore(%arg16 : memref<!tpu.dma_semaphore, #tpu.memory_space<semaphore_mem>>) src(%dma_wait3A_262 : memref<2x128xi32, #tpu.memory_space<hbm>>) dst(%arg7 : memref<2x128xi32, #tpu.memory_space<vmem>>)
      } else {
      }
      %ge3A_93 = arith.constant 3 : i32
      %ge3A_94 = arith.cmpi sge, %add3A_88, %ge3A_93 : i32
      %add3A_95 = arith.constant 2 : i32
      %add3A_96 = arith.addi %add3A_8, %add3A_95 : i32
      %le3A_97 = arith.cmpi sle, %add3A_88, %add3A_96 : i32
      %and3A_98 = arith.andi %ge3A_94, %le3A_97 : i1
      %convert_element_type3A_99 = arith.extui %and3A_98 : i1 to i32
      %cond3A_100 = arith.constant 0 : i32
      %cond3A_101 = arith.cmpi ne, %convert_element_type3A_99, %cond3A_100 : i32
      scf.if %cond3A_101 {
        %dma_wait3A = arith.constant 1 : i32
        %dma_wait3A_255 = arith.constant 0 : i32
        %dma_wait3A_256 = tpu.memref_slice %arg10[%dma_wait3A, %dma_wait3A_255] : memref<2x128xi32, #tpu.memory_space<vmem>> -> memref<1x128xi32, #tpu.memory_space<vmem>>
        %dma_wait3A_257 = tpu.memref_squeeze %dma_wait3A_256 : memref<1x128xi32, #tpu.memory_space<vmem>> -> memref<128xi32, #tpu.memory_space<vmem>>
        %dma_wait3A_258 = arith.constant 0 : i32
        %dma_wait3A_259 = arith.constant 0 : i32
        %dma_wait3A_260 = tpu.memref_slice %arg5[%dma_wait3A_258, %dma_wait3A_259] : memref<10000x128xf32, #tpu.memory_space<vmem_shared>> -> memref<10000x128xf32, #tpu.memory_space<vmem_shared>>
        tpu.wait_indirect_dma semaphore(%arg25 : memref<!tpu.dma_semaphore, #tpu.memory_space<semaphore_mem>>) src(%arg13 : memref<128x128xf32, #tpu.memory_space<vmem>>) dst(%dma_wait3A_260 : memref<10000x128xf32, #tpu.memory_space<vmem_shared>>)
      } else {
      }
      %lt3A_102 = arith.cmpi slt, %add3A_88, %add3A_8 : i32
      %convert_element_type3A_103 = arith.extui %lt3A_102 : i1 to i32
      %cond3A_104 = arith.constant 0 : i32
      %cond3A_105 = arith.cmpi ne, %convert_element_type3A_103, %cond3A_104 : i32
      scf.if %cond3A_105 {
        %dma_start3A = arith.constant 0 : i32
        %dma_start3A_255 = arith.constant 0 : i32
        %dma_start3A_256 = tpu.memref_slice %arg7[%dma_start3A, %dma_start3A_255] : memref<2x128xi32, #tpu.memory_space<vmem>> -> memref<1x128xi32, #tpu.memory_space<vmem>>
        %dma_start3A_257 = tpu.memref_squeeze %dma_start3A_256 : memref<1x128xi32, #tpu.memory_space<vmem>> -> memref<128xi32, #tpu.memory_space<vmem>>
        %dma_start3A_258 = arith.constant 0 : i32
        %dma_start3A_259 = arith.constant 0 : i32
        %dma_start3A_260 = tpu.memref_slice %arg2[%dma_start3A_258, %dma_start3A_259] : memref<10240x128xf32, #tpu.memory_space<hbm>> -> memref<10240x128xf32, #tpu.memory_space<hbm>>
        tpu.enqueue_indirect_dma source(%dma_start3A_260 : memref<10240x128xf32, #tpu.memory_space<hbm>>) target(%arg13 : memref<128x128xf32, #tpu.memory_space<vmem>>) offsets(%dma_start3A_257 : memref<128xi32, #tpu.memory_space<vmem>>) semaphore(%arg22 : memref<!tpu.dma_semaphore, #tpu.memory_space<semaphore_mem>>)
      } else {
      }
      %ge3A_106 = arith.constant 1 : i32
      %ge3A_107 = arith.cmpi sge, %add3A_88, %ge3A_106 : i32
      %le3A_108 = arith.cmpi sle, %add3A_88, %add3A_8 : i32
      %and3A_109 = arith.andi %ge3A_107, %le3A_108 : i1
      %convert_element_type3A_110 = arith.extui %and3A_109 : i1 to i32
      %cond3A_111 = arith.constant 0 : i32
      %cond3A_112 = arith.cmpi ne, %convert_element_type3A_110, %cond3A_111 : i32
      scf.if %cond3A_112 {
        %dma_wait3A = arith.constant 0 : i32
        %dma_wait3A_255 = arith.constant 0 : i32
        %dma_wait3A_256 = tpu.memref_slice %arg6[%dma_wait3A, %dma_wait3A_255] : memref<2x128xi32, #tpu.memory_space<vmem>> -> memref<1x128xi32, #tpu.memory_space<vmem>>
        %dma_wait3A_257 = tpu.memref_squeeze %dma_wait3A_256 : memref<1x128xi32, #tpu.memory_space<vmem>> -> memref<128xi32, #tpu.memory_space<vmem>>
        %dma_wait3A_258 = arith.constant 0 : i32
        %dma_wait3A_259 = arith.constant 0 : i32
        %dma_wait3A_260 = tpu.memref_slice %arg2[%dma_wait3A_258, %dma_wait3A_259] : memref<10240x128xf32, #tpu.memory_space<hbm>> -> memref<10240x128xf32, #tpu.memory_space<hbm>>
        tpu.wait_indirect_dma semaphore(%arg21 : memref<!tpu.dma_semaphore, #tpu.memory_space<semaphore_mem>>) src(%dma_wait3A_260 : memref<10240x128xf32, #tpu.memory_space<hbm>>) dst(%arg12 : memref<128x128xf32, #tpu.memory_space<vmem>>)
        %dma_start3A = arith.constant 1 : i32
        %dma_start3A_261 = arith.constant 0 : i32
        %dma_start3A_262 = tpu.memref_slice %arg6[%dma_start3A, %dma_start3A_261] : memref<2x128xi32, #tpu.memory_space<vmem>> -> memref<1x128xi32, #tpu.memory_space<vmem>>
        %dma_start3A_263 = tpu.memref_squeeze %dma_start3A_262 : memref<1x128xi32, #tpu.memory_space<vmem>> -> memref<128xi32, #tpu.memory_space<vmem>>
        %dma_start3A_264 = arith.constant 0 : i32
        %dma_start3A_265 = arith.constant 0 : i32
        %dma_start3A_266 = tpu.memref_slice %arg5[%dma_start3A_264, %dma_start3A_265] : memref<10000x128xf32, #tpu.memory_space<vmem_shared>> -> memref<10000x128xf32, #tpu.memory_space<vmem_shared>>
        tpu.enqueue_indirect_dma source(%arg12 : memref<128x128xf32, #tpu.memory_space<vmem>>) target(%dma_start3A_266 : memref<10000x128xf32, #tpu.memory_space<vmem_shared>>) offsets(%dma_start3A_263 : memref<128xi32, #tpu.memory_space<vmem>>) semaphore(%arg24 : memref<!tpu.dma_semaphore, #tpu.memory_space<semaphore_mem>>) {add = true}
      } else {
      }
      %add3A_113 = arith.constant 3 : i32
      %add3A_114 = arith.addi %add3A_88, %add3A_113 : i32
      %lt3A_115 = arith.cmpi slt, %add3A_114, %add3A_8 : i32
      %convert_element_type3A_116 = arith.extui %lt3A_115 : i1 to i32
      %cond3A_117 = arith.constant 0 : i32
      %cond3A_118 = arith.cmpi ne, %convert_element_type3A_116, %cond3A_117 : i32
      scf.if %cond3A_118 {
        %add3A_255 = arith.addi %add3A_4, %add3A_88 : i32
        %add3A_256 = arith.constant 3 : i32
        %add3A_257 = arith.addi %add3A_255, %add3A_256 : i32
        %dma_start3A = arith.constant 0 : i32
        %dma_start3A_258 = arith.constant 0 : i32
        %dma_start3A_259 = tpu.memref_slice %arg3[%add3A_257, %dma_start3A, %dma_start3A_258] : memref<2500x2x128xi32, #tpu.memory_space<hbm>> -> memref<1x2x128xi32, #tpu.memory_space<hbm>>
        %dma_start3A_260 = tpu.memref_squeeze %dma_start3A_259 : memref<1x2x128xi32, #tpu.memory_space<hbm>> -> memref<2x128xi32, #tpu.memory_space<hbm>>
        %dma_start3A_261 = arith.constant 0 : i32
        %dma_start3A_262 = arith.constant 0 : i32
        %dma_start3A_263 = tpu.memref_slice %arg3[%add3A_257, %dma_start3A_261, %dma_start3A_262] : memref<2500x2x128xi32, #tpu.memory_space<hbm>> -> memref<1x2x128xi32, #tpu.memory_space<hbm>>
        %dma_start3A_264 = tpu.memref_squeeze %dma_start3A_263 : memref<1x2x128xi32, #tpu.memory_space<hbm>> -> memref<2x128xi32, #tpu.memory_space<hbm>>
        tpu.enqueue_dma source(%dma_start3A_264 : memref<2x128xi32, #tpu.memory_space<hbm>>) target(%arg10 : memref<2x128xi32, #tpu.memory_space<vmem>>) target_semaphore(%arg19 : memref<!tpu.dma_semaphore, #tpu.memory_space<semaphore_mem>>)
      } else {
      }
      %mul3A_119 = arith.constant 6 : i32
      %mul3A_120 = arith.muli %add3A_53, %mul3A_119 : i32
      %add3A_121 = arith.constant 2 : i32
      %add3A_122 = arith.addi %mul3A_120, %add3A_121 : i32
      %lt3A_123 = arith.cmpi slt, %add3A_122, %add3A_8 : i32
      %convert_element_type3A_124 = arith.extui %lt3A_123 : i1 to i32
      %cond3A_125 = arith.constant 0 : i32
      %cond3A_126 = arith.cmpi ne, %convert_element_type3A_124, %cond3A_125 : i32
      scf.if %cond3A_126 {
        %add3A_255 = arith.addi %add3A_4, %add3A_122 : i32
        %dma_wait3A = arith.constant 0 : i32
        %dma_wait3A_256 = arith.constant 0 : i32
        %dma_wait3A_257 = tpu.memref_slice %arg3[%add3A_255, %dma_wait3A, %dma_wait3A_256] : memref<2500x2x128xi32, #tpu.memory_space<hbm>> -> memref<1x2x128xi32, #tpu.memory_space<hbm>>
        %dma_wait3A_258 = tpu.memref_squeeze %dma_wait3A_257 : memref<1x2x128xi32, #tpu.memory_space<hbm>> -> memref<2x128xi32, #tpu.memory_space<hbm>>
        %dma_wait3A_259 = arith.constant 0 : i32
        %dma_wait3A_260 = arith.constant 0 : i32
        %dma_wait3A_261 = tpu.memref_slice %arg3[%add3A_255, %dma_wait3A_259, %dma_wait3A_260] : memref<2500x2x128xi32, #tpu.memory_space<hbm>> -> memref<1x2x128xi32, #tpu.memory_space<hbm>>
        %dma_wait3A_262 = tpu.memref_squeeze %dma_wait3A_261 : memref<1x2x128xi32, #tpu.memory_space<hbm>> -> memref<2x128xi32, #tpu.memory_space<hbm>>
        tpu.wait_dma2 semaphore(%arg17 : memref<!tpu.dma_semaphore, #tpu.memory_space<semaphore_mem>>) src(%dma_wait3A_262 : memref<2x128xi32, #tpu.memory_space<hbm>>) dst(%arg8 : memref<2x128xi32, #tpu.memory_space<vmem>>)
      } else {
      }
      %ge3A_127 = arith.constant 3 : i32
      %ge3A_128 = arith.cmpi sge, %add3A_122, %ge3A_127 : i32
      %add3A_129 = arith.constant 2 : i32
      %add3A_130 = arith.addi %add3A_8, %add3A_129 : i32
      %le3A_131 = arith.cmpi sle, %add3A_122, %add3A_130 : i32
      %and3A_132 = arith.andi %ge3A_128, %le3A_131 : i1
      %convert_element_type3A_133 = arith.extui %and3A_132 : i1 to i32
      %cond3A_134 = arith.constant 0 : i32
      %cond3A_135 = arith.cmpi ne, %convert_element_type3A_133, %cond3A_134 : i32
      scf.if %cond3A_135 {
        %dma_wait3A = arith.constant 1 : i32
        %dma_wait3A_255 = arith.constant 0 : i32
        %dma_wait3A_256 = tpu.memref_slice %arg11[%dma_wait3A, %dma_wait3A_255] : memref<2x128xi32, #tpu.memory_space<vmem>> -> memref<1x128xi32, #tpu.memory_space<vmem>>
        %dma_wait3A_257 = tpu.memref_squeeze %dma_wait3A_256 : memref<1x128xi32, #tpu.memory_space<vmem>> -> memref<128xi32, #tpu.memory_space<vmem>>
        %dma_wait3A_258 = arith.constant 0 : i32
        %dma_wait3A_259 = arith.constant 0 : i32
        %dma_wait3A_260 = tpu.memref_slice %arg5[%dma_wait3A_258, %dma_wait3A_259] : memref<10000x128xf32, #tpu.memory_space<vmem_shared>> -> memref<10000x128xf32, #tpu.memory_space<vmem_shared>>
        tpu.wait_indirect_dma semaphore(%arg26 : memref<!tpu.dma_semaphore, #tpu.memory_space<semaphore_mem>>) src(%arg14 : memref<128x128xf32, #tpu.memory_space<vmem>>) dst(%dma_wait3A_260 : memref<10000x128xf32, #tpu.memory_space<vmem_shared>>)
      } else {
      }
      %lt3A_136 = arith.cmpi slt, %add3A_122, %add3A_8 : i32
      %convert_element_type3A_137 = arith.extui %lt3A_136 : i1 to i32
      %cond3A_138 = arith.constant 0 : i32
      %cond3A_139 = arith.cmpi ne, %convert_element_type3A_137, %cond3A_138 : i32
      scf.if %cond3A_139 {
        %dma_start3A = arith.constant 0 : i32
        %dma_start3A_255 = arith.constant 0 : i32
        %dma_start3A_256 = tpu.memref_slice %arg8[%dma_start3A, %dma_start3A_255] : memref<2x128xi32, #tpu.memory_space<vmem>> -> memref<1x128xi32, #tpu.memory_space<vmem>>
        %dma_start3A_257 = tpu.memref_squeeze %dma_start3A_256 : memref<1x128xi32, #tpu.memory_space<vmem>> -> memref<128xi32, #tpu.memory_space<vmem>>
        %dma_start3A_258 = arith.constant 0 : i32
        %dma_start3A_259 = arith.constant 0 : i32
        %dma_start3A_260 = tpu.memref_slice %arg2[%dma_start3A_258, %dma_start3A_259] : memref<10240x128xf32, #tpu.memory_space<hbm>> -> memref<10240x128xf32, #tpu.memory_space<hbm>>
        tpu.enqueue_indirect_dma source(%dma_start3A_260 : memref<10240x128xf32, #tpu.memory_space<hbm>>) target(%arg14 : memref<128x128xf32, #tpu.memory_space<vmem>>) offsets(%dma_start3A_257 : memref<128xi32, #tpu.memory_space<vmem>>) semaphore(%arg23 : memref<!tpu.dma_semaphore, #tpu.memory_space<semaphore_mem>>)
      } else {
      }
      %ge3A_140 = arith.constant 1 : i32
      %ge3A_141 = arith.cmpi sge, %add3A_122, %ge3A_140 : i32
      %le3A_142 = arith.cmpi sle, %add3A_122, %add3A_8 : i32
      %and3A_143 = arith.andi %ge3A_141, %le3A_142 : i1
      %convert_element_type3A_144 = arith.extui %and3A_143 : i1 to i32
      %cond3A_145 = arith.constant 0 : i32
      %cond3A_146 = arith.cmpi ne, %convert_element_type3A_144, %cond3A_145 : i32
      scf.if %cond3A_146 {
        %dma_wait3A = arith.constant 0 : i32
        %dma_wait3A_255 = arith.constant 0 : i32
        %dma_wait3A_256 = tpu.memref_slice %arg7[%dma_wait3A, %dma_wait3A_255] : memref<2x128xi32, #tpu.memory_space<vmem>> -> memref<1x128xi32, #tpu.memory_space<vmem>>
        %dma_wait3A_257 = tpu.memref_squeeze %dma_wait3A_256 : memref<1x128xi32, #tpu.memory_space<vmem>> -> memref<128xi32, #tpu.memory_space<vmem>>
        %dma_wait3A_258 = arith.constant 0 : i32
        %dma_wait3A_259 = arith.constant 0 : i32
        %dma_wait3A_260 = tpu.memref_slice %arg2[%dma_wait3A_258, %dma_wait3A_259] : memref<10240x128xf32, #tpu.memory_space<hbm>> -> memref<10240x128xf32, #tpu.memory_space<hbm>>
        tpu.wait_indirect_dma semaphore(%arg22 : memref<!tpu.dma_semaphore, #tpu.memory_space<semaphore_mem>>) src(%dma_wait3A_260 : memref<10240x128xf32, #tpu.memory_space<hbm>>) dst(%arg13 : memref<128x128xf32, #tpu.memory_space<vmem>>)
        %dma_start3A = arith.constant 1 : i32
        %dma_start3A_261 = arith.constant 0 : i32
        %dma_start3A_262 = tpu.memref_slice %arg7[%dma_start3A, %dma_start3A_261] : memref<2x128xi32, #tpu.memory_space<vmem>> -> memref<1x128xi32, #tpu.memory_space<vmem>>
        %dma_start3A_263 = tpu.memref_squeeze %dma_start3A_262 : memref<1x128xi32, #tpu.memory_space<vmem>> -> memref<128xi32, #tpu.memory_space<vmem>>
        %dma_start3A_264 = arith.constant 0 : i32
        %dma_start3A_265 = arith.constant 0 : i32
        %dma_start3A_266 = tpu.memref_slice %arg5[%dma_start3A_264, %dma_start3A_265] : memref<10000x128xf32, #tpu.memory_space<vmem_shared>> -> memref<10000x128xf32, #tpu.memory_space<vmem_shared>>
        tpu.enqueue_indirect_dma source(%arg13 : memref<128x128xf32, #tpu.memory_space<vmem>>) target(%dma_start3A_266 : memref<10000x128xf32, #tpu.memory_space<vmem_shared>>) offsets(%dma_start3A_263 : memref<128xi32, #tpu.memory_space<vmem>>) semaphore(%arg25 : memref<!tpu.dma_semaphore, #tpu.memory_space<semaphore_mem>>) {add = true}
      } else {
      }
      %add3A_147 = arith.constant 3 : i32
      %add3A_148 = arith.addi %add3A_122, %add3A_147 : i32
      %lt3A_149 = arith.cmpi slt, %add3A_148, %add3A_8 : i32
      %convert_element_type3A_150 = arith.extui %lt3A_149 : i1 to i32
      %cond3A_151 = arith.constant 0 : i32
      %cond3A_152 = arith.cmpi ne, %convert_element_type3A_150, %cond3A_151 : i32
      scf.if %cond3A_152 {
        %add3A_255 = arith.addi %add3A_4, %add3A_122 : i32
        %add3A_256 = arith.constant 3 : i32
        %add3A_257 = arith.addi %add3A_255, %add3A_256 : i32
        %dma_start3A = arith.constant 0 : i32
        %dma_start3A_258 = arith.constant 0 : i32
        %dma_start3A_259 = tpu.memref_slice %arg3[%add3A_257, %dma_start3A, %dma_start3A_258] : memref<2500x2x128xi32, #tpu.memory_space<hbm>> -> memref<1x2x128xi32, #tpu.memory_space<hbm>>
        %dma_start3A_260 = tpu.memref_squeeze %dma_start3A_259 : memref<1x2x128xi32, #tpu.memory_space<hbm>> -> memref<2x128xi32, #tpu.memory_space<hbm>>
        %dma_start3A_261 = arith.constant 0 : i32
        %dma_start3A_262 = arith.constant 0 : i32
        %dma_start3A_263 = tpu.memref_slice %arg3[%add3A_257, %dma_start3A_261, %dma_start3A_262] : memref<2500x2x128xi32, #tpu.memory_space<hbm>> -> memref<1x2x128xi32, #tpu.memory_space<hbm>>
        %dma_start3A_264 = tpu.memref_squeeze %dma_start3A_263 : memref<1x2x128xi32, #tpu.memory_space<hbm>> -> memref<2x128xi32, #tpu.memory_space<hbm>>
        tpu.enqueue_dma source(%dma_start3A_264 : memref<2x128xi32, #tpu.memory_space<hbm>>) target(%arg11 : memref<2x128xi32, #tpu.memory_space<vmem>>) target_semaphore(%arg20 : memref<!tpu.dma_semaphore, #tpu.memory_space<semaphore_mem>>)
      } else {
      }
      %mul3A_153 = arith.constant 6 : i32
      %mul3A_154 = arith.muli %add3A_53, %mul3A_153 : i32
      %add3A_155 = arith.constant 3 : i32
      %add3A_156 = arith.addi %mul3A_154, %add3A_155 : i32
      %lt3A_157 = arith.cmpi slt, %add3A_156, %add3A_8 : i32
      %convert_element_type3A_158 = arith.extui %lt3A_157 : i1 to i32
      %cond3A_159 = arith.constant 0 : i32
      %cond3A_160 = arith.cmpi ne, %convert_element_type3A_158, %cond3A_159 : i32
      scf.if %cond3A_160 {
        %add3A_255 = arith.addi %add3A_4, %add3A_156 : i32
        %dma_wait3A = arith.constant 0 : i32
        %dma_wait3A_256 = arith.constant 0 : i32
        %dma_wait3A_257 = tpu.memref_slice %arg3[%add3A_255, %dma_wait3A, %dma_wait3A_256] : memref<2500x2x128xi32, #tpu.memory_space<hbm>> -> memref<1x2x128xi32, #tpu.memory_space<hbm>>
        %dma_wait3A_258 = tpu.memref_squeeze %dma_wait3A_257 : memref<1x2x128xi32, #tpu.memory_space<hbm>> -> memref<2x128xi32, #tpu.memory_space<hbm>>
        %dma_wait3A_259 = arith.constant 0 : i32
        %dma_wait3A_260 = arith.constant 0 : i32
        %dma_wait3A_261 = tpu.memref_slice %arg3[%add3A_255, %dma_wait3A_259, %dma_wait3A_260] : memref<2500x2x128xi32, #tpu.memory_space<hbm>> -> memref<1x2x128xi32, #tpu.memory_space<hbm>>
        %dma_wait3A_262 = tpu.memref_squeeze %dma_wait3A_261 : memref<1x2x128xi32, #tpu.memory_space<hbm>> -> memref<2x128xi32, #tpu.memory_space<hbm>>
        tpu.wait_dma2 semaphore(%arg18 : memref<!tpu.dma_semaphore, #tpu.memory_space<semaphore_mem>>) src(%dma_wait3A_262 : memref<2x128xi32, #tpu.memory_space<hbm>>) dst(%arg9 : memref<2x128xi32, #tpu.memory_space<vmem>>)
      } else {
      }
      %ge3A_161 = arith.constant 3 : i32
      %ge3A_162 = arith.cmpi sge, %add3A_156, %ge3A_161 : i32
      %add3A_163 = arith.constant 2 : i32
      %add3A_164 = arith.addi %add3A_8, %add3A_163 : i32
      %le3A_165 = arith.cmpi sle, %add3A_156, %add3A_164 : i32
      %and3A_166 = arith.andi %ge3A_162, %le3A_165 : i1
      %convert_element_type3A_167 = arith.extui %and3A_166 : i1 to i32
      %cond3A_168 = arith.constant 0 : i32
      %cond3A_169 = arith.cmpi ne, %convert_element_type3A_167, %cond3A_168 : i32
      scf.if %cond3A_169 {
        %dma_wait3A = arith.constant 1 : i32
        %dma_wait3A_255 = arith.constant 0 : i32
        %dma_wait3A_256 = tpu.memref_slice %arg6[%dma_wait3A, %dma_wait3A_255] : memref<2x128xi32, #tpu.memory_space<vmem>> -> memref<1x128xi32, #tpu.memory_space<vmem>>
        %dma_wait3A_257 = tpu.memref_squeeze %dma_wait3A_256 : memref<1x128xi32, #tpu.memory_space<vmem>> -> memref<128xi32, #tpu.memory_space<vmem>>
        %dma_wait3A_258 = arith.constant 0 : i32
        %dma_wait3A_259 = arith.constant 0 : i32
        %dma_wait3A_260 = tpu.memref_slice %arg5[%dma_wait3A_258, %dma_wait3A_259] : memref<10000x128xf32, #tpu.memory_space<vmem_shared>> -> memref<10000x128xf32, #tpu.memory_space<vmem_shared>>
        tpu.wait_indirect_dma semaphore(%arg24 : memref<!tpu.dma_semaphore, #tpu.memory_space<semaphore_mem>>) src(%arg12 : memref<128x128xf32, #tpu.memory_space<vmem>>) dst(%dma_wait3A_260 : memref<10000x128xf32, #tpu.memory_space<vmem_shared>>)
      } else {
      }
      %lt3A_170 = arith.cmpi slt, %add3A_156, %add3A_8 : i32
      %convert_element_type3A_171 = arith.extui %lt3A_170 : i1 to i32
      %cond3A_172 = arith.constant 0 : i32
      %cond3A_173 = arith.cmpi ne, %convert_element_type3A_171, %cond3A_172 : i32
      scf.if %cond3A_173 {
        %dma_start3A = arith.constant 0 : i32
        %dma_start3A_255 = arith.constant 0 : i32
        %dma_start3A_256 = tpu.memref_slice %arg9[%dma_start3A, %dma_start3A_255] : memref<2x128xi32, #tpu.memory_space<vmem>> -> memref<1x128xi32, #tpu.memory_space<vmem>>
        %dma_start3A_257 = tpu.memref_squeeze %dma_start3A_256 : memref<1x128xi32, #tpu.memory_space<vmem>> -> memref<128xi32, #tpu.memory_space<vmem>>
        %dma_start3A_258 = arith.constant 0 : i32
        %dma_start3A_259 = arith.constant 0 : i32
        %dma_start3A_260 = tpu.memref_slice %arg2[%dma_start3A_258, %dma_start3A_259] : memref<10240x128xf32, #tpu.memory_space<hbm>> -> memref<10240x128xf32, #tpu.memory_space<hbm>>
        tpu.enqueue_indirect_dma source(%dma_start3A_260 : memref<10240x128xf32, #tpu.memory_space<hbm>>) target(%arg12 : memref<128x128xf32, #tpu.memory_space<vmem>>) offsets(%dma_start3A_257 : memref<128xi32, #tpu.memory_space<vmem>>) semaphore(%arg21 : memref<!tpu.dma_semaphore, #tpu.memory_space<semaphore_mem>>)
      } else {
      }
      %ge3A_174 = arith.constant 1 : i32
      %ge3A_175 = arith.cmpi sge, %add3A_156, %ge3A_174 : i32
      %le3A_176 = arith.cmpi sle, %add3A_156, %add3A_8 : i32
      %and3A_177 = arith.andi %ge3A_175, %le3A_176 : i1
      %convert_element_type3A_178 = arith.extui %and3A_177 : i1 to i32
      %cond3A_179 = arith.constant 0 : i32
      %cond3A_180 = arith.cmpi ne, %convert_element_type3A_178, %cond3A_179 : i32
      scf.if %cond3A_180 {
        %dma_wait3A = arith.constant 0 : i32
        %dma_wait3A_255 = arith.constant 0 : i32
        %dma_wait3A_256 = tpu.memref_slice %arg8[%dma_wait3A, %dma_wait3A_255] : memref<2x128xi32, #tpu.memory_space<vmem>> -> memref<1x128xi32, #tpu.memory_space<vmem>>
        %dma_wait3A_257 = tpu.memref_squeeze %dma_wait3A_256 : memref<1x128xi32, #tpu.memory_space<vmem>> -> memref<128xi32, #tpu.memory_space<vmem>>
        %dma_wait3A_258 = arith.constant 0 : i32
        %dma_wait3A_259 = arith.constant 0 : i32
        %dma_wait3A_260 = tpu.memref_slice %arg2[%dma_wait3A_258, %dma_wait3A_259] : memref<10240x128xf32, #tpu.memory_space<hbm>> -> memref<10240x128xf32, #tpu.memory_space<hbm>>
        tpu.wait_indirect_dma semaphore(%arg23 : memref<!tpu.dma_semaphore, #tpu.memory_space<semaphore_mem>>) src(%dma_wait3A_260 : memref<10240x128xf32, #tpu.memory_space<hbm>>) dst(%arg14 : memref<128x128xf32, #tpu.memory_space<vmem>>)
        %dma_start3A = arith.constant 1 : i32
        %dma_start3A_261 = arith.constant 0 : i32
        %dma_start3A_262 = tpu.memref_slice %arg8[%dma_start3A, %dma_start3A_261] : memref<2x128xi32, #tpu.memory_space<vmem>> -> memref<1x128xi32, #tpu.memory_space<vmem>>
        %dma_start3A_263 = tpu.memref_squeeze %dma_start3A_262 : memref<1x128xi32, #tpu.memory_space<vmem>> -> memref<128xi32, #tpu.memory_space<vmem>>
        %dma_start3A_264 = arith.constant 0 : i32
        %dma_start3A_265 = arith.constant 0 : i32
        %dma_start3A_266 = tpu.memref_slice %arg5[%dma_start3A_264, %dma_start3A_265] : memref<10000x128xf32, #tpu.memory_space<vmem_shared>> -> memref<10000x128xf32, #tpu.memory_space<vmem_shared>>
        tpu.enqueue_indirect_dma source(%arg14 : memref<128x128xf32, #tpu.memory_space<vmem>>) target(%dma_start3A_266 : memref<10000x128xf32, #tpu.memory_space<vmem_shared>>) offsets(%dma_start3A_263 : memref<128xi32, #tpu.memory_space<vmem>>) semaphore(%arg26 : memref<!tpu.dma_semaphore, #tpu.memory_space<semaphore_mem>>) {add = true}
      } else {
      }
      %add3A_181 = arith.constant 3 : i32
      %add3A_182 = arith.addi %add3A_156, %add3A_181 : i32
      %lt3A_183 = arith.cmpi slt, %add3A_182, %add3A_8 : i32
      %convert_element_type3A_184 = arith.extui %lt3A_183 : i1 to i32
      %cond3A_185 = arith.constant 0 : i32
      %cond3A_186 = arith.cmpi ne, %convert_element_type3A_184, %cond3A_185 : i32
      scf.if %cond3A_186 {
        %add3A_255 = arith.addi %add3A_4, %add3A_156 : i32
        %add3A_256 = arith.constant 3 : i32
        %add3A_257 = arith.addi %add3A_255, %add3A_256 : i32
        %dma_start3A = arith.constant 0 : i32
        %dma_start3A_258 = arith.constant 0 : i32
        %dma_start3A_259 = tpu.memref_slice %arg3[%add3A_257, %dma_start3A, %dma_start3A_258] : memref<2500x2x128xi32, #tpu.memory_space<hbm>> -> memref<1x2x128xi32, #tpu.memory_space<hbm>>
        %dma_start3A_260 = tpu.memref_squeeze %dma_start3A_259 : memref<1x2x128xi32, #tpu.memory_space<hbm>> -> memref<2x128xi32, #tpu.memory_space<hbm>>
        %dma_start3A_261 = arith.constant 0 : i32
        %dma_start3A_262 = arith.constant 0 : i32
        %dma_start3A_263 = tpu.memref_slice %arg3[%add3A_257, %dma_start3A_261, %dma_start3A_262] : memref<2500x2x128xi32, #tpu.memory_space<hbm>> -> memref<1x2x128xi32, #tpu.memory_space<hbm>>
        %dma_start3A_264 = tpu.memref_squeeze %dma_start3A_263 : memref<1x2x128xi32, #tpu.memory_space<hbm>> -> memref<2x128xi32, #tpu.memory_space<hbm>>
        tpu.enqueue_dma source(%dma_start3A_264 : memref<2x128xi32, #tpu.memory_space<hbm>>) target(%arg6 : memref<2x128xi32, #tpu.memory_space<vmem>>) target_semaphore(%arg15 : memref<!tpu.dma_semaphore, #tpu.memory_space<semaphore_mem>>)
      } else {
      }
      %mul3A_187 = arith.constant 6 : i32
      %mul3A_188 = arith.muli %add3A_53, %mul3A_187 : i32
      %add3A_189 = arith.constant 4 : i32
      %add3A_190 = arith.addi %mul3A_188, %add3A_189 : i32
      %lt3A_191 = arith.cmpi slt, %add3A_190, %add3A_8 : i32
      %convert_element_type3A_192 = arith.extui %lt3A_191 : i1 to i32
      %cond3A_193 = arith.constant 0 : i32
      %cond3A_194 = arith.cmpi ne, %convert_element_type3A_192, %cond3A_193 : i32
      scf.if %cond3A_194 {
        %add3A_255 = arith.addi %add3A_4, %add3A_190 : i32
        %dma_wait3A = arith.constant 0 : i32
        %dma_wait3A_256 = arith.constant 0 : i32
        %dma_wait3A_257 = tpu.memref_slice %arg3[%add3A_255, %dma_wait3A, %dma_wait3A_256] : memref<2500x2x128xi32, #tpu.memory_space<hbm>> -> memref<1x2x128xi32, #tpu.memory_space<hbm>>
        %dma_wait3A_258 = tpu.memref_squeeze %dma_wait3A_257 : memref<1x2x128xi32, #tpu.memory_space<hbm>> -> memref<2x128xi32, #tpu.memory_space<hbm>>
        %dma_wait3A_259 = arith.constant 0 : i32
        %dma_wait3A_260 = arith.constant 0 : i32
        %dma_wait3A_261 = tpu.memref_slice %arg3[%add3A_255, %dma_wait3A_259, %dma_wait3A_260] : memref<2500x2x128xi32, #tpu.memory_space<hbm>> -> memref<1x2x128xi32, #tpu.memory_space<hbm>>
        %dma_wait3A_262 = tpu.memref_squeeze %dma_wait3A_261 : memref<1x2x128xi32, #tpu.memory_space<hbm>> -> memref<2x128xi32, #tpu.memory_space<hbm>>
        tpu.wait_dma2 semaphore(%arg19 : memref<!tpu.dma_semaphore, #tpu.memory_space<semaphore_mem>>) src(%dma_wait3A_262 : memref<2x128xi32, #tpu.memory_space<hbm>>) dst(%arg10 : memref<2x128xi32, #tpu.memory_space<vmem>>)
      } else {
      }
      %ge3A_195 = arith.constant 3 : i32
      %ge3A_196 = arith.cmpi sge, %add3A_190, %ge3A_195 : i32
      %add3A_197 = arith.constant 2 : i32
      %add3A_198 = arith.addi %add3A_8, %add3A_197 : i32
      %le3A_199 = arith.cmpi sle, %add3A_190, %add3A_198 : i32
      %and3A_200 = arith.andi %ge3A_196, %le3A_199 : i1
      %convert_element_type3A_201 = arith.extui %and3A_200 : i1 to i32
      %cond3A_202 = arith.constant 0 : i32
      %cond3A_203 = arith.cmpi ne, %convert_element_type3A_201, %cond3A_202 : i32
      scf.if %cond3A_203 {
        %dma_wait3A = arith.constant 1 : i32
        %dma_wait3A_255 = arith.constant 0 : i32
        %dma_wait3A_256 = tpu.memref_slice %arg7[%dma_wait3A, %dma_wait3A_255] : memref<2x128xi32, #tpu.memory_space<vmem>> -> memref<1x128xi32, #tpu.memory_space<vmem>>
        %dma_wait3A_257 = tpu.memref_squeeze %dma_wait3A_256 : memref<1x128xi32, #tpu.memory_space<vmem>> -> memref<128xi32, #tpu.memory_space<vmem>>
        %dma_wait3A_258 = arith.constant 0 : i32
        %dma_wait3A_259 = arith.constant 0 : i32
        %dma_wait3A_260 = tpu.memref_slice %arg5[%dma_wait3A_258, %dma_wait3A_259] : memref<10000x128xf32, #tpu.memory_space<vmem_shared>> -> memref<10000x128xf32, #tpu.memory_space<vmem_shared>>
        tpu.wait_indirect_dma semaphore(%arg25 : memref<!tpu.dma_semaphore, #tpu.memory_space<semaphore_mem>>) src(%arg13 : memref<128x128xf32, #tpu.memory_space<vmem>>) dst(%dma_wait3A_260 : memref<10000x128xf32, #tpu.memory_space<vmem_shared>>)
      } else {
      }
      %lt3A_204 = arith.cmpi slt, %add3A_190, %add3A_8 : i32
      %convert_element_type3A_205 = arith.extui %lt3A_204 : i1 to i32
      %cond3A_206 = arith.constant 0 : i32
      %cond3A_207 = arith.cmpi ne, %convert_element_type3A_205, %cond3A_206 : i32
      scf.if %cond3A_207 {
        %dma_start3A = arith.constant 0 : i32
        %dma_start3A_255 = arith.constant 0 : i32
        %dma_start3A_256 = tpu.memref_slice %arg10[%dma_start3A, %dma_start3A_255] : memref<2x128xi32, #tpu.memory_space<vmem>> -> memref<1x128xi32, #tpu.memory_space<vmem>>
        %dma_start3A_257 = tpu.memref_squeeze %dma_start3A_256 : memref<1x128xi32, #tpu.memory_space<vmem>> -> memref<128xi32, #tpu.memory_space<vmem>>
        %dma_start3A_258 = arith.constant 0 : i32
        %dma_start3A_259 = arith.constant 0 : i32
        %dma_start3A_260 = tpu.memref_slice %arg2[%dma_start3A_258, %dma_start3A_259] : memref<10240x128xf32, #tpu.memory_space<hbm>> -> memref<10240x128xf32, #tpu.memory_space<hbm>>
        tpu.enqueue_indirect_dma source(%dma_start3A_260 : memref<10240x128xf32, #tpu.memory_space<hbm>>) target(%arg13 : memref<128x128xf32, #tpu.memory_space<vmem>>) offsets(%dma_start3A_257 : memref<128xi32, #tpu.memory_space<vmem>>) semaphore(%arg22 : memref<!tpu.dma_semaphore, #tpu.memory_space<semaphore_mem>>)
      } else {
      }
      %ge3A_208 = arith.constant 1 : i32
      %ge3A_209 = arith.cmpi sge, %add3A_190, %ge3A_208 : i32
      %le3A_210 = arith.cmpi sle, %add3A_190, %add3A_8 : i32
      %and3A_211 = arith.andi %ge3A_209, %le3A_210 : i1
      %convert_element_type3A_212 = arith.extui %and3A_211 : i1 to i32
      %cond3A_213 = arith.constant 0 : i32
      %cond3A_214 = arith.cmpi ne, %convert_element_type3A_212, %cond3A_213 : i32
      scf.if %cond3A_214 {
        %dma_wait3A = arith.constant 0 : i32
        %dma_wait3A_255 = arith.constant 0 : i32
        %dma_wait3A_256 = tpu.memref_slice %arg9[%dma_wait3A, %dma_wait3A_255] : memref<2x128xi32, #tpu.memory_space<vmem>> -> memref<1x128xi32, #tpu.memory_space<vmem>>
        %dma_wait3A_257 = tpu.memref_squeeze %dma_wait3A_256 : memref<1x128xi32, #tpu.memory_space<vmem>> -> memref<128xi32, #tpu.memory_space<vmem>>
        %dma_wait3A_258 = arith.constant 0 : i32
        %dma_wait3A_259 = arith.constant 0 : i32
        %dma_wait3A_260 = tpu.memref_slice %arg2[%dma_wait3A_258, %dma_wait3A_259] : memref<10240x128xf32, #tpu.memory_space<hbm>> -> memref<10240x128xf32, #tpu.memory_space<hbm>>
        tpu.wait_indirect_dma semaphore(%arg21 : memref<!tpu.dma_semaphore, #tpu.memory_space<semaphore_mem>>) src(%dma_wait3A_260 : memref<10240x128xf32, #tpu.memory_space<hbm>>) dst(%arg12 : memref<128x128xf32, #tpu.memory_space<vmem>>)
        %dma_start3A = arith.constant 1 : i32
        %dma_start3A_261 = arith.constant 0 : i32
        %dma_start3A_262 = tpu.memref_slice %arg9[%dma_start3A, %dma_start3A_261] : memref<2x128xi32, #tpu.memory_space<vmem>> -> memref<1x128xi32, #tpu.memory_space<vmem>>
        %dma_start3A_263 = tpu.memref_squeeze %dma_start3A_262 : memref<1x128xi32, #tpu.memory_space<vmem>> -> memref<128xi32, #tpu.memory_space<vmem>>
        %dma_start3A_264 = arith.constant 0 : i32
        %dma_start3A_265 = arith.constant 0 : i32
        %dma_start3A_266 = tpu.memref_slice %arg5[%dma_start3A_264, %dma_start3A_265] : memref<10000x128xf32, #tpu.memory_space<vmem_shared>> -> memref<10000x128xf32, #tpu.memory_space<vmem_shared>>
        tpu.enqueue_indirect_dma source(%arg12 : memref<128x128xf32, #tpu.memory_space<vmem>>) target(%dma_start3A_266 : memref<10000x128xf32, #tpu.memory_space<vmem_shared>>) offsets(%dma_start3A_263 : memref<128xi32, #tpu.memory_space<vmem>>) semaphore(%arg24 : memref<!tpu.dma_semaphore, #tpu.memory_space<semaphore_mem>>) {add = true}
      } else {
      }
      %add3A_215 = arith.constant 3 : i32
      %add3A_216 = arith.addi %add3A_190, %add3A_215 : i32
      %lt3A_217 = arith.cmpi slt, %add3A_216, %add3A_8 : i32
      %convert_element_type3A_218 = arith.extui %lt3A_217 : i1 to i32
      %cond3A_219 = arith.constant 0 : i32
      %cond3A_220 = arith.cmpi ne, %convert_element_type3A_218, %cond3A_219 : i32
      scf.if %cond3A_220 {
        %add3A_255 = arith.addi %add3A_4, %add3A_190 : i32
        %add3A_256 = arith.constant 3 : i32
        %add3A_257 = arith.addi %add3A_255, %add3A_256 : i32
        %dma_start3A = arith.constant 0 : i32
        %dma_start3A_258 = arith.constant 0 : i32
        %dma_start3A_259 = tpu.memref_slice %arg3[%add3A_257, %dma_start3A, %dma_start3A_258] : memref<2500x2x128xi32, #tpu.memory_space<hbm>> -> memref<1x2x128xi32, #tpu.memory_space<hbm>>
        %dma_start3A_260 = tpu.memref_squeeze %dma_start3A_259 : memref<1x2x128xi32, #tpu.memory_space<hbm>> -> memref<2x128xi32, #tpu.memory_space<hbm>>
        %dma_start3A_261 = arith.constant 0 : i32
        %dma_start3A_262 = arith.constant 0 : i32
        %dma_start3A_263 = tpu.memref_slice %arg3[%add3A_257, %dma_start3A_261, %dma_start3A_262] : memref<2500x2x128xi32, #tpu.memory_space<hbm>> -> memref<1x2x128xi32, #tpu.memory_space<hbm>>
        %dma_start3A_264 = tpu.memref_squeeze %dma_start3A_263 : memref<1x2x128xi32, #tpu.memory_space<hbm>> -> memref<2x128xi32, #tpu.memory_space<hbm>>
        tpu.enqueue_dma source(%dma_start3A_264 : memref<2x128xi32, #tpu.memory_space<hbm>>) target(%arg7 : memref<2x128xi32, #tpu.memory_space<vmem>>) target_semaphore(%arg16 : memref<!tpu.dma_semaphore, #tpu.memory_space<semaphore_mem>>)
      } else {
      }
      %mul3A_221 = arith.constant 6 : i32
      %mul3A_222 = arith.muli %add3A_53, %mul3A_221 : i32
      %add3A_223 = arith.constant 5 : i32
      %add3A_224 = arith.addi %mul3A_222, %add3A_223 : i32
      %lt3A_225 = arith.cmpi slt, %add3A_224, %add3A_8 : i32
      %convert_element_type3A_226 = arith.extui %lt3A_225 : i1 to i32
      %cond3A_227 = arith.constant 0 : i32
      %cond3A_228 = arith.cmpi ne, %convert_element_type3A_226, %cond3A_227 : i32
      scf.if %cond3A_228 {
        %add3A_255 = arith.addi %add3A_4, %add3A_224 : i32
        %dma_wait3A = arith.constant 0 : i32
        %dma_wait3A_256 = arith.constant 0 : i32
        %dma_wait3A_257 = tpu.memref_slice %arg3[%add3A_255, %dma_wait3A, %dma_wait3A_256] : memref<2500x2x128xi32, #tpu.memory_space<hbm>> -> memref<1x2x128xi32, #tpu.memory_space<hbm>>
        %dma_wait3A_258 = tpu.memref_squeeze %dma_wait3A_257 : memref<1x2x128xi32, #tpu.memory_space<hbm>> -> memref<2x128xi32, #tpu.memory_space<hbm>>
        %dma_wait3A_259 = arith.constant 0 : i32
        %dma_wait3A_260 = arith.constant 0 : i32
        %dma_wait3A_261 = tpu.memref_slice %arg3[%add3A_255, %dma_wait3A_259, %dma_wait3A_260] : memref<2500x2x128xi32, #tpu.memory_space<hbm>> -> memref<1x2x128xi32, #tpu.memory_space<hbm>>
        %dma_wait3A_262 = tpu.memref_squeeze %dma_wait3A_261 : memref<1x2x128xi32, #tpu.memory_space<hbm>> -> memref<2x128xi32, #tpu.memory_space<hbm>>
        tpu.wait_dma2 semaphore(%arg20 : memref<!tpu.dma_semaphore, #tpu.memory_space<semaphore_mem>>) src(%dma_wait3A_262 : memref<2x128xi32, #tpu.memory_space<hbm>>) dst(%arg11 : memref<2x128xi32, #tpu.memory_space<vmem>>)
      } else {
      }
      %ge3A_229 = arith.constant 3 : i32
      %ge3A_230 = arith.cmpi sge, %add3A_224, %ge3A_229 : i32
      %add3A_231 = arith.constant 2 : i32
      %add3A_232 = arith.addi %add3A_8, %add3A_231 : i32
      %le3A_233 = arith.cmpi sle, %add3A_224, %add3A_232 : i32
      %and3A_234 = arith.andi %ge3A_230, %le3A_233 : i1
      %convert_element_type3A_235 = arith.extui %and3A_234 : i1 to i32
      %cond3A_236 = arith.constant 0 : i32
      %cond3A_237 = arith.cmpi ne, %convert_element_type3A_235, %cond3A_236 : i32
      scf.if %cond3A_237 {
        %dma_wait3A = arith.constant 1 : i32
        %dma_wait3A_255 = arith.constant 0 : i32
        %dma_wait3A_256 = tpu.memref_slice %arg8[%dma_wait3A, %dma_wait3A_255] : memref<2x128xi32, #tpu.memory_space<vmem>> -> memref<1x128xi32, #tpu.memory_space<vmem>>
        %dma_wait3A_257 = tpu.memref_squeeze %dma_wait3A_256 : memref<1x128xi32, #tpu.memory_space<vmem>> -> memref<128xi32, #tpu.memory_space<vmem>>
        %dma_wait3A_258 = arith.constant 0 : i32
        %dma_wait3A_259 = arith.constant 0 : i32
        %dma_wait3A_260 = tpu.memref_slice %arg5[%dma_wait3A_258, %dma_wait3A_259] : memref<10000x128xf32, #tpu.memory_space<vmem_shared>> -> memref<10000x128xf32, #tpu.memory_space<vmem_shared>>
        tpu.wait_indirect_dma semaphore(%arg26 : memref<!tpu.dma_semaphore, #tpu.memory_space<semaphore_mem>>) src(%arg14 : memref<128x128xf32, #tpu.memory_space<vmem>>) dst(%dma_wait3A_260 : memref<10000x128xf32, #tpu.memory_space<vmem_shared>>)
      } else {
      }
      %lt3A_238 = arith.cmpi slt, %add3A_224, %add3A_8 : i32
      %convert_element_type3A_239 = arith.extui %lt3A_238 : i1 to i32
      %cond3A_240 = arith.constant 0 : i32
      %cond3A_241 = arith.cmpi ne, %convert_element_type3A_239, %cond3A_240 : i32
      scf.if %cond3A_241 {
        %dma_start3A = arith.constant 0 : i32
        %dma_start3A_255 = arith.constant 0 : i32
        %dma_start3A_256 = tpu.memref_slice %arg11[%dma_start3A, %dma_start3A_255] : memref<2x128xi32, #tpu.memory_space<vmem>> -> memref<1x128xi32, #tpu.memory_space<vmem>>
        %dma_start3A_257 = tpu.memref_squeeze %dma_start3A_256 : memref<1x128xi32, #tpu.memory_space<vmem>> -> memref<128xi32, #tpu.memory_space<vmem>>
        %dma_start3A_258 = arith.constant 0 : i32
        %dma_start3A_259 = arith.constant 0 : i32
        %dma_start3A_260 = tpu.memref_slice %arg2[%dma_start3A_258, %dma_start3A_259] : memref<10240x128xf32, #tpu.memory_space<hbm>> -> memref<10240x128xf32, #tpu.memory_space<hbm>>
        tpu.enqueue_indirect_dma source(%dma_start3A_260 : memref<10240x128xf32, #tpu.memory_space<hbm>>) target(%arg14 : memref<128x128xf32, #tpu.memory_space<vmem>>) offsets(%dma_start3A_257 : memref<128xi32, #tpu.memory_space<vmem>>) semaphore(%arg23 : memref<!tpu.dma_semaphore, #tpu.memory_space<semaphore_mem>>)
      } else {
      }
      %ge3A_242 = arith.constant 1 : i32
      %ge3A_243 = arith.cmpi sge, %add3A_224, %ge3A_242 : i32
      %le3A_244 = arith.cmpi sle, %add3A_224, %add3A_8 : i32
      %and3A_245 = arith.andi %ge3A_243, %le3A_244 : i1
      %convert_element_type3A_246 = arith.extui %and3A_245 : i1 to i32
      %cond3A_247 = arith.constant 0 : i32
      %cond3A_248 = arith.cmpi ne, %convert_element_type3A_246, %cond3A_247 : i32
      scf.if %cond3A_248 {
        %dma_wait3A = arith.constant 0 : i32
        %dma_wait3A_255 = arith.constant 0 : i32
        %dma_wait3A_256 = tpu.memref_slice %arg10[%dma_wait3A, %dma_wait3A_255] : memref<2x128xi32, #tpu.memory_space<vmem>> -> memref<1x128xi32, #tpu.memory_space<vmem>>
        %dma_wait3A_257 = tpu.memref_squeeze %dma_wait3A_256 : memref<1x128xi32, #tpu.memory_space<vmem>> -> memref<128xi32, #tpu.memory_space<vmem>>
        %dma_wait3A_258 = arith.constant 0 : i32
        %dma_wait3A_259 = arith.constant 0 : i32
        %dma_wait3A_260 = tpu.memref_slice %arg2[%dma_wait3A_258, %dma_wait3A_259] : memref<10240x128xf32, #tpu.memory_space<hbm>> -> memref<10240x128xf32, #tpu.memory_space<hbm>>
        tpu.wait_indirect_dma semaphore(%arg22 : memref<!tpu.dma_semaphore, #tpu.memory_space<semaphore_mem>>) src(%dma_wait3A_260 : memref<10240x128xf32, #tpu.memory_space<hbm>>) dst(%arg13 : memref<128x128xf32, #tpu.memory_space<vmem>>)
        %dma_start3A = arith.constant 1 : i32
        %dma_start3A_261 = arith.constant 0 : i32
        %dma_start3A_262 = tpu.memref_slice %arg10[%dma_start3A, %dma_start3A_261] : memref<2x128xi32, #tpu.memory_space<vmem>> -> memref<1x128xi32, #tpu.memory_space<vmem>>
        %dma_start3A_263 = tpu.memref_squeeze %dma_start3A_262 : memref<1x128xi32, #tpu.memory_space<vmem>> -> memref<128xi32, #tpu.memory_space<vmem>>
        %dma_start3A_264 = arith.constant 0 : i32
        %dma_start3A_265 = arith.constant 0 : i32
        %dma_start3A_266 = tpu.memref_slice %arg5[%dma_start3A_264, %dma_start3A_265] : memref<10000x128xf32, #tpu.memory_space<vmem_shared>> -> memref<10000x128xf32, #tpu.memory_space<vmem_shared>>
        tpu.enqueue_indirect_dma source(%arg13 : memref<128x128xf32, #tpu.memory_space<vmem>>) target(%dma_start3A_266 : memref<10000x128xf32, #tpu.memory_space<vmem_shared>>) offsets(%dma_start3A_263 : memref<128xi32, #tpu.memory_space<vmem>>) semaphore(%arg25 : memref<!tpu.dma_semaphore, #tpu.memory_space<semaphore_mem>>) {add = true}
      } else {
      }
      %add3A_249 = arith.constant 3 : i32
      %add3A_250 = arith.addi %add3A_224, %add3A_249 : i32
      %lt3A_251 = arith.cmpi slt, %add3A_250, %add3A_8 : i32
      %convert_element_type3A_252 = arith.extui %lt3A_251 : i1 to i32
      %cond3A_253 = arith.constant 0 : i32
      %cond3A_254 = arith.cmpi ne, %convert_element_type3A_252, %cond3A_253 : i32
      scf.if %cond3A_254 {
        %add3A_255 = arith.addi %add3A_4, %add3A_224 : i32
        %add3A_256 = arith.constant 3 : i32
        %add3A_257 = arith.addi %add3A_255, %add3A_256 : i32
        %dma_start3A = arith.constant 0 : i32
        %dma_start3A_258 = arith.constant 0 : i32
        %dma_start3A_259 = tpu.memref_slice %arg3[%add3A_257, %dma_start3A, %dma_start3A_258] : memref<2500x2x128xi32, #tpu.memory_space<hbm>> -> memref<1x2x128xi32, #tpu.memory_space<hbm>>
        %dma_start3A_260 = tpu.memref_squeeze %dma_start3A_259 : memref<1x2x128xi32, #tpu.memory_space<hbm>> -> memref<2x128xi32, #tpu.memory_space<hbm>>
        %dma_start3A_261 = arith.constant 0 : i32
        %dma_start3A_262 = arith.constant 0 : i32
        %dma_start3A_263 = tpu.memref_slice %arg3[%add3A_257, %dma_start3A_261, %dma_start3A_262] : memref<2500x2x128xi32, #tpu.memory_space<hbm>> -> memref<1x2x128xi32, #tpu.memory_space<hbm>>
        %dma_start3A_264 = tpu.memref_squeeze %dma_start3A_263 : memref<1x2x128xi32, #tpu.memory_space<hbm>> -> memref<2x128xi32, #tpu.memory_space<hbm>>
        tpu.enqueue_dma source(%dma_start3A_264 : memref<2x128xi32, #tpu.memory_space<hbm>>) target(%arg8 : memref<2x128xi32, #tpu.memory_space<vmem>>) target_semaphore(%arg17 : memref<!tpu.dma_semaphore, #tpu.memory_space<semaphore_mem>>)
      } else {
      }
    }
    %scan3A_38 = arith.constant 14 : i32
    %barrier3A_39 = arith.constant 0 : index
    tpu.barrier barrier_id(%barrier3A_39)
    %mul3A_40 = arith.constant 624 : i32
    %mul3A_41 = arith.muli %arg1, %mul3A_40 : i32
    %mul3A_42 = arith.constant 624 : i32
    %mul3A_43 = arith.muli %arg1, %mul3A_42 : i32
    "tpu.region"() ({
      %run_scoped3A = tpu.sem_alloc : memref<!tpu.dma_semaphore, #tpu.memory_space<semaphore_mem>>
      %dma_start3A = arith.constant 0 : i32
      %dma_start3A_49 = arith.constant 0 : i32
      %dma_start3A_50 = tpu.memref_slice %arg4[%arg0, %dma_start3A, %dma_start3A_49] : memref<2x10240x128xf32, #tpu.memory_space<hbm>> -> memref<1x10240x128xf32, #tpu.memory_space<hbm>>
      %dma_start3A_51 = tpu.memref_squeeze %dma_start3A_50 : memref<1x10240x128xf32, #tpu.memory_space<hbm>> -> memref<10240x128xf32, #tpu.memory_space<hbm>>
      %dma_start3A_52 = arith.constant 0 : i32
      %dma_start3A_53 = tpu.memref_slice %dma_start3A_51[%mul3A_43, %dma_start3A_52] : memref<10240x128xf32, #tpu.memory_space<hbm>> -> memref<624x128xf32, #tpu.memory_space<hbm>>
      %dma_start3A_54 = arith.constant 0 : i32
      %dma_start3A_55 = tpu.memref_slice %arg5[%mul3A_41, %dma_start3A_54] : memref<10000x128xf32, #tpu.memory_space<vmem_shared>> -> memref<624x128xf32, #tpu.memory_space<vmem_shared>>
      tpu.enqueue_dma source(%dma_start3A_55 : memref<624x128xf32, #tpu.memory_space<vmem_shared>>) target(%dma_start3A_53 : memref<624x128xf32, #tpu.memory_space<hbm>>) target_semaphore(%run_scoped3A : memref<!tpu.dma_semaphore, #tpu.memory_space<semaphore_mem>>)
      %dma_wait3A = arith.constant 0 : i32
      %dma_wait3A_56 = arith.constant 0 : i32
      %dma_wait3A_57 = tpu.memref_slice %arg4[%arg0, %dma_wait3A, %dma_wait3A_56] : memref<2x10240x128xf32, #tpu.memory_space<hbm>> -> memref<1x10240x128xf32, #tpu.memory_space<hbm>>
      %dma_wait3A_58 = tpu.memref_squeeze %dma_wait3A_57 : memref<1x10240x128xf32, #tpu.memory_space<hbm>> -> memref<10240x128xf32, #tpu.memory_space<hbm>>
      %dma_wait3A_59 = arith.constant 0 : i32
      %dma_wait3A_60 = tpu.memref_slice %dma_wait3A_58[%mul3A_43, %dma_wait3A_59] : memref<10240x128xf32, #tpu.memory_space<hbm>> -> memref<624x128xf32, #tpu.memory_space<hbm>>
      %dma_wait3A_61 = arith.constant 0 : i32
      %dma_wait3A_62 = tpu.memref_slice %arg5[%mul3A_41, %dma_wait3A_61] : memref<10000x128xf32, #tpu.memory_space<vmem_shared>> -> memref<624x128xf32, #tpu.memory_space<vmem_shared>>
      tpu.wait_dma2 semaphore(%run_scoped3A : memref<!tpu.dma_semaphore, #tpu.memory_space<semaphore_mem>>) src(%dma_wait3A_62 : memref<624x128xf32, #tpu.memory_space<vmem_shared>>) dst(%dma_wait3A_60 : memref<624x128xf32, #tpu.memory_space<hbm>>)
      tpu.yield
    }) : () -> ()
    %eq3A_44 = arith.constant 15 : i32
    %eq3A_45 = arith.cmpi eq, %arg1, %eq3A_44 : i32
    %convert_element_type3A_46 = arith.extui %eq3A_45 : i1 to i32
    %cond3A_47 = arith.constant 0 : i32
    %cond3A_48 = arith.cmpi ne, %convert_element_type3A_46, %cond3A_47 : i32
    scf.if %cond3A_48 {
      "tpu.region"() ({
        %run_scoped3A = tpu.sem_alloc : memref<!tpu.dma_semaphore, #tpu.memory_space<semaphore_mem>>
        %dma_start3A = arith.constant 0 : i32
        %dma_start3A_49 = arith.constant 0 : i32
        %dma_start3A_50 = tpu.memref_slice %arg4[%arg0, %dma_start3A, %dma_start3A_49] : memref<2x10240x128xf32, #tpu.memory_space<hbm>> -> memref<1x10240x128xf32, #tpu.memory_space<hbm>>
        %dma_start3A_51 = tpu.memref_squeeze %dma_start3A_50 : memref<1x10240x128xf32, #tpu.memory_space<hbm>> -> memref<10240x128xf32, #tpu.memory_space<hbm>>
        %dma_start3A_52 = arith.constant 9984 : i32
        %dma_start3A_53 = arith.constant 0 : i32
        %dma_start3A_54 = tpu.memref_slice %dma_start3A_51[%dma_start3A_52, %dma_start3A_53] : memref<10240x128xf32, #tpu.memory_space<hbm>> -> memref<16x128xf32, #tpu.memory_space<hbm>>
        %dma_start3A_55 = arith.constant 9984 : i32
        %dma_start3A_56 = arith.constant 0 : i32
        %dma_start3A_57 = tpu.memref_slice %arg5[%dma_start3A_55, %dma_start3A_56] : memref<10000x128xf32, #tpu.memory_space<vmem_shared>> -> memref<16x128xf32, #tpu.memory_space<vmem_shared>>
        tpu.enqueue_dma source(%dma_start3A_57 : memref<16x128xf32, #tpu.memory_space<vmem_shared>>) target(%dma_start3A_54 : memref<16x128xf32, #tpu.memory_space<hbm>>) target_semaphore(%run_scoped3A : memref<!tpu.dma_semaphore, #tpu.memory_space<semaphore_mem>>)
        %dma_wait3A = arith.constant 0 : i32
        %dma_wait3A_58 = arith.constant 0 : i32
        %dma_wait3A_59 = tpu.memref_slice %arg4[%arg0, %dma_wait3A, %dma_wait3A_58] : memref<2x10240x128xf32, #tpu.memory_space<hbm>> -> memref<1x10240x128xf32, #tpu.memory_space<hbm>>
        %dma_wait3A_60 = tpu.memref_squeeze %dma_wait3A_59 : memref<1x10240x128xf32, #tpu.memory_space<hbm>> -> memref<10240x128xf32, #tpu.memory_space<hbm>>
        %dma_wait3A_61 = arith.constant 9984 : i32
        %dma_wait3A_62 = arith.constant 0 : i32
        %dma_wait3A_63 = tpu.memref_slice %dma_wait3A_60[%dma_wait3A_61, %dma_wait3A_62] : memref<10240x128xf32, #tpu.memory_space<hbm>> -> memref<16x128xf32, #tpu.memory_space<hbm>>
        %dma_wait3A_64 = arith.constant 9984 : i32
        %dma_wait3A_65 = arith.constant 0 : i32
        %dma_wait3A_66 = tpu.memref_slice %arg5[%dma_wait3A_64, %dma_wait3A_65] : memref<10000x128xf32, #tpu.memory_space<vmem_shared>> -> memref<16x128xf32, #tpu.memory_space<vmem_shared>>
        tpu.wait_dma2 semaphore(%run_scoped3A : memref<!tpu.dma_semaphore, #tpu.memory_space<semaphore_mem>>) src(%dma_wait3A_66 : memref<16x128xf32, #tpu.memory_space<vmem_shared>>) dst(%dma_wait3A_63 : memref<16x128xf32, #tpu.memory_space<hbm>>)
        tpu.yield
      }) : () -> ()
    } else {
    }
    return
  }
}

#map = affine_map<(d0, d1) -> (0, 0)>
#map1 = affine_map<(d0, d1) -> (0, 0, 0)>
module attributes {stable_mosaic.version = 14 : i64} {
  func.func @_segsum_body(%arg0: i32, %arg1: i32, %arg2: memref<10240x128xf32, #tpu.memory_space<hbm>>, %arg3: memref<2500x2x128xi32, #tpu.memory_space<hbm>>, %arg4: memref<2x10240x128xf32, #tpu.memory_space<hbm>>, %arg5: memref<10000x128xf32, #tpu.memory_space<vmem_shared>>, %arg6: memref<2x128xi32, #tpu.memory_space<vmem>>, %arg7: memref<2x128xi32, #tpu.memory_space<vmem>>, %arg8: memref<2x128xi32, #tpu.memory_space<vmem>>, %arg9: memref<2x128xi32, #tpu.memory_space<vmem>>, %arg10: memref<2x128xi32, #tpu.memory_space<vmem>>, %arg11: memref<2x128xi32, #tpu.memory_space<vmem>>, %arg12: memref<128x128xf32, #tpu.memory_space<vmem>>, %arg13: memref<128x128xf32, #tpu.memory_space<vmem>>, %arg14: memref<128x128xf32, #tpu.memory_space<vmem>>, %arg15: memref<!tpu.dma_semaphore, #tpu.memory_space<semaphore_mem>>, %arg16: memref<!tpu.dma_semaphore, #tpu.memory_space<semaphore_mem>>, %arg17: memref<!tpu.dma_semaphore, #tpu.memory_space<semaphore_mem>>, %arg18: memref<!tpu.dma_semaphore, #tpu.memory_space<semaphore_mem>>, %arg19: memref<!tpu.dma_semaphore, #tpu.memory_space<semaphore_mem>>, %arg20: memref<!tpu.dma_semaphore, #tpu.memory_space<semaphore_mem>>, %arg21: memref<!tpu.dma_semaphore, #tpu.memory_space<semaphore_mem>>, %arg22: memref<!tpu.dma_semaphore, #tpu.memory_space<semaphore_mem>>, %arg23: memref<!tpu.dma_semaphore, #tpu.memory_space<semaphore_mem>>, %arg24: memref<!tpu.dma_semaphore, #tpu.memory_space<semaphore_mem>>, %arg25: memref<!tpu.dma_semaphore, #tpu.memory_space<semaphore_mem>>, %arg26: memref<!tpu.dma_semaphore, #tpu.memory_space<semaphore_mem>>) attributes {dimension_semantics = [#tpu.dimension_semantics<core_parallel>, #tpu.dimension_semantics<subcore_parallel>], iteration_bounds = array<i64: 2, 16>, scalar_prefetch = 0 : i64, scratch_operands = 22 : i64, tpu.core_type = #tpu.core_type<sc_vector_subcore>, window_params = [{transform_indices = #map}, {transform_indices = #map1}, {transform_indices = #map1}]} {
    %mul3A = arith.constant 2 : i32
    %mul3A_0 = arith.muli %arg1, %mul3A : i32
    %add3A = arith.addi %mul3A_0, %arg0 : i32
    %mul3A_1 = arith.constant 78 : i32
    %mul3A_2 = arith.muli %add3A, %mul3A_1 : i32
    %min3A = arith.constant 4 : i32
    %min3A_3 = arith.minsi %add3A, %min3A : i32
    %add3A_4 = arith.addi %mul3A_2, %min3A_3 : i32
    %lt3A = arith.constant 4 : i32
    %lt3A_5 = arith.cmpi slt, %add3A, %lt3A : i32
    %jit3A = arith.constant 1 : i32
    %jit3A_6 = arith.constant 0 : i32
    %select_n3A = arith.select %lt3A_5, %jit3A, %jit3A_6 : i32
    %add3A_7 = arith.constant 78 : i32
    %add3A_8 = arith.addi %add3A_7, %select_n3A : i32
    %gt3A = arith.constant 0 : i32
    %gt3A_9 = arith.cmpi sgt, %add3A_8, %gt3A : i32
    %convert_element_type3A = arith.extui %gt3A_9 : i1 to i32
    %cond3A = arith.constant 0 : i32
    %cond3A_10 = arith.cmpi ne, %convert_element_type3A, %cond3A : i32
    scf.if %cond3A_10 {
      %add3A_49 = arith.constant 0 : i32
      %add3A_50 = arith.addi %add3A_4, %add3A_49 : i32
      %dma_start3A = arith.constant 0 : i32
      %dma_start3A_51 = arith.constant 0 : i32
      %dma_start3A_52 = tpu.memref_slice %arg3[%add3A_50, %dma_start3A, %dma_start3A_51] : memref<2500x2x128xi32, #tpu.memory_space<hbm>> -> memref<1x2x128xi32, #tpu.memory_space<hbm>>
      %dma_start3A_53 = tpu.memref_squeeze %dma_start3A_52 : memref<1x2x128xi32, #tpu.memory_space<hbm>> -> memref<2x128xi32, #tpu.memory_space<hbm>>
      %dma_start3A_54 = arith.constant 0 : i32
      %dma_start3A_55 = arith.constant 0 : i32
      %dma_start3A_56 = tpu.memref_slice %arg3[%add3A_50, %dma_start3A_54, %dma_start3A_55] : memref<2500x2x128xi32, #tpu.memory_space<hbm>> -> memref<1x2x128xi32, #tpu.memory_space<hbm>>
      %dma_start3A_57 = tpu.memref_squeeze %dma_start3A_56 : memref<1x2x128xi32, #tpu.memory_space<hbm>> -> memref<2x128xi32, #tpu.memory_space<hbm>>
      tpu.enqueue_dma source(%dma_start3A_57 : memref<2x128xi32, #tpu.memory_space<hbm>>) target(%arg6 : memref<2x128xi32, #tpu.memory_space<vmem>>) target_semaphore(%arg15 : memref<!tpu.dma_semaphore, #tpu.memory_space<semaphore_mem>>)
    } else {
    }
    %gt3A_11 = arith.constant 1 : i32
    %gt3A_12 = arith.cmpi sgt, %add3A_8, %gt3A_11 : i32
    %convert_element_type3A_13 = arith.extui %gt3A_12 : i1 to i32
    %cond3A_14 = arith.constant 0 : i32
    %cond3A_15 = arith.cmpi ne, %convert_element_type3A_13, %cond3A_14 : i32
    scf.if %cond3A_15 {
      %add3A_49 = arith.constant 1 : i32
      %add3A_50 = arith.addi %add3A_4, %add3A_49 : i32
      %dma_start3A = arith.constant 0 : i32
      %dma_start3A_51 = arith.constant 0 : i32
      %dma_start3A_52 = tpu.memref_slice %arg3[%add3A_50, %dma_start3A, %dma_start3A_51] : memref<2500x2x128xi32, #tpu.memory_space<hbm>> -> memref<1x2x128xi32, #tpu.memory_space<hbm>>
      %dma_start3A_53 = tpu.memref_squeeze %dma_start3A_52 : memref<1x2x128xi32, #tpu.memory_space<hbm>> -> memref<2x128xi32, #tpu.memory_space<hbm>>
      %dma_start3A_54 = arith.constant 0 : i32
      %dma_start3A_55 = arith.constant 0 : i32
      %dma_start3A_56 = tpu.memref_slice %arg3[%add3A_50, %dma_start3A_54, %dma_start3A_55] : memref<2500x2x128xi32, #tpu.memory_space<hbm>> -> memref<1x2x128xi32, #tpu.memory_space<hbm>>
      %dma_start3A_57 = tpu.memref_squeeze %dma_start3A_56 : memref<1x2x128xi32, #tpu.memory_space<hbm>> -> memref<2x128xi32, #tpu.memory_space<hbm>>
      tpu.enqueue_dma source(%dma_start3A_57 : memref<2x128xi32, #tpu.memory_space<hbm>>) target(%arg7 : memref<2x128xi32, #tpu.memory_space<vmem>>) target_semaphore(%arg16 : memref<!tpu.dma_semaphore, #tpu.memory_space<semaphore_mem>>)
    } else {
    }
    %gt3A_16 = arith.constant 2 : i32
    %gt3A_17 = arith.cmpi sgt, %add3A_8, %gt3A_16 : i32
    %convert_element_type3A_18 = arith.extui %gt3A_17 : i1 to i32
    %cond3A_19 = arith.constant 0 : i32
    %cond3A_20 = arith.cmpi ne, %convert_element_type3A_18, %cond3A_19 : i32
    scf.if %cond3A_20 {
      %add3A_49 = arith.constant 2 : i32
      %add3A_50 = arith.addi %add3A_4, %add3A_49 : i32
      %dma_start3A = arith.constant 0 : i32
      %dma_start3A_51 = arith.constant 0 : i32
      %dma_start3A_52 = tpu.memref_slice %arg3[%add3A_50, %dma_start3A, %dma_start3A_51] : memref<2500x2x128xi32, #tpu.memory_space<hbm>> -> memref<1x2x128xi32, #tpu.memory_space<hbm>>
      %dma_start3A_53 = tpu.memref_squeeze %dma_start3A_52 : memref<1x2x128xi32, #tpu.memory_space<hbm>> -> memref<2x128xi32, #tpu.memory_space<hbm>>
      %dma_start3A_54 = arith.constant 0 : i32
      %dma_start3A_55 = arith.constant 0 : i32
      %dma_start3A_56 = tpu.memref_slice %arg3[%add3A_50, %dma_start3A_54, %dma_start3A_55] : memref<2500x2x128xi32, #tpu.memory_space<hbm>> -> memref<1x2x128xi32, #tpu.memory_space<hbm>>
      %dma_start3A_57 = tpu.memref_squeeze %dma_start3A_56 : memref<1x2x128xi32, #tpu.memory_space<hbm>> -> memref<2x128xi32, #tpu.memory_space<hbm>>
      tpu.enqueue_dma source(%dma_start3A_57 : memref<2x128xi32, #tpu.memory_space<hbm>>) target(%arg8 : memref<2x128xi32, #tpu.memory_space<vmem>>) target_semaphore(%arg17 : memref<!tpu.dma_semaphore, #tpu.memory_space<semaphore_mem>>)
    } else {
    }
    %scan3A = arith.constant 0 : i32
    %scan3A_21 = arith.constant 128 : i32
    %scan3A_22 = arith.addi %scan3A, %scan3A_21 : i32
    %scan3A_23 = arith.constant 1 : i32
    scf.for %scan3A_49 = %scan3A to %scan3A_22 step %scan3A_23  : i32 {
      %mul3A_50 = arith.constant 1 : i32
      %mul3A_51 = arith.muli %scan3A_49, %mul3A_50 : i32
      %add3A_52 = arith.constant 0 : i32
      %add3A_53 = arith.addi %add3A_52, %mul3A_51 : i32
      %scan3A_54 = arith.constant 0 : i32
      %scan3A_55 = arith.constant 8 : i32
      %scan3A_56 = arith.addi %scan3A_54, %scan3A_55 : i32
      %scan3A_57 = arith.constant 1 : i32
      scf.for %scan3A_59 = %scan3A_54 to %scan3A_56 step %scan3A_57  : i32 {
        %mul3A_60 = arith.constant 1 : i32
        %mul3A_61 = arith.muli %scan3A_59, %mul3A_60 : i32
        %add3A_62 = arith.constant 0 : i32
        %add3A_63 = arith.addi %add3A_62, %mul3A_61 : i32
        %broadcast_in_dim3A = arith.constant 0.000000e+00 : f32
        %broadcast_in_dim3A_64 = vector.broadcast %broadcast_in_dim3A : f32 to vector<16xf32>
        %mul3A_65 = arith.constant 16 : i32
        %mul3A_66 = arith.muli %add3A_63, %mul3A_65 : i32
        %swap3A = arith.index_cast %add3A_53 : i32 to index
        %swap3A_67 = arith.index_cast %mul3A_66 : i32 to index
        %swap3A_68 = tpu.vector_load %arg12[%swap3A, %swap3A_67] {strides = array<i32>} : memref<128x128xf32, #tpu.memory_space<vmem>>, vector<1x16xf32>,
        %swap3A_69 = vector.shape_cast %swap3A_68 : vector<1x16xf32> to vector<16xf32>
        %swap3A_70 = vector.shape_cast %broadcast_in_dim3A_64 : vector<16xf32> to vector<1x16xf32>
        tpu.vector_store %arg12[%swap3A, %swap3A_67], %swap3A_70 {strides = array<i32>} : memref<128x128xf32, #tpu.memory_space<vmem>>, vector<1x16xf32>,
      }
      %scan3A_58 = arith.constant 8 : i32
    }
    %scan3A_24 = arith.constant 128 : i32
    %scan3A_25 = arith.constant 0 : i32
    %scan3A_26 = arith.constant 6 : i32
    %scan3A_27 = arith.addi %scan3A_25, %scan3A_26 : i32
    %scan3A_28 = arith.constant 1 : i32
    scf.for %scan3A_49 = %scan3A_25 to %scan3A_27 step %scan3A_28  : i32 {
      %mul3A_50 = arith.constant 1 : i32
      %mul3A_51 = arith.muli %scan3A_49, %mul3A_50 : i32
      %add3A_52 = arith.constant 0 : i32
      %add3A_53 = arith.addi %add3A_52, %mul3A_51 : i32
      %mul3A_54 = arith.constant 624 : i32
      %mul3A_55 = arith.muli %arg1, %mul3A_54 : i32
      %mul3A_56 = arith.constant 104 : i32
      %mul3A_57 = arith.muli %add3A_53, %mul3A_56 : i32
      %add3A_58 = arith.addi %mul3A_55, %mul3A_57 : i32
      "tpu.region"() ({
        %run_scoped3A = tpu.sem_alloc : memref<!tpu.dma_semaphore, #tpu.memory_space<semaphore_mem>>
        %dma_start3A = arith.constant 0 : i32
        %dma_start3A_59 = arith.constant 0 : i32
        %dma_start3A_60 = tpu.memref_slice %arg12[%dma_start3A, %dma_start3A_59] : memref<128x128xf32, #tpu.memory_space<vmem>> -> memref<104x128xf32, #tpu.memory_space<vmem>>
        %dma_start3A_61 = arith.constant 0 : i32
        %dma_start3A_62 = tpu.memref_slice %arg5[%add3A_58, %dma_start3A_61] : memref<10000x128xf32, #tpu.memory_space<vmem_shared>> -> memref<104x128xf32, #tpu.memory_space<vmem_shared>>
        %dma_start3A_63 = arith.constant 0 : i32
        %dma_start3A_64 = tpu.memref_slice %arg5[%add3A_58, %dma_start3A_63] : memref<10000x128xf32, #tpu.memory_space<vmem_shared>> -> memref<104x128xf32, #tpu.memory_space<vmem_shared>>
        %dma_start3A_65 = arith.constant 0 : i32
        %dma_start3A_66 = arith.constant 0 : i32
        %dma_start3A_67 = tpu.memref_slice %arg12[%dma_start3A_65, %dma_start3A_66] : memref<128x128xf32, #tpu.memory_space<vmem>> -> memref<104x128xf32, #tpu.memory_space<vmem>>
        tpu.enqueue_dma source(%dma_start3A_67 : memref<104x128xf32, #tpu.memory_space<vmem>>) target(%dma_start3A_64 : memref<104x128xf32, #tpu.memory_space<vmem_shared>>) target_semaphore(%run_scoped3A : memref<!tpu.dma_semaphore, #tpu.memory_space<semaphore_mem>>)
        %dma_wait3A = arith.constant 0 : i32
        %dma_wait3A_68 = arith.constant 0 : i32
        %dma_wait3A_69 = tpu.memref_slice %arg12[%dma_wait3A, %dma_wait3A_68] : memref<128x128xf32, #tpu.memory_space<vmem>> -> memref<104x128xf32, #tpu.memory_space<vmem>>
        %dma_wait3A_70 = arith.constant 0 : i32
        %dma_wait3A_71 = tpu.memref_slice %arg5[%add3A_58, %dma_wait3A_70] : memref<10000x128xf32, #tpu.memory_space<vmem_shared>> -> memref<104x128xf32, #tpu.memory_space<vmem_shared>>
        %dma_wait3A_72 = arith.constant 0 : i32
        %dma_wait3A_73 = tpu.memref_slice %arg5[%add3A_58, %dma_wait3A_72] : memref<10000x128xf32, #tpu.memory_space<vmem_shared>> -> memref<104x128xf32, #tpu.memory_space<vmem_shared>>
        %dma_wait3A_74 = arith.constant 0 : i32
        %dma_wait3A_75 = arith.constant 0 : i32
        %dma_wait3A_76 = tpu.memref_slice %arg12[%dma_wait3A_74, %dma_wait3A_75] : memref<128x128xf32, #tpu.memory_space<vmem>> -> memref<104x128xf32, #tpu.memory_space<vmem>>
        tpu.wait_dma2 semaphore(%run_scoped3A : memref<!tpu.dma_semaphore, #tpu.memory_space<semaphore_mem>>) src(%dma_wait3A_76 : memref<104x128xf32, #tpu.memory_space<vmem>>) dst(%dma_wait3A_73 : memref<104x128xf32, #tpu.memory_space<vmem_shared>>)
        tpu.yield
      }) : () -> ()
    }
    %scan3A_29 = arith.constant 6 : i32
    %eq3A = arith.constant 15 : i32
    %eq3A_30 = arith.cmpi eq, %arg1, %eq3A : i32
    %convert_element_type3A_31 = arith.extui %eq3A_30 : i1 to i32
    %cond3A_32 = arith.constant 0 : i32
    %cond3A_33 = arith.cmpi ne, %convert_element_type3A_31, %cond3A_32 : i32
    scf.if %cond3A_33 {
      "tpu.region"() ({
        %run_scoped3A = tpu.sem_alloc : memref<!tpu.dma_semaphore, #tpu.memory_space<semaphore_mem>>
        %dma_start3A = arith.constant 0 : i32
        %dma_start3A_49 = arith.constant 0 : i32
        %dma_start3A_50 = tpu.memref_slice %arg12[%dma_start3A, %dma_start3A_49] : memref<128x128xf32, #tpu.memory_space<vmem>> -> memref<16x128xf32, #tpu.memory_space<vmem>>
        %dma_start3A_51 = arith.constant 9984 : i32
        %dma_start3A_52 = arith.constant 0 : i32
        %dma_start3A_53 = tpu.memref_slice %arg5[%dma_start3A_51, %dma_start3A_52] : memref<10000x128xf32, #tpu.memory_space<vmem_shared>> -> memref<16x128xf32, #tpu.memory_space<vmem_shared>>
        %dma_start3A_54 = arith.constant 9984 : i32
        %dma_start3A_55 = arith.constant 0 : i32
        %dma_start3A_56 = tpu.memref_slice %arg5[%dma_start3A_54, %dma_start3A_55] : memref<10000x128xf32, #tpu.memory_space<vmem_shared>> -> memref<16x128xf32, #tpu.memory_space<vmem_shared>>
        %dma_start3A_57 = arith.constant 0 : i32
        %dma_start3A_58 = arith.constant 0 : i32
        %dma_start3A_59 = tpu.memref_slice %arg12[%dma_start3A_57, %dma_start3A_58] : memref<128x128xf32, #tpu.memory_space<vmem>> -> memref<16x128xf32, #tpu.memory_space<vmem>>
        tpu.enqueue_dma source(%dma_start3A_59 : memref<16x128xf32, #tpu.memory_space<vmem>>) target(%dma_start3A_56 : memref<16x128xf32, #tpu.memory_space<vmem_shared>>) target_semaphore(%run_scoped3A : memref<!tpu.dma_semaphore, #tpu.memory_space<semaphore_mem>>)
        %dma_wait3A = arith.constant 0 : i32
        %dma_wait3A_60 = arith.constant 0 : i32
        %dma_wait3A_61 = tpu.memref_slice %arg12[%dma_wait3A, %dma_wait3A_60] : memref<128x128xf32, #tpu.memory_space<vmem>> -> memref<16x128xf32, #tpu.memory_space<vmem>>
        %dma_wait3A_62 = arith.constant 9984 : i32
        %dma_wait3A_63 = arith.constant 0 : i32
        %dma_wait3A_64 = tpu.memref_slice %arg5[%dma_wait3A_62, %dma_wait3A_63] : memref<10000x128xf32, #tpu.memory_space<vmem_shared>> -> memref<16x128xf32, #tpu.memory_space<vmem_shared>>
        %dma_wait3A_65 = arith.constant 9984 : i32
        %dma_wait3A_66 = arith.constant 0 : i32
        %dma_wait3A_67 = tpu.memref_slice %arg5[%dma_wait3A_65, %dma_wait3A_66] : memref<10000x128xf32, #tpu.memory_space<vmem_shared>> -> memref<16x128xf32, #tpu.memory_space<vmem_shared>>
        %dma_wait3A_68 = arith.constant 0 : i32
        %dma_wait3A_69 = arith.constant 0 : i32
        %dma_wait3A_70 = tpu.memref_slice %arg12[%dma_wait3A_68, %dma_wait3A_69] : memref<128x128xf32, #tpu.memory_space<vmem>> -> memref<16x128xf32, #tpu.memory_space<vmem>>
        tpu.wait_dma2 semaphore(%run_scoped3A : memref<!tpu.dma_semaphore, #tpu.memory_space<semaphore_mem>>) src(%dma_wait3A_70 : memref<16x128xf32, #tpu.memory_space<vmem>>) dst(%dma_wait3A_67 : memref<16x128xf32, #tpu.memory_space<vmem_shared>>)
        tpu.yield
      }) : () -> ()
    } else {
    }
    %barrier3A = arith.constant 0 : index
    tpu.barrier barrier_id(%barrier3A)
    %scan3A_34 = arith.constant 0 : i32
    %scan3A_35 = arith.constant 14 : i32
    %scan3A_36 = arith.addi %scan3A_34, %scan3A_35 : i32
    %scan3A_37 = arith.constant 1 : i32
    scf.for %scan3A_49 = %scan3A_34 to %scan3A_36 step %scan3A_37  : i32 {
      %mul3A_50 = arith.constant 1 : i32
      %mul3A_51 = arith.muli %scan3A_49, %mul3A_50 : i32
      %add3A_52 = arith.constant 0 : i32
      %add3A_53 = arith.addi %add3A_52, %mul3A_51 : i32
      %mul3A_54 = arith.constant 6 : i32
      %mul3A_55 = arith.muli %add3A_53, %mul3A_54 : i32
      %add3A_56 = arith.constant 0 : i32
      %add3A_57 = arith.addi %mul3A_55, %add3A_56 : i32
      %lt3A_58 = arith.cmpi slt, %add3A_57, %add3A_8 : i32
      %convert_element_type3A_59 = arith.extui %lt3A_58 : i1 to i32
      %cond3A_60 = arith.constant 0 : i32
      %cond3A_61 = arith.cmpi ne, %convert_element_type3A_59, %cond3A_60 : i32
      scf.if %cond3A_61 {
        %add3A_255 = arith.addi %add3A_4, %add3A_57 : i32
        %dma_wait3A = arith.constant 0 : i32
        %dma_wait3A_256 = arith.constant 0 : i32
        %dma_wait3A_257 = tpu.memref_slice %arg3[%add3A_255, %dma_wait3A, %dma_wait3A_256] : memref<2500x2x128xi32, #tpu.memory_space<hbm>> -> memref<1x2x128xi32, #tpu.memory_space<hbm>>
        %dma_wait3A_258 = tpu.memref_squeeze %dma_wait3A_257 : memref<1x2x128xi32, #tpu.memory_space<hbm>> -> memref<2x128xi32, #tpu.memory_space<hbm>>
        %dma_wait3A_259 = arith.constant 0 : i32
        %dma_wait3A_260 = arith.constant 0 : i32
        %dma_wait3A_261 = tpu.memref_slice %arg3[%add3A_255, %dma_wait3A_259, %dma_wait3A_260] : memref<2500x2x128xi32, #tpu.memory_space<hbm>> -> memref<1x2x128xi32, #tpu.memory_space<hbm>>
        %dma_wait3A_262 = tpu.memref_squeeze %dma_wait3A_261 : memref<1x2x128xi32, #tpu.memory_space<hbm>> -> memref<2x128xi32, #tpu.memory_space<hbm>>
        tpu.wait_dma2 semaphore(%arg15 : memref<!tpu.dma_semaphore, #tpu.memory_space<semaphore_mem>>) src(%dma_wait3A_262 : memref<2x128xi32, #tpu.memory_space<hbm>>) dst(%arg6 : memref<2x128xi32, #tpu.memory_space<vmem>>)
      } else {
      }
      %ge3A = arith.constant 3 : i32
      %ge3A_62 = arith.cmpi sge, %add3A_57, %ge3A : i32
      %add3A_63 = arith.constant 2 : i32
      %add3A_64 = arith.addi %add3A_8, %add3A_63 : i32
      %le3A = arith.cmpi sle, %add3A_57, %add3A_64 : i32
      %and3A = arith.andi %ge3A_62, %le3A : i1
      %convert_element_type3A_65 = arith.extui %and3A : i1 to i32
      %cond3A_66 = arith.constant 0 : i32
      %cond3A_67 = arith.cmpi ne, %convert_element_type3A_65, %cond3A_66 : i32
      scf.if %cond3A_67 {
        %dma_wait3A = arith.constant 1 : i32
        %dma_wait3A_255 = arith.constant 0 : i32
        %dma_wait3A_256 = tpu.memref_slice %arg9[%dma_wait3A, %dma_wait3A_255] : memref<2x128xi32, #tpu.memory_space<vmem>> -> memref<1x128xi32, #tpu.memory_space<vmem>>
        %dma_wait3A_257 = tpu.memref_squeeze %dma_wait3A_256 : memref<1x128xi32, #tpu.memory_space<vmem>> -> memref<128xi32, #tpu.memory_space<vmem>>
        %dma_wait3A_258 = arith.constant 0 : i32
        %dma_wait3A_259 = arith.constant 0 : i32
        %dma_wait3A_260 = tpu.memref_slice %arg5[%dma_wait3A_258, %dma_wait3A_259] : memref<10000x128xf32, #tpu.memory_space<vmem_shared>> -> memref<10000x128xf32, #tpu.memory_space<vmem_shared>>
        tpu.wait_indirect_dma semaphore(%arg24 : memref<!tpu.dma_semaphore, #tpu.memory_space<semaphore_mem>>) src(%arg12 : memref<128x128xf32, #tpu.memory_space<vmem>>) dst(%dma_wait3A_260 : memref<10000x128xf32, #tpu.memory_space<vmem_shared>>)
      } else {
      }
      %lt3A_68 = arith.cmpi slt, %add3A_57, %add3A_8 : i32
      %convert_element_type3A_69 = arith.extui %lt3A_68 : i1 to i32
      %cond3A_70 = arith.constant 0 : i32
      %cond3A_71 = arith.cmpi ne, %convert_element_type3A_69, %cond3A_70 : i32
      scf.if %cond3A_71 {
        %dma_start3A = arith.constant 0 : i32
        %dma_start3A_255 = arith.constant 0 : i32
        %dma_start3A_256 = tpu.memref_slice %arg6[%dma_start3A, %dma_start3A_255] : memref<2x128xi32, #tpu.memory_space<vmem>> -> memref<1x128xi32, #tpu.memory_space<vmem>>
        %dma_start3A_257 = tpu.memref_squeeze %dma_start3A_256 : memref<1x128xi32, #tpu.memory_space<vmem>> -> memref<128xi32, #tpu.memory_space<vmem>>
        %dma_start3A_258 = arith.constant 0 : i32
        %dma_start3A_259 = arith.constant 0 : i32
        %dma_start3A_260 = tpu.memref_slice %arg2[%dma_start3A_258, %dma_start3A_259] : memref<10240x128xf32, #tpu.memory_space<hbm>> -> memref<10240x128xf32, #tpu.memory_space<hbm>>
        tpu.enqueue_indirect_dma source(%dma_start3A_260 : memref<10240x128xf32, #tpu.memory_space<hbm>>) target(%arg12 : memref<128x128xf32, #tpu.memory_space<vmem>>) offsets(%dma_start3A_257 : memref<128xi32, #tpu.memory_space<vmem>>) semaphore(%arg21 : memref<!tpu.dma_semaphore, #tpu.memory_space<semaphore_mem>>)
      } else {
      }
      %ge3A_72 = arith.constant 1 : i32
      %ge3A_73 = arith.cmpi sge, %add3A_57, %ge3A_72 : i32
      %le3A_74 = arith.cmpi sle, %add3A_57, %add3A_8 : i32
      %and3A_75 = arith.andi %ge3A_73, %le3A_74 : i1
      %convert_element_type3A_76 = arith.extui %and3A_75 : i1 to i32
      %cond3A_77 = arith.constant 0 : i32
      %cond3A_78 = arith.cmpi ne, %convert_element_type3A_76, %cond3A_77 : i32
      scf.if %cond3A_78 {
        %dma_wait3A = arith.constant 0 : i32
        %dma_wait3A_255 = arith.constant 0 : i32
        %dma_wait3A_256 = tpu.memref_slice %arg11[%dma_wait3A, %dma_wait3A_255] : memref<2x128xi32, #tpu.memory_space<vmem>> -> memref<1x128xi32, #tpu.memory_space<vmem>>
        %dma_wait3A_257 = tpu.memref_squeeze %dma_wait3A_256 : memref<1x128xi32, #tpu.memory_space<vmem>> -> memref<128xi32, #tpu.memory_space<vmem>>
        %dma_wait3A_258 = arith.constant 0 : i32
        %dma_wait3A_259 = arith.constant 0 : i32
        %dma_wait3A_260 = tpu.memref_slice %arg2[%dma_wait3A_258, %dma_wait3A_259] : memref<10240x128xf32, #tpu.memory_space<hbm>> -> memref<10240x128xf32, #tpu.memory_space<hbm>>
        tpu.wait_indirect_dma semaphore(%arg23 : memref<!tpu.dma_semaphore, #tpu.memory_space<semaphore_mem>>) src(%dma_wait3A_260 : memref<10240x128xf32, #tpu.memory_space<hbm>>) dst(%arg14 : memref<128x128xf32, #tpu.memory_space<vmem>>)
        %dma_start3A = arith.constant 1 : i32
        %dma_start3A_261 = arith.constant 0 : i32
        %dma_start3A_262 = tpu.memref_slice %arg11[%dma_start3A, %dma_start3A_261] : memref<2x128xi32, #tpu.memory_space<vmem>> -> memref<1x128xi32, #tpu.memory_space<vmem>>
        %dma_start3A_263 = tpu.memref_squeeze %dma_start3A_262 : memref<1x128xi32, #tpu.memory_space<vmem>> -> memref<128xi32, #tpu.memory_space<vmem>>
        %dma_start3A_264 = arith.constant 0 : i32
        %dma_start3A_265 = arith.constant 0 : i32
        %dma_start3A_266 = tpu.memref_slice %arg5[%dma_start3A_264, %dma_start3A_265] : memref<10000x128xf32, #tpu.memory_space<vmem_shared>> -> memref<10000x128xf32, #tpu.memory_space<vmem_shared>>
        tpu.enqueue_indirect_dma source(%arg14 : memref<128x128xf32, #tpu.memory_space<vmem>>) target(%dma_start3A_266 : memref<10000x128xf32, #tpu.memory_space<vmem_shared>>) offsets(%dma_start3A_263 : memref<128xi32, #tpu.memory_space<vmem>>) semaphore(%arg26 : memref<!tpu.dma_semaphore, #tpu.memory_space<semaphore_mem>>) {add = true}
      } else {
      }
      %add3A_79 = arith.constant 3 : i32
      %add3A_80 = arith.addi %add3A_57, %add3A_79 : i32
      %lt3A_81 = arith.cmpi slt, %add3A_80, %add3A_8 : i32
      %convert_element_type3A_82 = arith.extui %lt3A_81 : i1 to i32
      %cond3A_83 = arith.constant 0 : i32
      %cond3A_84 = arith.cmpi ne, %convert_element_type3A_82, %cond3A_83 : i32
      scf.if %cond3A_84 {
        %add3A_255 = arith.addi %add3A_4, %add3A_57 : i32
        %add3A_256 = arith.constant 3 : i32
        %add3A_257 = arith.addi %add3A_255, %add3A_256 : i32
        %dma_start3A = arith.constant 0 : i32
        %dma_start3A_258 = arith.constant 0 : i32
        %dma_start3A_259 = tpu.memref_slice %arg3[%add3A_257, %dma_start3A, %dma_start3A_258] : memref<2500x2x128xi32, #tpu.memory_space<hbm>> -> memref<1x2x128xi32, #tpu.memory_space<hbm>>
        %dma_start3A_260 = tpu.memref_squeeze %dma_start3A_259 : memref<1x2x128xi32, #tpu.memory_space<hbm>> -> memref<2x128xi32, #tpu.memory_space<hbm>>
        %dma_start3A_261 = arith.constant 0 : i32
        %dma_start3A_262 = arith.constant 0 : i32
        %dma_start3A_263 = tpu.memref_slice %arg3[%add3A_257, %dma_start3A_261, %dma_start3A_262] : memref<2500x2x128xi32, #tpu.memory_space<hbm>> -> memref<1x2x128xi32, #tpu.memory_space<hbm>>
        %dma_start3A_264 = tpu.memref_squeeze %dma_start3A_263 : memref<1x2x128xi32, #tpu.memory_space<hbm>> -> memref<2x128xi32, #tpu.memory_space<hbm>>
        tpu.enqueue_dma source(%dma_start3A_264 : memref<2x128xi32, #tpu.memory_space<hbm>>) target(%arg9 : memref<2x128xi32, #tpu.memory_space<vmem>>) target_semaphore(%arg18 : memref<!tpu.dma_semaphore, #tpu.memory_space<semaphore_mem>>)
      } else {
      }
      %mul3A_85 = arith.constant 6 : i32
      %mul3A_86 = arith.muli %add3A_53, %mul3A_85 : i32
      %add3A_87 = arith.constant 1 : i32
      %add3A_88 = arith.addi %mul3A_86, %add3A_87 : i32
      %lt3A_89 = arith.cmpi slt, %add3A_88, %add3A_8 : i32
      %convert_element_type3A_90 = arith.extui %lt3A_89 : i1 to i32
      %cond3A_91 = arith.constant 0 : i32
      %cond3A_92 = arith.cmpi ne, %convert_element_type3A_90, %cond3A_91 : i32
      scf.if %cond3A_92 {
        %add3A_255 = arith.addi %add3A_4, %add3A_88 : i32
        %dma_wait3A = arith.constant 0 : i32
        %dma_wait3A_256 = arith.constant 0 : i32
        %dma_wait3A_257 = tpu.memref_slice %arg3[%add3A_255, %dma_wait3A, %dma_wait3A_256] : memref<2500x2x128xi32, #tpu.memory_space<hbm>> -> memref<1x2x128xi32, #tpu.memory_space<hbm>>
        %dma_wait3A_258 = tpu.memref_squeeze %dma_wait3A_257 : memref<1x2x128xi32, #tpu.memory_space<hbm>> -> memref<2x128xi32, #tpu.memory_space<hbm>>
        %dma_wait3A_259 = arith.constant 0 : i32
        %dma_wait3A_260 = arith.constant 0 : i32
        %dma_wait3A_261 = tpu.memref_slice %arg3[%add3A_255, %dma_wait3A_259, %dma_wait3A_260] : memref<2500x2x128xi32, #tpu.memory_space<hbm>> -> memref<1x2x128xi32, #tpu.memory_space<hbm>>
        %dma_wait3A_262 = tpu.memref_squeeze %dma_wait3A_261 : memref<1x2x128xi32, #tpu.memory_space<hbm>> -> memref<2x128xi32, #tpu.memory_space<hbm>>
        tpu.wait_dma2 semaphore(%arg16 : memref<!tpu.dma_semaphore, #tpu.memory_space<semaphore_mem>>) src(%dma_wait3A_262 : memref<2x128xi32, #tpu.memory_space<hbm>>) dst(%arg7 : memref<2x128xi32, #tpu.memory_space<vmem>>)
      } else {
      }
      %ge3A_93 = arith.constant 3 : i32
      %ge3A_94 = arith.cmpi sge, %add3A_88, %ge3A_93 : i32
      %add3A_95 = arith.constant 2 : i32
      %add3A_96 = arith.addi %add3A_8, %add3A_95 : i32
      %le3A_97 = arith.cmpi sle, %add3A_88, %add3A_96 : i32
      %and3A_98 = arith.andi %ge3A_94, %le3A_97 : i1
      %convert_element_type3A_99 = arith.extui %and3A_98 : i1 to i32
      %cond3A_100 = arith.constant 0 : i32
      %cond3A_101 = arith.cmpi ne, %convert_element_type3A_99, %cond3A_100 : i32
      scf.if %cond3A_101 {
        %dma_wait3A = arith.constant 1 : i32
        %dma_wait3A_255 = arith.constant 0 : i32
        %dma_wait3A_256 = tpu.memref_slice %arg10[%dma_wait3A, %dma_wait3A_255] : memref<2x128xi32, #tpu.memory_space<vmem>> -> memref<1x128xi32, #tpu.memory_space<vmem>>
        %dma_wait3A_257 = tpu.memref_squeeze %dma_wait3A_256 : memref<1x128xi32, #tpu.memory_space<vmem>> -> memref<128xi32, #tpu.memory_space<vmem>>
        %dma_wait3A_258 = arith.constant 0 : i32
        %dma_wait3A_259 = arith.constant 0 : i32
        %dma_wait3A_260 = tpu.memref_slice %arg5[%dma_wait3A_258, %dma_wait3A_259] : memref<10000x128xf32, #tpu.memory_space<vmem_shared>> -> memref<10000x128xf32, #tpu.memory_space<vmem_shared>>
        tpu.wait_indirect_dma semaphore(%arg25 : memref<!tpu.dma_semaphore, #tpu.memory_space<semaphore_mem>>) src(%arg13 : memref<128x128xf32, #tpu.memory_space<vmem>>) dst(%dma_wait3A_260 : memref<10000x128xf32, #tpu.memory_space<vmem_shared>>)
      } else {
      }
      %lt3A_102 = arith.cmpi slt, %add3A_88, %add3A_8 : i32
      %convert_element_type3A_103 = arith.extui %lt3A_102 : i1 to i32
      %cond3A_104 = arith.constant 0 : i32
      %cond3A_105 = arith.cmpi ne, %convert_element_type3A_103, %cond3A_104 : i32
      scf.if %cond3A_105 {
        %dma_start3A = arith.constant 0 : i32
        %dma_start3A_255 = arith.constant 0 : i32
        %dma_start3A_256 = tpu.memref_slice %arg7[%dma_start3A, %dma_start3A_255] : memref<2x128xi32, #tpu.memory_space<vmem>> -> memref<1x128xi32, #tpu.memory_space<vmem>>
        %dma_start3A_257 = tpu.memref_squeeze %dma_start3A_256 : memref<1x128xi32, #tpu.memory_space<vmem>> -> memref<128xi32, #tpu.memory_space<vmem>>
        %dma_start3A_258 = arith.constant 0 : i32
        %dma_start3A_259 = arith.constant 0 : i32
        %dma_start3A_260 = tpu.memref_slice %arg2[%dma_start3A_258, %dma_start3A_259] : memref<10240x128xf32, #tpu.memory_space<hbm>> -> memref<10240x128xf32, #tpu.memory_space<hbm>>
        tpu.enqueue_indirect_dma source(%dma_start3A_260 : memref<10240x128xf32, #tpu.memory_space<hbm>>) target(%arg13 : memref<128x128xf32, #tpu.memory_space<vmem>>) offsets(%dma_start3A_257 : memref<128xi32, #tpu.memory_space<vmem>>) semaphore(%arg22 : memref<!tpu.dma_semaphore, #tpu.memory_space<semaphore_mem>>)
      } else {
      }
      %ge3A_106 = arith.constant 1 : i32
      %ge3A_107 = arith.cmpi sge, %add3A_88, %ge3A_106 : i32
      %le3A_108 = arith.cmpi sle, %add3A_88, %add3A_8 : i32
      %and3A_109 = arith.andi %ge3A_107, %le3A_108 : i1
      %convert_element_type3A_110 = arith.extui %and3A_109 : i1 to i32
      %cond3A_111 = arith.constant 0 : i32
      %cond3A_112 = arith.cmpi ne, %convert_element_type3A_110, %cond3A_111 : i32
      scf.if %cond3A_112 {
        %dma_wait3A = arith.constant 0 : i32
        %dma_wait3A_255 = arith.constant 0 : i32
        %dma_wait3A_256 = tpu.memref_slice %arg6[%dma_wait3A, %dma_wait3A_255] : memref<2x128xi32, #tpu.memory_space<vmem>> -> memref<1x128xi32, #tpu.memory_space<vmem>>
        %dma_wait3A_257 = tpu.memref_squeeze %dma_wait3A_256 : memref<1x128xi32, #tpu.memory_space<vmem>> -> memref<128xi32, #tpu.memory_space<vmem>>
        %dma_wait3A_258 = arith.constant 0 : i32
        %dma_wait3A_259 = arith.constant 0 : i32
        %dma_wait3A_260 = tpu.memref_slice %arg2[%dma_wait3A_258, %dma_wait3A_259] : memref<10240x128xf32, #tpu.memory_space<hbm>> -> memref<10240x128xf32, #tpu.memory_space<hbm>>
        tpu.wait_indirect_dma semaphore(%arg21 : memref<!tpu.dma_semaphore, #tpu.memory_space<semaphore_mem>>) src(%dma_wait3A_260 : memref<10240x128xf32, #tpu.memory_space<hbm>>) dst(%arg12 : memref<128x128xf32, #tpu.memory_space<vmem>>)
        %dma_start3A = arith.constant 1 : i32
        %dma_start3A_261 = arith.constant 0 : i32
        %dma_start3A_262 = tpu.memref_slice %arg6[%dma_start3A, %dma_start3A_261] : memref<2x128xi32, #tpu.memory_space<vmem>> -> memref<1x128xi32, #tpu.memory_space<vmem>>
        %dma_start3A_263 = tpu.memref_squeeze %dma_start3A_262 : memref<1x128xi32, #tpu.memory_space<vmem>> -> memref<128xi32, #tpu.memory_space<vmem>>
        %dma_start3A_264 = arith.constant 0 : i32
        %dma_start3A_265 = arith.constant 0 : i32
        %dma_start3A_266 = tpu.memref_slice %arg5[%dma_start3A_264, %dma_start3A_265] : memref<10000x128xf32, #tpu.memory_space<vmem_shared>> -> memref<10000x128xf32, #tpu.memory_space<vmem_shared>>
        tpu.enqueue_indirect_dma source(%arg12 : memref<128x128xf32, #tpu.memory_space<vmem>>) target(%dma_start3A_266 : memref<10000x128xf32, #tpu.memory_space<vmem_shared>>) offsets(%dma_start3A_263 : memref<128xi32, #tpu.memory_space<vmem>>) semaphore(%arg24 : memref<!tpu.dma_semaphore, #tpu.memory_space<semaphore_mem>>) {add = true}
      } else {
      }
      %add3A_113 = arith.constant 3 : i32
      %add3A_114 = arith.addi %add3A_88, %add3A_113 : i32
      %lt3A_115 = arith.cmpi slt, %add3A_114, %add3A_8 : i32
      %convert_element_type3A_116 = arith.extui %lt3A_115 : i1 to i32
      %cond3A_117 = arith.constant 0 : i32
      %cond3A_118 = arith.cmpi ne, %convert_element_type3A_116, %cond3A_117 : i32
      scf.if %cond3A_118 {
        %add3A_255 = arith.addi %add3A_4, %add3A_88 : i32
        %add3A_256 = arith.constant 3 : i32
        %add3A_257 = arith.addi %add3A_255, %add3A_256 : i32
        %dma_start3A = arith.constant 0 : i32
        %dma_start3A_258 = arith.constant 0 : i32
        %dma_start3A_259 = tpu.memref_slice %arg3[%add3A_257, %dma_start3A, %dma_start3A_258] : memref<2500x2x128xi32, #tpu.memory_space<hbm>> -> memref<1x2x128xi32, #tpu.memory_space<hbm>>
        %dma_start3A_260 = tpu.memref_squeeze %dma_start3A_259 : memref<1x2x128xi32, #tpu.memory_space<hbm>> -> memref<2x128xi32, #tpu.memory_space<hbm>>
        %dma_start3A_261 = arith.constant 0 : i32
        %dma_start3A_262 = arith.constant 0 : i32
        %dma_start3A_263 = tpu.memref_slice %arg3[%add3A_257, %dma_start3A_261, %dma_start3A_262] : memref<2500x2x128xi32, #tpu.memory_space<hbm>> -> memref<1x2x128xi32, #tpu.memory_space<hbm>>
        %dma_start3A_264 = tpu.memref_squeeze %dma_start3A_263 : memref<1x2x128xi32, #tpu.memory_space<hbm>> -> memref<2x128xi32, #tpu.memory_space<hbm>>
        tpu.enqueue_dma source(%dma_start3A_264 : memref<2x128xi32, #tpu.memory_space<hbm>>) target(%arg10 : memref<2x128xi32, #tpu.memory_space<vmem>>) target_semaphore(%arg19 : memref<!tpu.dma_semaphore, #tpu.memory_space<semaphore_mem>>)
      } else {
      }
      %mul3A_119 = arith.constant 6 : i32
      %mul3A_120 = arith.muli %add3A_53, %mul3A_119 : i32
      %add3A_121 = arith.constant 2 : i32
      %add3A_122 = arith.addi %mul3A_120, %add3A_121 : i32
      %lt3A_123 = arith.cmpi slt, %add3A_122, %add3A_8 : i32
      %convert_element_type3A_124 = arith.extui %lt3A_123 : i1 to i32
      %cond3A_125 = arith.constant 0 : i32
      %cond3A_126 = arith.cmpi ne, %convert_element_type3A_124, %cond3A_125 : i32
      scf.if %cond3A_126 {
        %add3A_255 = arith.addi %add3A_4, %add3A_122 : i32
        %dma_wait3A = arith.constant 0 : i32
        %dma_wait3A_256 = arith.constant 0 : i32
        %dma_wait3A_257 = tpu.memref_slice %arg3[%add3A_255, %dma_wait3A, %dma_wait3A_256] : memref<2500x2x128xi32, #tpu.memory_space<hbm>> -> memref<1x2x128xi32, #tpu.memory_space<hbm>>
        %dma_wait3A_258 = tpu.memref_squeeze %dma_wait3A_257 : memref<1x2x128xi32, #tpu.memory_space<hbm>> -> memref<2x128xi32, #tpu.memory_space<hbm>>
        %dma_wait3A_259 = arith.constant 0 : i32
        %dma_wait3A_260 = arith.constant 0 : i32
        %dma_wait3A_261 = tpu.memref_slice %arg3[%add3A_255, %dma_wait3A_259, %dma_wait3A_260] : memref<2500x2x128xi32, #tpu.memory_space<hbm>> -> memref<1x2x128xi32, #tpu.memory_space<hbm>>
        %dma_wait3A_262 = tpu.memref_squeeze %dma_wait3A_261 : memref<1x2x128xi32, #tpu.memory_space<hbm>> -> memref<2x128xi32, #tpu.memory_space<hbm>>
        tpu.wait_dma2 semaphore(%arg17 : memref<!tpu.dma_semaphore, #tpu.memory_space<semaphore_mem>>) src(%dma_wait3A_262 : memref<2x128xi32, #tpu.memory_space<hbm>>) dst(%arg8 : memref<2x128xi32, #tpu.memory_space<vmem>>)
      } else {
      }
      %ge3A_127 = arith.constant 3 : i32
      %ge3A_128 = arith.cmpi sge, %add3A_122, %ge3A_127 : i32
      %add3A_129 = arith.constant 2 : i32
      %add3A_130 = arith.addi %add3A_8, %add3A_129 : i32
      %le3A_131 = arith.cmpi sle, %add3A_122, %add3A_130 : i32
      %and3A_132 = arith.andi %ge3A_128, %le3A_131 : i1
      %convert_element_type3A_133 = arith.extui %and3A_132 : i1 to i32
      %cond3A_134 = arith.constant 0 : i32
      %cond3A_135 = arith.cmpi ne, %convert_element_type3A_133, %cond3A_134 : i32
      scf.if %cond3A_135 {
        %dma_wait3A = arith.constant 1 : i32
        %dma_wait3A_255 = arith.constant 0 : i32
        %dma_wait3A_256 = tpu.memref_slice %arg11[%dma_wait3A, %dma_wait3A_255] : memref<2x128xi32, #tpu.memory_space<vmem>> -> memref<1x128xi32, #tpu.memory_space<vmem>>
        %dma_wait3A_257 = tpu.memref_squeeze %dma_wait3A_256 : memref<1x128xi32, #tpu.memory_space<vmem>> -> memref<128xi32, #tpu.memory_space<vmem>>
        %dma_wait3A_258 = arith.constant 0 : i32
        %dma_wait3A_259 = arith.constant 0 : i32
        %dma_wait3A_260 = tpu.memref_slice %arg5[%dma_wait3A_258, %dma_wait3A_259] : memref<10000x128xf32, #tpu.memory_space<vmem_shared>> -> memref<10000x128xf32, #tpu.memory_space<vmem_shared>>
        tpu.wait_indirect_dma semaphore(%arg26 : memref<!tpu.dma_semaphore, #tpu.memory_space<semaphore_mem>>) src(%arg14 : memref<128x128xf32, #tpu.memory_space<vmem>>) dst(%dma_wait3A_260 : memref<10000x128xf32, #tpu.memory_space<vmem_shared>>)
      } else {
      }
      %lt3A_136 = arith.cmpi slt, %add3A_122, %add3A_8 : i32
      %convert_element_type3A_137 = arith.extui %lt3A_136 : i1 to i32
      %cond3A_138 = arith.constant 0 : i32
      %cond3A_139 = arith.cmpi ne, %convert_element_type3A_137, %cond3A_138 : i32
      scf.if %cond3A_139 {
        %dma_start3A = arith.constant 0 : i32
        %dma_start3A_255 = arith.constant 0 : i32
        %dma_start3A_256 = tpu.memref_slice %arg8[%dma_start3A, %dma_start3A_255] : memref<2x128xi32, #tpu.memory_space<vmem>> -> memref<1x128xi32, #tpu.memory_space<vmem>>
        %dma_start3A_257 = tpu.memref_squeeze %dma_start3A_256 : memref<1x128xi32, #tpu.memory_space<vmem>> -> memref<128xi32, #tpu.memory_space<vmem>>
        %dma_start3A_258 = arith.constant 0 : i32
        %dma_start3A_259 = arith.constant 0 : i32
        %dma_start3A_260 = tpu.memref_slice %arg2[%dma_start3A_258, %dma_start3A_259] : memref<10240x128xf32, #tpu.memory_space<hbm>> -> memref<10240x128xf32, #tpu.memory_space<hbm>>
        tpu.enqueue_indirect_dma source(%dma_start3A_260 : memref<10240x128xf32, #tpu.memory_space<hbm>>) target(%arg14 : memref<128x128xf32, #tpu.memory_space<vmem>>) offsets(%dma_start3A_257 : memref<128xi32, #tpu.memory_space<vmem>>) semaphore(%arg23 : memref<!tpu.dma_semaphore, #tpu.memory_space<semaphore_mem>>)
      } else {
      }
      %ge3A_140 = arith.constant 1 : i32
      %ge3A_141 = arith.cmpi sge, %add3A_122, %ge3A_140 : i32
      %le3A_142 = arith.cmpi sle, %add3A_122, %add3A_8 : i32
      %and3A_143 = arith.andi %ge3A_141, %le3A_142 : i1
      %convert_element_type3A_144 = arith.extui %and3A_143 : i1 to i32
      %cond3A_145 = arith.constant 0 : i32
      %cond3A_146 = arith.cmpi ne, %convert_element_type3A_144, %cond3A_145 : i32
      scf.if %cond3A_146 {
        %dma_wait3A = arith.constant 0 : i32
        %dma_wait3A_255 = arith.constant 0 : i32
        %dma_wait3A_256 = tpu.memref_slice %arg7[%dma_wait3A, %dma_wait3A_255] : memref<2x128xi32, #tpu.memory_space<vmem>> -> memref<1x128xi32, #tpu.memory_space<vmem>>
        %dma_wait3A_257 = tpu.memref_squeeze %dma_wait3A_256 : memref<1x128xi32, #tpu.memory_space<vmem>> -> memref<128xi32, #tpu.memory_space<vmem>>
        %dma_wait3A_258 = arith.constant 0 : i32
        %dma_wait3A_259 = arith.constant 0 : i32
        %dma_wait3A_260 = tpu.memref_slice %arg2[%dma_wait3A_258, %dma_wait3A_259] : memref<10240x128xf32, #tpu.memory_space<hbm>> -> memref<10240x128xf32, #tpu.memory_space<hbm>>
        tpu.wait_indirect_dma semaphore(%arg22 : memref<!tpu.dma_semaphore, #tpu.memory_space<semaphore_mem>>) src(%dma_wait3A_260 : memref<10240x128xf32, #tpu.memory_space<hbm>>) dst(%arg13 : memref<128x128xf32, #tpu.memory_space<vmem>>)
        %dma_start3A = arith.constant 1 : i32
        %dma_start3A_261 = arith.constant 0 : i32
        %dma_start3A_262 = tpu.memref_slice %arg7[%dma_start3A, %dma_start3A_261] : memref<2x128xi32, #tpu.memory_space<vmem>> -> memref<1x128xi32, #tpu.memory_space<vmem>>
        %dma_start3A_263 = tpu.memref_squeeze %dma_start3A_262 : memref<1x128xi32, #tpu.memory_space<vmem>> -> memref<128xi32, #tpu.memory_space<vmem>>
        %dma_start3A_264 = arith.constant 0 : i32
        %dma_start3A_265 = arith.constant 0 : i32
        %dma_start3A_266 = tpu.memref_slice %arg5[%dma_start3A_264, %dma_start3A_265] : memref<10000x128xf32, #tpu.memory_space<vmem_shared>> -> memref<10000x128xf32, #tpu.memory_space<vmem_shared>>
        tpu.enqueue_indirect_dma source(%arg13 : memref<128x128xf32, #tpu.memory_space<vmem>>) target(%dma_start3A_266 : memref<10000x128xf32, #tpu.memory_space<vmem_shared>>) offsets(%dma_start3A_263 : memref<128xi32, #tpu.memory_space<vmem>>) semaphore(%arg25 : memref<!tpu.dma_semaphore, #tpu.memory_space<semaphore_mem>>) {add = true}
      } else {
      }
      %add3A_147 = arith.constant 3 : i32
      %add3A_148 = arith.addi %add3A_122, %add3A_147 : i32
      %lt3A_149 = arith.cmpi slt, %add3A_148, %add3A_8 : i32
      %convert_element_type3A_150 = arith.extui %lt3A_149 : i1 to i32
      %cond3A_151 = arith.constant 0 : i32
      %cond3A_152 = arith.cmpi ne, %convert_element_type3A_150, %cond3A_151 : i32
      scf.if %cond3A_152 {
        %add3A_255 = arith.addi %add3A_4, %add3A_122 : i32
        %add3A_256 = arith.constant 3 : i32
        %add3A_257 = arith.addi %add3A_255, %add3A_256 : i32
        %dma_start3A = arith.constant 0 : i32
        %dma_start3A_258 = arith.constant 0 : i32
        %dma_start3A_259 = tpu.memref_slice %arg3[%add3A_257, %dma_start3A, %dma_start3A_258] : memref<2500x2x128xi32, #tpu.memory_space<hbm>> -> memref<1x2x128xi32, #tpu.memory_space<hbm>>
        %dma_start3A_260 = tpu.memref_squeeze %dma_start3A_259 : memref<1x2x128xi32, #tpu.memory_space<hbm>> -> memref<2x128xi32, #tpu.memory_space<hbm>>
        %dma_start3A_261 = arith.constant 0 : i32
        %dma_start3A_262 = arith.constant 0 : i32
        %dma_start3A_263 = tpu.memref_slice %arg3[%add3A_257, %dma_start3A_261, %dma_start3A_262] : memref<2500x2x128xi32, #tpu.memory_space<hbm>> -> memref<1x2x128xi32, #tpu.memory_space<hbm>>
        %dma_start3A_264 = tpu.memref_squeeze %dma_start3A_263 : memref<1x2x128xi32, #tpu.memory_space<hbm>> -> memref<2x128xi32, #tpu.memory_space<hbm>>
        tpu.enqueue_dma source(%dma_start3A_264 : memref<2x128xi32, #tpu.memory_space<hbm>>) target(%arg11 : memref<2x128xi32, #tpu.memory_space<vmem>>) target_semaphore(%arg20 : memref<!tpu.dma_semaphore, #tpu.memory_space<semaphore_mem>>)
      } else {
      }
      %mul3A_153 = arith.constant 6 : i32
      %mul3A_154 = arith.muli %add3A_53, %mul3A_153 : i32
      %add3A_155 = arith.constant 3 : i32
      %add3A_156 = arith.addi %mul3A_154, %add3A_155 : i32
      %lt3A_157 = arith.cmpi slt, %add3A_156, %add3A_8 : i32
      %convert_element_type3A_158 = arith.extui %lt3A_157 : i1 to i32
      %cond3A_159 = arith.constant 0 : i32
      %cond3A_160 = arith.cmpi ne, %convert_element_type3A_158, %cond3A_159 : i32
      scf.if %cond3A_160 {
        %add3A_255 = arith.addi %add3A_4, %add3A_156 : i32
        %dma_wait3A = arith.constant 0 : i32
        %dma_wait3A_256 = arith.constant 0 : i32
        %dma_wait3A_257 = tpu.memref_slice %arg3[%add3A_255, %dma_wait3A, %dma_wait3A_256] : memref<2500x2x128xi32, #tpu.memory_space<hbm>> -> memref<1x2x128xi32, #tpu.memory_space<hbm>>
        %dma_wait3A_258 = tpu.memref_squeeze %dma_wait3A_257 : memref<1x2x128xi32, #tpu.memory_space<hbm>> -> memref<2x128xi32, #tpu.memory_space<hbm>>
        %dma_wait3A_259 = arith.constant 0 : i32
        %dma_wait3A_260 = arith.constant 0 : i32
        %dma_wait3A_261 = tpu.memref_slice %arg3[%add3A_255, %dma_wait3A_259, %dma_wait3A_260] : memref<2500x2x128xi32, #tpu.memory_space<hbm>> -> memref<1x2x128xi32, #tpu.memory_space<hbm>>
        %dma_wait3A_262 = tpu.memref_squeeze %dma_wait3A_261 : memref<1x2x128xi32, #tpu.memory_space<hbm>> -> memref<2x128xi32, #tpu.memory_space<hbm>>
        tpu.wait_dma2 semaphore(%arg18 : memref<!tpu.dma_semaphore, #tpu.memory_space<semaphore_mem>>) src(%dma_wait3A_262 : memref<2x128xi32, #tpu.memory_space<hbm>>) dst(%arg9 : memref<2x128xi32, #tpu.memory_space<vmem>>)
      } else {
      }
      %ge3A_161 = arith.constant 3 : i32
      %ge3A_162 = arith.cmpi sge, %add3A_156, %ge3A_161 : i32
      %add3A_163 = arith.constant 2 : i32
      %add3A_164 = arith.addi %add3A_8, %add3A_163 : i32
      %le3A_165 = arith.cmpi sle, %add3A_156, %add3A_164 : i32
      %and3A_166 = arith.andi %ge3A_162, %le3A_165 : i1
      %convert_element_type3A_167 = arith.extui %and3A_166 : i1 to i32
      %cond3A_168 = arith.constant 0 : i32
      %cond3A_169 = arith.cmpi ne, %convert_element_type3A_167, %cond3A_168 : i32
      scf.if %cond3A_169 {
        %dma_wait3A = arith.constant 1 : i32
        %dma_wait3A_255 = arith.constant 0 : i32
        %dma_wait3A_256 = tpu.memref_slice %arg6[%dma_wait3A, %dma_wait3A_255] : memref<2x128xi32, #tpu.memory_space<vmem>> -> memref<1x128xi32, #tpu.memory_space<vmem>>
        %dma_wait3A_257 = tpu.memref_squeeze %dma_wait3A_256 : memref<1x128xi32, #tpu.memory_space<vmem>> -> memref<128xi32, #tpu.memory_space<vmem>>
        %dma_wait3A_258 = arith.constant 0 : i32
        %dma_wait3A_259 = arith.constant 0 : i32
        %dma_wait3A_260 = tpu.memref_slice %arg5[%dma_wait3A_258, %dma_wait3A_259] : memref<10000x128xf32, #tpu.memory_space<vmem_shared>> -> memref<10000x128xf32, #tpu.memory_space<vmem_shared>>
        tpu.wait_indirect_dma semaphore(%arg24 : memref<!tpu.dma_semaphore, #tpu.memory_space<semaphore_mem>>) src(%arg12 : memref<128x128xf32, #tpu.memory_space<vmem>>) dst(%dma_wait3A_260 : memref<10000x128xf32, #tpu.memory_space<vmem_shared>>)
      } else {
      }
      %lt3A_170 = arith.cmpi slt, %add3A_156, %add3A_8 : i32
      %convert_element_type3A_171 = arith.extui %lt3A_170 : i1 to i32
      %cond3A_172 = arith.constant 0 : i32
      %cond3A_173 = arith.cmpi ne, %convert_element_type3A_171, %cond3A_172 : i32
      scf.if %cond3A_173 {
        %dma_start3A = arith.constant 0 : i32
        %dma_start3A_255 = arith.constant 0 : i32
        %dma_start3A_256 = tpu.memref_slice %arg9[%dma_start3A, %dma_start3A_255] : memref<2x128xi32, #tpu.memory_space<vmem>> -> memref<1x128xi32, #tpu.memory_space<vmem>>
        %dma_start3A_257 = tpu.memref_squeeze %dma_start3A_256 : memref<1x128xi32, #tpu.memory_space<vmem>> -> memref<128xi32, #tpu.memory_space<vmem>>
        %dma_start3A_258 = arith.constant 0 : i32
        %dma_start3A_259 = arith.constant 0 : i32
        %dma_start3A_260 = tpu.memref_slice %arg2[%dma_start3A_258, %dma_start3A_259] : memref<10240x128xf32, #tpu.memory_space<hbm>> -> memref<10240x128xf32, #tpu.memory_space<hbm>>
        tpu.enqueue_indirect_dma source(%dma_start3A_260 : memref<10240x128xf32, #tpu.memory_space<hbm>>) target(%arg12 : memref<128x128xf32, #tpu.memory_space<vmem>>) offsets(%dma_start3A_257 : memref<128xi32, #tpu.memory_space<vmem>>) semaphore(%arg21 : memref<!tpu.dma_semaphore, #tpu.memory_space<semaphore_mem>>)
      } else {
      }
      %ge3A_174 = arith.constant 1 : i32
      %ge3A_175 = arith.cmpi sge, %add3A_156, %ge3A_174 : i32
      %le3A_176 = arith.cmpi sle, %add3A_156, %add3A_8 : i32
      %and3A_177 = arith.andi %ge3A_175, %le3A_176 : i1
      %convert_element_type3A_178 = arith.extui %and3A_177 : i1 to i32
      %cond3A_179 = arith.constant 0 : i32
      %cond3A_180 = arith.cmpi ne, %convert_element_type3A_178, %cond3A_179 : i32
      scf.if %cond3A_180 {
        %dma_wait3A = arith.constant 0 : i32
        %dma_wait3A_255 = arith.constant 0 : i32
        %dma_wait3A_256 = tpu.memref_slice %arg8[%dma_wait3A, %dma_wait3A_255] : memref<2x128xi32, #tpu.memory_space<vmem>> -> memref<1x128xi32, #tpu.memory_space<vmem>>
        %dma_wait3A_257 = tpu.memref_squeeze %dma_wait3A_256 : memref<1x128xi32, #tpu.memory_space<vmem>> -> memref<128xi32, #tpu.memory_space<vmem>>
        %dma_wait3A_258 = arith.constant 0 : i32
        %dma_wait3A_259 = arith.constant 0 : i32
        %dma_wait3A_260 = tpu.memref_slice %arg2[%dma_wait3A_258, %dma_wait3A_259] : memref<10240x128xf32, #tpu.memory_space<hbm>> -> memref<10240x128xf32, #tpu.memory_space<hbm>>
        tpu.wait_indirect_dma semaphore(%arg23 : memref<!tpu.dma_semaphore, #tpu.memory_space<semaphore_mem>>) src(%dma_wait3A_260 : memref<10240x128xf32, #tpu.memory_space<hbm>>) dst(%arg14 : memref<128x128xf32, #tpu.memory_space<vmem>>)
        %dma_start3A = arith.constant 1 : i32
        %dma_start3A_261 = arith.constant 0 : i32
        %dma_start3A_262 = tpu.memref_slice %arg8[%dma_start3A, %dma_start3A_261] : memref<2x128xi32, #tpu.memory_space<vmem>> -> memref<1x128xi32, #tpu.memory_space<vmem>>
        %dma_start3A_263 = tpu.memref_squeeze %dma_start3A_262 : memref<1x128xi32, #tpu.memory_space<vmem>> -> memref<128xi32, #tpu.memory_space<vmem>>
        %dma_start3A_264 = arith.constant 0 : i32
        %dma_start3A_265 = arith.constant 0 : i32
        %dma_start3A_266 = tpu.memref_slice %arg5[%dma_start3A_264, %dma_start3A_265] : memref<10000x128xf32, #tpu.memory_space<vmem_shared>> -> memref<10000x128xf32, #tpu.memory_space<vmem_shared>>
        tpu.enqueue_indirect_dma source(%arg14 : memref<128x128xf32, #tpu.memory_space<vmem>>) target(%dma_start3A_266 : memref<10000x128xf32, #tpu.memory_space<vmem_shared>>) offsets(%dma_start3A_263 : memref<128xi32, #tpu.memory_space<vmem>>) semaphore(%arg26 : memref<!tpu.dma_semaphore, #tpu.memory_space<semaphore_mem>>) {add = true}
      } else {
      }
      %add3A_181 = arith.constant 3 : i32
      %add3A_182 = arith.addi %add3A_156, %add3A_181 : i32
      %lt3A_183 = arith.cmpi slt, %add3A_182, %add3A_8 : i32
      %convert_element_type3A_184 = arith.extui %lt3A_183 : i1 to i32
      %cond3A_185 = arith.constant 0 : i32
      %cond3A_186 = arith.cmpi ne, %convert_element_type3A_184, %cond3A_185 : i32
      scf.if %cond3A_186 {
        %add3A_255 = arith.addi %add3A_4, %add3A_156 : i32
        %add3A_256 = arith.constant 3 : i32
        %add3A_257 = arith.addi %add3A_255, %add3A_256 : i32
        %dma_start3A = arith.constant 0 : i32
        %dma_start3A_258 = arith.constant 0 : i32
        %dma_start3A_259 = tpu.memref_slice %arg3[%add3A_257, %dma_start3A, %dma_start3A_258] : memref<2500x2x128xi32, #tpu.memory_space<hbm>> -> memref<1x2x128xi32, #tpu.memory_space<hbm>>
        %dma_start3A_260 = tpu.memref_squeeze %dma_start3A_259 : memref<1x2x128xi32, #tpu.memory_space<hbm>> -> memref<2x128xi32, #tpu.memory_space<hbm>>
        %dma_start3A_261 = arith.constant 0 : i32
        %dma_start3A_262 = arith.constant 0 : i32
        %dma_start3A_263 = tpu.memref_slice %arg3[%add3A_257, %dma_start3A_261, %dma_start3A_262] : memref<2500x2x128xi32, #tpu.memory_space<hbm>> -> memref<1x2x128xi32, #tpu.memory_space<hbm>>
        %dma_start3A_264 = tpu.memref_squeeze %dma_start3A_263 : memref<1x2x128xi32, #tpu.memory_space<hbm>> -> memref<2x128xi32, #tpu.memory_space<hbm>>
        tpu.enqueue_dma source(%dma_start3A_264 : memref<2x128xi32, #tpu.memory_space<hbm>>) target(%arg6 : memref<2x128xi32, #tpu.memory_space<vmem>>) target_semaphore(%arg15 : memref<!tpu.dma_semaphore, #tpu.memory_space<semaphore_mem>>)
      } else {
      }
      %mul3A_187 = arith.constant 6 : i32
      %mul3A_188 = arith.muli %add3A_53, %mul3A_187 : i32
      %add3A_189 = arith.constant 4 : i32
      %add3A_190 = arith.addi %mul3A_188, %add3A_189 : i32
      %lt3A_191 = arith.cmpi slt, %add3A_190, %add3A_8 : i32
      %convert_element_type3A_192 = arith.extui %lt3A_191 : i1 to i32
      %cond3A_193 = arith.constant 0 : i32
      %cond3A_194 = arith.cmpi ne, %convert_element_type3A_192, %cond3A_193 : i32
      scf.if %cond3A_194 {
        %add3A_255 = arith.addi %add3A_4, %add3A_190 : i32
        %dma_wait3A = arith.constant 0 : i32
        %dma_wait3A_256 = arith.constant 0 : i32
        %dma_wait3A_257 = tpu.memref_slice %arg3[%add3A_255, %dma_wait3A, %dma_wait3A_256] : memref<2500x2x128xi32, #tpu.memory_space<hbm>> -> memref<1x2x128xi32, #tpu.memory_space<hbm>>
        %dma_wait3A_258 = tpu.memref_squeeze %dma_wait3A_257 : memref<1x2x128xi32, #tpu.memory_space<hbm>> -> memref<2x128xi32, #tpu.memory_space<hbm>>
        %dma_wait3A_259 = arith.constant 0 : i32
        %dma_wait3A_260 = arith.constant 0 : i32
        %dma_wait3A_261 = tpu.memref_slice %arg3[%add3A_255, %dma_wait3A_259, %dma_wait3A_260] : memref<2500x2x128xi32, #tpu.memory_space<hbm>> -> memref<1x2x128xi32, #tpu.memory_space<hbm>>
        %dma_wait3A_262 = tpu.memref_squeeze %dma_wait3A_261 : memref<1x2x128xi32, #tpu.memory_space<hbm>> -> memref<2x128xi32, #tpu.memory_space<hbm>>
        tpu.wait_dma2 semaphore(%arg19 : memref<!tpu.dma_semaphore, #tpu.memory_space<semaphore_mem>>) src(%dma_wait3A_262 : memref<2x128xi32, #tpu.memory_space<hbm>>) dst(%arg10 : memref<2x128xi32, #tpu.memory_space<vmem>>)
      } else {
      }
      %ge3A_195 = arith.constant 3 : i32
      %ge3A_196 = arith.cmpi sge, %add3A_190, %ge3A_195 : i32
      %add3A_197 = arith.constant 2 : i32
      %add3A_198 = arith.addi %add3A_8, %add3A_197 : i32
      %le3A_199 = arith.cmpi sle, %add3A_190, %add3A_198 : i32
      %and3A_200 = arith.andi %ge3A_196, %le3A_199 : i1
      %convert_element_type3A_201 = arith.extui %and3A_200 : i1 to i32
      %cond3A_202 = arith.constant 0 : i32
      %cond3A_203 = arith.cmpi ne, %convert_element_type3A_201, %cond3A_202 : i32
      scf.if %cond3A_203 {
        %dma_wait3A = arith.constant 1 : i32
        %dma_wait3A_255 = arith.constant 0 : i32
        %dma_wait3A_256 = tpu.memref_slice %arg7[%dma_wait3A, %dma_wait3A_255] : memref<2x128xi32, #tpu.memory_space<vmem>> -> memref<1x128xi32, #tpu.memory_space<vmem>>
        %dma_wait3A_257 = tpu.memref_squeeze %dma_wait3A_256 : memref<1x128xi32, #tpu.memory_space<vmem>> -> memref<128xi32, #tpu.memory_space<vmem>>
        %dma_wait3A_258 = arith.constant 0 : i32
        %dma_wait3A_259 = arith.constant 0 : i32
        %dma_wait3A_260 = tpu.memref_slice %arg5[%dma_wait3A_258, %dma_wait3A_259] : memref<10000x128xf32, #tpu.memory_space<vmem_shared>> -> memref<10000x128xf32, #tpu.memory_space<vmem_shared>>
        tpu.wait_indirect_dma semaphore(%arg25 : memref<!tpu.dma_semaphore, #tpu.memory_space<semaphore_mem>>) src(%arg13 : memref<128x128xf32, #tpu.memory_space<vmem>>) dst(%dma_wait3A_260 : memref<10000x128xf32, #tpu.memory_space<vmem_shared>>)
      } else {
      }
      %lt3A_204 = arith.cmpi slt, %add3A_190, %add3A_8 : i32
      %convert_element_type3A_205 = arith.extui %lt3A_204 : i1 to i32
      %cond3A_206 = arith.constant 0 : i32
      %cond3A_207 = arith.cmpi ne, %convert_element_type3A_205, %cond3A_206 : i32
      scf.if %cond3A_207 {
        %dma_start3A = arith.constant 0 : i32
        %dma_start3A_255 = arith.constant 0 : i32
        %dma_start3A_256 = tpu.memref_slice %arg10[%dma_start3A, %dma_start3A_255] : memref<2x128xi32, #tpu.memory_space<vmem>> -> memref<1x128xi32, #tpu.memory_space<vmem>>
        %dma_start3A_257 = tpu.memref_squeeze %dma_start3A_256 : memref<1x128xi32, #tpu.memory_space<vmem>> -> memref<128xi32, #tpu.memory_space<vmem>>
        %dma_start3A_258 = arith.constant 0 : i32
        %dma_start3A_259 = arith.constant 0 : i32
        %dma_start3A_260 = tpu.memref_slice %arg2[%dma_start3A_258, %dma_start3A_259] : memref<10240x128xf32, #tpu.memory_space<hbm>> -> memref<10240x128xf32, #tpu.memory_space<hbm>>
        tpu.enqueue_indirect_dma source(%dma_start3A_260 : memref<10240x128xf32, #tpu.memory_space<hbm>>) target(%arg13 : memref<128x128xf32, #tpu.memory_space<vmem>>) offsets(%dma_start3A_257 : memref<128xi32, #tpu.memory_space<vmem>>) semaphore(%arg22 : memref<!tpu.dma_semaphore, #tpu.memory_space<semaphore_mem>>)
      } else {
      }
      %ge3A_208 = arith.constant 1 : i32
      %ge3A_209 = arith.cmpi sge, %add3A_190, %ge3A_208 : i32
      %le3A_210 = arith.cmpi sle, %add3A_190, %add3A_8 : i32
      %and3A_211 = arith.andi %ge3A_209, %le3A_210 : i1
      %convert_element_type3A_212 = arith.extui %and3A_211 : i1 to i32
      %cond3A_213 = arith.constant 0 : i32
      %cond3A_214 = arith.cmpi ne, %convert_element_type3A_212, %cond3A_213 : i32
      scf.if %cond3A_214 {
        %dma_wait3A = arith.constant 0 : i32
        %dma_wait3A_255 = arith.constant 0 : i32
        %dma_wait3A_256 = tpu.memref_slice %arg9[%dma_wait3A, %dma_wait3A_255] : memref<2x128xi32, #tpu.memory_space<vmem>> -> memref<1x128xi32, #tpu.memory_space<vmem>>
        %dma_wait3A_257 = tpu.memref_squeeze %dma_wait3A_256 : memref<1x128xi32, #tpu.memory_space<vmem>> -> memref<128xi32, #tpu.memory_space<vmem>>
        %dma_wait3A_258 = arith.constant 0 : i32
        %dma_wait3A_259 = arith.constant 0 : i32
        %dma_wait3A_260 = tpu.memref_slice %arg2[%dma_wait3A_258, %dma_wait3A_259] : memref<10240x128xf32, #tpu.memory_space<hbm>> -> memref<10240x128xf32, #tpu.memory_space<hbm>>
        tpu.wait_indirect_dma semaphore(%arg21 : memref<!tpu.dma_semaphore, #tpu.memory_space<semaphore_mem>>) src(%dma_wait3A_260 : memref<10240x128xf32, #tpu.memory_space<hbm>>) dst(%arg12 : memref<128x128xf32, #tpu.memory_space<vmem>>)
        %dma_start3A = arith.constant 1 : i32
        %dma_start3A_261 = arith.constant 0 : i32
        %dma_start3A_262 = tpu.memref_slice %arg9[%dma_start3A, %dma_start3A_261] : memref<2x128xi32, #tpu.memory_space<vmem>> -> memref<1x128xi32, #tpu.memory_space<vmem>>
        %dma_start3A_263 = tpu.memref_squeeze %dma_start3A_262 : memref<1x128xi32, #tpu.memory_space<vmem>> -> memref<128xi32, #tpu.memory_space<vmem>>
        %dma_start3A_264 = arith.constant 0 : i32
        %dma_start3A_265 = arith.constant 0 : i32
        %dma_start3A_266 = tpu.memref_slice %arg5[%dma_start3A_264, %dma_start3A_265] : memref<10000x128xf32, #tpu.memory_space<vmem_shared>> -> memref<10000x128xf32, #tpu.memory_space<vmem_shared>>
        tpu.enqueue_indirect_dma source(%arg12 : memref<128x128xf32, #tpu.memory_space<vmem>>) target(%dma_start3A_266 : memref<10000x128xf32, #tpu.memory_space<vmem_shared>>) offsets(%dma_start3A_263 : memref<128xi32, #tpu.memory_space<vmem>>) semaphore(%arg24 : memref<!tpu.dma_semaphore, #tpu.memory_space<semaphore_mem>>) {add = true}
      } else {
      }
      %add3A_215 = arith.constant 3 : i32
      %add3A_216 = arith.addi %add3A_190, %add3A_215 : i32
      %lt3A_217 = arith.cmpi slt, %add3A_216, %add3A_8 : i32
      %convert_element_type3A_218 = arith.extui %lt3A_217 : i1 to i32
      %cond3A_219 = arith.constant 0 : i32
      %cond3A_220 = arith.cmpi ne, %convert_element_type3A_218, %cond3A_219 : i32
      scf.if %cond3A_220 {
        %add3A_255 = arith.addi %add3A_4, %add3A_190 : i32
        %add3A_256 = arith.constant 3 : i32
        %add3A_257 = arith.addi %add3A_255, %add3A_256 : i32
        %dma_start3A = arith.constant 0 : i32
        %dma_start3A_258 = arith.constant 0 : i32
        %dma_start3A_259 = tpu.memref_slice %arg3[%add3A_257, %dma_start3A, %dma_start3A_258] : memref<2500x2x128xi32, #tpu.memory_space<hbm>> -> memref<1x2x128xi32, #tpu.memory_space<hbm>>
        %dma_start3A_260 = tpu.memref_squeeze %dma_start3A_259 : memref<1x2x128xi32, #tpu.memory_space<hbm>> -> memref<2x128xi32, #tpu.memory_space<hbm>>
        %dma_start3A_261 = arith.constant 0 : i32
        %dma_start3A_262 = arith.constant 0 : i32
        %dma_start3A_263 = tpu.memref_slice %arg3[%add3A_257, %dma_start3A_261, %dma_start3A_262] : memref<2500x2x128xi32, #tpu.memory_space<hbm>> -> memref<1x2x128xi32, #tpu.memory_space<hbm>>
        %dma_start3A_264 = tpu.memref_squeeze %dma_start3A_263 : memref<1x2x128xi32, #tpu.memory_space<hbm>> -> memref<2x128xi32, #tpu.memory_space<hbm>>
        tpu.enqueue_dma source(%dma_start3A_264 : memref<2x128xi32, #tpu.memory_space<hbm>>) target(%arg7 : memref<2x128xi32, #tpu.memory_space<vmem>>) target_semaphore(%arg16 : memref<!tpu.dma_semaphore, #tpu.memory_space<semaphore_mem>>)
      } else {
      }
      %mul3A_221 = arith.constant 6 : i32
      %mul3A_222 = arith.muli %add3A_53, %mul3A_221 : i32
      %add3A_223 = arith.constant 5 : i32
      %add3A_224 = arith.addi %mul3A_222, %add3A_223 : i32
      %lt3A_225 = arith.cmpi slt, %add3A_224, %add3A_8 : i32
      %convert_element_type3A_226 = arith.extui %lt3A_225 : i1 to i32
      %cond3A_227 = arith.constant 0 : i32
      %cond3A_228 = arith.cmpi ne, %convert_element_type3A_226, %cond3A_227 : i32
      scf.if %cond3A_228 {
        %add3A_255 = arith.addi %add3A_4, %add3A_224 : i32
        %dma_wait3A = arith.constant 0 : i32
        %dma_wait3A_256 = arith.constant 0 : i32
        %dma_wait3A_257 = tpu.memref_slice %arg3[%add3A_255, %dma_wait3A, %dma_wait3A_256] : memref<2500x2x128xi32, #tpu.memory_space<hbm>> -> memref<1x2x128xi32, #tpu.memory_space<hbm>>
        %dma_wait3A_258 = tpu.memref_squeeze %dma_wait3A_257 : memref<1x2x128xi32, #tpu.memory_space<hbm>> -> memref<2x128xi32, #tpu.memory_space<hbm>>
        %dma_wait3A_259 = arith.constant 0 : i32
        %dma_wait3A_260 = arith.constant 0 : i32
        %dma_wait3A_261 = tpu.memref_slice %arg3[%add3A_255, %dma_wait3A_259, %dma_wait3A_260] : memref<2500x2x128xi32, #tpu.memory_space<hbm>> -> memref<1x2x128xi32, #tpu.memory_space<hbm>>
        %dma_wait3A_262 = tpu.memref_squeeze %dma_wait3A_261 : memref<1x2x128xi32, #tpu.memory_space<hbm>> -> memref<2x128xi32, #tpu.memory_space<hbm>>
        tpu.wait_dma2 semaphore(%arg20 : memref<!tpu.dma_semaphore, #tpu.memory_space<semaphore_mem>>) src(%dma_wait3A_262 : memref<2x128xi32, #tpu.memory_space<hbm>>) dst(%arg11 : memref<2x128xi32, #tpu.memory_space<vmem>>)
      } else {
      }
      %ge3A_229 = arith.constant 3 : i32
      %ge3A_230 = arith.cmpi sge, %add3A_224, %ge3A_229 : i32
      %add3A_231 = arith.constant 2 : i32
      %add3A_232 = arith.addi %add3A_8, %add3A_231 : i32
      %le3A_233 = arith.cmpi sle, %add3A_224, %add3A_232 : i32
      %and3A_234 = arith.andi %ge3A_230, %le3A_233 : i1
      %convert_element_type3A_235 = arith.extui %and3A_234 : i1 to i32
      %cond3A_236 = arith.constant 0 : i32
      %cond3A_237 = arith.cmpi ne, %convert_element_type3A_235, %cond3A_236 : i32
      scf.if %cond3A_237 {
        %dma_wait3A = arith.constant 1 : i32
        %dma_wait3A_255 = arith.constant 0 : i32
        %dma_wait3A_256 = tpu.memref_slice %arg8[%dma_wait3A, %dma_wait3A_255] : memref<2x128xi32, #tpu.memory_space<vmem>> -> memref<1x128xi32, #tpu.memory_space<vmem>>
        %dma_wait3A_257 = tpu.memref_squeeze %dma_wait3A_256 : memref<1x128xi32, #tpu.memory_space<vmem>> -> memref<128xi32, #tpu.memory_space<vmem>>
        %dma_wait3A_258 = arith.constant 0 : i32
        %dma_wait3A_259 = arith.constant 0 : i32
        %dma_wait3A_260 = tpu.memref_slice %arg5[%dma_wait3A_258, %dma_wait3A_259] : memref<10000x128xf32, #tpu.memory_space<vmem_shared>> -> memref<10000x128xf32, #tpu.memory_space<vmem_shared>>
        tpu.wait_indirect_dma semaphore(%arg26 : memref<!tpu.dma_semaphore, #tpu.memory_space<semaphore_mem>>) src(%arg14 : memref<128x128xf32, #tpu.memory_space<vmem>>) dst(%dma_wait3A_260 : memref<10000x128xf32, #tpu.memory_space<vmem_shared>>)
      } else {
      }
      %lt3A_238 = arith.cmpi slt, %add3A_224, %add3A_8 : i32
      %convert_element_type3A_239 = arith.extui %lt3A_238 : i1 to i32
      %cond3A_240 = arith.constant 0 : i32
      %cond3A_241 = arith.cmpi ne, %convert_element_type3A_239, %cond3A_240 : i32
      scf.if %cond3A_241 {
        %dma_start3A = arith.constant 0 : i32
        %dma_start3A_255 = arith.constant 0 : i32
        %dma_start3A_256 = tpu.memref_slice %arg11[%dma_start3A, %dma_start3A_255] : memref<2x128xi32, #tpu.memory_space<vmem>> -> memref<1x128xi32, #tpu.memory_space<vmem>>
        %dma_start3A_257 = tpu.memref_squeeze %dma_start3A_256 : memref<1x128xi32, #tpu.memory_space<vmem>> -> memref<128xi32, #tpu.memory_space<vmem>>
        %dma_start3A_258 = arith.constant 0 : i32
        %dma_start3A_259 = arith.constant 0 : i32
        %dma_start3A_260 = tpu.memref_slice %arg2[%dma_start3A_258, %dma_start3A_259] : memref<10240x128xf32, #tpu.memory_space<hbm>> -> memref<10240x128xf32, #tpu.memory_space<hbm>>
        tpu.enqueue_indirect_dma source(%dma_start3A_260 : memref<10240x128xf32, #tpu.memory_space<hbm>>) target(%arg14 : memref<128x128xf32, #tpu.memory_space<vmem>>) offsets(%dma_start3A_257 : memref<128xi32, #tpu.memory_space<vmem>>) semaphore(%arg23 : memref<!tpu.dma_semaphore, #tpu.memory_space<semaphore_mem>>)
      } else {
      }
      %ge3A_242 = arith.constant 1 : i32
      %ge3A_243 = arith.cmpi sge, %add3A_224, %ge3A_242 : i32
      %le3A_244 = arith.cmpi sle, %add3A_224, %add3A_8 : i32
      %and3A_245 = arith.andi %ge3A_243, %le3A_244 : i1
      %convert_element_type3A_246 = arith.extui %and3A_245 : i1 to i32
      %cond3A_247 = arith.constant 0 : i32
      %cond3A_248 = arith.cmpi ne, %convert_element_type3A_246, %cond3A_247 : i32
      scf.if %cond3A_248 {
        %dma_wait3A = arith.constant 0 : i32
        %dma_wait3A_255 = arith.constant 0 : i32
        %dma_wait3A_256 = tpu.memref_slice %arg10[%dma_wait3A, %dma_wait3A_255] : memref<2x128xi32, #tpu.memory_space<vmem>> -> memref<1x128xi32, #tpu.memory_space<vmem>>
        %dma_wait3A_257 = tpu.memref_squeeze %dma_wait3A_256 : memref<1x128xi32, #tpu.memory_space<vmem>> -> memref<128xi32, #tpu.memory_space<vmem>>
        %dma_wait3A_258 = arith.constant 0 : i32
        %dma_wait3A_259 = arith.constant 0 : i32
        %dma_wait3A_260 = tpu.memref_slice %arg2[%dma_wait3A_258, %dma_wait3A_259] : memref<10240x128xf32, #tpu.memory_space<hbm>> -> memref<10240x128xf32, #tpu.memory_space<hbm>>
        tpu.wait_indirect_dma semaphore(%arg22 : memref<!tpu.dma_semaphore, #tpu.memory_space<semaphore_mem>>) src(%dma_wait3A_260 : memref<10240x128xf32, #tpu.memory_space<hbm>>) dst(%arg13 : memref<128x128xf32, #tpu.memory_space<vmem>>)
        %dma_start3A = arith.constant 1 : i32
        %dma_start3A_261 = arith.constant 0 : i32
        %dma_start3A_262 = tpu.memref_slice %arg10[%dma_start3A, %dma_start3A_261] : memref<2x128xi32, #tpu.memory_space<vmem>> -> memref<1x128xi32, #tpu.memory_space<vmem>>
        %dma_start3A_263 = tpu.memref_squeeze %dma_start3A_262 : memref<1x128xi32, #tpu.memory_space<vmem>> -> memref<128xi32, #tpu.memory_space<vmem>>
        %dma_start3A_264 = arith.constant 0 : i32
        %dma_start3A_265 = arith.constant 0 : i32
        %dma_start3A_266 = tpu.memref_slice %arg5[%dma_start3A_264, %dma_start3A_265] : memref<10000x128xf32, #tpu.memory_space<vmem_shared>> -> memref<10000x128xf32, #tpu.memory_space<vmem_shared>>
        tpu.enqueue_indirect_dma source(%arg13 : memref<128x128xf32, #tpu.memory_space<vmem>>) target(%dma_start3A_266 : memref<10000x128xf32, #tpu.memory_space<vmem_shared>>) offsets(%dma_start3A_263 : memref<128xi32, #tpu.memory_space<vmem>>) semaphore(%arg25 : memref<!tpu.dma_semaphore, #tpu.memory_space<semaphore_mem>>) {add = true}
      } else {
      }
      %add3A_249 = arith.constant 3 : i32
      %add3A_250 = arith.addi %add3A_224, %add3A_249 : i32
      %lt3A_251 = arith.cmpi slt, %add3A_250, %add3A_8 : i32
      %convert_element_type3A_252 = arith.extui %lt3A_251 : i1 to i32
      %cond3A_253 = arith.constant 0 : i32
      %cond3A_254 = arith.cmpi ne, %convert_element_type3A_252, %cond3A_253 : i32
      scf.if %cond3A_254 {
        %add3A_255 = arith.addi %add3A_4, %add3A_224 : i32
        %add3A_256 = arith.constant 3 : i32
        %add3A_257 = arith.addi %add3A_255, %add3A_256 : i32
        %dma_start3A = arith.constant 0 : i32
        %dma_start3A_258 = arith.constant 0 : i32
        %dma_start3A_259 = tpu.memref_slice %arg3[%add3A_257, %dma_start3A, %dma_start3A_258] : memref<2500x2x128xi32, #tpu.memory_space<hbm>> -> memref<1x2x128xi32, #tpu.memory_space<hbm>>
        %dma_start3A_260 = tpu.memref_squeeze %dma_start3A_259 : memref<1x2x128xi32, #tpu.memory_space<hbm>> -> memref<2x128xi32, #tpu.memory_space<hbm>>
        %dma_start3A_261 = arith.constant 0 : i32
        %dma_start3A_262 = arith.constant 0 : i32
        %dma_start3A_263 = tpu.memref_slice %arg3[%add3A_257, %dma_start3A_261, %dma_start3A_262] : memref<2500x2x128xi32, #tpu.memory_space<hbm>> -> memref<1x2x128xi32, #tpu.memory_space<hbm>>
        %dma_start3A_264 = tpu.memref_squeeze %dma_start3A_263 : memref<1x2x128xi32, #tpu.memory_space<hbm>> -> memref<2x128xi32, #tpu.memory_space<hbm>>
        tpu.enqueue_dma source(%dma_start3A_264 : memref<2x128xi32, #tpu.memory_space<hbm>>) target(%arg8 : memref<2x128xi32, #tpu.memory_space<vmem>>) target_semaphore(%arg17 : memref<!tpu.dma_semaphore, #tpu.memory_space<semaphore_mem>>)
      } else {
      }
    }
    %scan3A_38 = arith.constant 14 : i32
    %barrier3A_39 = arith.constant 0 : index
    tpu.barrier barrier_id(%barrier3A_39)
    %mul3A_40 = arith.constant 624 : i32
    %mul3A_41 = arith.muli %arg1, %mul3A_40 : i32
    %mul3A_42 = arith.constant 624 : i32
    %mul3A_43 = arith.muli %arg1, %mul3A_42 : i32
    "tpu.region"() ({
      %run_scoped3A = tpu.sem_alloc : memref<!tpu.dma_semaphore, #tpu.memory_space<semaphore_mem>>
      %dma_start3A = arith.constant 0 : i32
      %dma_start3A_49 = arith.constant 0 : i32
      %dma_start3A_50 = tpu.memref_slice %arg4[%arg0, %dma_start3A, %dma_start3A_49] : memref<2x10240x128xf32, #tpu.memory_space<hbm>> -> memref<1x10240x128xf32, #tpu.memory_space<hbm>>
      %dma_start3A_51 = tpu.memref_squeeze %dma_start3A_50 : memref<1x10240x128xf32, #tpu.memory_space<hbm>> -> memref<10240x128xf32, #tpu.memory_space<hbm>>
      %dma_start3A_52 = arith.constant 0 : i32
      %dma_start3A_53 = tpu.memref_slice %dma_start3A_51[%mul3A_43, %dma_start3A_52] : memref<10240x128xf32, #tpu.memory_space<hbm>> -> memref<624x128xf32, #tpu.memory_space<hbm>>
      %dma_start3A_54 = arith.constant 0 : i32
      %dma_start3A_55 = tpu.memref_slice %arg5[%mul3A_41, %dma_start3A_54] : memref<10000x128xf32, #tpu.memory_space<vmem_shared>> -> memref<624x128xf32, #tpu.memory_space<vmem_shared>>
      tpu.enqueue_dma source(%dma_start3A_55 : memref<624x128xf32, #tpu.memory_space<vmem_shared>>) target(%dma_start3A_53 : memref<624x128xf32, #tpu.memory_space<hbm>>) target_semaphore(%run_scoped3A : memref<!tpu.dma_semaphore, #tpu.memory_space<semaphore_mem>>)
      %dma_wait3A = arith.constant 0 : i32
      %dma_wait3A_56 = arith.constant 0 : i32
      %dma_wait3A_57 = tpu.memref_slice %arg4[%arg0, %dma_wait3A, %dma_wait3A_56] : memref<2x10240x128xf32, #tpu.memory_space<hbm>> -> memref<1x10240x128xf32, #tpu.memory_space<hbm>>
      %dma_wait3A_58 = tpu.memref_squeeze %dma_wait3A_57 : memref<1x10240x128xf32, #tpu.memory_space<hbm>> -> memref<10240x128xf32, #tpu.memory_space<hbm>>
      %dma_wait3A_59 = arith.constant 0 : i32
      %dma_wait3A_60 = tpu.memref_slice %dma_wait3A_58[%mul3A_43, %dma_wait3A_59] : memref<10240x128xf32, #tpu.memory_space<hbm>> -> memref<624x128xf32, #tpu.memory_space<hbm>>
      %dma_wait3A_61 = arith.constant 0 : i32
      %dma_wait3A_62 = tpu.memref_slice %arg5[%mul3A_41, %dma_wait3A_61] : memref<10000x128xf32, #tpu.memory_space<vmem_shared>> -> memref<624x128xf32, #tpu.memory_space<vmem_shared>>
      tpu.wait_dma2 semaphore(%run_scoped3A : memref<!tpu.dma_semaphore, #tpu.memory_space<semaphore_mem>>) src(%dma_wait3A_62 : memref<624x128xf32, #tpu.memory_space<vmem_shared>>) dst(%dma_wait3A_60 : memref<624x128xf32, #tpu.memory_space<hbm>>)
      tpu.yield
    }) : () -> ()
    %eq3A_44 = arith.constant 15 : i32
    %eq3A_45 = arith.cmpi eq, %arg1, %eq3A_44 : i32
    %convert_element_type3A_46 = arith.extui %eq3A_45 : i1 to i32
    %cond3A_47 = arith.constant 0 : i32
    %cond3A_48 = arith.cmpi ne, %convert_element_type3A_46, %cond3A_47 : i32
    scf.if %cond3A_48 {
      "tpu.region"() ({
        %run_scoped3A = tpu.sem_alloc : memref<!tpu.dma_semaphore, #tpu.memory_space<semaphore_mem>>
        %dma_start3A = arith.constant 0 : i32
        %dma_start3A_49 = arith.constant 0 : i32
        %dma_start3A_50 = tpu.memref_slice %arg4[%arg0, %dma_start3A, %dma_start3A_49] : memref<2x10240x128xf32, #tpu.memory_space<hbm>> -> memref<1x10240x128xf32, #tpu.memory_space<hbm>>
        %dma_start3A_51 = tpu.memref_squeeze %dma_start3A_50 : memref<1x10240x128xf32, #tpu.memory_space<hbm>> -> memref<10240x128xf32, #tpu.memory_space<hbm>>
        %dma_start3A_52 = arith.constant 9984 : i32
        %dma_start3A_53 = arith.constant 0 : i32
        %dma_start3A_54 = tpu.memref_slice %dma_start3A_51[%dma_start3A_52, %dma_start3A_53] : memref<10240x128xf32, #tpu.memory_space<hbm>> -> memref<16x128xf32, #tpu.memory_space<hbm>>
        %dma_start3A_55 = arith.constant 9984 : i32
        %dma_start3A_56 = arith.constant 0 : i32
        %dma_start3A_57 = tpu.memref_slice %arg5[%dma_start3A_55, %dma_start3A_56] : memref<10000x128xf32, #tpu.memory_space<vmem_shared>> -> memref<16x128xf32, #tpu.memory_space<vmem_shared>>
        tpu.enqueue_dma source(%dma_start3A_57 : memref<16x128xf32, #tpu.memory_space<vmem_shared>>) target(%dma_start3A_54 : memref<16x128xf32, #tpu.memory_space<hbm>>) target_semaphore(%run_scoped3A : memref<!tpu.dma_semaphore, #tpu.memory_space<semaphore_mem>>)
        %dma_wait3A = arith.constant 0 : i32
        %dma_wait3A_58 = arith.constant 0 : i32
        %dma_wait3A_59 = tpu.memref_slice %arg4[%arg0, %dma_wait3A, %dma_wait3A_58] : memref<2x10240x128xf32, #tpu.memory_space<hbm>> -> memref<1x10240x128xf32, #tpu.memory_space<hbm>>
        %dma_wait3A_60 = tpu.memref_squeeze %dma_wait3A_59 : memref<1x10240x128xf32, #tpu.memory_space<hbm>> -> memref<10240x128xf32, #tpu.memory_space<hbm>>
        %dma_wait3A_61 = arith.constant 9984 : i32
        %dma_wait3A_62 = arith.constant 0 : i32
        %dma_wait3A_63 = tpu.memref_slice %dma_wait3A_60[%dma_wait3A_61, %dma_wait3A_62] : memref<10240x128xf32, #tpu.memory_space<hbm>> -> memref<16x128xf32, #tpu.memory_space<hbm>>
        %dma_wait3A_64 = arith.constant 9984 : i32
        %dma_wait3A_65 = arith.constant 0 : i32
        %dma_wait3A_66 = tpu.memref_slice %arg5[%dma_wait3A_64, %dma_wait3A_65] : memref<10000x128xf32, #tpu.memory_space<vmem_shared>> -> memref<16x128xf32, #tpu.memory_space<vmem_shared>>
        tpu.wait_dma2 semaphore(%run_scoped3A : memref<!tpu.dma_semaphore, #tpu.memory_space<semaphore_mem>>) src(%dma_wait3A_66 : memref<16x128xf32, #tpu.memory_space<vmem_shared>>) dst(%dma_wait3A_63 : memref<16x128xf32, #tpu.memory_space<hbm>>)
        tpu.yield
      }) : () -> ()
    } else {
    }
    return
  }
}

module attributes {stable_mosaic.version = 14 : i64} {
  func.func @_tc1_body(%arg0: i32, %arg1: memref<2048x128xf32, #tpu.memory_space<vmem>>, %arg2: memref<2x2048xf32, #tpu.memory_space<vmem>>, %arg3: memref<128x128xf32, #tpu.memory_space<vmem>>, %arg4: memref<128x128xf32, #tpu.memory_space<vmem>>, %arg5: memref<1x128xf32, #tpu.memory_space<vmem>>, %arg6: memref<2048x128xf32, #tpu.memory_space<vmem>>, %arg7: memref<2048x128xf32, #tpu.memory_space<vmem>>) attributes {dimension_semantics = [#tpu.dimension_semantics<arbitrary>], iteration_bounds = array<i64: 5>, scalar_prefetch = 0 : i64, scratch_operands = 0 : i64, tpu.core_type = #tpu.core_type<tc>, window_params = [{transform_indices = @transform_0, window_bounds = array<i64: 2048, 128>}, {transform_indices = @transform_1, window_bounds = array<i64: 2, 2048>}, {pipeline_mode = #tpu.pipeline_mode<synchronous>, transform_indices = @transform_2, window_bounds = array<i64: 128, 128>}, {pipeline_mode = #tpu.pipeline_mode<synchronous>, transform_indices = @transform_3, window_bounds = array<i64: 128, 128>}, {pipeline_mode = #tpu.pipeline_mode<synchronous>, transform_indices = @transform_4, window_bounds = array<i64: 1, 128>}, {transform_indices = @transform_5, window_bounds = array<i64: 2048, 128>}, {transform_indices = @transform_6, window_bounds = array<i64: 2048, 128>}]} {
    %get3A = arith.constant 0 : index
    %get3A_0 = arith.constant 0 : index
    %get3A_1 = vector.load %arg1[%get3A, %get3A_0] : memref<2048x128xf32, #tpu.memory_space<vmem>>, vector<2048x128xf32>
    %get3A_2 = arith.constant 0 : index
    %get3A_3 = arith.constant 0 : index
    %get3A_4 = vector.load %arg4[%get3A_2, %get3A_3] : memref<128x128xf32, #tpu.memory_space<vmem>>, vector<128x128xf32>
    %get3A_5 = arith.constant 0 : index
    %get3A_6 = arith.constant 0 : index
    %get3A_7 = vector.load %arg2[%get3A_5, %get3A_6] : memref<2x2048xf32, #tpu.memory_space<vmem>>, vector<2x2048xf32>
    %slice3A = vector.extract_strided_slice %get3A_7 {offsets = [0, 0], sizes = [1, 2048], strides = [1, 1]} : vector<2x2048xf32> to vector<1x2048xf32>
    %squeeze3A = vector.shape_cast %slice3A : vector<1x2048xf32> to vector<2048xf32>
    %slice3A_8 = vector.extract_strided_slice %get3A_7 {offsets = [1, 0], sizes = [1, 2048], strides = [1, 1]} : vector<2x2048xf32> to vector<1x2048xf32>
    %squeeze3A_9 = vector.shape_cast %slice3A_8 : vector<1x2048xf32> to vector<2048xf32>
    %add3A = arith.addf %squeeze3A, %squeeze3A_9 : vector<2048xf32>
    %add3A_10 = arith.constant 1.000000e+00 : f32
    %add3A_11 = vector.broadcast %add3A_10 : f32 to vector<2048xf32>
    %add3A_12 = arith.addf %add3A, %add3A_11 : vector<2048xf32>
    %rsqrt3A = math.rsqrt %add3A_12 : vector<2048xf32>
    %broadcast_in_dim3A = vector.shape_cast %rsqrt3A : vector<2048xf32> to vector<2048x1xf32>
    %get3A_13 = arith.constant 0 : index
    %get3A_14 = arith.constant 0 : index
    %get3A_15 = vector.load %arg3[%get3A_13, %get3A_14] : memref<128x128xf32, #tpu.memory_space<vmem>>, vector<128x128xf32>
    %dot_general3A = arith.constant dense<0.000000e+00> : vector<2048x128xf32>
    %dot_general3A_16 = tpu.matmul %get3A_1, %get3A_15, %dot_general3A {dimension_numbers = #tpu.dot_dimension_numbers<[1], [0], [0], [1], [0, 0, 1, 1], [], []>, transpose_lhs_hint = false} : vector<2048x128xf32>, vector<128x128xf32>, vector<2048x128xf32> -> vector<2048x128xf32>
    %transpose3A = tpu.transpose %get3A_4, [1, 0] : vector<128x128xf32> -> vector<128x128xf32>
    %dot_general3A_17 = arith.constant dense<0.000000e+00> : vector<2048x128xf32>
    %dot_general3A_18 = tpu.matmul %get3A_1, %transpose3A, %dot_general3A_17 {dimension_numbers = #tpu.dot_dimension_numbers<[1], [0], [0], [1], [0, 0, 1, 1], [], []>, transpose_lhs_hint = false} : vector<2048x128xf32>, vector<128x128xf32>, vector<2048x128xf32> -> vector<2048x128xf32>
    %dot_general3A_19 = arith.constant dense<0.000000e+00> : vector<2048x128xf32>
    %dot_general3A_20 = tpu.matmul %get3A_1, %get3A_4, %dot_general3A_19 {dimension_numbers = #tpu.dot_dimension_numbers<[1], [0], [0], [1], [0, 0, 1, 1], [], []>, transpose_lhs_hint = false} : vector<2048x128xf32>, vector<128x128xf32>, vector<2048x128xf32> -> vector<2048x128xf32>
    %sub3A = arith.subf %dot_general3A_18, %dot_general3A_20 : vector<2048x128xf32>
    %mul3A = arith.constant 1.000000e-01 : f32
    %mul3A_21 = vector.broadcast %mul3A : f32 to vector<2048x128xf32>
    %mul3A_22 = arith.mulf %mul3A_21, %get3A_1 : vector<2048x128xf32>
    %sub3A_23 = arith.subf %sub3A, %mul3A_22 : vector<2048x128xf32>
    %mul3A_24 = vector.broadcast %broadcast_in_dim3A : vector<2048x1xf32> to vector<2048x128xf32>
    %mul3A_25 = arith.mulf %mul3A_24, %dot_general3A_16 : vector<2048x128xf32>
    %swap3A = arith.constant 0 : index
    %swap3A_26 = arith.constant 0 : index
    %swap3A_27 = vector.load %arg6[%swap3A, %swap3A_26] : memref<2048x128xf32, #tpu.memory_space<vmem>>, vector<2048x128xf32>
    tpu.vector_store %arg6[%swap3A, %swap3A_26], %mul3A_25 {strides = array<i32>} : memref<2048x128xf32, #tpu.memory_space<vmem>>, vector<2048x128xf32>,
    %mul3A_28 = vector.broadcast %broadcast_in_dim3A : vector<2048x1xf32> to vector<2048x128xf32>
    %mul3A_29 = arith.mulf %mul3A_28, %mul3A_25 : vector<2048x128xf32>
    %add3A_30 = arith.addf %sub3A_23, %mul3A_29 : vector<2048x128xf32>
    %get3A_31 = arith.constant 0 : index
    %get3A_32 = arith.constant 0 : index
    %get3A_33 = vector.load %arg5[%get3A_31, %get3A_32] : memref<1x128xf32, #tpu.memory_space<vmem>>, vector<1x128xf32>
    %add3A_34 = vector.broadcast %get3A_33 : vector<1x128xf32> to vector<2048x128xf32>
    %add3A_35 = arith.addf %add3A_30, %add3A_34 : vector<2048x128xf32>
    %swap3A_36 = arith.constant 0 : index
    %swap3A_37 = arith.constant 0 : index
    %swap3A_38 = vector.load %arg7[%swap3A_36, %swap3A_37] : memref<2048x128xf32, #tpu.memory_space<vmem>>, vector<2048x128xf32>
    tpu.vector_store %arg7[%swap3A_36, %swap3A_37], %add3A_35 {strides = array<i32>} : memref<2048x128xf32, #tpu.memory_space<vmem>>, vector<2048x128xf32>,
    return
  }
  func.func @transform_0(%arg0: i32) -> (i32, i32) {
    %c0_i32 = arith.constant 0 : i32
    %c0_i32_0 = arith.constant 0 : i32
    return %arg0, %c0_i32 : i32, i32
  }
  func.func @transform_1(%arg0: i32) -> (i32, i32) {
    %c0_i32 = arith.constant 0 : i32
    %c0_i32_0 = arith.constant 0 : i32
    return %c0_i32, %arg0 : i32, i32
  }
  func.func @transform_2(%arg0: i32) -> (i32, i32) {
    %c0_i32 = arith.constant 0 : i32
    %c0_i32_0 = arith.constant 0 : i32
    %c0_i32_1 = arith.constant 0 : i32
    return %c0_i32, %c0_i32_0 : i32, i32
  }
  func.func @transform_3(%arg0: i32) -> (i32, i32) {
    %c0_i32 = arith.constant 0 : i32
    %c0_i32_0 = arith.constant 0 : i32
    %c0_i32_1 = arith.constant 0 : i32
    return %c0_i32, %c0_i32_0 : i32, i32
  }
  func.func @transform_4(%arg0: i32) -> (i32, i32) {
    %c0_i32 = arith.constant 0 : i32
    %c0_i32_0 = arith.constant 0 : i32
    %c0_i32_1 = arith.constant 0 : i32
    return %c0_i32, %c0_i32_0 : i32, i32
  }
  func.func @transform_5(%arg0: i32) -> (i32, i32) {
    %c0_i32 = arith.constant 0 : i32
    %c0_i32_0 = arith.constant 0 : i32
    return %arg0, %c0_i32 : i32, i32
  }
  func.func @transform_6(%arg0: i32) -> (i32, i32) {
    %c0_i32 = arith.constant 0 : i32
    %c0_i32_0 = arith.constant 0 : i32
    return %arg0, %c0_i32 : i32, i32
  }
}

module attributes {stable_mosaic.version = 14 : i64} {
  func.func @_tc2_body(%arg0: i32, %arg1: memref<2048x128xf32, #tpu.memory_space<vmem>>, %arg2: memref<2048x128xf32, #tpu.memory_space<vmem>>, %arg3: memref<2x2048x128xf32, #tpu.memory_space<vmem>>, %arg4: memref<2x2048xf32, #tpu.memory_space<vmem>>, %arg5: memref<128x128xf32, #tpu.memory_space<vmem>>, %arg6: memref<128x128xf32, #tpu.memory_space<vmem>>, %arg7: memref<1x128xf32, #tpu.memory_space<vmem>>, %arg8: memref<2048x128xf32, #tpu.memory_space<vmem>>, %arg9: memref<2048x128xf32, #tpu.memory_space<vmem>>, %arg10: memref<2048x128xf32, #tpu.memory_space<vmem>>) attributes {dimension_semantics = [#tpu.dimension_semantics<arbitrary>], iteration_bounds = array<i64: 5>, scalar_prefetch = 0 : i64, scratch_operands = 0 : i64, tpu.core_type = #tpu.core_type<tc>, window_params = [{transform_indices = @transform_0, window_bounds = array<i64: 2048, 128>}, {transform_indices = @transform_1, window_bounds = array<i64: 2048, 128>}, {transform_indices = @transform_2, window_bounds = array<i64: 2, 2048, 128>}, {transform_indices = @transform_3, window_bounds = array<i64: 2, 2048>}, {pipeline_mode = #tpu.pipeline_mode<synchronous>, transform_indices = @transform_4, window_bounds = array<i64: 128, 128>}, {pipeline_mode = #tpu.pipeline_mode<synchronous>, transform_indices = @transform_5, window_bounds = array<i64: 128, 128>}, {pipeline_mode = #tpu.pipeline_mode<synchronous>, transform_indices = @transform_6, window_bounds = array<i64: 1, 128>}, {transform_indices = @transform_7, window_bounds = array<i64: 2048, 128>}, {transform_indices = @transform_8, window_bounds = array<i64: 2048, 128>}, {transform_indices = @transform_9, window_bounds = array<i64: 2048, 128>}]} {
    %get3A = arith.constant 0 : index
    %get3A_0 = arith.constant 0 : index
    %get3A_1 = vector.load %arg1[%get3A, %get3A_0] : memref<2048x128xf32, #tpu.memory_space<vmem>>, vector<2048x128xf32>
    %get3A_2 = arith.constant 0 : index
    %get3A_3 = arith.constant 0 : index
    %get3A_4 = vector.load %arg6[%get3A_2, %get3A_3] : memref<128x128xf32, #tpu.memory_space<vmem>>, vector<128x128xf32>
    %get3A_5 = arith.constant 0 : index
    %get3A_6 = arith.constant 0 : index
    %get3A_7 = vector.load %arg4[%get3A_5, %get3A_6] : memref<2x2048xf32, #tpu.memory_space<vmem>>, vector<2x2048xf32>
    %slice3A = vector.extract_strided_slice %get3A_7 {offsets = [0, 0], sizes = [1, 2048], strides = [1, 1]} : vector<2x2048xf32> to vector<1x2048xf32>
    %squeeze3A = vector.shape_cast %slice3A : vector<1x2048xf32> to vector<2048xf32>
    %slice3A_8 = vector.extract_strided_slice %get3A_7 {offsets = [1, 0], sizes = [1, 2048], strides = [1, 1]} : vector<2x2048xf32> to vector<1x2048xf32>
    %squeeze3A_9 = vector.shape_cast %slice3A_8 : vector<1x2048xf32> to vector<2048xf32>
    %add3A = arith.addf %squeeze3A, %squeeze3A_9 : vector<2048xf32>
    %add3A_10 = arith.constant 1.000000e+00 : f32
    %add3A_11 = vector.broadcast %add3A_10 : f32 to vector<2048xf32>
    %add3A_12 = arith.addf %add3A, %add3A_11 : vector<2048xf32>
    %rsqrt3A = math.rsqrt %add3A_12 : vector<2048xf32>
    %broadcast_in_dim3A = vector.shape_cast %rsqrt3A : vector<2048xf32> to vector<2048x1xf32>
    %get3A_13 = arith.constant 0 : index
    %get3A_14 = arith.constant 0 : index
    %get3A_15 = arith.constant 0 : index
    %get3A_16 = vector.load %arg3[%get3A_13, %get3A_14, %get3A_15] : memref<2x2048x128xf32, #tpu.memory_space<vmem>>, vector<1x2048x128xf32>
    %get3A_17 = vector.shape_cast %get3A_16 : vector<1x2048x128xf32> to vector<2048x128xf32>
    %get3A_18 = arith.constant 1 : index
    %get3A_19 = arith.constant 0 : index
    %get3A_20 = arith.constant 0 : index
    %get3A_21 = vector.load %arg3[%get3A_18, %get3A_19, %get3A_20] : memref<2x2048x128xf32, #tpu.memory_space<vmem>>, vector<1x2048x128xf32>
    %get3A_22 = vector.shape_cast %get3A_21 : vector<1x2048x128xf32> to vector<2048x128xf32>
    %add3A_23 = arith.addf %get3A_17, %get3A_22 : vector<2048x128xf32>
    %get3A_24 = arith.constant 0 : index
    %get3A_25 = arith.constant 0 : index
    %get3A_26 = vector.load %arg2[%get3A_24, %get3A_25] : memref<2048x128xf32, #tpu.memory_space<vmem>>, vector<2048x128xf32>
    %mul3A = vector.broadcast %broadcast_in_dim3A : vector<2048x1xf32> to vector<2048x128xf32>
    %mul3A_27 = arith.mulf %mul3A, %add3A_23 : vector<2048x128xf32>
    %add3A_28 = arith.addf %get3A_26, %mul3A_27 : vector<2048x128xf32>
    %tanh3A = math.tanh %add3A_28 : vector<2048x128xf32>
    %mul3A_29 = arith.constant 1.000000e-01 : f32
    %mul3A_30 = vector.broadcast %mul3A_29 : f32 to vector<2048x128xf32>
    %mul3A_31 = arith.mulf %mul3A_30, %tanh3A : vector<2048x128xf32>
    %add3A_32 = arith.addf %get3A_1, %mul3A_31 : vector<2048x128xf32>
    %ge3A = arith.constant 0.000000e+00 : f32
    %ge3A_33 = vector.broadcast %ge3A : f32 to vector<2048x128xf32>
    %ge3A_34 = arith.cmpf oge, %add3A_32, %ge3A_33 : vector<2048x128xf32>
    %mul3A_35 = arith.constant 0.00999999977 : f32
    %mul3A_36 = vector.broadcast %mul3A_35 : f32 to vector<2048x128xf32>
    %mul3A_37 = arith.mulf %mul3A_36, %add3A_32 : vector<2048x128xf32>
    %select_n3A = arith.select %ge3A_34, %add3A_32, %mul3A_37 : vector<2048x128xi1>, vector<2048x128xf32>
    %add3A_38 = arith.addf %get3A_1, %select_n3A : vector<2048x128xf32>
    %get3A_39 = arith.constant 0 : index
    %get3A_40 = arith.constant 0 : index
    %get3A_41 = vector.load %arg5[%get3A_39, %get3A_40] : memref<128x128xf32, #tpu.memory_space<vmem>>, vector<128x128xf32>
    %dot_general3A = arith.constant dense<0.000000e+00> : vector<2048x128xf32>
    %dot_general3A_42 = tpu.matmul %add3A_38, %get3A_41, %dot_general3A {dimension_numbers = #tpu.dot_dimension_numbers<[1], [0], [0], [1], [0, 0, 1, 1], [], []>, transpose_lhs_hint = false} : vector<2048x128xf32>, vector<128x128xf32>, vector<2048x128xf32> -> vector<2048x128xf32>
    %transpose3A = tpu.transpose %get3A_4, [1, 0] : vector<128x128xf32> -> vector<128x128xf32>
    %dot_general3A_43 = arith.constant dense<0.000000e+00> : vector<2048x128xf32>
    %dot_general3A_44 = tpu.matmul %add3A_38, %transpose3A, %dot_general3A_43 {dimension_numbers = #tpu.dot_dimension_numbers<[1], [0], [0], [1], [0, 0, 1, 1], [], []>, transpose_lhs_hint = false} : vector<2048x128xf32>, vector<128x128xf32>, vector<2048x128xf32> -> vector<2048x128xf32>
    %dot_general3A_45 = arith.constant dense<0.000000e+00> : vector<2048x128xf32>
    %dot_general3A_46 = tpu.matmul %add3A_38, %get3A_4, %dot_general3A_45 {dimension_numbers = #tpu.dot_dimension_numbers<[1], [0], [0], [1], [0, 0, 1, 1], [], []>, transpose_lhs_hint = false} : vector<2048x128xf32>, vector<128x128xf32>, vector<2048x128xf32> -> vector<2048x128xf32>
    %sub3A = arith.subf %dot_general3A_44, %dot_general3A_46 : vector<2048x128xf32>
    %mul3A_47 = arith.constant 1.000000e-01 : f32
    %mul3A_48 = vector.broadcast %mul3A_47 : f32 to vector<2048x128xf32>
    %mul3A_49 = arith.mulf %mul3A_48, %add3A_38 : vector<2048x128xf32>
    %sub3A_50 = arith.subf %sub3A, %mul3A_49 : vector<2048x128xf32>
    %mul3A_51 = vector.broadcast %broadcast_in_dim3A : vector<2048x1xf32> to vector<2048x128xf32>
    %mul3A_52 = arith.mulf %mul3A_51, %dot_general3A_42 : vector<2048x128xf32>
    %swap3A = arith.constant 0 : index
    %swap3A_53 = arith.constant 0 : index
    %swap3A_54 = vector.load %arg8[%swap3A, %swap3A_53] : memref<2048x128xf32, #tpu.memory_space<vmem>>, vector<2048x128xf32>
    tpu.vector_store %arg8[%swap3A, %swap3A_53], %add3A_38 {strides = array<i32>} : memref<2048x128xf32, #tpu.memory_space<vmem>>, vector<2048x128xf32>,
    %swap3A_55 = arith.constant 0 : index
    %swap3A_56 = arith.constant 0 : index
    %swap3A_57 = vector.load %arg9[%swap3A_55, %swap3A_56] : memref<2048x128xf32, #tpu.memory_space<vmem>>, vector<2048x128xf32>
    tpu.vector_store %arg9[%swap3A_55, %swap3A_56], %mul3A_52 {strides = array<i32>} : memref<2048x128xf32, #tpu.memory_space<vmem>>, vector<2048x128xf32>,
    %mul3A_58 = vector.broadcast %broadcast_in_dim3A : vector<2048x1xf32> to vector<2048x128xf32>
    %mul3A_59 = arith.mulf %mul3A_58, %mul3A_52 : vector<2048x128xf32>
    %add3A_60 = arith.addf %sub3A_50, %mul3A_59 : vector<2048x128xf32>
    %get3A_61 = arith.constant 0 : index
    %get3A_62 = arith.constant 0 : index
    %get3A_63 = vector.load %arg7[%get3A_61, %get3A_62] : memref<1x128xf32, #tpu.memory_space<vmem>>, vector<1x128xf32>
    %add3A_64 = vector.broadcast %get3A_63 : vector<1x128xf32> to vector<2048x128xf32>
    %add3A_65 = arith.addf %add3A_60, %add3A_64 : vector<2048x128xf32>
    %swap3A_66 = arith.constant 0 : index
    %swap3A_67 = arith.constant 0 : index
    %swap3A_68 = vector.load %arg10[%swap3A_66, %swap3A_67] : memref<2048x128xf32, #tpu.memory_space<vmem>>, vector<2048x128xf32>
    tpu.vector_store %arg10[%swap3A_66, %swap3A_67], %add3A_65 {strides = array<i32>} : memref<2048x128xf32, #tpu.memory_space<vmem>>, vector<2048x128xf32>,
    return
  }
  func.func @transform_0(%arg0: i32) -> (i32, i32) {
    %c0_i32 = arith.constant 0 : i32
    %c0_i32_0 = arith.constant 0 : i32
    return %arg0, %c0_i32 : i32, i32
  }
  func.func @transform_1(%arg0: i32) -> (i32, i32) {
    %c0_i32 = arith.constant 0 : i32
    %c0_i32_0 = arith.constant 0 : i32
    return %arg0, %c0_i32 : i32, i32
  }
  func.func @transform_2(%arg0: i32) -> (i32, i32, i32) {
    %c0_i32 = arith.constant 0 : i32
    %c0_i32_0 = arith.constant 0 : i32
    %c0_i32_1 = arith.constant 0 : i32
    return %c0_i32, %arg0, %c0_i32_0 : i32, i32, i32
  }
  func.func @transform_3(%arg0: i32) -> (i32, i32) {
    %c0_i32 = arith.constant 0 : i32
    %c0_i32_0 = arith.constant 0 : i32
    return %c0_i32, %arg0 : i32, i32
  }
  func.func @transform_4(%arg0: i32) -> (i32, i32) {
    %c0_i32 = arith.constant 0 : i32
    %c0_i32_0 = arith.constant 0 : i32
    %c0_i32_1 = arith.constant 0 : i32
    return %c0_i32, %c0_i32_0 : i32, i32
  }
  func.func @transform_5(%arg0: i32) -> (i32, i32) {
    %c0_i32 = arith.constant 0 : i32
    %c0_i32_0 = arith.constant 0 : i32
    %c0_i32_1 = arith.constant 0 : i32
    return %c0_i32, %c0_i32_0 : i32, i32
  }
  func.func @transform_6(%arg0: i32) -> (i32, i32) {
    %c0_i32 = arith.constant 0 : i32
    %c0_i32_0 = arith.constant 0 : i32
    %c0_i32_1 = arith.constant 0 : i32
    return %c0_i32, %c0_i32_0 : i32, i32
  }
  func.func @transform_7(%arg0: i32) -> (i32, i32) {
    %c0_i32 = arith.constant 0 : i32
    %c0_i32_0 = arith.constant 0 : i32
    return %arg0, %c0_i32 : i32, i32
  }
  func.func @transform_8(%arg0: i32) -> (i32, i32) {
    %c0_i32 = arith.constant 0 : i32
    %c0_i32_0 = arith.constant 0 : i32
    return %arg0, %c0_i32 : i32, i32
  }
  func.func @transform_9(%arg0: i32) -> (i32, i32) {
    %c0_i32 = arith.constant 0 : i32
    %c0_i32_0 = arith.constant 0 : i32
    return %arg0, %c0_i32 : i32, i32
  }
}

module attributes {stable_mosaic.version = 14 : i64} {
  func.func @_tc3_body(%arg0: i32, %arg1: memref<2048x128xf32, #tpu.memory_space<vmem>>, %arg2: memref<2048x128xf32, #tpu.memory_space<vmem>>, %arg3: memref<2x2048x128xf32, #tpu.memory_space<vmem>>, %arg4: memref<2x2048xf32, #tpu.memory_space<vmem>>, %arg5: memref<2048x128xf32, #tpu.memory_space<vmem>>) attributes {dimension_semantics = [#tpu.dimension_semantics<arbitrary>], iteration_bounds = array<i64: 5>, scalar_prefetch = 0 : i64, scratch_operands = 0 : i64, tpu.core_type = #tpu.core_type<tc>, window_params = [{transform_indices = @transform_0, window_bounds = array<i64: 2048, 128>}, {transform_indices = @transform_1, window_bounds = array<i64: 2048, 128>}, {transform_indices = @transform_2, window_bounds = array<i64: 2, 2048, 128>}, {transform_indices = @transform_3, window_bounds = array<i64: 2, 2048>}, {transform_indices = @transform_4, window_bounds = array<i64: 2048, 128>}]} {
    %get3A = arith.constant 0 : index
    %get3A_0 = arith.constant 0 : index
    %get3A_1 = vector.load %arg4[%get3A, %get3A_0] : memref<2x2048xf32, #tpu.memory_space<vmem>>, vector<2x2048xf32>
    %slice3A = vector.extract_strided_slice %get3A_1 {offsets = [0, 0], sizes = [1, 2048], strides = [1, 1]} : vector<2x2048xf32> to vector<1x2048xf32>
    %squeeze3A = vector.shape_cast %slice3A : vector<1x2048xf32> to vector<2048xf32>
    %slice3A_2 = vector.extract_strided_slice %get3A_1 {offsets = [1, 0], sizes = [1, 2048], strides = [1, 1]} : vector<2x2048xf32> to vector<1x2048xf32>
    %squeeze3A_3 = vector.shape_cast %slice3A_2 : vector<1x2048xf32> to vector<2048xf32>
    %add3A = arith.addf %squeeze3A, %squeeze3A_3 : vector<2048xf32>
    %add3A_4 = arith.constant 1.000000e+00 : f32
    %add3A_5 = vector.broadcast %add3A_4 : f32 to vector<2048xf32>
    %add3A_6 = arith.addf %add3A, %add3A_5 : vector<2048xf32>
    %rsqrt3A = math.rsqrt %add3A_6 : vector<2048xf32>
    %broadcast_in_dim3A = vector.shape_cast %rsqrt3A : vector<2048xf32> to vector<2048x1xf32>
    %get3A_7 = arith.constant 0 : index
    %get3A_8 = arith.constant 0 : index
    %get3A_9 = arith.constant 0 : index
    %get3A_10 = vector.load %arg3[%get3A_7, %get3A_8, %get3A_9] : memref<2x2048x128xf32, #tpu.memory_space<vmem>>, vector<1x2048x128xf32>
    %get3A_11 = vector.shape_cast %get3A_10 : vector<1x2048x128xf32> to vector<2048x128xf32>
    %get3A_12 = arith.constant 1 : index
    %get3A_13 = arith.constant 0 : index
    %get3A_14 = arith.constant 0 : index
    %get3A_15 = vector.load %arg3[%get3A_12, %get3A_13, %get3A_14] : memref<2x2048x128xf32, #tpu.memory_space<vmem>>, vector<1x2048x128xf32>
    %get3A_16 = vector.shape_cast %get3A_15 : vector<1x2048x128xf32> to vector<2048x128xf32>
    %add3A_17 = arith.addf %get3A_11, %get3A_16 : vector<2048x128xf32>
    %get3A_18 = arith.constant 0 : index
    %get3A_19 = arith.constant 0 : index
    %get3A_20 = vector.load %arg1[%get3A_18, %get3A_19] : memref<2048x128xf32, #tpu.memory_space<vmem>>, vector<2048x128xf32>
    %get3A_21 = arith.constant 0 : index
    %get3A_22 = arith.constant 0 : index
    %get3A_23 = vector.load %arg2[%get3A_21, %get3A_22] : memref<2048x128xf32, #tpu.memory_space<vmem>>, vector<2048x128xf32>
    %mul3A = vector.broadcast %broadcast_in_dim3A : vector<2048x1xf32> to vector<2048x128xf32>
    %mul3A_24 = arith.mulf %mul3A, %add3A_17 : vector<2048x128xf32>
    %add3A_25 = arith.addf %get3A_23, %mul3A_24 : vector<2048x128xf32>
    %tanh3A = math.tanh %add3A_25 : vector<2048x128xf32>
    %mul3A_26 = arith.constant 1.000000e-01 : f32
    %mul3A_27 = vector.broadcast %mul3A_26 : f32 to vector<2048x128xf32>
    %mul3A_28 = arith.mulf %mul3A_27, %tanh3A : vector<2048x128xf32>
    %add3A_29 = arith.addf %get3A_20, %mul3A_28 : vector<2048x128xf32>
    %reduce_max3A = arith.constant dense<0xFF800000> : vector<2048xf32>
    %reduce_max3A_30 = vector.multi_reduction <maximumf>, %add3A_29, %reduce_max3A [1] : vector<2048x128xf32> to vector<2048xf32>
    %broadcast_in_dim3A_31 = vector.shape_cast %reduce_max3A_30 : vector<2048xf32> to vector<2048x1xf32>
    %sub3A = vector.broadcast %broadcast_in_dim3A_31 : vector<2048x1xf32> to vector<2048x128xf32>
    %sub3A_32 = arith.subf %add3A_29, %sub3A : vector<2048x128xf32>
    %exp3A = math.exp %sub3A_32 : vector<2048x128xf32>
    %reduce_sum3A = arith.constant dense<0.000000e+00> : vector<2048xf32>
    %reduce_sum3A_33 = vector.multi_reduction <add>, %exp3A, %reduce_sum3A [1] : vector<2048x128xf32> to vector<2048xf32>
    %broadcast_in_dim3A_34 = vector.shape_cast %reduce_sum3A_33 : vector<2048xf32> to vector<2048x1xf32>
    %div3A = vector.broadcast %broadcast_in_dim3A_34 : vector<2048x1xf32> to vector<2048x128xf32>
    %div3A_35 = arith.divf %exp3A, %div3A : vector<2048x128xf32>
    %swap3A = arith.constant 0 : index
    %swap3A_36 = arith.constant 0 : index
    %swap3A_37 = vector.load %arg5[%swap3A, %swap3A_36] : memref<2048x128xf32, #tpu.memory_space<vmem>>, vector<2048x128xf32>
    tpu.vector_store %arg5[%swap3A, %swap3A_36], %div3A_35 {strides = array<i32>} : memref<2048x128xf32, #tpu.memory_space<vmem>>, vector<2048x128xf32>,
    return
  }
  func.func @transform_0(%arg0: i32) -> (i32, i32) {
    %c0_i32 = arith.constant 0 : i32
    %c0_i32_0 = arith.constant 0 : i32
    return %arg0, %c0_i32 : i32, i32
  }
  func.func @transform_1(%arg0: i32) -> (i32, i32) {
    %c0_i32 = arith.constant 0 : i32
    %c0_i32_0 = arith.constant 0 : i32
    return %arg0, %c0_i32 : i32, i32
  }
  func.func @transform_2(%arg0: i32) -> (i32, i32, i32) {
    %c0_i32 = arith.constant 0 : i32
    %c0_i32_0 = arith.constant 0 : i32
    %c0_i32_1 = arith.constant 0 : i32
    return %c0_i32, %arg0, %c0_i32_0 : i32, i32, i32
  }
  func.func @transform_3(%arg0: i32) -> (i32, i32) {
    %c0_i32 = arith.constant 0 : i32
    %c0_i32_0 = arith.constant 0 : i32
    return %c0_i32, %arg0 : i32, i32
  }
  func.func @transform_4(%arg0: i32) -> (i32, i32) {
    %c0_i32 = arith.constant 0 : i32
    %c0_i32_0 = arith.constant 0 : i32
    return %arg0, %c0_i32 : i32, i32
  }
}

</mosaic_0001>

<sc_bundles>
// kernel: kernel.11.cloned.1.call-start
scs
__scs_entry_jumppad:
0x0: {  	(pc) =	sbr.rel $0x88, $3  }
0x1: {  	(tag) =	ssettag $0x0;
	lr =	simm.s32 $0x1  }
0x2: {  	[smem:$0x3F99] =	sst lr;
	_ =	strace $0xD0000000  }
0x3: {  	_ = 	snop  }
0x4: {  	_ = 	snop  }
0x5: {  	_ = 	snop  }
0x6: {  	_ = 	snop  }
0x7: {  	_ = 	snop  }
__scs_overlays_trampoline_lowered:
0x8: {  	[smem:$0x3FA8] =	sst s0  }
0x9: {  	[smem:$0x3FA9] =	sst s1  }
0xa: {  	[smem:$0x3FAA] =	sst s2  }
0xb: {  	[smem:$0x3FAB] =	sst s3  }
0xc: {  	[smem:$0x3FAC] =	sst s4  }
0xd: {  	[smem:$0x3FAD] =	sst s5  }
0xe: {  	[smem:$0x3FAE] =	sst s6  }
0xf: {  	[smem:$0x3FAF] =	sst s7  }
0x10: {  	[smem:$0x3FB0] =	sst s8  }
0x11: {  	[smem:$0x3FB1] =	sst s9;
	s0 =	simm.s32 @!p0 $0x0  }
0x12: {  	s1 =	sld [smem:$0x3F97];
	s0 =	simm.s32 @p0 $0x1  }
0x13: {  	[smem:$0x3FB2] =	sst s0;
	s0 =	simm.s32 @!p1 $0x0  }
0x14: {  	s2 =	sld [smem:$0x3F96];
	s0 =	simm.s32 @p1 $0x1  }
0x15: {  	[smem:$0x3FB3] =	sst s0;
	s0 =	simm.s32 @!p2 $0x0  }
0x16: {  	s3 =	sld [smem:$0x3FDB];
	s0 =	simm.s32 @p2 $0x1  }
0x17: {  	s4 =	simm.s32 $0x1BF5;
	[smem:$0x3FB5] =	sst s0  }
0x18: {  	s0 =	sld [smem:$0x3F98];
	_ =	swait.ge [sflag:s4], $0x0  }
0x19: {  	s7 =	sld [smem:$0x3F99]  }
0x1a: {  	s8 =	sadd.s32 $0xFFFFE003, lr  }
0x1b: {  	s9 =	sadd.s32 $0xFFFFFEF7, lr;
	s5 =	simm.s32 $0xFFFFFFFF;
	p2 =	slt.u32 s8, $0xFFFFF086  }
0x1c: {  	p1 =	slt.u32 s9, $0xF7A;
	s5 =	simm.s32 @!p2 $0x0  }
0x1d: {  	s5 =	simm.s32 @p1 $0x1;
	p0 =	seq.s32 s7, s2  }
0x1e: {  	s7 =	smul.u32 @!p0 $0xF7A, s2;
	p2 =	seq.s32 @!p0 s5, $0x0  }
0x1f: {  	s9 =	smul.u32 $0xF7A, s1;
	s8 =	simm.s32 @!p0 $0x1BF5;
	p2 =	por !p2, p0  }
0x20: {  	[sflag:s8] =	ssyncset.s32 @!p0 $0xFFFFF086;
	s6 =	sadd.s32 @!p0 s3, s7;
	s7 =	simm.s32 @!p0 $0x108  }
0x21: {  	s3 =	sadd.s32 s3, s9;
	s6 =	sadd.s32 @!p0 $0x88, s6;
	s7 =	simm.s32 @p2 $0x1082  }
0x22: {  	[simem:s7], [sflag:s8] =	dma.local @!p0 [hbm:s6], $0xF7A  }
0x23: {  	s9 =	sor.u32 $0xD0000000, s2;
	s6 =	simm.s32 $0x108;
	_ =	swait.ge @!p0 [sflag:s8], $0x0  }
0x24: {  	s3 =	sadd.s32 $0x88, s3;
	s6 =	simm.s32 @!p1 $0x1082;
	[sflag:s4] =	ssyncset.s32 $0xFFFFF086  }
0x25: {  	[simem:s6], [sflag:s4] =	dma.local [hbm:s3], $0xF7A  }
0x26: {  	[smem:$0x3F99] =	sst s1;
	(tag) =	ssettag s2;
	_ =	strace s9  }
0x27: {  	s1 =	sld [smem:$0x3FA9]  }
0x28: {  	s2 =	sld [smem:$0x3FAA]  }
0x29: {  	s4 =	sld [smem:$0x3FAC]  }
0x2a: {  	p0 =	seq.s32 s5, $0x0;
	s5 =	sld [smem:$0x3FAD]  }
0x2b: {  	s6 =	sld [smem:$0x3FAE]  }
0x2c: {  	s7 =	sld [smem:$0x3FAF]  }
0x2d: {  	s3 =	simm.s32 $0x108;
	s8 =	sld [smem:$0x3FB0]  }
0x2e: {  	s3 =	simm.s32 @!p0 $0x1082;
	s9 =	sld [smem:$0x3FB1]  }
0x2f: {  	lr =	sadd.s32 s0, s3;
	s0 =	sld [smem:$0x3FA8]  }
0x30: {  	s3 =	sld [smem:$0x3FAB]  }
0x31: {  	[smem:$0x3FB4] =	sst s10  }
0x32: {  	s10 =	sld [smem:$0x3FB2];
	_ =	sdelay $0x3  }
0x33: {  	p0 =	seq.s32 s10, $0x1;
	s10 =	sld [smem:$0x3FB4];
	_ =	sdelay $0x3  }
0x34: {  	[smem:$0x3FB4] =	sst s10  }
0x35: {  	s10 =	sld [smem:$0x3FB3];
	_ =	sdelay $0x3  }
0x36: {  	p1 =	seq.s32 s10, $0x1;
	s10 =	sld [smem:$0x3FB4];
	_ =	sdelay $0x3  }
0x37: {  	[smem:$0x3FB4] =	sst s10  }
0x38: {  	s10 =	sld [smem:$0x3FB5]  }
0x39: {  	_ = 	snop;
	(pc) =	sbr.ind lr, $3  }
0x3a: {  	_ = 	snop  }
0x3b: {  	_ = 	snop  }
0x3c: {  	p2 =	seq.s32 s10, $0x1;
	s10 =	sld [smem:$0x3FB4]  }
0x3d: {  	_ =	shalt  }
0x3e: {  	_ =	shalt  }
0x3f: {  	_ =	shalt  }
0x40: {  	_ =	shalt  }
0x41: {  	_ =	shalt  }
0x42: {  	_ =	shalt  }
0x43: {  	_ =	shalt  }
0x44: {  	_ =	shalt  }
0x45: {  	_ =	shalt  }
0x46: {  	_ =	shalt  }
0x47: {  	_ =	shalt  }
0x48: {  	_ =	shalt  }
0x49: {  	_ =	shalt  }
0x4a: {  	_ =	shalt  }
0x4b: {  	_ =	shalt  }
0x4c: {  	_ =	shalt  }
0x4d: {  	_ =	shalt  }
0x4e: {  	_ =	shalt  }
0x4f: {  	_ =	shalt  }
0x50: {  	_ =	shalt  }
0x51: {  	_ =	shalt  }
0x52: {  	_ =	shalt  }
0x53: {  	_ =	shalt  }
0x54: {  	_ =	shalt  }
0x55: {  	_ =	shalt  }
0x56: {  	_ =	shalt  }
0x57: {  	_ =	shalt  }
0x58: {  	_ =	shalt  }
0x59: {  	_ =	shalt  }
0x5a: {  	_ =	shalt  }
0x5b: {  	_ =	shalt  }
0x5c: {  	_ =	shalt  }
0x5d: {  	_ =	shalt  }
0x5e: {  	_ =	shalt  }
0x5f: {  	_ =	shalt  }
0x60: {  	_ =	shalt  }
0x61: {  	_ =	shalt  }
0x62: {  	_ =	shalt  }
0x63: {  	_ =	shalt  }
0x64: {  	_ =	shalt  }
0x65: {  	_ =	shalt  }
0x66: {  	_ =	shalt  }
0x67: {  	_ =	shalt  }
0x68: {  	_ =	shalt  }
0x69: {  	_ =	shalt  }
0x6a: {  	_ =	shalt  }
0x6b: {  	_ =	shalt  }
0x6c: {  	_ =	shalt  }
0x6d: {  	_ =	shalt  }
0x6e: {  	_ =	shalt  }
0x6f: {  	_ =	shalt  }
0x70: {  	_ =	shalt  }
0x71: {  	_ =	shalt  }
0x72: {  	_ =	shalt  }
0x73: {  	_ =	shalt  }
0x74: {  	_ =	shalt  }
0x75: {  	_ =	shalt  }
0x76: {  	_ =	shalt  }
0x77: {  	_ =	shalt  }
0x78: {  	_ =	shalt  }
0x79: {  	_ =	shalt  }
0x7a: {  	_ =	shalt  }
0x7b: {  	_ =	shalt  }
0x7c: {  	_ =	shalt  }
0x7d: {  	_ =	shalt  }
0x7e: {  	_ =	shalt  }
0x7f: {  	_ =	shalt  }
0x80: {  	_ =	shalt  }
0x81: {  	_ =	shalt  }
0x82: {  	_ =	shalt  }
0x83: {  	_ =	shalt  }
0x84: {  	_ =	shalt  }
0x85: {  	_ =	shalt  }
0x86: {  	_ =	shalt  }
0x87: {  	_ =	shalt  }
.Lfunc_end0:
.L_simem_size_0:
called_computation.1_lowered:
.L_overlay_start_0:
0x88: {  	s2 =	sld [smem:$0x3FD9]  }
0x89: {  	s3 =	sld [smem:$0x3FFE];
	_ =	sdelay $0x1  }
0x8a: {  	s1 =	srdreg.scid  }
0x8b: {  	s0 =	sand.u32 $0x1, s1  }
0x8c: {  	s17 =	sshll.u32 s0, $0xA;
	s2 =	sadd.s32 s3, s2  }
0x8d: {  	s2 =	sadd.s32 s2, s17  }
0x8e: {  	[smem:$0x3FC0] =	sst s2  }
0x8f: {  	_ = 	snop  }
0x90: {  	s2 =	sld [smem:$0x3FD0];
	(tm) =	ssettm $0x1  }
0x91: {  	s18 =	sld [smem:$0x3FFB];
	_ =	sdelay $0x3  }
0x92: {  	_ =	strace s18  }
0x93: {  	s3 =	sld [smem:$0x3FFC];
	_ =	sdelay $0x3  }
0x94: {  	_ =	strace s3  }
0x95: {  	s3 =	sld [smem:$0x3FFD];
	_ =	sdelay $0x3  }
0x96: {  	_ =	strace s3  }
0x97: {  	_ =	strace $0x8FFFFFFF  }
0x98: {  	s19 =	sld [smem:$0x3FDB];
	_ =	sdelay $0x1  }
0x99: {  	s4 =	simm.s32 $_scs_section_size  }
0x9a: {  	s5 =	simm.s32 $_size__tile_overlayer_lowered;
	s6 =	simm.s32 $_tile_overlayer_lowered  }
0x9b: {  	s22 =	simm.s32 $0x1BFF;
	s21 =	sshll.u32 s6, $0x1;
	s3 =	sadd.s32 s4, s19  }
0x9c: {  	s7 =	simm.s32 $0x0;
	s20 =	sshll.u32 s5, $0x1;
	s5 =	sadd.s32 s21, s3  }
0x9d: {  	[timem:s7], [sflag:s22] =	dma.local [hbm:s5], s20  }
0x9e: {  	_ =	swait.ge [sflag:s22], s20  }
0x9f: {  	s4 =	ssub.s32 $0x0, s20;
	[sflag:s22] =	ssyncset.done $0x0  }
0xa0: {  	[sflag:s22] =	ssyncadd.s32 s4;
	_ =	sdelay $0x1  }
0xa1: {  	s23 =	simm.s32 $0x1B8B  }
0xa2: {  	_ =	swait.ge [sflag:s23], $0x1  }
0xa3: {  	[sflag:s23] =	ssyncset.done $0x0  }
0xa4: {  	s25 =	simm.s32 $0x1B8E;
	s24 =	sld [smem:$0x3FFE];
	[sflag:s23] =	ssyncadd.s32 $0xFFFFFFFF  }
0xa5: {  	s26 =	simm.s32 $execute0_lowered;
	[smem:$0x3FD2] =	sst s25  }
0xa6: {  	s5 =	sshll.u32 s26, $0x1;
	_ =	strace $0x80000049;
	[dreg:$0x1] =	wrdreg $0xFFFFFFFF  }
0xa7: {  	s28 =	simm.s32 $_size_execute0_lowered;
	s3 =	sadd.s32 s3, s5;
	[dreg:$0x0] =	wrdreg $0x0  }
0xa8: {  	s5 =	sshll.u32 s28, $0x1;
	[dreg:$0x2] =	wrdreg s3  }
0xa9: {  	[dreg:$0x3] =	wrdreg s5  }
0xaa: {  	[dreg:$0x4] =	wrdreg $0xC0  }
0xab: {  	_ =	task [dreg:s7], $0x5FFFF  }
0xac: {  	[dreg:$0x1] =	wrdreg $0xFFFFFFFF  }
0xad: {  	[dreg:$0x0] =	wrdreg $0x60  }
0xae: {  	[dreg:$0x2] =	wrdreg s24  }
0xaf: {  	[dreg:$0x3] =	wrdreg s2  }
0xb0: {  	[dreg:$0x4] =	wrdreg $0x0  }
0xb1: {  	[dreg:$0x5] =	wrdreg $0x9  }
0xb2: {  	_ =	task.clear_ibuf [dreg:s7], $0x6FFFF;
	_ =	strace $0x90000049  }
0xb3: {  	s29 =	simm.s32 $0x9;
	_ =	strace $0x8000004B  }
0xb4: {  	_ =	swait.ge [sflag:s29], $0x1  }
0xb5: {  	[sflag:s29] =	ssyncadd.s32 $0xFFFFFFFF  }
0xb6: {  	_ =	strace $0x9000004B  }
0xb7: {  	_ =	sfence  }
0xb8: {  	s30 =	sld [smem:$0x0];
	_ =	sdelay $0x2  }
0xb9: {  	s31 =	sshll.u32 s1, $0xD;
	s1 =	sshrl.u32 s1, $0x2  }
0xba: {  	s3 =	sand.u32 $0x4000, s31;
	s1 =	sadd.s32 s1, s30  }
0xbb: {  	s0 =	sor.u32 s3, s0;
	s1 =	sshll.u32 s1, $0x11  }
0xbc: {  	s0 =	sor.u32 s1, s0  }
0xbd: {  	s0 =	sadd.s32 $0x8F2B, s0  }
0xbe: {  	[sflag:s0] =	ssyncadd.remote.s32 $0x1  }
0xbf: {  	_ =	sfence.sel $0xFFFF  }
0xc0: {  	[dreg:$0x0] =	wrdreg $0xFFFFFFFF;
	(pc) =	sbr.abs _section_cstart, $3  }
0xc1: {  	[dreg:$0x1] =	wrdreg $0xFFFFFFFF  }
0xc2: {  	_ =	task.clear_ibuf [dreg:s7], $0x2FFFF;
	_ =	strace $0x9FFFFFFF  }
0xc3: {  	(tm) =	ssettm $0x7FFFFFFF  }
tec
execute0_lowered:
.L_overlay_start_1:
0x0: {  	(tag) =	ssettag $0x1  }
0x1: {  	s0 =	rddreg [dreg:$0x0]  }
0x2: {  	s1 =	rddreg [dreg:$0x1]  }
0x3: {  	s2 =	rddreg [dreg:$0x2];
	s11 =	stileid.u32  }
0x4: {  	s3 =	srdreg.scid;
	s28 =	simm.s32 $0x0;
	s12 =	smul.u32 $0x4E000, s11  }
0x5: {  	s7 =	sand.u32 $0x1, s3;
	s4 =	sshll.u32 s11, $0x1;
	s22 =	smul.u32 $0x2700, s11  }
0x6: {  	s3 =	simm.s32 $0x0;
	p0 =	slt.u32 s11, $0x2;
	s26 =	smul.u32 $0x1380, s11  }
0x7: {  	p1 =	sne.s32 s11, $0xF;
	s5 =	smul.u32 $0x28000, s7;
	s6 =	sor.u32 s7, s4  }
0x8: {  	[smem:$0x7FF] =	sst s3;
	s9 =	ssub.s32 $0x2, s7;
	s7 =	smul.u32 $0x9C0, s7  }
0x9: {  	s4 =	sadd.s32 $0x2E00, s0;
	s8 =	smul.u32 $0x4E, s6;
	_ =	strace $0x8000004A  }
0xa: {  	s13 =	smin.u32 s6, $0x4;
	s16 =	sshrl.u32 s9, $0x1;
	s21 =	sshrl.u32 s12, $0x2  }
0xb: {  	s0 =	sadd.s32 s5, s0;
	s5 =	simm.s32 $0x4F;
	s12 =	sadd.s32 s21, s2  }
0xc: {  	s6 =	sadd.s32 s13, s8;
	s5 =	simm.s32 @!p0 $0x4E;
	s24 =	sadd.s32 $0x3400, s12  }
0xd: {  	s8 =	ssub.s32 s9, s16;
	s25 =	sadd.s32 $0x6800, s12;
	[dreg:$0xb] =	wrdreg s24  }
0xe: {  	s9 =	sadd.s32 $0x138000, s2;
	s29 =	sadd.s32 $0x9C00, s12;
	[dreg:$0xc] =	wrdreg s25  }
0xf: {  	s14 =	sadd.s32 $0x52E00, s0;
	s30 =	sadd.s32 $0xD000, s12;
	[dreg:$0xd] =	wrdreg s29  }
0x10: {  	s13 =	sshll.u32 s13, $0x5;
	s31 =	sadd.s32 $0x10400, s12;
	[dreg:$0xe] =	wrdreg s30  }
0x11: {  	s0 =	simm.s32 @!p1 $0x0;
	s18 =	sadd.s32 $0xFFFFFFFA, s5;
	[dreg:$0xf] =	wrdreg s31  }
0x12: {  	s6 =	sshll.u32 s6, $0x5;
	s19 =	sadd.s32 $0xFFFFFFF9, s5;
	[dreg:$0x4] =	wrdreg s18  }
0x13: {  	s20 =	sadd.s32 $0xFFFFFFF8, s5;
	s23 =	smax.u32 s8, $0x1;
	[dreg:$0x5] =	wrdreg s19  }
0x14: {  	s24 =	simm.s32 $0x13E80;
	s25 =	sadd.s32 s22, s14;
	[dreg:$0x6] =	wrdreg s20  }
0x15: {  	s0 =	simm.s32 @p1 $0x1;
	s6 =	sadd.s32 s1, s6;
	[dreg:$0xa] =	wrdreg s23  }
0x16: {  	s19 =	sadd.s32 s13, s1;
	s20 =	sadd.s32 s7, s26;
	[smem:$0x7FD] =	sst s0  }
0x17: {  	s26 =	simm.s32 $0xD;
	[dreg:$0x9] =	wrdreg s6;
	s10 =	sadd.s32 $0x40, s6  }
0x18: {  	s17 =	sadd.s32 $0x20, s6;
	[dreg:$0x8] =	wrdreg s10;
	s10 =	simm.s32 $0x51  }
0x19: {  	v0 =	vimm.f32 $0.0e+00;
	s6 =	smov.u32 s14;
	[dreg:$0x7] =	wrdreg s17;
	s10 =	simm.s32 @!p0 $0x50  }
.LBB2_1:
0x1a: {  	s0 =	rddreg [dreg:$0x9]  }
0x1b: {  	s1 =	simm.s32 $0x13880;
	s23 =	rddreg [dreg:$0x7]  }
0x1c: {  	[tilespmem:s1], [sflag:$0x1] =	stream.linear.gather [hbm4b:s0+s3], $0x100, $0x38;
	[tilespmem:$0x1FE80] =	vst v63  }
0x1d: {  	s29 =	simm.s32 $0x13980;
	s30 =	rddreg [dreg:$0x8]  }
0x1e: {  	[tilespmem:s29], [sflag:$0x2] =	stream.linear.gather [hbm4b:s23+s3], $0x100, $0x38;
	[tilespmem:$0x1FE80] =	vst v63  }
0x1f: {  	s31 =	simm.s32 $0x13A80;
	s0 =	simm.s32 $0x0;
	s1 =	simm.s32 $0x200  }
0x20: {  	[tilespmem:s31], [sflag:$0x3] =	stream.linear.gather [hbm4b:s30+s3], $0x100, $0x38;
	[tilespmem:$0x1FE80] =	vst v63  }
.LBB2_2:
0x21: {  	p0 =	sne.s32 s1, $0xFE00;
	[tilespmem:s0+$0x13EF0] =	vst v0  }
0x22: {  	[tilespmem:s0+$0x13E80] =	vst v0  }
0x23: {  	[tilespmem:s0+$0x13E90] =	vst v0  }
.Ltmp0:
0x24: {  	[tilespmem:s0+$0x13EA0] =	vst v0;
	(pc) =	sbr.rel @p0 .LBB2_2-.Ltmp0, $4  }
0x25: {  	[tilespmem:s0+$0x13EB0] =	vst v0  }
0x26: {  	[tilespmem:s0+$0x13EC0] =	vst v0  }
0x27: {  	[tilespmem:s0+$0x13ED0] =	vst v0  }
0x28: {  	[tilespmem:s0+$0x13EE0] =	vst v0;
	s0 =	sshra.s32 s1, $0x2;
	s1 =	sadd.s32 $0x200, s1  }
0x29: {  	[tilespmem:s0+$0x13EF0] =	vst v0  }
0x2a: {  	[tilespmem:s0+$0x13E80] =	vst v0  }
0x2b: {  	[tilespmem:s0+$0x13E90] =	vst v0  }
0x2c: {  	[tilespmem:s0+$0x13EA0] =	vst v0  }
0x2d: {  	[tilespmem:s0+$0x13EB0] =	vst v0  }
0x2e: {  	[tilespmem:s0+$0x13EC0] =	vst v0  }
0x2f: {  	[tilespmem:s0+$0x13ED0] =	vst v0  }
0x30: {  	[tilespmem:s0+$0x13EE0] =	vst v0  }
0x31: {  	[spmem:s12] =	stream.linear.scatter [tilespmem:s24], [sflag:$0xD], $0x3400, $0x38;
	[tilespmem:$0x1FE80] =	vst v63  }
0x32: {  	_ =	swait.ge [sflag:s26], $0x3400  }
0x33: {  	[sflag:s26] =	ssyncset.done $0x0  }
0x34: {  	s17 =	rddreg [dreg:$0xb];
	[sflag:s26] =	ssyncadd.s32 $0xFFFFCC00  }
0x35: {  	[spmem:s17] =	stream.linear.scatter [tilespmem:s24], [sflag:$0xD], $0x3400, $0x38;
	[tilespmem:$0x1FE80] =	vst v63  }
0x36: {  	_ =	swait.ge [sflag:s26], $0x3400  }
0x37: {  	[sflag:s26] =	ssyncset.done $0x0  }
0x38: {  	s18 =	rddreg [dreg:$0xc];
	[sflag:s26] =	ssyncadd.s32 $0xFFFFCC00  }
0x39: {  	[spmem:s18] =	stream.linear.scatter [tilespmem:s24], [sflag:$0xD], $0x3400, $0x38;
	[tilespmem:$0x1FE80] =	vst v63  }
0x3a: {  	_ =	swait.ge [sflag:s26], $0x3400  }
0x3b: {  	[sflag:s26] =	ssyncset.done $0x0  }
0x3c: {  	s21 =	rddreg [dreg:$0xd];
	[sflag:s26] =	ssyncadd.s32 $0xFFFFCC00  }
0x3d: {  	[spmem:s21] =	stream.linear.scatter [tilespmem:s24], [sflag:$0xD], $0x3400, $0x38;
	[tilespmem:$0x1FE80] =	vst v63  }
0x3e: {  	_ =	swait.ge [sflag:s26], $0x3400  }
0x3f: {  	[sflag:s26] =	ssyncset.done $0x0  }
0x40: {  	s22 =	rddreg [dreg:$0xe];
	[sflag:s26] =	ssyncadd.s32 $0xFFFFCC00  }
0x41: {  	[spmem:s22] =	stream.linear.scatter [tilespmem:s24], [sflag:$0xD], $0x3400, $0x38;
	[tilespmem:$0x1FE80] =	vst v63  }
0x42: {  	_ =	swait.ge [sflag:s26], $0x3400  }
0x43: {  	[sflag:s26] =	ssyncset.done $0x0  }
0x44: {  	s23 =	rddreg [dreg:$0xf];
	[sflag:s26] =	ssyncadd.s32 $0xFFFFCC00  }
0x45: {  	[spmem:s23] =	stream.linear.scatter [tilespmem:s24], [sflag:$0xD], $0x3400, $0x38;
	[tilespmem:$0x1FE80] =	vst v63  }
0x46: {  	_ =	swait.ge [sflag:s26], $0x3400  }
0x47: {  	[sflag:s26] =	ssyncset.done $0x0  }
0x48: {  	s0 =	simm.s32 @!p1 $0x13E80;
	[sflag:s26] =	ssyncadd.s32 $0xFFFFCC00  }
0x49: {  	[spmem:s9] =	stream.linear.scatter @!p1 [tilespmem:s0], [sflag:$0xD], $0x800, $0x38;
	[tilespmem:$0x1FE80] =	vst v63  }
0x4a: {  	s0 =	simm.s32 @!p1 $0xD  }
0x4b: {  	_ =	swait.ge @!p1 [sflag:s0], $0x800  }
0x4c: {  	[sflag:s0] =	ssyncset.done @!p1 $0x0  }
0x4d: {  	p5 =	sle.u32 s5, $0x0;
	[sflag:s0] =	ssyncadd.s32 @!p1 $0xFFFFF800  }
0x4e: {  	s29 =	simm.s32 $0x0;
	s1 =	simm.s32 @!p5 $0x1;
	[bflag:$0x0] =	sbarrier.arrive $0xFFFF  }
0x4f: {  	p4 =	por $0x1, $0x1;
	p6 =	sle.u32 s5, $0x1;
	_ =	swait.ge @!p5 [sflag:s1], $0x100  }
0x50: {  	p3 =	sle.u32 s5, $0x4;
	s31 =	smov.u32 s20;
	[sflag:s1] =	ssyncset.done @!p5 $0x0  }
0x51: {  	s30 =	smov.u32 s20;
	[sflag:s1] =	ssyncadd.s32 @!p5 $0xFFFFFF00;
	s1 =	simm.s32 @!p4 $0xA  }
0x52: {  	s14 =	simm.s32 @!p4 $0x9;
	s7 =	simm.s32 @!p5 $0x13E80;
	_ =	swait.ge @!p4 [sflag:s1], $0x4000  }
0x53: {  	s8 =	simm.s32 @!p5 $0x80;
	s15 =	simm.s32 @!p4 $0x1BE80;
	[sflag:s1] =	ssyncset.done @!p4 $0x0  }
0x54: {  	p1 =	sle.u32 s5, $0x3;
	[sflag:s1] =	ssyncadd.s32 @!p4 $0xFFFFC000;
	s1 =	simm.s32 @!p5 $0x13880  }
0x55: {  	[tilespmem:s7], [sflag:$0x7] =	stream.indirect.gather @!p5 [hbm4b:s4+s8], $0x80, s1, s8, $0xb8;
	[tilespmem:$0x1FE80] =	vst v63  }
0x56: {  	s16 =	simm.s32 @!p4 $0xB;
	s13 =	sadd.s32 @!p1 s20, s19;
	_ =	swait.ge @!p4 [sflag:s14], $0x4000  }
0x57: {  	s21 =	simm.s32 $0x3;
	s13 =	sadd.s32 @!p1 $0x60, s13;
	[sflag:s14] =	ssyncset.done @!p4 $0x0  }
0x58: {  	s1 =	simm.s32 @!p4 $0x13E00;
	[sflag:s14] =	ssyncadd.s32 @!p4 $0xFFFFC000;
	s14 =	simm.s32 @!p4 $0x80  }
0x59: {  	[spmem:s2] =	stream.indirect.scatter.add.f32 @!p4 [tilespmem:s15], [sflag:$0xC], $0x80, s1, s14, $0xb8;
	[tilespmem:$0x1FE80] =	vst v63  }
0x5a: {  	s14 =	simm.s32 @!p1 $0x0;
	s1 =	simm.s32 @!p1 $0x13B80;
	s15 =	simm.s32 @!p6 $0x2  }
0x5b: {  	[tilespmem:s1], [sflag:$0x4] =	stream.linear.gather @!p1 [hbm4b:s13+s14], $0x100, $0x38;
	[tilespmem:$0x1FE80] =	vst v63  }
0x5c: {  	s22 =	simm.s32 $0x4;
	s23 =	sadd.s32 @!p3 s20, s19;
	_ =	swait.ge @!p6 [sflag:s15], $0x100  }
0x5d: {  	s0 =	simm.s32 $0x6;
	s13 =	simm.s32 @!p5 $0x7;
	[sflag:s15] =	ssyncset.done @!p6 $0x0  }
0x5e: {  	s14 =	simm.s32 $0x2;
	[sflag:s15] =	ssyncadd.s32 @!p6 $0xFFFFFF00;
	s15 =	sadd.s32 @!p3 $0x80, s23  }
.LBB2_4:
0x5f: {  	_ =	swait.ge @!p4 [sflag:s16], $0x4000  }
0x60: {  	s17 =	simm.s32 @!p6 $0x17E80;
	[sflag:s16] =	ssyncset.done @!p4 $0x0  }
0x61: {  	s18 =	simm.s32 @!p6 $0x80;
	s11 =	simm.s32 @!p6 $0x13980;
	[sflag:s16] =	ssyncadd.s32 @!p4 $0xFFFFC000  }
0x62: {  	[tilespmem:s17], [sflag:$0x8] =	stream.indirect.gather @!p6 [hbm4b:s4+s18], $0x80, s11, s18, $0xb8;
	[tilespmem:$0x1FE80] =	vst v63  }
0x63: {  	_ =	swait.ge @!p5 [sflag:s13], $0x4000  }
0x64: {  	[sflag:s13] =	ssyncset.done @!p5 $0x0  }
0x65: {  	p6 =	sge.u32 s14, s5;
	s11 =	simm.s32 @!p5 $0x13900;
	[sflag:s13] =	ssyncadd.s32 @!p5 $0xFFFFC000  }
0x66: {  	[spmem:s2] =	stream.indirect.scatter.add.f32 @!p5 [tilespmem:s7], [sflag:$0xA], $0x80, s11, s8, $0xb8;
	[tilespmem:$0x1FE80] =	vst v63  }
0x67: {  	s13 =	simm.s32 @!p3 $0x13C80;
	s7 =	simm.s32 @!p3 $0x0;
	s8 =	simm.s32 @!p6 $0x3  }
0x68: {  	[tilespmem:s13], [sflag:$0x5] =	stream.linear.gather @!p3 [hbm4b:s15+s7], $0x100, $0x38;
	[tilespmem:$0x1FE80] =	vst v63  }
0x69: {  	p0 =	sgt.u32 s14, s5;
	_ =	swait.ge @!p6 [sflag:s8], $0x100  }
0x6a: {  	s14 =	simm.s32 @!p0 $0x8;
	[sflag:s8] =	ssyncset.done @!p6 $0x0  }
0x6b: {  	s11 =	simm.s32 @!p4 $0xC;
	s7 =	sadd.s32 $0x5, s29;
	[sflag:s8] =	ssyncadd.s32 @!p6 $0xFFFFFF00  }
0x6c: {  	s17 =	simm.s32 @!p6 $0x13A80;
	p5 =	sge.u32 s7, s5;
	_ =	swait.ge @!p4 [sflag:s11], $0x4000  }
0x6d: {  	s15 =	simm.s32 @!p6 $0x1BE80;
	s8 =	sadd.s32 @!p5 s31, s19;
	[sflag:s11] =	ssyncset.done @!p4 $0x0  }
0x6e: {  	s16 =	sadd.s32 @!p5 $0xA0, s8;
	s8 =	simm.s32 @!p6 $0x80;
	[sflag:s11] =	ssyncadd.s32 @!p4 $0xFFFFC000  }
0x6f: {  	[tilespmem:s15], [sflag:$0x9] =	stream.indirect.gather @!p6 [hbm4b:s4+s8], $0x80, s17, s8, $0xb8;
	[tilespmem:$0x1FE80] =	vst v63  }
0x70: {  	_ =	swait.ge @!p0 [sflag:s14], $0x4000  }
0x71: {  	s11 =	simm.s32 @!p0 $0x80;
	[sflag:s14] =	ssyncset.done @!p0 $0x0  }
0x72: {  	s15 =	simm.s32 @!p0 $0x13A00;
	s17 =	simm.s32 @!p0 $0x17E80;
	[sflag:s14] =	ssyncadd.s32 @!p0 $0xFFFFC000  }
0x73: {  	[spmem:s2] =	stream.indirect.scatter.add.f32 @!p0 [tilespmem:s17], [sflag:$0xB], $0x80, s15, s11, $0xb8;
	[tilespmem:$0x1FE80] =	vst v63  }
0x74: {  	s8 =	simm.s32 @!p5 $0x13D80;
	s14 =	simm.s32 @!p5 $0x0;
	s11 =	simm.s32 @!p1 $0x4  }
0x75: {  	[tilespmem:s8], [sflag:$0x6] =	stream.linear.gather @!p5 [hbm4b:s16+s14], $0x100, $0x38;
	[tilespmem:$0x1FE80] =	vst v63  }
0x76: {  	_ =	swait.ge @!p1 [sflag:s11], $0x100  }
0x77: {  	p0 =	sgt.u32 s21, s10;
	[sflag:s11] =	ssyncset.done @!p1 $0x0  }
0x78: {  	[sflag:s11] =	ssyncadd.s32 @!p1 $0xFFFFFF00;
	s11 =	simm.s32 @!p0 $0xA  }
0x79: {  	_ =	swait.ge @!p0 [sflag:s11], $0x4000  }
0x7a: {  	p4 =	sgt.u32 s21, s5;
	s15 =	simm.s32 @!p1 $0x80;
	[sflag:s11] =	ssyncset.done @!p0 $0x0  }
0x7b: {  	s14 =	simm.s32 @!p4 $0x9;
	[sflag:s11] =	ssyncadd.s32 @!p0 $0xFFFFC000;
	s11 =	simm.s32 @!p1 $0x13E80  }
0x7c: {  	[tilespmem:s11], [sflag:$0x7] =	stream.indirect.gather @!p1 [hbm4b:s4+s15], $0x80, s1, s15, $0xb8;
	[tilespmem:$0x1FE80] =	vst v63  }
0x7d: {  	s17 =	simm.s32 @!p4 $0x13B00;
	_ =	swait.ge @!p4 [sflag:s14], $0x4000  }
0x7e: {  	s16 =	simm.s32 @!p4 $0x1BE80;
	[sflag:s14] =	ssyncset.done @!p4 $0x0;
	s15 =	rddreg [dreg:$0x4]  }
0x7f: {  	[sflag:s14] =	ssyncadd.s32 @!p4 $0xFFFFC000;
	s14 =	simm.s32 @!p4 $0x80;
	p0 =	sge.u32 s29, s15  }
0x80: {  	[spmem:s2] =	stream.indirect.scatter.add.f32 @!p4 [tilespmem:s16], [sflag:$0xC], $0x80, s17, s14, $0xb8;
	[tilespmem:$0x1FE80] =	vst v63  }
0x81: {  	s1 =	simm.s32 @!p3 $0x5;
	s11 =	sadd.s32 @!p0 s31, s19  }
0x82: {  	s14 =	simm.s32 @!p0 $0x0;
	s15 =	simm.s32 @!p0 $0x13880;
	s11 =	sadd.s32 @!p0 $0xC0, s11  }
0x83: {  	[tilespmem:s15], [sflag:$0x1] =	stream.linear.gather @!p0 [hbm4b:s11+s14], $0x100, $0x38;
	[tilespmem:$0x1FE80] =	vst v63  }
0x84: {  	_ =	swait.ge @!p3 [sflag:s1], $0x100  }
0x85: {  	p1 =	sgt.u32 s22, s10;
	[sflag:s1] =	ssyncset.done @!p3 $0x0  }
0x86: {  	s11 =	simm.s32 @!p1 $0xB;
	[sflag:s1] =	ssyncadd.s32 @!p3 $0xFFFFFF00  }
0x87: {  	_ =	swait.ge @!p1 [sflag:s11], $0x4000  }
0x88: {  	p4 =	sgt.u32 s22, s5;
	s16 =	simm.s32 @!p3 $0x80;
	[sflag:s11] =	ssyncset.done @!p1 $0x0  }
0x89: {  	s17 =	simm.s32 @!p4 $0x7;
	s1 =	simm.s32 @!p3 $0x17E80;
	[sflag:s11] =	ssyncadd.s32 @!p1 $0xFFFFC000  }
0x8a: {  	[tilespmem:s1], [sflag:$0x8] =	stream.indirect.gather @!p3 [hbm4b:s4+s16], $0x80, s13, s16, $0xb8;
	[tilespmem:$0x1FE80] =	vst v63  }
0x8b: {  	p6 =	sgt.u32 s7, s10;
	s14 =	simm.s32 @!p4 $0x13E80;
	_ =	swait.ge @!p4 [sflag:s17], $0x4000  }
0x8c: {  	s15 =	simm.s32 @!p4 $0x80;
	s13 =	simm.s32 @!p4 $0x13C00;
	s18 =	rddreg [dreg:$0x5]  }
0x8d: {  	p3 =	sgt.u32 s7, s5;
	[sflag:s17] =	ssyncset.done @!p4 $0x0;
	p0 =	sge.u32 s29, s18  }
0x8e: {  	s16 =	simm.s32 @!p5 $0x6;
	[sflag:s17] =	ssyncadd.s32 @!p4 $0xFFFFC000;
	s7 =	sadd.s32 @!p0 s30, s19  }
0x8f: {  	[spmem:s2] =	stream.indirect.scatter.add.f32 @!p4 [tilespmem:s14], [sflag:$0xA], $0x80, s13, s15, $0xb8;
	[tilespmem:$0x1FE80] =	vst v63  }
0x90: {  	s13 =	simm.s32 @!p0 $0x0;
	s14 =	simm.s32 @!p0 $0x13980;
	s7 =	sadd.s32 @!p0 $0xE0, s7  }
0x91: {  	[tilespmem:s14], [sflag:$0x2] =	stream.linear.gather @!p0 [hbm4b:s7+s13], $0x100, $0x38;
	[tilespmem:$0x1FE80] =	vst v63  }
0x92: {  	s23 =	smov.u32 s0;
	_ =	swait.ge @!p5 [sflag:s16], $0x100  }
0x93: {  	s21 =	sadd.s32 $0x3, s23;
	s31 =	sadd.s32 $0xC0, s31;
	[sflag:s16] =	ssyncset.done @!p5 $0x0  }
0x94: {  	s11 =	simm.s32 @!p6 $0xC;
	p1 =	sge.u32 s21, s5;
	[sflag:s16] =	ssyncadd.s32 @!p5 $0xFFFFFF00  }
0x95: {  	s1 =	sadd.s32 @!p1 s31, s19;
	_ =	swait.ge @!p6 [sflag:s11], $0x4000  }
0x96: {  	s7 =	simm.s32 @!p5 $0x80;
	s14 =	simm.s32 @!p5 $0x1BE80;
	[sflag:s11] =	ssyncset.done @!p6 $0x0  }
0x97: {  	s13 =	sadd.s32 @!p1 $0x60, s1;
	s1 =	simm.s32 @!p3 $0x8;
	[sflag:s11] =	ssyncadd.s32 @!p6 $0xFFFFC000  }
0x98: {  	[tilespmem:s14], [sflag:$0x9] =	stream.indirect.gather @!p5 [hbm4b:s4+s7], $0x80, s8, s7, $0xb8;
	[tilespmem:$0x1FE80] =	vst v63  }
0x99: {  	_ =	swait.ge @!p3 [sflag:s1], $0x4000  }
0x9a: {  	s15 =	simm.s32 @!p3 $0x17E80;
	[sflag:s1] =	ssyncset.done @!p3 $0x0  }
0x9b: {  	s8 =	simm.s32 @!p3 $0x13D00;
	s22 =	rddreg [dreg:$0x6];
	[sflag:s1] =	ssyncadd.s32 @!p3 $0xFFFFC000  }
0x9c: {  	s1 =	simm.s32 @!p3 $0x80;
	p0 =	sge.u32 s29, s22;
	s29 =	smov.u32 s23  }
0x9d: {  	[spmem:s2] =	stream.indirect.scatter.add.f32 @!p3 [tilespmem:s15], [sflag:$0xB], $0x80, s8, s1, $0xb8;
	[tilespmem:$0x1FE80] =	vst v63  }
0x9e: {  	s1 =	sadd.s32 @!p0 s30, s19;
	s7 =	simm.s32 @!p0 $0x0;
	p5 =	sge.u32 s29, s5  }
0x9f: {  	s8 =	simm.s32 @!p0 $0x13A80;
	s1 =	sadd.s32 @!p0 $0x100, s1;
	s11 =	simm.s32 @!p5 $0x1  }
0xa0: {  	[tilespmem:s8], [sflag:$0x3] =	stream.linear.gather @!p0 [hbm4b:s1+s7], $0x100, $0x38;
	[tilespmem:$0x1FE80] =	vst v63  }
0xa1: {  	_ =	swait.ge @!p5 [sflag:s11], $0x100  }
0xa2: {  	s0 =	sadd.s32 $0x6, s0;
	p4 =	seq.s32 s29, $0x0;
	[sflag:s11] =	ssyncset.done @!p5 $0x0  }
0xa3: {  	p2 =	sne.s32 s0, $0x54;
	s8 =	simm.s32 @!p4 $0xA;
	[sflag:s11] =	ssyncadd.s32 @!p5 $0xFFFFFF00  }
0xa4: {  	s30 =	smov.u32 s31;
	s23 =	sadd.s32 $0x1, s29;
	_ =	swait.ge @!p4 [sflag:s8], $0x4000  }
0xa5: {  	s1 =	simm.s32 @!p4 $0x9;
	s7 =	simm.s32 @!p5 $0x13E80;
	[sflag:s8] =	ssyncset.done @!p4 $0x0  }
0xa6: {  	s11 =	simm.s32 @!p5 $0x13880;
	[sflag:s8] =	ssyncadd.s32 @!p4 $0xFFFFC000;
	s8 =	simm.s32 @!p5 $0x80  }
0xa7: {  	[tilespmem:s7], [sflag:$0x7] =	stream.indirect.gather @!p5 [hbm4b:s4+s8], $0x80, s11, s8, $0xb8;
	[tilespmem:$0x1FE80] =	vst v63  }
0xa8: {  	s22 =	sadd.s32 $0x4, s29;
	p6 =	sge.u32 s23, s5;
	_ =	swait.ge @!p4 [sflag:s1], $0x4000  }
0xa9: {  	s14 =	simm.s32 @!p4 $0x1BE80;
	s15 =	simm.s32 @!p6 $0x2;
	[sflag:s1] =	ssyncset.done @!p4 $0x0  }
0xaa: {  	s11 =	simm.s32 @!p4 $0x13E00;
	[sflag:s1] =	ssyncadd.s32 @!p4 $0xFFFFC000;
	s1 =	simm.s32 @!p4 $0x80  }
0xab: {  	[spmem:s2] =	stream.indirect.scatter.add.f32 @!p4 [tilespmem:s14], [sflag:$0xC], $0x80, s11, s1, $0xb8;
	[tilespmem:$0x1FE80] =	vst v63  }
.Ltmp1:
0xac: {  	s11 =	simm.s32 @!p1 $0x0;
	s1 =	simm.s32 @!p1 $0x13B80;
	(pc) =	sbr.rel @p2 .LBB2_4-.Ltmp1, $4  }
0xad: {  	[tilespmem:s1], [sflag:$0x4] =	stream.linear.gather @!p1 [hbm4b:s13+s11], $0x100, $0x38;
	[tilespmem:$0x1FE80] =	vst v63  }
0xae: {  	p3 =	sge.u32 s22, s5;
	s16 =	simm.s32 @!p4 $0xB;
	_ =	swait.ge @!p6 [sflag:s15], $0x100  }
0xaf: {  	s14 =	sadd.s32 $0x2, s29;
	s11 =	sadd.s32 @!p3 s31, s19;
	[sflag:s15] =	ssyncset.done @!p6 $0x0  }
0xb0: {  	s13 =	simm.s32 @!p5 $0x7;
	[sflag:s15] =	ssyncadd.s32 @!p6 $0xFFFFFF00;
	s15 =	sadd.s32 @!p3 $0x80, s11  }
0xb1: {  	_ =	swait.ge @!p4 [sflag:s16], $0x4000  }
0xb2: {  	s0 =	simm.s32 @!p6 $0x17E80;
	[sflag:s16] =	ssyncset.done @!p4 $0x0  }
0xb3: {  	s11 =	simm.s32 @!p6 $0x80;
	[sflag:s16] =	ssyncadd.s32 @!p4 $0xFFFFC000;
	s16 =	simm.s32 @!p6 $0x13980  }
0xb4: {  	[tilespmem:s0], [sflag:$0x8] =	stream.indirect.gather @!p6 [hbm4b:s4+s11], $0x80, s16, s11, $0xb8;
	[tilespmem:$0x1FE80] =	vst v63  }
0xb5: {  	_ =	swait.ge @!p5 [sflag:s13], $0x4000  }
0xb6: {  	[sflag:s13] =	ssyncset.done @!p5 $0x0  }
0xb7: {  	p0 =	sge.u32 s14, s5;
	s0 =	simm.s32 @!p5 $0x13900;
	[sflag:s13] =	ssyncadd.s32 @!p5 $0xFFFFC000  }
0xb8: {  	[spmem:s2] =	stream.indirect.scatter.add.f32 @!p5 [tilespmem:s7], [sflag:$0xA], $0x80, s0, s8, $0xb8;
	[tilespmem:$0x1FE80] =	vst v63  }
0xb9: {  	s0 =	simm.s32 @!p3 $0x0;
	s8 =	simm.s32 @!p3 $0x13C80;
	s7 =	simm.s32 @!p0 $0x3  }
0xba: {  	[tilespmem:s8], [sflag:$0x5] =	stream.linear.gather @!p3 [hbm4b:s15+s0], $0x100, $0x38;
	[tilespmem:$0x1FE80] =	vst v63  }
0xbb: {  	_ =	swait.ge @!p0 [sflag:s7], $0x100  }
0xbc: {  	[sflag:s7] =	ssyncset.done @!p0 $0x0  }
0xbd: {  	s0 =	simm.s32 @!p4 $0xC;
	[sflag:s7] =	ssyncadd.s32 @!p0 $0xFFFFFF00  }
0xbe: {  	p5 =	sgt.u32 s14, s5;
	_ =	swait.ge @!p4 [sflag:s0], $0x4000  }
0xbf: {  	s13 =	simm.s32 @!p0 $0x80;
	s11 =	simm.s32 @!p5 $0x8;
	[sflag:s0] =	ssyncset.done @!p4 $0x0  }
0xc0: {  	s7 =	simm.s32 @!p0 $0x1BE80;
	[sflag:s0] =	ssyncadd.s32 @!p4 $0xFFFFC000;
	s0 =	simm.s32 @!p0 $0x13A80  }
0xc1: {  	[tilespmem:s7], [sflag:$0x9] =	stream.indirect.gather @!p0 [hbm4b:s4+s13], $0x80, s0, s13, $0xb8;
	[tilespmem:$0x1FE80] =	vst v63  }
0xc2: {  	s17 =	sadd.s32 $0x5, s29;
	_ =	swait.ge @!p5 [sflag:s11], $0x4000  }
0xc3: {  	p2 =	sge.u32 s17, s5;
	s7 =	simm.s32 @!p5 $0x80;
	[sflag:s11] =	ssyncset.done @!p5 $0x0  }
0xc4: {  	s13 =	simm.s32 @!p5 $0x13A00;
	[sflag:s11] =	ssyncadd.s32 @!p5 $0xFFFFC000;
	s11 =	simm.s32 @!p5 $0x17E80  }
0xc5: {  	[spmem:s2] =	stream.indirect.scatter.add.f32 @!p5 [tilespmem:s11], [sflag:$0xB], $0x80, s13, s7, $0xb8;
	[tilespmem:$0x1FE80] =	vst v63  }
0xc6: {  	s7 =	sadd.s32 @!p2 s31, s19  }
0xc7: {  	s13 =	simm.s32 @!p2 $0x0;
	s11 =	sadd.s32 @!p2 $0xA0, s7;
	s7 =	simm.s32 @!p2 $0x13D80  }
0xc8: {  	[tilespmem:s7], [sflag:$0x6] =	stream.linear.gather @!p2 [hbm4b:s11+s13], $0x100, $0x38;
	[tilespmem:$0x1FE80] =	vst v63  }
0xc9: {  	s11 =	simm.s32 @!p1 $0x4  }
0xca: {  	_ =	swait.ge @!p1 [sflag:s11], $0x100  }
0xcb: {  	p0 =	sgt.u32 s21, s10;
	[sflag:s11] =	ssyncset.done @!p1 $0x0  }
0xcc: {  	[sflag:s11] =	ssyncadd.s32 @!p1 $0xFFFFFF00;
	s11 =	simm.s32 @!p0 $0xA  }
0xcd: {  	p4 =	sgt.u32 s21, s5;
	_ =	swait.ge @!p0 [sflag:s11], $0x4000  }
0xce: {  	s14 =	simm.s32 @!p4 $0x9;
	[sflag:s11] =	ssyncset.done @!p0 $0x0  }
0xcf: {  	s13 =	simm.s32 @!p1 $0x80;
	[sflag:s11] =	ssyncadd.s32 @!p0 $0xFFFFC000;
	s11 =	simm.s32 @!p1 $0x13E80  }
0xd0: {  	[tilespmem:s11], [sflag:$0x7] =	stream.indirect.gather @!p1 [hbm4b:s4+s13], $0x80, s1, s13, $0xb8;
	[tilespmem:$0x1FE80] =	vst v63  }
0xd1: {  	s1 =	simm.s32 @!p4 $0x1BE80;
	_ =	swait.ge @!p4 [sflag:s14], $0x4000  }
0xd2: {  	s13 =	simm.s32 @!p4 $0x13B00;
	[sflag:s14] =	ssyncset.done @!p4 $0x0;
	s18 =	rddreg [dreg:$0x4]  }
0xd3: {  	[sflag:s14] =	ssyncadd.s32 @!p4 $0xFFFFC000;
	s14 =	simm.s32 @!p4 $0x80;
	p0 =	sge.u32 s29, s18  }
0xd4: {  	[spmem:s2] =	stream.indirect.scatter.add.f32 @!p4 [tilespmem:s1], [sflag:$0xC], $0x80, s13, s14, $0xb8;
	[tilespmem:$0x1FE80] =	vst v63  }
0xd5: {  	s1 =	sadd.s32 @!p0 s31, s19  }
0xd6: {  	s11 =	simm.s32 @!p0 $0x0;
	s13 =	simm.s32 @!p0 $0x13880;
	s1 =	sadd.s32 @!p0 $0xC0, s1  }
0xd7: {  	[tilespmem:s13], [sflag:$0x1] =	stream.linear.gather @!p0 [hbm4b:s1+s11], $0x100, $0x38;
	[tilespmem:$0x1FE80] =	vst v63  }
0xd8: {  	s1 =	simm.s32 @!p3 $0x5  }
0xd9: {  	_ =	swait.ge @!p3 [sflag:s1], $0x100  }
0xda: {  	p1 =	sgt.u32 s22, s10;
	[sflag:s1] =	ssyncset.done @!p3 $0x0  }
0xdb: {  	[sflag:s1] =	ssyncadd.s32 @!p3 $0xFFFFFF00;
	s1 =	simm.s32 @!p1 $0xB  }
0xdc: {  	_ =	swait.ge @!p1 [sflag:s1], $0x4000  }
0xdd: {  	p0 =	sgt.u32 s22, s5;
	[sflag:s1] =	ssyncset.done @!p1 $0x0  }
0xde: {  	s11 =	simm.s32 @!p3 $0x80;
	[sflag:s1] =	ssyncadd.s32 @!p1 $0xFFFFC000;
	s1 =	simm.s32 @!p3 $0x17E80  }
0xdf: {  	[tilespmem:s1], [sflag:$0x8] =	stream.indirect.gather @!p3 [hbm4b:s4+s11], $0x80, s8, s11, $0xb8;
	[tilespmem:$0x1FE80] =	vst v63  }
0xe0: {  	s1 =	simm.s32 @!p0 $0x7  }
0xe1: {  	s11 =	simm.s32 @!p0 $0x13E80;
	_ =	swait.ge @!p0 [sflag:s1], $0x4000  }
0xe2: {  	s8 =	simm.s32 @!p0 $0x80;
	s21 =	rddreg [dreg:$0x5];
	[sflag:s1] =	ssyncset.done @!p0 $0x0  }
0xe3: {  	[sflag:s1] =	ssyncadd.s32 @!p0 $0xFFFFC000;
	s1 =	simm.s32 @!p0 $0x13C00;
	p1 =	sge.u32 s29, s21  }
0xe4: {  	[spmem:s2] =	stream.indirect.scatter.add.f32 @!p0 [tilespmem:s11], [sflag:$0xA], $0x80, s1, s8, $0xb8;
	[tilespmem:$0x1FE80] =	vst v63  }
0xe5: {  	s1 =	sadd.s32 @!p1 s30, s19  }
0xe6: {  	s8 =	simm.s32 @!p1 $0x0;
	s11 =	simm.s32 @!p1 $0x13980;
	s1 =	sadd.s32 @!p1 $0xE0, s1  }
0xe7: {  	[tilespmem:s11], [sflag:$0x2] =	stream.linear.gather @!p1 [hbm4b:s1+s8], $0x100, $0x38;
	[tilespmem:$0x1FE80] =	vst v63  }
0xe8: {  	s1 =	simm.s32 @!p2 $0x6  }
0xe9: {  	_ =	swait.ge @!p2 [sflag:s1], $0x100  }
0xea: {  	p0 =	sgt.u32 s17, s10;
	[sflag:s1] =	ssyncset.done @!p2 $0x0  }
0xeb: {  	s8 =	simm.s32 @!p0 $0xC;
	[sflag:s1] =	ssyncadd.s32 @!p2 $0xFFFFFF00  }
0xec: {  	_ =	swait.ge @!p0 [sflag:s8], $0x4000  }
0xed: {  	s0 =	simm.s32 @!p2 $0x80;
	p1 =	sgt.u32 s17, s5;
	[sflag:s8] =	ssyncset.done @!p0 $0x0  }
0xee: {  	s1 =	simm.s32 @!p2 $0x1BE80;
	[sflag:s8] =	ssyncadd.s32 @!p0 $0xFFFFC000;
	s8 =	simm.s32 @!p1 $0x8  }
0xef: {  	[tilespmem:s1], [sflag:$0x9] =	stream.indirect.gather @!p2 [hbm4b:s4+s0], $0x80, s7, s0, $0xb8;
	[tilespmem:$0x1FE80] =	vst v63  }
0xf0: {  	s0 =	simm.s32 @!p1 $0x17E80;
	_ =	swait.ge @!p1 [sflag:s8], $0x4000  }
0xf1: {  	s7 =	simm.s32 @!p1 $0x80;
	[sflag:s8] =	ssyncset.done @!p1 $0x0;
	s22 =	rddreg [dreg:$0x6]  }
0xf2: {  	[sflag:s8] =	ssyncadd.s32 @!p1 $0xFFFFC000;
	s8 =	simm.s32 @!p1 $0x13D00;
	p0 =	sge.u32 s29, s22  }
0xf3: {  	[spmem:s2] =	stream.indirect.scatter.add.f32 @!p1 [tilespmem:s0], [sflag:$0xB], $0x80, s8, s7, $0xb8;
	[tilespmem:$0x1FE80] =	vst v63  }
0xf4: {  	s23 =	stileid.u32;
	s0 =	sadd.s32 @!p0 s30, s19  }
0xf5: {  	s1 =	simm.s32 @!p0 $0x0;
	s7 =	simm.s32 @!p0 $0x13A80;
	s0 =	sadd.s32 @!p0 $0x100, s0  }
0xf6: {  	[tilespmem:s7], [sflag:$0x3] =	stream.linear.gather @!p0 [hbm4b:s0+s1], $0x100, $0x38;
	[tilespmem:$0x1FE80] =	vst v63  }
0xf7: {  	s0 =	sshll.u32 s23, $0x6  }
0xf8: {  	s29 =	sshrl.u32 s12, $0x3;
	[bflag:$0x0] =	sbarrier.arrive $0xFFFF;
	s0 =	sor.u32 $0x1C0D, s0  }
0xf9: {  	[hbm:s25], [sflag:s0] =	dma.local [spmem:s29], $0x2700  }
0xfa: {  	_ =	swait.ge [sflag:s26], $0x2700  }
0xfb: {  	s30 =	sld [smem:$0x7FD];
	_ =	sdelay $0x2  }
0xfc: {  	[sflag:s26] =	ssyncset.done $0x0;
	p1 =	seq.s32 s30, $0x1  }
0xfd: {  	[sflag:s26] =	ssyncadd.s32 $0xFFFFD900;
	s1 =	sadd.s32 @!p1 $0x27000, s6;
	s7 =	sshrl.u32 @!p1 s9, $0x3  }
0xfe: {  	[hbm:s1], [sflag:s0] =	dma.local @!p1 [spmem:s7], $0x100  }
0xff: {  	s0 =	simm.s32 @!p1 $0xD  }
0x100: {  	_ =	swait.ge @!p1 [sflag:s0], $0x100  }
0x101: {  	s28 =	sadd.s32 $0x1, s28;
	s31 =	rddreg [dreg:$0xa]  }
0x102: {  	p0 =	sne.s32 s28, s31  }
.Ltmp2:
0x103: {  	_ = 	snop;
	(pc) =	sbr.rel @p0 .LBB2_1-.Ltmp2, $3  }
0x104: {  	_ =	sdelay $0x1  }
0x105: {  	[sflag:s0] =	ssyncset.done @!p1 $0x0  }
0x106: {  	[sflag:s0] =	ssyncadd.s32 @!p1 $0xFFFFFF00  }
0x107: {  	_ =	sfence.sel $0x180000  }
0x108: {  	[bflag:$0x0] =	sbarrier.arrive $0xFFFF  }
0x109: {  	_ =	strace $0x9000004A  }
0x10a: {  	s0 =	stileid.u32;
	[bflag:$0x2] =	sbarrier.arrive $0xFFFF  }
0x10b: {  	p0 =	sne.s32 s0, $0x0;
	s0 =	rddreg [dreg:$0x3]  }
0x10c: {  	s0 =	sadd.s32 @!p0 $0x100000, s0  }
0x10d: {  	[sflag:s0] =	ssyncadd.tile.s32 @!p0 $0x1;
	_ =	shalt  }
.Lfunc_end2:
_tile_overlayer_lowered:
.L_overlay_start_2:
0x10e: {  	(tag) =	ssettag $0x2  }
0x10f: {  	s0 =	rddreg [dreg:$0x0];
	s2 =	stileid.u32  }
0x110: {  	s1 =	rddreg [dreg:$0x1];
	p0 =	sne.s32 s2, $0x0  }
0x111: {  	s3 =	rddreg [dreg:$0x2];
	[bflag:$0x3] =	sbarrier.arrive $0xFFFF;
	s2 =	simm.s32 @!p0 $0x1C0D  }
0x112: {  	[timem:s3], [sflag:s2] =	dma.local @!p0 [hbm:s0], s1  }
0x113: {  	s0 =	simm.s32 @!p0 $0xD  }
0x114: {  	_ =	swait.ge @!p0 [sflag:s0], s1  }
0x115: {  	s1 =	ssub.s32 @!p0 $0x0, s1;
	[sflag:s0] =	ssyncset.done @!p0 $0x0  }
0x116: {  	[sflag:s0] =	ssyncadd.s32 @!p0 s1  }
0x117: {  	[bflag:$0x3] =	sbarrier.arrive $0xFFFF  }
0x118: {  	_ =	shalt  }

// kernel: kernel.14.cloned.1.call-start
scs
__scs_entry_jumppad:
0x0: {  	(pc) =	sbr.rel $0x88, $3  }
0x1: {  	(tag) =	ssettag $0x0;
	lr =	simm.s32 $0x1  }
0x2: {  	[smem:$0x3F99] =	sst lr;
	_ =	strace $0xD0000000  }
0x3: {  	_ = 	snop  }
0x4: {  	_ = 	snop  }
0x5: {  	_ = 	snop  }
0x6: {  	_ = 	snop  }
0x7: {  	_ = 	snop  }
__scs_overlays_trampoline_lowered:
0x8: {  	[smem:$0x3FA8] =	sst s0  }
0x9: {  	[smem:$0x3FA9] =	sst s1  }
0xa: {  	[smem:$0x3FAA] =	sst s2  }
0xb: {  	[smem:$0x3FAB] =	sst s3  }
0xc: {  	[smem:$0x3FAC] =	sst s4  }
0xd: {  	[smem:$0x3FAD] =	sst s5  }
0xe: {  	[smem:$0x3FAE] =	sst s6  }
0xf: {  	[smem:$0x3FAF] =	sst s7  }
0x10: {  	[smem:$0x3FB0] =	sst s8  }
0x11: {  	[smem:$0x3FB1] =	sst s9;
	s0 =	simm.s32 @!p0 $0x0  }
0x12: {  	s1 =	sld [smem:$0x3F97];
	s0 =	simm.s32 @p0 $0x1  }
0x13: {  	[smem:$0x3FB2] =	sst s0;
	s0 =	simm.s32 @!p1 $0x0  }
0x14: {  	s2 =	sld [smem:$0x3F96];
	s0 =	simm.s32 @p1 $0x1  }
0x15: {  	[smem:$0x3FB3] =	sst s0;
	s0 =	simm.s32 @!p2 $0x0  }
0x16: {  	s3 =	sld [smem:$0x3FDB];
	s0 =	simm.s32 @p2 $0x1  }
0x17: {  	s4 =	simm.s32 $0x1BF5;
	[smem:$0x3FB5] =	sst s0  }
0x18: {  	s0 =	sld [smem:$0x3F98];
	_ =	swait.ge [sflag:s4], $0x0  }
0x19: {  	s7 =	sld [smem:$0x3F99]  }
0x1a: {  	s8 =	sadd.s32 $0xFFFFE003, lr  }
0x1b: {  	s9 =	sadd.s32 $0xFFFFFEF7, lr;
	s5 =	simm.s32 $0xFFFFFFFF;
	p2 =	slt.u32 s8, $0xFFFFF086  }
0x1c: {  	p1 =	slt.u32 s9, $0xF7A;
	s5 =	simm.s32 @!p2 $0x0  }
0x1d: {  	s5 =	simm.s32 @p1 $0x1;
	p0 =	seq.s32 s7, s2  }
0x1e: {  	s7 =	smul.u32 @!p0 $0xF7A, s2;
	p2 =	seq.s32 @!p0 s5, $0x0  }
0x1f: {  	s9 =	smul.u32 $0xF7A, s1;
	s8 =	simm.s32 @!p0 $0x1BF5;
	p2 =	por !p2, p0  }
0x20: {  	[sflag:s8] =	ssyncset.s32 @!p0 $0xFFFFF086;
	s6 =	sadd.s32 @!p0 s3, s7;
	s7 =	simm.s32 @!p0 $0x108  }
0x21: {  	s3 =	sadd.s32 s3, s9;
	s6 =	sadd.s32 @!p0 $0x88, s6;
	s7 =	simm.s32 @p2 $0x1082  }
0x22: {  	[simem:s7], [sflag:s8] =	dma.local @!p0 [hbm:s6], $0xF7A  }
0x23: {  	s9 =	sor.u32 $0xD0000000, s2;
	s6 =	simm.s32 $0x108;
	_ =	swait.ge @!p0 [sflag:s8], $0x0  }
0x24: {  	s3 =	sadd.s32 $0x88, s3;
	s6 =	simm.s32 @!p1 $0x1082;
	[sflag:s4] =	ssyncset.s32 $0xFFFFF086  }
0x25: {  	[simem:s6], [sflag:s4] =	dma.local [hbm:s3], $0xF7A  }
0x26: {  	[smem:$0x3F99] =	sst s1;
	(tag) =	ssettag s2;
	_ =	strace s9  }
0x27: {  	s1 =	sld [smem:$0x3FA9]  }
0x28: {  	s2 =	sld [smem:$0x3FAA]  }
0x29: {  	s4 =	sld [smem:$0x3FAC]  }
0x2a: {  	p0 =	seq.s32 s5, $0x0;
	s5 =	sld [smem:$0x3FAD]  }
0x2b: {  	s6 =	sld [smem:$0x3FAE]  }
0x2c: {  	s7 =	sld [smem:$0x3FAF]  }
0x2d: {  	s3 =	simm.s32 $0x108;
	s8 =	sld [smem:$0x3FB0]  }
0x2e: {  	s3 =	simm.s32 @!p0 $0x1082;
	s9 =	sld [smem:$0x3FB1]  }
0x2f: {  	lr =	sadd.s32 s0, s3;
	s0 =	sld [smem:$0x3FA8]  }
0x30: {  	s3 =	sld [smem:$0x3FAB]  }
0x31: {  	[smem:$0x3FB4] =	sst s10  }
0x32: {  	s10 =	sld [smem:$0x3FB2];
	_ =	sdelay $0x3  }
0x33: {  	p0 =	seq.s32 s10, $0x1;
	s10 =	sld [smem:$0x3FB4];
	_ =	sdelay $0x3  }
0x34: {  	[smem:$0x3FB4] =	sst s10  }
0x35: {  	s10 =	sld [smem:$0x3FB3];
	_ =	sdelay $0x3  }
0x36: {  	p1 =	seq.s32 s10, $0x1;
	s10 =	sld [smem:$0x3FB4];
	_ =	sdelay $0x3  }
0x37: {  	[smem:$0x3FB4] =	sst s10  }
0x38: {  	s10 =	sld [smem:$0x3FB5]  }
0x39: {  	_ = 	snop;
	(pc) =	sbr.ind lr, $3  }
0x3a: {  	_ = 	snop  }
0x3b: {  	_ = 	snop  }
0x3c: {  	p2 =	seq.s32 s10, $0x1;
	s10 =	sld [smem:$0x3FB4]  }
0x3d: {  	_ =	shalt  }
0x3e: {  	_ =	shalt  }
0x3f: {  	_ =	shalt  }
0x40: {  	_ =	shalt  }
0x41: {  	_ =	shalt  }
0x42: {  	_ =	shalt  }
0x43: {  	_ =	shalt  }
0x44: {  	_ =	shalt  }
0x45: {  	_ =	shalt  }
0x46: {  	_ =	shalt  }
0x47: {  	_ =	shalt  }
0x48: {  	_ =	shalt  }
0x49: {  	_ =	shalt  }
0x4a: {  	_ =	shalt  }
0x4b: {  	_ =	shalt  }
0x4c: {  	_ =	shalt  }
0x4d: {  	_ =	shalt  }
0x4e: {  	_ =	shalt  }
0x4f: {  	_ =	shalt  }
0x50: {  	_ =	shalt  }
0x51: {  	_ =	shalt  }
0x52: {  	_ =	shalt  }
0x53: {  	_ =	shalt  }
0x54: {  	_ =	shalt  }
0x55: {  	_ =	shalt  }
0x56: {  	_ =	shalt  }
0x57: {  	_ =	shalt  }
0x58: {  	_ =	shalt  }
0x59: {  	_ =	shalt  }
0x5a: {  	_ =	shalt  }
0x5b: {  	_ =	shalt  }
0x5c: {  	_ =	shalt  }
0x5d: {  	_ =	shalt  }
0x5e: {  	_ =	shalt  }
0x5f: {  	_ =	shalt  }
0x60: {  	_ =	shalt  }
0x61: {  	_ =	shalt  }
0x62: {  	_ =	shalt  }
0x63: {  	_ =	shalt  }
0x64: {  	_ =	shalt  }
0x65: {  	_ =	shalt  }
0x66: {  	_ =	shalt  }
0x67: {  	_ =	shalt  }
0x68: {  	_ =	shalt  }
0x69: {  	_ =	shalt  }
0x6a: {  	_ =	shalt  }
0x6b: {  	_ =	shalt  }
0x6c: {  	_ =	shalt  }
0x6d: {  	_ =	shalt  }
0x6e: {  	_ =	shalt  }
0x6f: {  	_ =	shalt  }
0x70: {  	_ =	shalt  }
0x71: {  	_ =	shalt  }
0x72: {  	_ =	shalt  }
0x73: {  	_ =	shalt  }
0x74: {  	_ =	shalt  }
0x75: {  	_ =	shalt  }
0x76: {  	_ =	shalt  }
0x77: {  	_ =	shalt  }
0x78: {  	_ =	shalt  }
0x79: {  	_ =	shalt  }
0x7a: {  	_ =	shalt  }
0x7b: {  	_ =	shalt  }
0x7c: {  	_ =	shalt  }
0x7d: {  	_ =	shalt  }
0x7e: {  	_ =	shalt  }
0x7f: {  	_ =	shalt  }
0x80: {  	_ =	shalt  }
0x81: {  	_ =	shalt  }
0x82: {  	_ =	shalt  }
0x83: {  	_ =	shalt  }
0x84: {  	_ =	shalt  }
0x85: {  	_ =	shalt  }
0x86: {  	_ =	shalt  }
0x87: {  	_ =	shalt  }
.Lfunc_end0:
.L_simem_size_0:
called_computation.2_lowered:
.L_overlay_start_0:
0x88: {  	s2 =	sld [smem:$0x3FD9]  }
0x89: {  	s3 =	sld [smem:$0x3FFE];
	_ =	sdelay $0x1  }
0x8a: {  	s1 =	srdreg.scid  }
0x8b: {  	s0 =	sand.u32 $0x1, s1  }
0x8c: {  	s17 =	sshll.u32 s0, $0xA;
	s2 =	sadd.s32 s3, s2  }
0x8d: {  	s2 =	sadd.s32 s2, s17  }
0x8e: {  	[smem:$0x3FC0] =	sst s2  }
0x8f: {  	_ = 	snop  }
0x90: {  	s2 =	sld [smem:$0x3FD0];
	(tm) =	ssettm $0x1  }
0x91: {  	s18 =	sld [smem:$0x3FFB];
	_ =	sdelay $0x3  }
0x92: {  	_ =	strace s18  }
0x93: {  	s3 =	sld [smem:$0x3FFC];
	_ =	sdelay $0x3  }
0x94: {  	_ =	strace s3  }
0x95: {  	s3 =	sld [smem:$0x3FFD];
	_ =	sdelay $0x3  }
0x96: {  	_ =	strace s3  }
0x97: {  	_ =	strace $0x8FFFFFFF  }
0x98: {  	s19 =	sld [smem:$0x3FDB];
	_ =	sdelay $0x1  }
0x99: {  	s4 =	simm.s32 $_scs_section_size  }
0x9a: {  	s5 =	simm.s32 $_size__tile_overlayer_lowered;
	s6 =	simm.s32 $_tile_overlayer_lowered  }
0x9b: {  	s22 =	simm.s32 $0x1BFF;
	s21 =	sshll.u32 s6, $0x1;
	s3 =	sadd.s32 s4, s19  }
0x9c: {  	s7 =	simm.s32 $0x0;
	s20 =	sshll.u32 s5, $0x1;
	s5 =	sadd.s32 s21, s3  }
0x9d: {  	[timem:s7], [sflag:s22] =	dma.local [hbm:s5], s20  }
0x9e: {  	_ =	swait.ge [sflag:s22], s20  }
0x9f: {  	s4 =	ssub.s32 $0x0, s20;
	[sflag:s22] =	ssyncset.done $0x0  }
0xa0: {  	[sflag:s22] =	ssyncadd.s32 s4;
	_ =	sdelay $0x1  }
0xa1: {  	s23 =	simm.s32 $0x1B8B  }
0xa2: {  	_ =	swait.ge [sflag:s23], $0x1  }
0xa3: {  	[sflag:s23] =	ssyncset.done $0x0  }
0xa4: {  	s25 =	simm.s32 $0x1B8E;
	s24 =	sld [smem:$0x3FFE];
	[sflag:s23] =	ssyncadd.s32 $0xFFFFFFFF  }
0xa5: {  	s26 =	simm.s32 $execute0_lowered;
	[smem:$0x3FD2] =	sst s25  }
0xa6: {  	s5 =	sshll.u32 s26, $0x1;
	_ =	strace $0x8000004C;
	[dreg:$0x1] =	wrdreg $0xFFFFFFFF  }
0xa7: {  	s28 =	simm.s32 $_size_execute0_lowered;
	s3 =	sadd.s32 s3, s5;
	[dreg:$0x0] =	wrdreg $0x0  }
0xa8: {  	s5 =	sshll.u32 s28, $0x1;
	[dreg:$0x2] =	wrdreg s3  }
0xa9: {  	[dreg:$0x3] =	wrdreg s5  }
0xaa: {  	[dreg:$0x4] =	wrdreg $0xC0  }
0xab: {  	_ =	task [dreg:s7], $0x5FFFF  }
0xac: {  	[dreg:$0x1] =	wrdreg $0xFFFFFFFF  }
0xad: {  	[dreg:$0x0] =	wrdreg $0x60  }
0xae: {  	[dreg:$0x2] =	wrdreg s24  }
0xaf: {  	[dreg:$0x3] =	wrdreg s2  }
0xb0: {  	[dreg:$0x4] =	wrdreg $0x0  }
0xb1: {  	[dreg:$0x5] =	wrdreg $0x9  }
0xb2: {  	_ =	task.clear_ibuf [dreg:s7], $0x6FFFF;
	_ =	strace $0x9000004C  }
0xb3: {  	s29 =	simm.s32 $0x9;
	_ =	strace $0x8000004E  }
0xb4: {  	_ =	swait.ge [sflag:s29], $0x1  }
0xb5: {  	[sflag:s29] =	ssyncadd.s32 $0xFFFFFFFF  }
0xb6: {  	_ =	strace $0x9000004E  }
0xb7: {  	_ =	sfence  }
0xb8: {  	s30 =	sld [smem:$0x0];
	_ =	sdelay $0x2  }
0xb9: {  	s31 =	sshll.u32 s1, $0xD;
	s1 =	sshrl.u32 s1, $0x2  }
0xba: {  	s3 =	sand.u32 $0x4000, s31;
	s1 =	sadd.s32 s1, s30  }
0xbb: {  	s0 =	sor.u32 s3, s0;
	s1 =	sshll.u32 s1, $0x11  }
0xbc: {  	s0 =	sor.u32 s1, s0  }
0xbd: {  	s0 =	sadd.s32 $0x8F2B, s0  }
0xbe: {  	[sflag:s0] =	ssyncadd.remote.s32 $0x1  }
0xbf: {  	_ =	sfence.sel $0xFFFF  }
0xc0: {  	[dreg:$0x0] =	wrdreg $0xFFFFFFFF;
	(pc) =	sbr.abs _section_cstart, $3  }
0xc1: {  	[dreg:$0x1] =	wrdreg $0xFFFFFFFF  }
0xc2: {  	_ =	task.clear_ibuf [dreg:s7], $0x2FFFF;
	_ =	strace $0x9FFFFFFF  }
0xc3: {  	(tm) =	ssettm $0x7FFFFFFF  }
tec
execute0_lowered:
.L_overlay_start_1:
0x0: {  	(tag) =	ssettag $0x1  }
0x1: {  	s0 =	rddreg [dreg:$0x0]  }
0x2: {  	s1 =	rddreg [dreg:$0x1]  }
0x3: {  	s2 =	rddreg [dreg:$0x2];
	s11 =	stileid.u32  }
0x4: {  	s3 =	srdreg.scid;
	s28 =	simm.s32 $0x0;
	s12 =	smul.u32 $0x4E000, s11  }
0x5: {  	s7 =	sand.u32 $0x1, s3;
	s4 =	sshll.u32 s11, $0x1;
	s22 =	smul.u32 $0x2700, s11  }
0x6: {  	s3 =	simm.s32 $0x0;
	p0 =	slt.u32 s11, $0x2;
	s26 =	smul.u32 $0x1380, s11  }
0x7: {  	p1 =	sne.s32 s11, $0xF;
	s5 =	smul.u32 $0x28000, s7;
	s6 =	sor.u32 s7, s4  }
0x8: {  	[smem:$0x7FF] =	sst s3;
	s9 =	ssub.s32 $0x2, s7;
	s7 =	smul.u32 $0x9C0, s7  }
0x9: {  	s4 =	sadd.s32 $0x2E00, s0;
	s8 =	smul.u32 $0x4E, s6;
	_ =	strace $0x8000004D  }
0xa: {  	s13 =	smin.u32 s6, $0x4;
	s16 =	sshrl.u32 s9, $0x1;
	s21 =	sshrl.u32 s12, $0x2  }
0xb: {  	s0 =	sadd.s32 s5, s0;
	s5 =	simm.s32 $0x4F;
	s12 =	sadd.s32 s21, s2  }
0xc: {  	s6 =	sadd.s32 s13, s8;
	s5 =	simm.s32 @!p0 $0x4E;
	s24 =	sadd.s32 $0x3400, s12  }
0xd: {  	s8 =	ssub.s32 s9, s16;
	s25 =	sadd.s32 $0x6800, s12;
	[dreg:$0xb] =	wrdreg s24  }
0xe: {  	s9 =	sadd.s32 $0x138000, s2;
	s29 =	sadd.s32 $0x9C00, s12;
	[dreg:$0xc] =	wrdreg s25  }
0xf: {  	s14 =	sadd.s32 $0x2AE00, s0;
	s30 =	sadd.s32 $0xD000, s12;
	[dreg:$0xd] =	wrdreg s29  }
0x10: {  	s13 =	sshll.u32 s13, $0x5;
	s31 =	sadd.s32 $0x10400, s12;
	[dreg:$0xe] =	wrdreg s30  }
0x11: {  	s0 =	simm.s32 @!p1 $0x0;
	s18 =	sadd.s32 $0xFFFFFFFA, s5;
	[dreg:$0xf] =	wrdreg s31  }
0x12: {  	s6 =	sshll.u32 s6, $0x5;
	s19 =	sadd.s32 $0xFFFFFFF9, s5;
	[dreg:$0x4] =	wrdreg s18  }
0x13: {  	s20 =	sadd.s32 $0xFFFFFFF8, s5;
	s23 =	smax.u32 s8, $0x1;
	[dreg:$0x5] =	wrdreg s19  }
0x14: {  	s24 =	simm.s32 $0x13E80;
	s25 =	sadd.s32 s22, s14;
	[dreg:$0x6] =	wrdreg s20  }
0x15: {  	s0 =	simm.s32 @p1 $0x1;
	s6 =	sadd.s32 s1, s6;
	[dreg:$0xa] =	wrdreg s23  }
0x16: {  	s19 =	sadd.s32 s13, s1;
	s20 =	sadd.s32 s7, s26;
	[smem:$0x7FD] =	sst s0  }
0x17: {  	s26 =	simm.s32 $0xD;
	[dreg:$0x9] =	wrdreg s6;
	s10 =	sadd.s32 $0x40, s6  }
0x18: {  	s17 =	sadd.s32 $0x20, s6;
	[dreg:$0x8] =	wrdreg s10;
	s10 =	simm.s32 $0x51  }
0x19: {  	v0 =	vimm.f32 $0.0e+00;
	s6 =	smov.u32 s14;
	[dreg:$0x7] =	wrdreg s17;
	s10 =	simm.s32 @!p0 $0x50  }
.LBB2_1:
0x1a: {  	s0 =	rddreg [dreg:$0x9]  }
0x1b: {  	s1 =	simm.s32 $0x13880;
	s23 =	rddreg [dreg:$0x7]  }
0x1c: {  	[tilespmem:s1], [sflag:$0x1] =	stream.linear.gather [hbm4b:s0+s3], $0x100, $0x38;
	[tilespmem:$0x1FE80] =	vst v63  }
0x1d: {  	s29 =	simm.s32 $0x13980;
	s30 =	rddreg [dreg:$0x8]  }
0x1e: {  	[tilespmem:s29], [sflag:$0x2] =	stream.linear.gather [hbm4b:s23+s3], $0x100, $0x38;
	[tilespmem:$0x1FE80] =	vst v63  }
0x1f: {  	s31 =	simm.s32 $0x13A80;
	s0 =	simm.s32 $0x0;
	s1 =	simm.s32 $0x200  }
0x20: {  	[tilespmem:s31], [sflag:$0x3] =	stream.linear.gather [hbm4b:s30+s3], $0x100, $0x38;
	[tilespmem:$0x1FE80] =	vst v63  }
.LBB2_2:
0x21: {  	p0 =	sne.s32 s1, $0xFE00;
	[tilespmem:s0+$0x13EF0] =	vst v0  }
0x22: {  	[tilespmem:s0+$0x13E80] =	vst v0  }
0x23: {  	[tilespmem:s0+$0x13E90] =	vst v0  }
.Ltmp0:
0x24: {  	[tilespmem:s0+$0x13EA0] =	vst v0;
	(pc) =	sbr.rel @p0 .LBB2_2-.Ltmp0, $4  }
0x25: {  	[tilespmem:s0+$0x13EB0] =	vst v0  }
0x26: {  	[tilespmem:s0+$0x13EC0] =	vst v0  }
0x27: {  	[tilespmem:s0+$0x13ED0] =	vst v0  }
0x28: {  	[tilespmem:s0+$0x13EE0] =	vst v0;
	s0 =	sshra.s32 s1, $0x2;
	s1 =	sadd.s32 $0x200, s1  }
0x29: {  	[tilespmem:s0+$0x13EF0] =	vst v0  }
0x2a: {  	[tilespmem:s0+$0x13E80] =	vst v0  }
0x2b: {  	[tilespmem:s0+$0x13E90] =	vst v0  }
0x2c: {  	[tilespmem:s0+$0x13EA0] =	vst v0  }
0x2d: {  	[tilespmem:s0+$0x13EB0] =	vst v0  }
0x2e: {  	[tilespmem:s0+$0x13EC0] =	vst v0  }
0x2f: {  	[tilespmem:s0+$0x13ED0] =	vst v0  }
0x30: {  	[tilespmem:s0+$0x13EE0] =	vst v0  }
0x31: {  	[spmem:s12] =	stream.linear.scatter [tilespmem:s24], [sflag:$0xD], $0x3400, $0x38;
	[tilespmem:$0x1FE80] =	vst v63  }
0x32: {  	_ =	swait.ge [sflag:s26], $0x3400  }
0x33: {  	[sflag:s26] =	ssyncset.done $0x0  }
0x34: {  	s17 =	rddreg [dreg:$0xb];
	[sflag:s26] =	ssyncadd.s32 $0xFFFFCC00  }
0x35: {  	[spmem:s17] =	stream.linear.scatter [tilespmem:s24], [sflag:$0xD], $0x3400, $0x38;
	[tilespmem:$0x1FE80] =	vst v63  }
0x36: {  	_ =	swait.ge [sflag:s26], $0x3400  }
0x37: {  	[sflag:s26] =	ssyncset.done $0x0  }
0x38: {  	s18 =	rddreg [dreg:$0xc];
	[sflag:s26] =	ssyncadd.s32 $0xFFFFCC00  }
0x39: {  	[spmem:s18] =	stream.linear.scatter [tilespmem:s24], [sflag:$0xD], $0x3400, $0x38;
	[tilespmem:$0x1FE80] =	vst v63  }
0x3a: {  	_ =	swait.ge [sflag:s26], $0x3400  }
0x3b: {  	[sflag:s26] =	ssyncset.done $0x0  }
0x3c: {  	s21 =	rddreg [dreg:$0xd];
	[sflag:s26] =	ssyncadd.s32 $0xFFFFCC00  }
0x3d: {  	[spmem:s21] =	stream.linear.scatter [tilespmem:s24], [sflag:$0xD], $0x3400, $0x38;
	[tilespmem:$0x1FE80] =	vst v63  }
0x3e: {  	_ =	swait.ge [sflag:s26], $0x3400  }
0x3f: {  	[sflag:s26] =	ssyncset.done $0x0  }
0x40: {  	s22 =	rddreg [dreg:$0xe];
	[sflag:s26] =	ssyncadd.s32 $0xFFFFCC00  }
0x41: {  	[spmem:s22] =	stream.linear.scatter [tilespmem:s24], [sflag:$0xD], $0x3400, $0x38;
	[tilespmem:$0x1FE80] =	vst v63  }
0x42: {  	_ =	swait.ge [sflag:s26], $0x3400  }
0x43: {  	[sflag:s26] =	ssyncset.done $0x0  }
0x44: {  	s23 =	rddreg [dreg:$0xf];
	[sflag:s26] =	ssyncadd.s32 $0xFFFFCC00  }
0x45: {  	[spmem:s23] =	stream.linear.scatter [tilespmem:s24], [sflag:$0xD], $0x3400, $0x38;
	[tilespmem:$0x1FE80] =	vst v63  }
0x46: {  	_ =	swait.ge [sflag:s26], $0x3400  }
0x47: {  	[sflag:s26] =	ssyncset.done $0x0  }
0x48: {  	s0 =	simm.s32 @!p1 $0x13E80;
	[sflag:s26] =	ssyncadd.s32 $0xFFFFCC00  }
0x49: {  	[spmem:s9] =	stream.linear.scatter @!p1 [tilespmem:s0], [sflag:$0xD], $0x800, $0x38;
	[tilespmem:$0x1FE80] =	vst v63  }
0x4a: {  	s0 =	simm.s32 @!p1 $0xD  }
0x4b: {  	_ =	swait.ge @!p1 [sflag:s0], $0x800  }
0x4c: {  	[sflag:s0] =	ssyncset.done @!p1 $0x0  }
0x4d: {  	p5 =	sle.u32 s5, $0x0;
	[sflag:s0] =	ssyncadd.s32 @!p1 $0xFFFFF800  }
0x4e: {  	s29 =	simm.s32 $0x0;
	s1 =	simm.s32 @!p5 $0x1;
	[bflag:$0x0] =	sbarrier.arrive $0xFFFF  }
0x4f: {  	p4 =	por $0x1, $0x1;
	p6 =	sle.u32 s5, $0x1;
	_ =	swait.ge @!p5 [sflag:s1], $0x100  }
0x50: {  	p3 =	sle.u32 s5, $0x4;
	s31 =	smov.u32 s20;
	[sflag:s1] =	ssyncset.done @!p5 $0x0  }
0x51: {  	s30 =	smov.u32 s20;
	[sflag:s1] =	ssyncadd.s32 @!p5 $0xFFFFFF00;
	s1 =	simm.s32 @!p4 $0xA  }
0x52: {  	s14 =	simm.s32 @!p4 $0x9;
	s7 =	simm.s32 @!p5 $0x13E80;
	_ =	swait.ge @!p4 [sflag:s1], $0x4000  }
0x53: {  	s8 =	simm.s32 @!p5 $0x80;
	s15 =	simm.s32 @!p4 $0x1BE80;
	[sflag:s1] =	ssyncset.done @!p4 $0x0  }
0x54: {  	p1 =	sle.u32 s5, $0x3;
	[sflag:s1] =	ssyncadd.s32 @!p4 $0xFFFFC000;
	s1 =	simm.s32 @!p5 $0x13880  }
0x55: {  	[tilespmem:s7], [sflag:$0x7] =	stream.indirect.gather @!p5 [hbm4b:s4+s8], $0x80, s1, s8, $0xb8;
	[tilespmem:$0x1FE80] =	vst v63  }
0x56: {  	s16 =	simm.s32 @!p4 $0xB;
	s13 =	sadd.s32 @!p1 s20, s19;
	_ =	swait.ge @!p4 [sflag:s14], $0x4000  }
0x57: {  	s21 =	simm.s32 $0x3;
	s13 =	sadd.s32 @!p1 $0x60, s13;
	[sflag:s14] =	ssyncset.done @!p4 $0x0  }
0x58: {  	s1 =	simm.s32 @!p4 $0x13E00;
	[sflag:s14] =	ssyncadd.s32 @!p4 $0xFFFFC000;
	s14 =	simm.s32 @!p4 $0x80  }
0x59: {  	[spmem:s2] =	stream.indirect.scatter.add.f32 @!p4 [tilespmem:s15], [sflag:$0xC], $0x80, s1, s14, $0xb8;
	[tilespmem:$0x1FE80] =	vst v63  }
0x5a: {  	s14 =	simm.s32 @!p1 $0x0;
	s1 =	simm.s32 @!p1 $0x13B80;
	s15 =	simm.s32 @!p6 $0x2  }
0x5b: {  	[tilespmem:s1], [sflag:$0x4] =	stream.linear.gather @!p1 [hbm4b:s13+s14], $0x100, $0x38;
	[tilespmem:$0x1FE80] =	vst v63  }
0x5c: {  	s22 =	simm.s32 $0x4;
	s23 =	sadd.s32 @!p3 s20, s19;
	_ =	swait.ge @!p6 [sflag:s15], $0x100  }
0x5d: {  	s0 =	simm.s32 $0x6;
	s13 =	simm.s32 @!p5 $0x7;
	[sflag:s15] =	ssyncset.done @!p6 $0x0  }
0x5e: {  	s14 =	simm.s32 $0x2;
	[sflag:s15] =	ssyncadd.s32 @!p6 $0xFFFFFF00;
	s15 =	sadd.s32 @!p3 $0x80, s23  }
.LBB2_4:
0x5f: {  	_ =	swait.ge @!p4 [sflag:s16], $0x4000  }
0x60: {  	s17 =	simm.s32 @!p6 $0x17E80;
	[sflag:s16] =	ssyncset.done @!p4 $0x0  }
0x61: {  	s18 =	simm.s32 @!p6 $0x80;
	s11 =	simm.s32 @!p6 $0x13980;
	[sflag:s16] =	ssyncadd.s32 @!p4 $0xFFFFC000  }
0x62: {  	[tilespmem:s17], [sflag:$0x8] =	stream.indirect.gather @!p6 [hbm4b:s4+s18], $0x80, s11, s18, $0xb8;
	[tilespmem:$0x1FE80] =	vst v63  }
0x63: {  	_ =	swait.ge @!p5 [sflag:s13], $0x4000  }
0x64: {  	[sflag:s13] =	ssyncset.done @!p5 $0x0  }
0x65: {  	p6 =	sge.u32 s14, s5;
	s11 =	simm.s32 @!p5 $0x13900;
	[sflag:s13] =	ssyncadd.s32 @!p5 $0xFFFFC000  }
0x66: {  	[spmem:s2] =	stream.indirect.scatter.add.f32 @!p5 [tilespmem:s7], [sflag:$0xA], $0x80, s11, s8, $0xb8;
	[tilespmem:$0x1FE80] =	vst v63  }
0x67: {  	s13 =	simm.s32 @!p3 $0x13C80;
	s7 =	simm.s32 @!p3 $0x0;
	s8 =	simm.s32 @!p6 $0x3  }
0x68: {  	[tilespmem:s13], [sflag:$0x5] =	stream.linear.gather @!p3 [hbm4b:s15+s7], $0x100, $0x38;
	[tilespmem:$0x1FE80] =	vst v63  }
0x69: {  	p0 =	sgt.u32 s14, s5;
	_ =	swait.ge @!p6 [sflag:s8], $0x100  }
0x6a: {  	s14 =	simm.s32 @!p0 $0x8;
	[sflag:s8] =	ssyncset.done @!p6 $0x0  }
0x6b: {  	s11 =	simm.s32 @!p4 $0xC;
	s7 =	sadd.s32 $0x5, s29;
	[sflag:s8] =	ssyncadd.s32 @!p6 $0xFFFFFF00  }
0x6c: {  	s17 =	simm.s32 @!p6 $0x13A80;
	p5 =	sge.u32 s7, s5;
	_ =	swait.ge @!p4 [sflag:s11], $0x4000  }
0x6d: {  	s15 =	simm.s32 @!p6 $0x1BE80;
	s8 =	sadd.s32 @!p5 s31, s19;
	[sflag:s11] =	ssyncset.done @!p4 $0x0  }
0x6e: {  	s16 =	sadd.s32 @!p5 $0xA0, s8;
	s8 =	simm.s32 @!p6 $0x80;
	[sflag:s11] =	ssyncadd.s32 @!p4 $0xFFFFC000  }
0x6f: {  	[tilespmem:s15], [sflag:$0x9] =	stream.indirect.gather @!p6 [hbm4b:s4+s8], $0x80, s17, s8, $0xb8;
	[tilespmem:$0x1FE80] =	vst v63  }
0x70: {  	_ =	swait.ge @!p0 [sflag:s14], $0x4000  }
0x71: {  	s11 =	simm.s32 @!p0 $0x80;
	[sflag:s14] =	ssyncset.done @!p0 $0x0  }
0x72: {  	s15 =	simm.s32 @!p0 $0x13A00;
	s17 =	simm.s32 @!p0 $0x17E80;
	[sflag:s14] =	ssyncadd.s32 @!p0 $0xFFFFC000  }
0x73: {  	[spmem:s2] =	stream.indirect.scatter.add.f32 @!p0 [tilespmem:s17], [sflag:$0xB], $0x80, s15, s11, $0xb8;
	[tilespmem:$0x1FE80] =	vst v63  }
0x74: {  	s8 =	simm.s32 @!p5 $0x13D80;
	s14 =	simm.s32 @!p5 $0x0;
	s11 =	simm.s32 @!p1 $0x4  }
0x75: {  	[tilespmem:s8], [sflag:$0x6] =	stream.linear.gather @!p5 [hbm4b:s16+s14], $0x100, $0x38;
	[tilespmem:$0x1FE80] =	vst v63  }
0x76: {  	_ =	swait.ge @!p1 [sflag:s11], $0x100  }
0x77: {  	p0 =	sgt.u32 s21, s10;
	[sflag:s11] =	ssyncset.done @!p1 $0x0  }
0x78: {  	[sflag:s11] =	ssyncadd.s32 @!p1 $0xFFFFFF00;
	s11 =	simm.s32 @!p0 $0xA  }
0x79: {  	_ =	swait.ge @!p0 [sflag:s11], $0x4000  }
0x7a: {  	p4 =	sgt.u32 s21, s5;
	s15 =	simm.s32 @!p1 $0x80;
	[sflag:s11] =	ssyncset.done @!p0 $0x0  }
0x7b: {  	s14 =	simm.s32 @!p4 $0x9;
	[sflag:s11] =	ssyncadd.s32 @!p0 $0xFFFFC000;
	s11 =	simm.s32 @!p1 $0x13E80  }
0x7c: {  	[tilespmem:s11], [sflag:$0x7] =	stream.indirect.gather @!p1 [hbm4b:s4+s15], $0x80, s1, s15, $0xb8;
	[tilespmem:$0x1FE80] =	vst v63  }
0x7d: {  	s17 =	simm.s32 @!p4 $0x13B00;
	_ =	swait.ge @!p4 [sflag:s14], $0x4000  }
0x7e: {  	s16 =	simm.s32 @!p4 $0x1BE80;
	[sflag:s14] =	ssyncset.done @!p4 $0x0;
	s15 =	rddreg [dreg:$0x4]  }
0x7f: {  	[sflag:s14] =	ssyncadd.s32 @!p4 $0xFFFFC000;
	s14 =	simm.s32 @!p4 $0x80;
	p0 =	sge.u32 s29, s15  }
0x80: {  	[spmem:s2] =	stream.indirect.scatter.add.f32 @!p4 [tilespmem:s16], [sflag:$0xC], $0x80, s17, s14, $0xb8;
	[tilespmem:$0x1FE80] =	vst v63  }
0x81: {  	s1 =	simm.s32 @!p3 $0x5;
	s11 =	sadd.s32 @!p0 s31, s19  }
0x82: {  	s14 =	simm.s32 @!p0 $0x0;
	s15 =	simm.s32 @!p0 $0x13880;
	s11 =	sadd.s32 @!p0 $0xC0, s11  }
0x83: {  	[tilespmem:s15], [sflag:$0x1] =	stream.linear.gather @!p0 [hbm4b:s11+s14], $0x100, $0x38;
	[tilespmem:$0x1FE80] =	vst v63  }
0x84: {  	_ =	swait.ge @!p3 [sflag:s1], $0x100  }
0x85: {  	p1 =	sgt.u32 s22, s10;
	[sflag:s1] =	ssyncset.done @!p3 $0x0  }
0x86: {  	s11 =	simm.s32 @!p1 $0xB;
	[sflag:s1] =	ssyncadd.s32 @!p3 $0xFFFFFF00  }
0x87: {  	_ =	swait.ge @!p1 [sflag:s11], $0x4000  }
0x88: {  	p4 =	sgt.u32 s22, s5;
	s16 =	simm.s32 @!p3 $0x80;
	[sflag:s11] =	ssyncset.done @!p1 $0x0  }
0x89: {  	s17 =	simm.s32 @!p4 $0x7;
	s1 =	simm.s32 @!p3 $0x17E80;
	[sflag:s11] =	ssyncadd.s32 @!p1 $0xFFFFC000  }
0x8a: {  	[tilespmem:s1], [sflag:$0x8] =	stream.indirect.gather @!p3 [hbm4b:s4+s16], $0x80, s13, s16, $0xb8;
	[tilespmem:$0x1FE80] =	vst v63  }
0x8b: {  	p6 =	sgt.u32 s7, s10;
	s14 =	simm.s32 @!p4 $0x13E80;
	_ =	swait.ge @!p4 [sflag:s17], $0x4000  }
0x8c: {  	s15 =	simm.s32 @!p4 $0x80;
	s13 =	simm.s32 @!p4 $0x13C00;
	s18 =	rddreg [dreg:$0x5]  }
0x8d: {  	p3 =	sgt.u32 s7, s5;
	[sflag:s17] =	ssyncset.done @!p4 $0x0;
	p0 =	sge.u32 s29, s18  }
0x8e: {  	s16 =	simm.s32 @!p5 $0x6;
	[sflag:s17] =	ssyncadd.s32 @!p4 $0xFFFFC000;
	s7 =	sadd.s32 @!p0 s30, s19  }
0x8f: {  	[spmem:s2] =	stream.indirect.scatter.add.f32 @!p4 [tilespmem:s14], [sflag:$0xA], $0x80, s13, s15, $0xb8;
	[tilespmem:$0x1FE80] =	vst v63  }
0x90: {  	s13 =	simm.s32 @!p0 $0x0;
	s14 =	simm.s32 @!p0 $0x13980;
	s7 =	sadd.s32 @!p0 $0xE0, s7  }
0x91: {  	[tilespmem:s14], [sflag:$0x2] =	stream.linear.gather @!p0 [hbm4b:s7+s13], $0x100, $0x38;
	[tilespmem:$0x1FE80] =	vst v63  }
0x92: {  	s23 =	smov.u32 s0;
	_ =	swait.ge @!p5 [sflag:s16], $0x100  }
0x93: {  	s21 =	sadd.s32 $0x3, s23;
	s31 =	sadd.s32 $0xC0, s31;
	[sflag:s16] =	ssyncset.done @!p5 $0x0  }
0x94: {  	s11 =	simm.s32 @!p6 $0xC;
	p1 =	sge.u32 s21, s5;
	[sflag:s16] =	ssyncadd.s32 @!p5 $0xFFFFFF00  }
0x95: {  	s1 =	sadd.s32 @!p1 s31, s19;
	_ =	swait.ge @!p6 [sflag:s11], $0x4000  }
0x96: {  	s7 =	simm.s32 @!p5 $0x80;
	s14 =	simm.s32 @!p5 $0x1BE80;
	[sflag:s11] =	ssyncset.done @!p6 $0x0  }
0x97: {  	s13 =	sadd.s32 @!p1 $0x60, s1;
	s1 =	simm.s32 @!p3 $0x8;
	[sflag:s11] =	ssyncadd.s32 @!p6 $0xFFFFC000  }
0x98: {  	[tilespmem:s14], [sflag:$0x9] =	stream.indirect.gather @!p5 [hbm4b:s4+s7], $0x80, s8, s7, $0xb8;
	[tilespmem:$0x1FE80] =	vst v63  }
0x99: {  	_ =	swait.ge @!p3 [sflag:s1], $0x4000  }
0x9a: {  	s15 =	simm.s32 @!p3 $0x17E80;
	[sflag:s1] =	ssyncset.done @!p3 $0x0  }
0x9b: {  	s8 =	simm.s32 @!p3 $0x13D00;
	s22 =	rddreg [dreg:$0x6];
	[sflag:s1] =	ssyncadd.s32 @!p3 $0xFFFFC000  }
0x9c: {  	s1 =	simm.s32 @!p3 $0x80;
	p0 =	sge.u32 s29, s22;
	s29 =	smov.u32 s23  }
0x9d: {  	[spmem:s2] =	stream.indirect.scatter.add.f32 @!p3 [tilespmem:s15], [sflag:$0xB], $0x80, s8, s1, $0xb8;
	[tilespmem:$0x1FE80] =	vst v63  }
0x9e: {  	s1 =	sadd.s32 @!p0 s30, s19;
	s7 =	simm.s32 @!p0 $0x0;
	p5 =	sge.u32 s29, s5  }
0x9f: {  	s8 =	simm.s32 @!p0 $0x13A80;
	s1 =	sadd.s32 @!p0 $0x100, s1;
	s11 =	simm.s32 @!p5 $0x1  }
0xa0: {  	[tilespmem:s8], [sflag:$0x3] =	stream.linear.gather @!p0 [hbm4b:s1+s7], $0x100, $0x38;
	[tilespmem:$0x1FE80] =	vst v63  }
0xa1: {  	_ =	swait.ge @!p5 [sflag:s11], $0x100  }
0xa2: {  	s0 =	sadd.s32 $0x6, s0;
	p4 =	seq.s32 s29, $0x0;
	[sflag:s11] =	ssyncset.done @!p5 $0x0  }
0xa3: {  	p2 =	sne.s32 s0, $0x54;
	s8 =	simm.s32 @!p4 $0xA;
	[sflag:s11] =	ssyncadd.s32 @!p5 $0xFFFFFF00  }
0xa4: {  	s30 =	smov.u32 s31;
	s23 =	sadd.s32 $0x1, s29;
	_ =	swait.ge @!p4 [sflag:s8], $0x4000  }
0xa5: {  	s1 =	simm.s32 @!p4 $0x9;
	s7 =	simm.s32 @!p5 $0x13E80;
	[sflag:s8] =	ssyncset.done @!p4 $0x0  }
0xa6: {  	s11 =	simm.s32 @!p5 $0x13880;
	[sflag:s8] =	ssyncadd.s32 @!p4 $0xFFFFC000;
	s8 =	simm.s32 @!p5 $0x80  }
0xa7: {  	[tilespmem:s7], [sflag:$0x7] =	stream.indirect.gather @!p5 [hbm4b:s4+s8], $0x80, s11, s8, $0xb8;
	[tilespmem:$0x1FE80] =	vst v63  }
0xa8: {  	s22 =	sadd.s32 $0x4, s29;
	p6 =	sge.u32 s23, s5;
	_ =	swait.ge @!p4 [sflag:s1], $0x4000  }
0xa9: {  	s14 =	simm.s32 @!p4 $0x1BE80;
	s15 =	simm.s32 @!p6 $0x2;
	[sflag:s1] =	ssyncset.done @!p4 $0x0  }
0xaa: {  	s11 =	simm.s32 @!p4 $0x13E00;
	[sflag:s1] =	ssyncadd.s32 @!p4 $0xFFFFC000;
	s1 =	simm.s32 @!p4 $0x80  }
0xab: {  	[spmem:s2] =	stream.indirect.scatter.add.f32 @!p4 [tilespmem:s14], [sflag:$0xC], $0x80, s11, s1, $0xb8;
	[tilespmem:$0x1FE80] =	vst v63  }
.Ltmp1:
0xac: {  	s11 =	simm.s32 @!p1 $0x0;
	s1 =	simm.s32 @!p1 $0x13B80;
	(pc) =	sbr.rel @p2 .LBB2_4-.Ltmp1, $4  }
0xad: {  	[tilespmem:s1], [sflag:$0x4] =	stream.linear.gather @!p1 [hbm4b:s13+s11], $0x100, $0x38;
	[tilespmem:$0x1FE80] =	vst v63  }
0xae: {  	p3 =	sge.u32 s22, s5;
	s16 =	simm.s32 @!p4 $0xB;
	_ =	swait.ge @!p6 [sflag:s15], $0x100  }
0xaf: {  	s14 =	sadd.s32 $0x2, s29;
	s11 =	sadd.s32 @!p3 s31, s19;
	[sflag:s15] =	ssyncset.done @!p6 $0x0  }
0xb0: {  	s13 =	simm.s32 @!p5 $0x7;
	[sflag:s15] =	ssyncadd.s32 @!p6 $0xFFFFFF00;
	s15 =	sadd.s32 @!p3 $0x80, s11  }
0xb1: {  	_ =	swait.ge @!p4 [sflag:s16], $0x4000  }
0xb2: {  	s0 =	simm.s32 @!p6 $0x17E80;
	[sflag:s16] =	ssyncset.done @!p4 $0x0  }
0xb3: {  	s11 =	simm.s32 @!p6 $0x80;
	[sflag:s16] =	ssyncadd.s32 @!p4 $0xFFFFC000;
	s16 =	simm.s32 @!p6 $0x13980  }
0xb4: {  	[tilespmem:s0], [sflag:$0x8] =	stream.indirect.gather @!p6 [hbm4b:s4+s11], $0x80, s16, s11, $0xb8;
	[tilespmem:$0x1FE80] =	vst v63  }
0xb5: {  	_ =	swait.ge @!p5 [sflag:s13], $0x4000  }
0xb6: {  	[sflag:s13] =	ssyncset.done @!p5 $0x0  }
0xb7: {  	p0 =	sge.u32 s14, s5;
	s0 =	simm.s32 @!p5 $0x13900;
	[sflag:s13] =	ssyncadd.s32 @!p5 $0xFFFFC000  }
0xb8: {  	[spmem:s2] =	stream.indirect.scatter.add.f32 @!p5 [tilespmem:s7], [sflag:$0xA], $0x80, s0, s8, $0xb8;
	[tilespmem:$0x1FE80] =	vst v63  }
0xb9: {  	s0 =	simm.s32 @!p3 $0x0;
	s8 =	simm.s32 @!p3 $0x13C80;
	s7 =	simm.s32 @!p0 $0x3  }
0xba: {  	[tilespmem:s8], [sflag:$0x5] =	stream.linear.gather @!p3 [hbm4b:s15+s0], $0x100, $0x38;
	[tilespmem:$0x1FE80] =	vst v63  }
0xbb: {  	_ =	swait.ge @!p0 [sflag:s7], $0x100  }
0xbc: {  	[sflag:s7] =	ssyncset.done @!p0 $0x0  }
0xbd: {  	s0 =	simm.s32 @!p4 $0xC;
	[sflag:s7] =	ssyncadd.s32 @!p0 $0xFFFFFF00  }
0xbe: {  	p5 =	sgt.u32 s14, s5;
	_ =	swait.ge @!p4 [sflag:s0], $0x4000  }
0xbf: {  	s13 =	simm.s32 @!p0 $0x80;
	s11 =	simm.s32 @!p5 $0x8;
	[sflag:s0] =	ssyncset.done @!p4 $0x0  }
0xc0: {  	s7 =	simm.s32 @!p0 $0x1BE80;
	[sflag:s0] =	ssyncadd.s32 @!p4 $0xFFFFC000;
	s0 =	simm.s32 @!p0 $0x13A80  }
0xc1: {  	[tilespmem:s7], [sflag:$0x9] =	stream.indirect.gather @!p0 [hbm4b:s4+s13], $0x80, s0, s13, $0xb8;
	[tilespmem:$0x1FE80] =	vst v63  }
0xc2: {  	s17 =	sadd.s32 $0x5, s29;
	_ =	swait.ge @!p5 [sflag:s11], $0x4000  }
0xc3: {  	p2 =	sge.u32 s17, s5;
	s7 =	simm.s32 @!p5 $0x80;
	[sflag:s11] =	ssyncset.done @!p5 $0x0  }
0xc4: {  	s13 =	simm.s32 @!p5 $0x13A00;
	[sflag:s11] =	ssyncadd.s32 @!p5 $0xFFFFC000;
	s11 =	simm.s32 @!p5 $0x17E80  }
0xc5: {  	[spmem:s2] =	stream.indirect.scatter.add.f32 @!p5 [tilespmem:s11], [sflag:$0xB], $0x80, s13, s7, $0xb8;
	[tilespmem:$0x1FE80] =	vst v63  }
0xc6: {  	s7 =	sadd.s32 @!p2 s31, s19  }
0xc7: {  	s13 =	simm.s32 @!p2 $0x0;
	s11 =	sadd.s32 @!p2 $0xA0, s7;
	s7 =	simm.s32 @!p2 $0x13D80  }
0xc8: {  	[tilespmem:s7], [sflag:$0x6] =	stream.linear.gather @!p2 [hbm4b:s11+s13], $0x100, $0x38;
	[tilespmem:$0x1FE80] =	vst v63  }
0xc9: {  	s11 =	simm.s32 @!p1 $0x4  }
0xca: {  	_ =	swait.ge @!p1 [sflag:s11], $0x100  }
0xcb: {  	p0 =	sgt.u32 s21, s10;
	[sflag:s11] =	ssyncset.done @!p1 $0x0  }
0xcc: {  	[sflag:s11] =	ssyncadd.s32 @!p1 $0xFFFFFF00;
	s11 =	simm.s32 @!p0 $0xA  }
0xcd: {  	p4 =	sgt.u32 s21, s5;
	_ =	swait.ge @!p0 [sflag:s11], $0x4000  }
0xce: {  	s14 =	simm.s32 @!p4 $0x9;
	[sflag:s11] =	ssyncset.done @!p0 $0x0  }
0xcf: {  	s13 =	simm.s32 @!p1 $0x80;
	[sflag:s11] =	ssyncadd.s32 @!p0 $0xFFFFC000;
	s11 =	simm.s32 @!p1 $0x13E80  }
0xd0: {  	[tilespmem:s11], [sflag:$0x7] =	stream.indirect.gather @!p1 [hbm4b:s4+s13], $0x80, s1, s13, $0xb8;
	[tilespmem:$0x1FE80] =	vst v63  }
0xd1: {  	s1 =	simm.s32 @!p4 $0x1BE80;
	_ =	swait.ge @!p4 [sflag:s14], $0x4000  }
0xd2: {  	s13 =	simm.s32 @!p4 $0x13B00;
	[sflag:s14] =	ssyncset.done @!p4 $0x0;
	s18 =	rddreg [dreg:$0x4]  }
0xd3: {  	[sflag:s14] =	ssyncadd.s32 @!p4 $0xFFFFC000;
	s14 =	simm.s32 @!p4 $0x80;
	p0 =	sge.u32 s29, s18  }
0xd4: {  	[spmem:s2] =	stream.indirect.scatter.add.f32 @!p4 [tilespmem:s1], [sflag:$0xC], $0x80, s13, s14, $0xb8;
	[tilespmem:$0x1FE80] =	vst v63  }
0xd5: {  	s1 =	sadd.s32 @!p0 s31, s19  }
0xd6: {  	s11 =	simm.s32 @!p0 $0x0;
	s13 =	simm.s32 @!p0 $0x13880;
	s1 =	sadd.s32 @!p0 $0xC0, s1  }
0xd7: {  	[tilespmem:s13], [sflag:$0x1] =	stream.linear.gather @!p0 [hbm4b:s1+s11], $0x100, $0x38;
	[tilespmem:$0x1FE80] =	vst v63  }
0xd8: {  	s1 =	simm.s32 @!p3 $0x5  }
0xd9: {  	_ =	swait.ge @!p3 [sflag:s1], $0x100  }
0xda: {  	p1 =	sgt.u32 s22, s10;
	[sflag:s1] =	ssyncset.done @!p3 $0x0  }
0xdb: {  	[sflag:s1] =	ssyncadd.s32 @!p3 $0xFFFFFF00;
	s1 =	simm.s32 @!p1 $0xB  }
0xdc: {  	_ =	swait.ge @!p1 [sflag:s1], $0x4000  }
0xdd: {  	p0 =	sgt.u32 s22, s5;
	[sflag:s1] =	ssyncset.done @!p1 $0x0  }
0xde: {  	s11 =	simm.s32 @!p3 $0x80;
	[sflag:s1] =	ssyncadd.s32 @!p1 $0xFFFFC000;
	s1 =	simm.s32 @!p3 $0x17E80  }
0xdf: {  	[tilespmem:s1], [sflag:$0x8] =	stream.indirect.gather @!p3 [hbm4b:s4+s11], $0x80, s8, s11, $0xb8;
	[tilespmem:$0x1FE80] =	vst v63  }
0xe0: {  	s1 =	simm.s32 @!p0 $0x7  }
0xe1: {  	s11 =	simm.s32 @!p0 $0x13E80;
	_ =	swait.ge @!p0 [sflag:s1], $0x4000  }
0xe2: {  	s8 =	simm.s32 @!p0 $0x80;
	s21 =	rddreg [dreg:$0x5];
	[sflag:s1] =	ssyncset.done @!p0 $0x0  }
0xe3: {  	[sflag:s1] =	ssyncadd.s32 @!p0 $0xFFFFC000;
	s1 =	simm.s32 @!p0 $0x13C00;
	p1 =	sge.u32 s29, s21  }
0xe4: {  	[spmem:s2] =	stream.indirect.scatter.add.f32 @!p0 [tilespmem:s11], [sflag:$0xA], $0x80, s1, s8, $0xb8;
	[tilespmem:$0x1FE80] =	vst v63  }
0xe5: {  	s1 =	sadd.s32 @!p1 s30, s19  }
0xe6: {  	s8 =	simm.s32 @!p1 $0x0;
	s11 =	simm.s32 @!p1 $0x13980;
	s1 =	sadd.s32 @!p1 $0xE0, s1  }
0xe7: {  	[tilespmem:s11], [sflag:$0x2] =	stream.linear.gather @!p1 [hbm4b:s1+s8], $0x100, $0x38;
	[tilespmem:$0x1FE80] =	vst v63  }
0xe8: {  	s1 =	simm.s32 @!p2 $0x6  }
0xe9: {  	_ =	swait.ge @!p2 [sflag:s1], $0x100  }
0xea: {  	p0 =	sgt.u32 s17, s10;
	[sflag:s1] =	ssyncset.done @!p2 $0x0  }
0xeb: {  	s8 =	simm.s32 @!p0 $0xC;
	[sflag:s1] =	ssyncadd.s32 @!p2 $0xFFFFFF00  }
0xec: {  	_ =	swait.ge @!p0 [sflag:s8], $0x4000  }
0xed: {  	s0 =	simm.s32 @!p2 $0x80;
	p1 =	sgt.u32 s17, s5;
	[sflag:s8] =	ssyncset.done @!p0 $0x0  }
0xee: {  	s1 =	simm.s32 @!p2 $0x1BE80;
	[sflag:s8] =	ssyncadd.s32 @!p0 $0xFFFFC000;
	s8 =	simm.s32 @!p1 $0x8  }
0xef: {  	[tilespmem:s1], [sflag:$0x9] =	stream.indirect.gather @!p2 [hbm4b:s4+s0], $0x80, s7, s0, $0xb8;
	[tilespmem:$0x1FE80] =	vst v63  }
0xf0: {  	s0 =	simm.s32 @!p1 $0x17E80;
	_ =	swait.ge @!p1 [sflag:s8], $0x4000  }
0xf1: {  	s7 =	simm.s32 @!p1 $0x80;
	[sflag:s8] =	ssyncset.done @!p1 $0x0;
	s22 =	rddreg [dreg:$0x6]  }
0xf2: {  	[sflag:s8] =	ssyncadd.s32 @!p1 $0xFFFFC000;
	s8 =	simm.s32 @!p1 $0x13D00;
	p0 =	sge.u32 s29, s22  }
0xf3: {  	[spmem:s2] =	stream.indirect.scatter.add.f32 @!p1 [tilespmem:s0], [sflag:$0xB], $0x80, s8, s7, $0xb8;
	[tilespmem:$0x1FE80] =	vst v63  }
0xf4: {  	s23 =	stileid.u32;
	s0 =	sadd.s32 @!p0 s30, s19  }
0xf5: {  	s1 =	simm.s32 @!p0 $0x0;
	s7 =	simm.s32 @!p0 $0x13A80;
	s0 =	sadd.s32 @!p0 $0x100, s0  }
0xf6: {  	[tilespmem:s7], [sflag:$0x3] =	stream.linear.gather @!p0 [hbm4b:s0+s1], $0x100, $0x38;
	[tilespmem:$0x1FE80] =	vst v63  }
0xf7: {  	s0 =	sshll.u32 s23, $0x6  }
0xf8: {  	s29 =	sshrl.u32 s12, $0x3;
	[bflag:$0x0] =	sbarrier.arrive $0xFFFF;
	s0 =	sor.u32 $0x1C0D, s0  }
0xf9: {  	[hbm:s25], [sflag:s0] =	dma.local [spmem:s29], $0x2700  }
0xfa: {  	_ =	swait.ge [sflag:s26], $0x2700  }
0xfb: {  	s30 =	sld [smem:$0x7FD];
	_ =	sdelay $0x2  }
0xfc: {  	[sflag:s26] =	ssyncset.done $0x0;
	p1 =	seq.s32 s30, $0x1  }
0xfd: {  	[sflag:s26] =	ssyncadd.s32 $0xFFFFD900;
	s1 =	sadd.s32 @!p1 $0x27000, s6;
	s7 =	sshrl.u32 @!p1 s9, $0x3  }
0xfe: {  	[hbm:s1], [sflag:s0] =	dma.local @!p1 [spmem:s7], $0x100  }
0xff: {  	s0 =	simm.s32 @!p1 $0xD  }
0x100: {  	_ =	swait.ge @!p1 [sflag:s0], $0x100  }
0x101: {  	s28 =	sadd.s32 $0x1, s28;
	s31 =	rddreg [dreg:$0xa]  }
0x102: {  	p0 =	sne.s32 s28, s31  }
.Ltmp2:
0x103: {  	_ = 	snop;
	(pc) =	sbr.rel @p0 .LBB2_1-.Ltmp2, $3  }
0x104: {  	_ =	sdelay $0x1  }
0x105: {  	[sflag:s0] =	ssyncset.done @!p1 $0x0  }
0x106: {  	[sflag:s0] =	ssyncadd.s32 @!p1 $0xFFFFFF00  }
0x107: {  	_ =	sfence.sel $0x180000  }
0x108: {  	[bflag:$0x0] =	sbarrier.arrive $0xFFFF  }
0x109: {  	_ =	strace $0x9000004D  }
0x10a: {  	s0 =	stileid.u32;
	[bflag:$0x2] =	sbarrier.arrive $0xFFFF  }
0x10b: {  	p0 =	sne.s32 s0, $0x0;
	s0 =	rddreg [dreg:$0x3]  }
0x10c: {  	s0 =	sadd.s32 @!p0 $0x100000, s0  }
0x10d: {  	[sflag:s0] =	ssyncadd.tile.s32 @!p0 $0x1;
	_ =	shalt  }
.Lfunc_end2:
_tile_overlayer_lowered:
.L_overlay_start_2:
0x10e: {  	(tag) =	ssettag $0x2  }
0x10f: {  	s0 =	rddreg [dreg:$0x0];
	s2 =	stileid.u32  }
0x110: {  	s1 =	rddreg [dreg:$0x1];
	p0 =	sne.s32 s2, $0x0  }
0x111: {  	s3 =	rddreg [dreg:$0x2];
	[bflag:$0x3] =	sbarrier.arrive $0xFFFF;
	s2 =	simm.s32 @!p0 $0x1C0D  }
0x112: {  	[timem:s3], [sflag:s2] =	dma.local @!p0 [hbm:s0], s1  }
0x113: {  	s0 =	simm.s32 @!p0 $0xD  }
0x114: {  	_ =	swait.ge @!p0 [sflag:s0], s1  }
0x115: {  	s1 =	ssub.s32 @!p0 $0x0, s1;
	[sflag:s0] =	ssyncset.done @!p0 $0x0  }
0x116: {  	[sflag:s0] =	ssyncadd.s32 @!p0 s1  }
0x117: {  	[bflag:$0x3] =	sbarrier.arrive $0xFFFF  }
0x118: {  	_ =	shalt  }

// kernel: kernel.8.cloned.1.call-start
scs
__scs_entry_jumppad:
0x0: {  	(pc) =	sbr.rel $0x88, $3  }
0x1: {  	(tag) =	ssettag $0x0;
	lr =	simm.s32 $0x1  }
0x2: {  	[smem:$0x3F99] =	sst lr;
	_ =	strace $0xD0000000  }
0x3: {  	_ = 	snop  }
0x4: {  	_ = 	snop  }
0x5: {  	_ = 	snop  }
0x6: {  	_ = 	snop  }
0x7: {  	_ = 	snop  }
__scs_overlays_trampoline_lowered:
0x8: {  	[smem:$0x3FA8] =	sst s0  }
0x9: {  	[smem:$0x3FA9] =	sst s1  }
0xa: {  	[smem:$0x3FAA] =	sst s2  }
0xb: {  	[smem:$0x3FAB] =	sst s3  }
0xc: {  	[smem:$0x3FAC] =	sst s4  }
0xd: {  	[smem:$0x3FAD] =	sst s5  }
0xe: {  	[smem:$0x3FAE] =	sst s6  }
0xf: {  	[smem:$0x3FAF] =	sst s7  }
0x10: {  	[smem:$0x3FB0] =	sst s8  }
0x11: {  	[smem:$0x3FB1] =	sst s9;
	s0 =	simm.s32 @!p0 $0x0  }
0x12: {  	s1 =	sld [smem:$0x3F97];
	s0 =	simm.s32 @p0 $0x1  }
0x13: {  	[smem:$0x3FB2] =	sst s0;
	s0 =	simm.s32 @!p1 $0x0  }
0x14: {  	s2 =	sld [smem:$0x3F96];
	s0 =	simm.s32 @p1 $0x1  }
0x15: {  	[smem:$0x3FB3] =	sst s0;
	s0 =	simm.s32 @!p2 $0x0  }
0x16: {  	s3 =	sld [smem:$0x3FDB];
	s0 =	simm.s32 @p2 $0x1  }
0x17: {  	s4 =	simm.s32 $0x1BF5;
	[smem:$0x3FB5] =	sst s0  }
0x18: {  	s0 =	sld [smem:$0x3F98];
	_ =	swait.ge [sflag:s4], $0x0  }
0x19: {  	s7 =	sld [smem:$0x3F99]  }
0x1a: {  	s8 =	sadd.s32 $0xFFFFE003, lr  }
0x1b: {  	s9 =	sadd.s32 $0xFFFFFEF7, lr;
	s5 =	simm.s32 $0xFFFFFFFF;
	p2 =	slt.u32 s8, $0xFFFFF086  }
0x1c: {  	p1 =	slt.u32 s9, $0xF7A;
	s5 =	simm.s32 @!p2 $0x0  }
0x1d: {  	s5 =	simm.s32 @p1 $0x1;
	p0 =	seq.s32 s7, s2  }
0x1e: {  	s7 =	smul.u32 @!p0 $0xF7A, s2;
	p2 =	seq.s32 @!p0 s5, $0x0  }
0x1f: {  	s9 =	smul.u32 $0xF7A, s1;
	s8 =	simm.s32 @!p0 $0x1BF5;
	p2 =	por !p2, p0  }
0x20: {  	[sflag:s8] =	ssyncset.s32 @!p0 $0xFFFFF086;
	s6 =	sadd.s32 @!p0 s3, s7;
	s7 =	simm.s32 @!p0 $0x108  }
0x21: {  	s3 =	sadd.s32 s3, s9;
	s6 =	sadd.s32 @!p0 $0x88, s6;
	s7 =	simm.s32 @p2 $0x1082  }
0x22: {  	[simem:s7], [sflag:s8] =	dma.local @!p0 [hbm:s6], $0xF7A  }
0x23: {  	s9 =	sor.u32 $0xD0000000, s2;
	s6 =	simm.s32 $0x108;
	_ =	swait.ge @!p0 [sflag:s8], $0x0  }
0x24: {  	s3 =	sadd.s32 $0x88, s3;
	s6 =	simm.s32 @!p1 $0x1082;
	[sflag:s4] =	ssyncset.s32 $0xFFFFF086  }
0x25: {  	[simem:s6], [sflag:s4] =	dma.local [hbm:s3], $0xF7A  }
0x26: {  	[smem:$0x3F99] =	sst s1;
	(tag) =	ssettag s2;
	_ =	strace s9  }
0x27: {  	s1 =	sld [smem:$0x3FA9]  }
0x28: {  	s2 =	sld [smem:$0x3FAA]  }
0x29: {  	s4 =	sld [smem:$0x3FAC]  }
0x2a: {  	p0 =	seq.s32 s5, $0x0;
	s5 =	sld [smem:$0x3FAD]  }
0x2b: {  	s6 =	sld [smem:$0x3FAE]  }
0x2c: {  	s7 =	sld [smem:$0x3FAF]  }
0x2d: {  	s3 =	simm.s32 $0x108;
	s8 =	sld [smem:$0x3FB0]  }
0x2e: {  	s3 =	simm.s32 @!p0 $0x1082;
	s9 =	sld [smem:$0x3FB1]  }
0x2f: {  	lr =	sadd.s32 s0, s3;
	s0 =	sld [smem:$0x3FA8]  }
0x30: {  	s3 =	sld [smem:$0x3FAB]  }
0x31: {  	[smem:$0x3FB4] =	sst s10  }
0x32: {  	s10 =	sld [smem:$0x3FB2];
	_ =	sdelay $0x3  }
0x33: {  	p0 =	seq.s32 s10, $0x1;
	s10 =	sld [smem:$0x3FB4];
	_ =	sdelay $0x3  }
0x34: {  	[smem:$0x3FB4] =	sst s10  }
0x35: {  	s10 =	sld [smem:$0x3FB3];
	_ =	sdelay $0x3  }
0x36: {  	p1 =	seq.s32 s10, $0x1;
	s10 =	sld [smem:$0x3FB4];
	_ =	sdelay $0x3  }
0x37: {  	[smem:$0x3FB4] =	sst s10  }
0x38: {  	s10 =	sld [smem:$0x3FB5]  }
0x39: {  	_ = 	snop;
	(pc) =	sbr.ind lr, $3  }
0x3a: {  	_ = 	snop  }
0x3b: {  	_ = 	snop  }
0x3c: {  	p2 =	seq.s32 s10, $0x1;
	s10 =	sld [smem:$0x3FB4]  }
0x3d: {  	_ =	shalt  }
0x3e: {  	_ =	shalt  }
0x3f: {  	_ =	shalt  }
0x40: {  	_ =	shalt  }
0x41: {  	_ =	shalt  }
0x42: {  	_ =	shalt  }
0x43: {  	_ =	shalt  }
0x44: {  	_ =	shalt  }
0x45: {  	_ =	shalt  }
0x46: {  	_ =	shalt  }
0x47: {  	_ =	shalt  }
0x48: {  	_ =	shalt  }
0x49: {  	_ =	shalt  }
0x4a: {  	_ =	shalt  }
0x4b: {  	_ =	shalt  }
0x4c: {  	_ =	shalt  }
0x4d: {  	_ =	shalt  }
0x4e: {  	_ =	shalt  }
0x4f: {  	_ =	shalt  }
0x50: {  	_ =	shalt  }
0x51: {  	_ =	shalt  }
0x52: {  	_ =	shalt  }
0x53: {  	_ =	shalt  }
0x54: {  	_ =	shalt  }
0x55: {  	_ =	shalt  }
0x56: {  	_ =	shalt  }
0x57: {  	_ =	shalt  }
0x58: {  	_ =	shalt  }
0x59: {  	_ =	shalt  }
0x5a: {  	_ =	shalt  }
0x5b: {  	_ =	shalt  }
0x5c: {  	_ =	shalt  }
0x5d: {  	_ =	shalt  }
0x5e: {  	_ =	shalt  }
0x5f: {  	_ =	shalt  }
0x60: {  	_ =	shalt  }
0x61: {  	_ =	shalt  }
0x62: {  	_ =	shalt  }
0x63: {  	_ =	shalt  }
0x64: {  	_ =	shalt  }
0x65: {  	_ =	shalt  }
0x66: {  	_ =	shalt  }
0x67: {  	_ =	shalt  }
0x68: {  	_ =	shalt  }
0x69: {  	_ =	shalt  }
0x6a: {  	_ =	shalt  }
0x6b: {  	_ =	shalt  }
0x6c: {  	_ =	shalt  }
0x6d: {  	_ =	shalt  }
0x6e: {  	_ =	shalt  }
0x6f: {  	_ =	shalt  }
0x70: {  	_ =	shalt  }
0x71: {  	_ =	shalt  }
0x72: {  	_ =	shalt  }
0x73: {  	_ =	shalt  }
0x74: {  	_ =	shalt  }
0x75: {  	_ =	shalt  }
0x76: {  	_ =	shalt  }
0x77: {  	_ =	shalt  }
0x78: {  	_ =	shalt  }
0x79: {  	_ =	shalt  }
0x7a: {  	_ =	shalt  }
0x7b: {  	_ =	shalt  }
0x7c: {  	_ =	shalt  }
0x7d: {  	_ =	shalt  }
0x7e: {  	_ =	shalt  }
0x7f: {  	_ =	shalt  }
0x80: {  	_ =	shalt  }
0x81: {  	_ =	shalt  }
0x82: {  	_ =	shalt  }
0x83: {  	_ =	shalt  }
0x84: {  	_ =	shalt  }
0x85: {  	_ =	shalt  }
0x86: {  	_ =	shalt  }
0x87: {  	_ =	shalt  }
.Lfunc_end0:
.L_simem_size_0:
called_computation_lowered:
.L_overlay_start_0:
0x88: {  	s2 =	sld [smem:$0x3FD9]  }
0x89: {  	s3 =	sld [smem:$0x3FFE];
	_ =	sdelay $0x1  }
0x8a: {  	s1 =	srdreg.scid  }
0x8b: {  	s0 =	sand.u32 $0x1, s1  }
0x8c: {  	s17 =	sshll.u32 s0, $0xA;
	s2 =	sadd.s32 s3, s2  }
0x8d: {  	s2 =	sadd.s32 s2, s17  }
0x8e: {  	[smem:$0x3FC0] =	sst s2  }
0x8f: {  	_ = 	snop  }
0x90: {  	s2 =	sld [smem:$0x3FD0];
	(tm) =	ssettm $0x1  }
0x91: {  	s18 =	sld [smem:$0x3FFB];
	_ =	sdelay $0x3  }
0x92: {  	_ =	strace s18  }
0x93: {  	s3 =	sld [smem:$0x3FFC];
	_ =	sdelay $0x3  }
0x94: {  	_ =	strace s3  }
0x95: {  	s3 =	sld [smem:$0x3FFD];
	_ =	sdelay $0x3  }
0x96: {  	_ =	strace s3  }
0x97: {  	_ =	strace $0x8FFFFFFF  }
0x98: {  	s19 =	sld [smem:$0x3FDB];
	_ =	sdelay $0x1  }
0x99: {  	s4 =	simm.s32 $_scs_section_size  }
0x9a: {  	s5 =	simm.s32 $_size__tile_overlayer_lowered;
	s6 =	simm.s32 $_tile_overlayer_lowered  }
0x9b: {  	s22 =	simm.s32 $0x1BFF;
	s21 =	sshll.u32 s6, $0x1;
	s3 =	sadd.s32 s4, s19  }
0x9c: {  	s7 =	simm.s32 $0x0;
	s20 =	sshll.u32 s5, $0x1;
	s5 =	sadd.s32 s21, s3  }
0x9d: {  	[timem:s7], [sflag:s22] =	dma.local [hbm:s5], s20  }
0x9e: {  	_ =	swait.ge [sflag:s22], s20  }
0x9f: {  	s4 =	ssub.s32 $0x0, s20;
	[sflag:s22] =	ssyncset.done $0x0  }
0xa0: {  	[sflag:s22] =	ssyncadd.s32 s4;
	_ =	sdelay $0x1  }
0xa1: {  	s23 =	simm.s32 $0x1B8B  }
0xa2: {  	_ =	swait.ge [sflag:s23], $0x1  }
0xa3: {  	[sflag:s23] =	ssyncset.done $0x0  }
0xa4: {  	s25 =	simm.s32 $0x1B8E;
	s24 =	sld [smem:$0x3FFE];
	[sflag:s23] =	ssyncadd.s32 $0xFFFFFFFF  }
0xa5: {  	s26 =	simm.s32 $execute0_lowered;
	[smem:$0x3FD2] =	sst s25  }
0xa6: {  	s5 =	sshll.u32 s26, $0x1;
	_ =	strace $0x80000046;
	[dreg:$0x1] =	wrdreg $0xFFFFFFFF  }
0xa7: {  	s28 =	simm.s32 $_size_execute0_lowered;
	s3 =	sadd.s32 s3, s5;
	[dreg:$0x0] =	wrdreg $0x0  }
0xa8: {  	s5 =	sshll.u32 s28, $0x1;
	[dreg:$0x2] =	wrdreg s3  }
0xa9: {  	[dreg:$0x3] =	wrdreg s5  }
0xaa: {  	[dreg:$0x4] =	wrdreg $0xC0  }
0xab: {  	_ =	task [dreg:s7], $0x5FFFF  }
0xac: {  	[dreg:$0x1] =	wrdreg $0xFFFFFFFF  }
0xad: {  	[dreg:$0x0] =	wrdreg $0x60  }
0xae: {  	[dreg:$0x2] =	wrdreg s2  }
0xaf: {  	[dreg:$0x3] =	wrdreg s24  }
0xb0: {  	[dreg:$0x4] =	wrdreg $0x0  }
0xb1: {  	[dreg:$0x5] =	wrdreg $0x9  }
0xb2: {  	_ =	task.clear_ibuf [dreg:s7], $0x6FFFF;
	_ =	strace $0x90000046  }
0xb3: {  	s29 =	simm.s32 $0x9;
	_ =	strace $0x80000048  }
0xb4: {  	_ =	swait.ge [sflag:s29], $0x1  }
0xb5: {  	[sflag:s29] =	ssyncadd.s32 $0xFFFFFFFF  }
0xb6: {  	_ =	strace $0x90000048  }
0xb7: {  	_ =	sfence  }
0xb8: {  	s30 =	sld [smem:$0x0];
	_ =	sdelay $0x2  }
0xb9: {  	s31 =	sshll.u32 s1, $0xD;
	s1 =	sshrl.u32 s1, $0x2  }
0xba: {  	s3 =	sand.u32 $0x4000, s31;
	s1 =	sadd.s32 s1, s30  }
0xbb: {  	s0 =	sor.u32 s3, s0;
	s1 =	sshll.u32 s1, $0x11  }
0xbc: {  	s0 =	sor.u32 s1, s0  }
0xbd: {  	s0 =	sadd.s32 $0x8F2B, s0  }
0xbe: {  	[sflag:s0] =	ssyncadd.remote.s32 $0x1  }
0xbf: {  	_ =	sfence.sel $0xFFFF  }
0xc0: {  	[dreg:$0x0] =	wrdreg $0xFFFFFFFF;
	(pc) =	sbr.abs _section_cstart, $3  }
0xc1: {  	[dreg:$0x1] =	wrdreg $0xFFFFFFFF  }
0xc2: {  	_ =	task.clear_ibuf [dreg:s7], $0x2FFFF;
	_ =	strace $0x9FFFFFFF  }
0xc3: {  	(tm) =	ssettm $0x7FFFFFFF  }
tec
execute0_lowered:
.L_overlay_start_1:
0x0: {  	(tag) =	ssettag $0x1  }
0x1: {  	s0 =	rddreg [dreg:$0x0]  }
0x2: {  	s4 =	rddreg [dreg:$0x1]  }
0x3: {  	s2 =	rddreg [dreg:$0x2];
	s5 =	srdreg.scid  }
0x4: {  	s1 =	stileid.u32;
	s3 =	simm.s32 $0x0;
	s16 =	simm.s32 $0x280  }
0x5: {  	s17 =	simm.s32 $0x9;
	s18 =	simm.s32 $0x1;
	s19 =	simm.s32 $0x80  }
0x6: {  	s30 =	simm.s32 $0x380;
	s20 =	simm.s32 $0x2;
	s31 =	simm.s32 $0x480  }
0x7: {  	s9 =	sand.u32 $0x1, s5;
	s21 =	sshll.u32 s1, $0x1;
	s11 =	smul.u32 $0xA00, s1  }
0x8: {  	[smem:$0x7FF] =	sst s3;
	p0 =	slt.u32 s1, $0x2;
	s28 =	smul.u32 $0x1380, s1  }
0x9: {  	s5 =	sor.u32 s9, s21;
	_ =	strace $0x80000047;
	s6 =	sshll.u32 s9, $0x4  }
0xa: {  	s22 =	ssub.s32 $0x2, s9;
	s13 =	smul.u32 $0x9C0, s9;
	[dreg:$0x4] =	wrdreg s30  }
0xb: {  	s21 =	simm.s32 $0x5;
	[dreg:$0x5] =	wrdreg s31;
	s7 =	smul.u32 $0x4E, s5  }
0xc: {  	s8 =	sadd.s32 s6, s4;
	s12 =	smin.u32 s5, $0x4;
	s4 =	simm.s32 $0x4F  }
0xd: {  	s23 =	sshrl.u32 s22, $0x1;
	s26 =	sshrl.u32 s11, $0x2;
	s4 =	simm.s32 @!p0 $0x4E  }
0xe: {  	s10 =	ssub.s32 s22, s23;
	s22 =	smul.u32 $0xA0, s1;
	s23 =	sadd.s32 $0x2E00, s8  }
0xf: {  	s29 =	sshll.u32 s12, $0x5;
	s5 =	sadd.s32 s12, s7;
	s24 =	sadd.s32 $0xFFFFFFFC, s4  }
0x10: {  	s25 =	sadd.s32 $0xFFFFFFFB, s4;
	s7 =	sadd.s32 s26, s2;
	[dreg:$0x6] =	wrdreg s24  }
0x11: {  	s8 =	smax.u32 s10, $0x1;
	s5 =	sshll.u32 s5, $0x5;
	[dreg:$0x7] =	wrdreg s25  }
0x12: {  	s9 =	sadd.s32 $0x80, s7;
	s10 =	sadd.s32 $0x100, s7;
	s11 =	sadd.s32 $0x180, s7  }
0x13: {  	s12 =	sadd.s32 $0x200, s7;
	s5 =	sadd.s32 s0, s5;
	s0 =	sadd.s32 s28, s0  }
0x14: {  	s22 =	sadd.s32 s22, s23;
	s24 =	simm.s32 $0x10;
	s0 =	sadd.s32 s13, s0  }
0x15: {  	v0 =	vimm.f32 $0.0e+00;
	v1 =	vimm.f32 $1.000000000e+00;
	s25 =	simm.s32 $0x0;
	s6 =	sadd.s32 $0x20, s5;
	s13 =	sadd.s32 s29, s0  }
.LBB2_1:
0x16: {  	s0 =	simm.s32 $0x300  }
0x17: {  	[tilespmem:s0], [sflag:$0x1] =	stream.linear.gather [hbm4b:s5+s3], $0x100, $0x38;
	[tilespmem:$0x700] =	vst v63  }
0x18: {  	s15 =	simm.s32 $0x400  }
0x19: {  	[tilespmem:s15], [sflag:$0x2] =	stream.linear.gather [hbm4b:s6+s3], $0x100, $0x38;
	[tilespmem:$0x700] =	vst v63  }
0x1a: {  	[tilespmem:$0x280] =	vst v0  }
0x1b: {  	[tilespmem:$0x290] =	vst v0  }
0x1c: {  	[tilespmem:$0x2A0] =	vst v0  }
0x1d: {  	[tilespmem:$0x2B0] =	vst v0  }
0x1e: {  	[tilespmem:$0x2C0] =	vst v0  }
0x1f: {  	[tilespmem:$0x2D0] =	vst v0  }
0x20: {  	[tilespmem:$0x2E0] =	vst v0  }
0x21: {  	[tilespmem:$0x2F0] =	vst v0  }
0x22: {  	[spmem:s7] =	stream.linear.scatter [tilespmem:s16], [sflag:$0x9], $0x80, $0x38;
	[tilespmem:$0x700] =	vst v63  }
0x23: {  	_ =	swait.ge [sflag:s17], $0x80  }
0x24: {  	[sflag:s17] =	ssyncset.done $0x0  }
0x25: {  	[sflag:s17] =	ssyncadd.s32 $0xFFFFFF80  }
0x26: {  	[spmem:s9] =	stream.linear.scatter [tilespmem:s16], [sflag:$0x9], $0x80, $0x38;
	[tilespmem:$0x700] =	vst v63  }
0x27: {  	_ =	swait.ge [sflag:s17], $0x80  }
0x28: {  	[sflag:s17] =	ssyncset.done $0x0  }
0x29: {  	[sflag:s17] =	ssyncadd.s32 $0xFFFFFF80  }
0x2a: {  	[spmem:s10] =	stream.linear.scatter [tilespmem:s16], [sflag:$0x9], $0x80, $0x38;
	[tilespmem:$0x700] =	vst v63  }
0x2b: {  	_ =	swait.ge [sflag:s17], $0x80  }
0x2c: {  	[sflag:s17] =	ssyncset.done $0x0  }
0x2d: {  	[sflag:s17] =	ssyncadd.s32 $0xFFFFFF80  }
0x2e: {  	[spmem:s11] =	stream.linear.scatter [tilespmem:s16], [sflag:$0x9], $0x80, $0x38;
	[tilespmem:$0x700] =	vst v63  }
0x2f: {  	_ =	swait.ge [sflag:s17], $0x80  }
0x30: {  	[sflag:s17] =	ssyncset.done $0x0  }
0x31: {  	[sflag:s17] =	ssyncadd.s32 $0xFFFFFF80  }
0x32: {  	[spmem:s12] =	stream.linear.scatter [tilespmem:s16], [sflag:$0x9], $0x80, $0x38;
	[tilespmem:$0x700] =	vst v63  }
0x33: {  	_ =	swait.ge [sflag:s17], $0x80  }
0x34: {  	[sflag:s17] =	ssyncset.done $0x0  }
0x35: {  	[sflag:s17] =	ssyncadd.s32 $0xFFFFFF80  }
0x36: {  	[tilespmem:$0x280] =	vst v1  }
0x37: {  	[tilespmem:$0x290] =	vst v1  }
0x38: {  	[tilespmem:$0x2A0] =	vst v1  }
0x39: {  	[tilespmem:$0x2B0] =	vst v1  }
0x3a: {  	[tilespmem:$0x2C0] =	vst v1  }
0x3b: {  	[tilespmem:$0x2D0] =	vst v1  }
0x3c: {  	[tilespmem:$0x2E0] =	vst v1  }
0x3d: {  	[tilespmem:$0x2F0] =	vst v1  }
0x3e: {  	[bflag:$0x0] =	sbarrier.arrive $0xFFFF  }
0x3f: {  	_ =	swait.ge [sflag:s18], $0x100  }
0x40: {  	p0 =	por $0x1, $0x1;
	[sflag:s18] =	ssyncset.done $0x0  }
0x41: {  	s0 =	simm.s32 @!p0 $0x8;
	[sflag:s18] =	ssyncadd.s32 $0xFFFFFF00  }
0x42: {  	_ =	swait.ge @!p0 [sflag:s0], $0x80  }
0x43: {  	p1 =	sle.u32 s4, $0x2;
	[sflag:s0] =	ssyncset.done @!p0 $0x0  }
0x44: {  	s26 =	rddreg [dreg:$0x4];
	[sflag:s0] =	ssyncadd.s32 @!p0 $0xFFFFFF80;
	s0 =	sadd.s32 @!p1 $0x0, s13  }
0x45: {  	[spmem:s2] =	stream.indirect.scatter.add.f32 [tilespmem:s16], [sflag:$0x5], $0x1, s26, s19, $0xb8;
	[tilespmem:$0x700] =	vst v63  }
0x46: {  	s28 =	simm.s32 @!p1 $0x500;
	s26 =	simm.s32 @!p1 $0x0;
	s0 =	sadd.s32 @!p1 $0x40, s0  }
0x47: {  	[tilespmem:s28], [sflag:$0x3] =	stream.linear.gather @!p1 [hbm4b:s0+s26], $0x100, $0x38;
	[tilespmem:$0x700] =	vst v63  }
0x48: {  	_ =	swait.ge [sflag:s20], $0x100  }
0x49: {  	[sflag:s20] =	ssyncset.done $0x0  }
0x4a: {  	[sflag:s20] =	ssyncadd.s32 $0xFFFFFF00  }
0x4b: {  	p0 =	sle.u32 s4, $0x3;
	_ =	swait.ge [sflag:s21], $0x80  }
0x4c: {  	s26 =	sadd.s32 @!p0 $0x0, s13;
	p1 =	sgt.u32 s4, $0x2;
	[sflag:s21] =	ssyncset.done $0x0  }
0x4d: {  	s0 =	simm.s32 @!p0 $0x0;
	s23 =	rddreg [dreg:$0x5];
	[sflag:s21] =	ssyncadd.s32 $0xFFFFFF80  }
0x4e: {  	[spmem:s2] =	stream.indirect.scatter.add.f32 [tilespmem:s16], [sflag:$0x6], $0x1, s23, s19, $0xb8;
	[tilespmem:$0x700] =	vst v63  }
0x4f: {  	s28 =	simm.s32 @!p0 $0x600;
	s26 =	sadd.s32 @!p0 $0x60, s26;
	s29 =	simm.s32 @p1 $0x3  }
0x50: {  	[tilespmem:s28], [sflag:$0x4] =	stream.linear.gather @!p0 [hbm4b:s26+s0], $0x100, $0x38;
	[tilespmem:$0x700] =	vst v63  }
0x51: {  	_ =	swait.ge @p1 [sflag:s29], $0x100  }
0x52: {  	[sflag:s29] =	ssyncset.done @p1 $0x0  }
0x53: {  	s0 =	simm.s32 @p1 $0x6;
	[sflag:s29] =	ssyncadd.s32 @p1 $0xFFFFFF00  }
0x54: {  	_ =	swait.ge @p1 [sflag:s0], $0x80  }
0x55: {  	s26 =	simm.s32 @p1 $0x280;
	s28 =	simm.s32 @!p1 $0x6;
	[sflag:s0] =	ssyncset.done @p1 $0x0  }
0x56: {  	s29 =	simm.s32 @p1 $0x580;
	[sflag:s0] =	ssyncadd.s32 @p1 $0xFFFFFF80;
	s0 =	simm.s32 @p1 $0x80  }
0x57: {  	[spmem:s2] =	stream.indirect.scatter.add.f32 @p1 [tilespmem:s26], [sflag:$0x7], $0x1, s29, s0, $0xb8;
	[tilespmem:$0x700] =	vst v63  }
0x58: {  	_ =	swait.ge @!p1 [sflag:s28], $0x80  }
0x59: {  	s30 =	rddreg [dreg:$0x6]  }
0x5a: {  	[sflag:s28] =	ssyncset.done @!p1 $0x0;
	p2 =	sle.u32 s30, $0x0  }
0x5b: {  	s26 =	simm.s32 @!p0 $0x4;
	[sflag:s28] =	ssyncadd.s32 @!p1 $0xFFFFFF80;
	s0 =	sadd.s32 @!p2 $0x0, s13  }
0x5c: {  	s28 =	simm.s32 @!p2 $0x0;
	s29 =	simm.s32 @!p2 $0x300;
	s0 =	sadd.s32 @!p2 $0x80, s0  }
0x5d: {  	[tilespmem:s29], [sflag:$0x1] =	stream.linear.gather @!p2 [hbm4b:s0+s28], $0x100, $0x38;
	[tilespmem:$0x700] =	vst v63  }
0x5e: {  	_ =	swait.ge @!p0 [sflag:s26], $0x100  }
0x5f: {  	p1 =	slt.u32 s4, $0x3;
	[sflag:s26] =	ssyncset.done @!p0 $0x0  }
0x60: {  	s0 =	simm.s32 @!p1 $0x7;
	[sflag:s26] =	ssyncadd.s32 @!p0 $0xFFFFFF00  }
0x61: {  	_ =	swait.ge @!p1 [sflag:s0], $0x80  }
0x62: {  	s29 =	simm.s32 @!p0 $0x680;
	s26 =	simm.s32 @!p0 $0x280;
	[sflag:s0] =	ssyncset.done @!p1 $0x0  }
0x63: {  	s28 =	rddreg [dreg:$0x7];
	[sflag:s0] =	ssyncadd.s32 @!p1 $0xFFFFFF80;
	s0 =	simm.s32 @!p0 $0x80  }
0x64: {  	[spmem:s2] =	stream.indirect.scatter.add.f32 @!p0 [tilespmem:s26], [sflag:$0x8], $0x1, s29, s0, $0xb8;
	[tilespmem:$0x700] =	vst v63  }
0x65: {  	s26 =	simm.s32 $0x80;
	p0 =	sle.u32 s28, $0x0;
	s28 =	simm.s32 $0x4  }
0x66: {  	s29 =	sadd.s32 @!p0 $0x0, s13;
	s31 =	simm.s32 @!p0 $0x0;
	s0 =	simm.s32 @!p0 $0x400  }
.LBB2_2:
0x67: {  	s14 =	sadd.s32 @!p0 $0xA0, s29  }
0x68: {  	[tilespmem:s0], [sflag:$0x2] =	stream.linear.gather @!p0 [hbm4b:s14+s31], $0x100, $0x38;
	[tilespmem:$0x700] =	vst v63  }
0x69: {  	s29 =	smov.u32 s26;
	_ =	swait.ge [sflag:s18], $0x100  }
0x6a: {  	p2 =	seq.s32 s29, $0x0;
	[sflag:s18] =	ssyncset.done $0x0  }
0x6b: {  	s0 =	simm.s32 @!p2 $0x8;
	[sflag:s18] =	ssyncadd.s32 $0xFFFFFF00  }
0x6c: {  	_ =	swait.ge @!p2 [sflag:s0], $0x80  }
0x6d: {  	s15 =	sadd.s32 $0x2, s28;
	[sflag:s0] =	ssyncset.done @!p2 $0x0  }
0x6e: {  	[sflag:s0] =	ssyncadd.s32 @!p2 $0xFFFFFF80;
	p2 =	sge.u32 s15, s4  }
0x6f: {  	s31 =	rddreg [dreg:$0x4];
	s0 =	sadd.s32 @!p2 s29, s13  }
0x70: {  	[spmem:s2] =	stream.indirect.scatter.add.f32 [tilespmem:s16], [sflag:$0x5], $0x1, s31, s19, $0xb8;
	[tilespmem:$0x700] =	vst v63  }
0x71: {  	s1 =	simm.s32 @!p2 $0x0;
	s23 =	simm.s32 @!p2 $0x500;
	s0 =	sadd.s32 @!p2 $0x40, s0  }
0x72: {  	[tilespmem:s23], [sflag:$0x3] =	stream.linear.gather @!p2 [hbm4b:s0+s1], $0x100, $0x38;
	[tilespmem:$0x700] =	vst v63  }
0x73: {  	_ =	swait.ge [sflag:s20], $0x100  }
0x74: {  	s30 =	sadd.s32 $0x3, s28;
	[sflag:s20] =	ssyncset.done $0x0  }
0x75: {  	p0 =	sge.u32 s30, s4;
	[sflag:s20] =	ssyncadd.s32 $0xFFFFFF00  }
0x76: {  	s14 =	sadd.s32 @!p0 s29, s13;
	_ =	swait.ge [sflag:s21], $0x80  }
0x77: {  	s14 =	sadd.s32 @!p0 $0x60, s14;
	[sflag:s21] =	ssyncset.done $0x0  }
0x78: {  	p2 =	slt.u32 s15, s4;
	s1 =	rddreg [dreg:$0x5];
	[sflag:s21] =	ssyncadd.s32 $0xFFFFFF80  }
0x79: {  	[spmem:s2] =	stream.indirect.scatter.add.f32 [tilespmem:s16], [sflag:$0x6], $0x1, s1, s19, $0xb8;
	[tilespmem:$0x700] =	vst v63  }
0x7a: {  	s0 =	simm.s32 @!p0 $0x0;
	s15 =	simm.s32 @p2 $0x3;
	s1 =	simm.s32 @!p0 $0x600  }
0x7b: {  	[tilespmem:s1], [sflag:$0x4] =	stream.linear.gather @!p0 [hbm4b:s14+s0], $0x100, $0x38;
	[tilespmem:$0x700] =	vst v63  }
0x7c: {  	_ =	swait.ge @p2 [sflag:s15], $0x100  }
0x7d: {  	[sflag:s15] =	ssyncset.done @p2 $0x0  }
0x7e: {  	s0 =	simm.s32 @p2 $0x6;
	[sflag:s15] =	ssyncadd.s32 @p2 $0xFFFFFF00  }
0x7f: {  	_ =	swait.ge @p2 [sflag:s0], $0x80  }
0x80: {  	s1 =	simm.s32 @p2 $0x280;
	s14 =	simm.s32 @!p2 $0x6;
	[sflag:s0] =	ssyncset.done @p2 $0x0  }
0x81: {  	s15 =	simm.s32 @p2 $0x580;
	[sflag:s0] =	ssyncadd.s32 @p2 $0xFFFFFF80;
	s0 =	simm.s32 @p2 $0x80  }
0x82: {  	[spmem:s2] =	stream.indirect.scatter.add.f32 @p2 [tilespmem:s1], [sflag:$0x7], $0x1, s15, s0, $0xb8;
	[tilespmem:$0x700] =	vst v63  }
0x83: {  	_ =	swait.ge @!p2 [sflag:s14], $0x80  }
0x84: {  	[sflag:s14] =	ssyncset.done @!p2 $0x0;
	s23 =	rddreg [dreg:$0x6]  }
0x85: {  	[sflag:s14] =	ssyncadd.s32 @!p2 $0xFFFFFF80;
	p2 =	sge.u32 s28, s23  }
0x86: {  	s1 =	simm.s32 @!p0 $0x4;
	s0 =	sadd.s32 @!p2 s29, s13  }
0x87: {  	s14 =	simm.s32 @!p2 $0x0;
	s15 =	simm.s32 @!p2 $0x300;
	s0 =	sadd.s32 @!p2 $0x80, s0  }
0x88: {  	[tilespmem:s15], [sflag:$0x1] =	stream.linear.gather @!p2 [hbm4b:s0+s14], $0x100, $0x38;
	[tilespmem:$0x700] =	vst v63  }
0x89: {  	_ =	swait.ge @!p0 [sflag:s1], $0x100  }
0x8a: {  	p2 =	sgt.u32 s30, s4;
	[sflag:s1] =	ssyncset.done @!p0 $0x0  }
0x8b: {  	s26 =	sadd.s32 $0x80, s26;
	s0 =	simm.s32 @!p2 $0x7;
	[sflag:s1] =	ssyncadd.s32 @!p0 $0xFFFFFF00  }
0x8c: {  	p1 =	sne.s32 s26, $0xA00;
	s15 =	simm.s32 @!p0 $0x680;
	_ =	swait.ge @!p2 [sflag:s0], $0x80  }
.Ltmp0:
0x8d: {  	s1 =	simm.s32 @!p0 $0x280;
	[sflag:s0] =	ssyncset.done @!p2 $0x0;
	(pc) =	sbr.rel @p1 .LBB2_2-.Ltmp0, $4  }
0x8e: {  	s30 =	rddreg [dreg:$0x7];
	[sflag:s0] =	ssyncadd.s32 @!p2 $0xFFFFFF80;
	s0 =	simm.s32 @!p0 $0x80  }
0x8f: {  	[spmem:s2] =	stream.indirect.scatter.add.f32 @!p0 [tilespmem:s1], [sflag:$0x8], $0x1, s15, s0, $0xb8;
	[tilespmem:$0x700] =	vst v63  }
0x90: {  	p0 =	sge.u32 s28, s30;
	s28 =	sadd.s32 $0x4, s28  }
0x91: {  	s29 =	sadd.s32 @!p0 s29, s13;
	s31 =	simm.s32 @!p0 $0x0;
	s0 =	simm.s32 @!p0 $0x400  }
0x92: {  	s1 =	sadd.s32 @!p0 $0xA0, s29  }
0x93: {  	s30 =	stileid.u32;
	s14 =	simm.s32 $0x20;
	s25 =	sadd.s32 $0x1, s25  }
0x94: {  	[tilespmem:s0], [sflag:$0x2] =	stream.linear.gather @!p0 [hbm4b:s1+s31], $0x100, $0x38;
	[tilespmem:$0x700] =	vst v63  }
0x95: {  	s0 =	sshll.u32 s30, $0x6;
	s31 =	sshrl.u32 s7, $0x3;
	p0 =	sne.s32 s25, s8  }
.Ltmp1:
0x96: {  	[bflag:$0x0] =	sbarrier.arrive $0xFFFF;
	s0 =	sor.u32 $0x1C09, s0;
	(pc) =	sbr.rel @p0 .LBB2_1-.Ltmp1, $4  }
0x97: {  	[hbm:s22@s14], [sflag:s0] =	dma.strided [spmem:s31@s24], $0x50, s18, $0x10   }
0x98: {  	_ =	swait.ge [sflag:s17], $0x50  }
0x99: {  	[sflag:s17] =	ssyncset.done $0x0  }
0x9a: {  	[sflag:s17] =	ssyncadd.s32 $0xFFFFFFB0  }
0x9b: {  	_ =	sfence.sel $0x180000  }
0x9c: {  	[bflag:$0x0] =	sbarrier.arrive $0xFFFF  }
0x9d: {  	_ =	strace $0x90000047  }
0x9e: {  	s0 =	stileid.u32;
	[bflag:$0x2] =	sbarrier.arrive $0xFFFF  }
0x9f: {  	p0 =	sne.s32 s0, $0x0;
	s0 =	rddreg [dreg:$0x3]  }
0xa0: {  	s0 =	sadd.s32 @!p0 $0x100000, s0  }
0xa1: {  	[sflag:s0] =	ssyncadd.tile.s32 @!p0 $0x1;
	_ =	shalt  }
.Lfunc_end2:
_tile_overlayer_lowered:
.L_overlay_start_2:
0xa2: {  	(tag) =	ssettag $0x2  }
0xa3: {  	s0 =	rddreg [dreg:$0x0];
	s2 =	stileid.u32  }
0xa4: {  	s1 =	rddreg [dreg:$0x1];
	p0 =	sne.s32 s2, $0x0  }
0xa5: {  	s3 =	rddreg [dreg:$0x2];
	[bflag:$0x3] =	sbarrier.arrive $0xFFFF;
	s2 =	simm.s32 @!p0 $0x1C09  }
0xa6: {  	[timem:s3], [sflag:s2] =	dma.local @!p0 [hbm:s0], s1  }
0xa7: {  	s0 =	simm.s32 @!p0 $0x9  }
0xa8: {  	_ =	swait.ge @!p0 [sflag:s0], s1  }
0xa9: {  	s1 =	ssub.s32 @!p0 $0x0, s1;
	[sflag:s0] =	ssyncset.done @!p0 $0x0  }
0xaa: {  	[sflag:s0] =	ssyncadd.s32 @!p0 s1  }
0xab: {  	[bflag:$0x3] =	sbarrier.arrive $0xFFFF  }
0xac: {  	_ =	shalt  }

</sc_bundles>
